<compile_context>
chip_gen: v7x
topology: tpu7x:2x2x1
jax: 0.10.2.dev20260603
libtpu: 0.0.44.dev20260713+nightly
codegen_flags: <defaults>
</compile_context>

<pallas_src>
import functools

import jax
import jax.numpy as jnp
from jax import lax
from jax.experimental import pallas as pl
from jax.experimental.pallas import tpu as pltpu
from jax.experimental.pallas import tpu_sc as plsc

N = 10000
E = 320000
D_IN = 128
D_HID = 512

NT = 16
B = 128
EPT = E // NT
NBF = EPT // B
REM = EPT - NBF * B
NRB = N // B
LAST = N - NRB * B
RB_ROUNDS = (NRB + NT - 1) // NT
LAST_TILE = NRB % NT

_F32 = jnp.float32


def _fill1d(ref, n, val):
    vec16 = jnp.full((16,), val, _F32)
    for k in range(n // 16):
        ref[pl.ds(k * 16, 16)] = vec16


def _fill2d(ref, nrows, ncols, val):
    vec16 = jnp.full((16,), val, _F32)
    for r in range(nrows):
        for k in range(ncols // 16):
            ref[r, pl.ds(k * 16, 16)] = vec16


def _sc_mesh():
    return plsc.VectorSubcoreMesh(core_axis_name="c", subcore_axis_name="s")


@functools.partial(
    pl.kernel,
    out_type=(
        jax.ShapeDtypeStruct((N,), _F32),
        jax.ShapeDtypeStruct((N, D_IN), _F32),
    ),
    mesh=_sc_mesh(),
    scratch_types=[
        pltpu.VMEM((B,), jnp.int32),
        pltpu.VMEM((16,), jnp.int32),
        pltpu.VMEM((REM,), jnp.int32),
        pltpu.VMEM((B,), _F32),
        pltpu.VMEM((REM,), _F32),
        pltpu.VMEM((B,), _F32),
        pltpu.VMEM((B, D_IN), _F32),
        pltpu.VMEM((16, D_IN), _F32),
        pltpu.VMEM_SHARED((N,), _F32),
        pltpu.SemaphoreType.DMA,
    ],
)
def _prep(x_hbm, perm_hbm, dst_hbm, deg_hbm, xp_hbm,
          idxb, idxr16, idxr32, ones, onesr, tmp, rows, rowsr, degsh, sem):
    c = lax.axis_index("c")
    s = lax.axis_index("s")

    _fill1d(ones, B, 1.0)
    _fill1d(onesr, REM, 1.0)
    _fill1d(tmp, B, 0.0)

    for k in range(RB_ROUNDS):
        b = s + NT * k

        @pl.when(b < NRB)
        def _():
            pltpu.sync_copy(tmp, degsh.at[pl.ds(b * B, B)])

    @pl.when(s == LAST_TILE)
    def _():
        pltpu.sync_copy(tmp.at[pl.ds(0, LAST)], degsh.at[pl.ds(NRB * B, LAST)])

    plsc.subcore_barrier()

    @pl.when(c == 0)
    def _():
        def body(j, carry):
            base = pl.multiple_of(s * EPT + j * B, 8)
            pltpu.sync_copy(dst_hbm.at[pl.ds(base, B)], idxb)
            pltpu.sync_copy(ones, degsh.at[idxb], add=True)
            return carry

        lax.fori_loop(0, NBF, body, 0)
        base_r = pl.multiple_of(s * EPT + NBF * B, 8)
        pltpu.sync_copy(dst_hbm.at[pl.ds(base_r, REM)], idxr32)
        pltpu.sync_copy(onesr, degsh.at[idxr32], add=True)

    @pl.when(c == 1)
    def _():
        for k in range(RB_ROUNDS):
            b = s + NT * k

            @pl.when(b < NRB)
            def _():
                r0 = pl.multiple_of(b * B, 8)
                pltpu.sync_copy(perm_hbm.at[pl.ds(r0, B)], idxb)
                pltpu.async_copy(x_hbm.at[idxb], rows, sem).wait()
                pltpu.sync_copy(rows, xp_hbm.at[pl.ds(r0, B)])

        @pl.when(s == LAST_TILE)
        def _():
            r0 = NRB * B
            pltpu.sync_copy(perm_hbm.at[pl.ds(r0, LAST)], idxr16)
            pltpu.async_copy(x_hbm.at[idxr16], rowsr, sem).wait()
            pltpu.sync_copy(rowsr, xp_hbm.at[pl.ds(r0, LAST)])

    plsc.subcore_barrier()

    @pl.when(c == 0)
    def _():
        for k in range(RB_ROUNDS):
            b = s + NT * k

            @pl.when(b < NRB)
            def _():
                r0 = pl.multiple_of(b * B, 8)
                pltpu.sync_copy(degsh.at[pl.ds(r0, B)], tmp)
                pltpu.sync_copy(tmp, deg_hbm.at[pl.ds(r0, B)])

        @pl.when(s == LAST_TILE)
        def _():
            r0 = NRB * B
            pltpu.sync_copy(degsh.at[pl.ds(r0, LAST)], tmp.at[pl.ds(0, LAST)])
            pltpu.sync_copy(tmp.at[pl.ds(0, LAST)], deg_hbm.at[pl.ds(r0, LAST)])


@functools.partial(
    pl.kernel,
    out_type=(
        jax.ShapeDtypeStruct((N, D_IN), _F32),
        jax.ShapeDtypeStruct((N, D_IN), _F32),
    ),
    mesh=_sc_mesh(),
    scratch_types=[
        pltpu.VMEM((B,), jnp.int32),
        pltpu.VMEM((B,), jnp.int32),
        pltpu.VMEM((REM,), jnp.int32),
        pltpu.VMEM((REM,), jnp.int32),
        pltpu.VMEM((B, D_IN), _F32),
        pltpu.VMEM((REM, D_IN), _F32),
        pltpu.VMEM_SHARED((N, D_IN), _F32),
        pltpu.SemaphoreType.DMA,
    ],
)
def _agg(y_hbm, y2_hbm, src_hbm, dst_hbm, acc1_hbm, acc2_hbm,
         sidx, didx, sidxr, didxr, rows, rowsr, accsh, sem):
    c = lax.axis_index("c")
    s = lax.axis_index("s")

    _fill2d(rowsr, REM, D_IN, 0.0)
    nz = N // REM
    nz_rounds = (nz + NT - 1) // NT

    def zbody(j, carry):
        m = s + NT * j

        @pl.when(m < nz)
        def _():
            pltpu.sync_copy(rowsr, accsh.at[pl.ds(m * REM, REM)])

        return carry

    lax.fori_loop(0, nz_rounds, zbody, 0)

    @pl.when(s == 0)
    def _():
        pltpu.sync_copy(rowsr.at[pl.ds(0, LAST)], accsh.at[pl.ds(nz * REM, LAST)])

    plsc.subcore_barrier()

    def edge_phase(tbl_hbm):
        def body(j, carry):
            base = pl.multiple_of(s * EPT + j * B, 8)
            pltpu.sync_copy(src_hbm.at[pl.ds(base, B)], sidx)
            pltpu.sync_copy(dst_hbm.at[pl.ds(base, B)], didx)
            pltpu.async_copy(tbl_hbm.at[sidx], rows, sem).wait()
            pltpu.sync_copy(rows, accsh.at[didx], add=True)
            return carry

        lax.fori_loop(0, NBF, body, 0)
        base_r = pl.multiple_of(s * EPT + NBF * B, 8)
        pltpu.sync_copy(src_hbm.at[pl.ds(base_r, REM)], sidxr)
        pltpu.sync_copy(dst_hbm.at[pl.ds(base_r, REM)], didxr)
        pltpu.async_copy(tbl_hbm.at[sidxr], rowsr, sem).wait()
        pltpu.sync_copy(rowsr, accsh.at[didxr], add=True)

    @pl.when(c == 0)
    def _():
        edge_phase(y_hbm)

    @pl.when(c == 1)
    def _():
        edge_phase(y2_hbm)

    plsc.subcore_barrier()

    def drain_phase(out_hbm):
        for k in range(RB_ROUNDS):
            b = s + NT * k

            @pl.when(b < NRB)
            def _():
                r0 = pl.multiple_of(b * B, 8)
                pltpu.sync_copy(accsh.at[pl.ds(r0, B)], rows)
                pltpu.sync_copy(rows, out_hbm.at[pl.ds(r0, B)])

        @pl.when(s == LAST_TILE)
        def _():
            r0 = NRB * B
            pltpu.sync_copy(accsh.at[pl.ds(r0, LAST)], rows.at[pl.ds(0, LAST)])
            pltpu.sync_copy(rows.at[pl.ds(0, LAST)], out_hbm.at[pl.ds(r0, LAST)])

    @pl.when(c == 0)
    def _():
        drain_phase(acc1_hbm)

    @pl.when(c == 1)
    def _():
        drain_phase(acc2_hbm)


_BR = 2000


def _scale_body(deg_ref, x_ref, xp_ref, y_ref, y2_ref, dinv_ref):
    dv = lax.rsqrt(deg_ref[...] + 1.0)
    y_ref[...] = dv * x_ref[...]
    y2_ref[...] = dv * xp_ref[...]
    dinv_ref[...] = dv


def _scale(deg2d, x, xp):
    grid = N // _BR
    return pl.pallas_call(
        _scale_body,
        grid=(grid,),
        in_specs=[
            pl.BlockSpec((_BR, 1), lambda i: (i, 0)),
            pl.BlockSpec((_BR, D_IN), lambda i: (i, 0)),
            pl.BlockSpec((_BR, D_IN), lambda i: (i, 0)),
        ],
        out_specs=[
            pl.BlockSpec((_BR, D_IN), lambda i: (i, 0)),
            pl.BlockSpec((_BR, D_IN), lambda i: (i, 0)),
            pl.BlockSpec((_BR, 1), lambda i: (i, 0)),
        ],
        out_shape=[
            jax.ShapeDtypeStruct((N, D_IN), _F32),
            jax.ShapeDtypeStruct((N, D_IN), _F32),
            jax.ShapeDtypeStruct((N, 1), _F32),
        ],
    )(deg2d, x, xp)


_BD = 1000


def _dense_body(acc1_ref, y_ref, acc2_ref, y2_ref, dinv_ref, w_ref, b_ref,
                a_ref, z1_ref, z2_ref, s1_ref):
    i = pl.program_id(0)
    dv = dinv_ref[...]
    a = a_ref[...]
    w = w_ref[...]
    bb = b_ref[...]
    agg1 = dv * (acc1_ref[...] + y_ref[...])
    u1 = jnp.dot(agg1, w, preferred_element_type=_F32) + bb
    z1 = jnp.where(u1 >= 0.0, u1, a * u1)
    z1_ref[...] = z1
    agg2 = dv * (acc2_ref[...] + y2_ref[...])
    u2 = jnp.dot(agg2, w, preferred_element_type=_F32) + bb
    z2_ref[...] = jnp.where(u2 >= 0.0, u2, a * u2)
    cs = jnp.sum(z1, axis=0, keepdims=True)

    @pl.when(i == 0)
    def _():
        s1_ref[...] = cs

    @pl.when(i > 0)
    def _():
        s1_ref[...] += cs


def _dense(acc1, y, acc2, y2, dinv2d, W, b2d, a2d):
    grid = N // _BD
    return pl.pallas_call(
        _dense_body,
        grid=(grid,),
        in_specs=[
            pl.BlockSpec((_BD, D_IN), lambda i: (i, 0)),
            pl.BlockSpec((_BD, D_IN), lambda i: (i, 0)),
            pl.BlockSpec((_BD, D_IN), lambda i: (i, 0)),
            pl.BlockSpec((_BD, D_IN), lambda i: (i, 0)),
            pl.BlockSpec((_BD, 1), lambda i: (i, 0)),
            pl.BlockSpec((D_IN, D_HID), lambda i: (0, 0)),
            pl.BlockSpec((1, D_HID), lambda i: (0, 0)),
            pl.BlockSpec((1, 1), lambda i: (0, 0)),
        ],
        out_specs=[
            pl.BlockSpec((_BD, D_HID), lambda i: (i, 0)),
            pl.BlockSpec((_BD, D_HID), lambda i: (i, 0)),
            pl.BlockSpec((1, D_HID), lambda i: (0, 0)),
        ],
        out_shape=[
            jax.ShapeDtypeStruct((N, D_HID), _F32),
            jax.ShapeDtypeStruct((N, D_HID), _F32),
            jax.ShapeDtypeStruct((1, D_HID), _F32),
        ],
    )(acc1, y, acc2, y2, dinv2d, W, b2d, a2d)


def _disc_body(s1_ref, wd_ref, z1_ref, z2_ref, pos_ref, neg_ref, ws_ref):
    i = pl.program_id(0)

    @pl.when(i == 0)
    def _():
        summ = jax.nn.sigmoid(s1_ref[...] * (1.0 / N))
        ws_ref[...] = jnp.sum(wd_ref[...] * summ, axis=1, keepdims=True)

    ws = ws_ref[...]
    pos_ref[...] = jnp.dot(z1_ref[...], ws, preferred_element_type=_F32)
    neg_ref[...] = jnp.dot(z2_ref[...], ws, preferred_element_type=_F32)


def _disc(s1, W_disc, z1, z2):
    grid = N // _BD
    return pl.pallas_call(
        _disc_body,
        grid=(grid,),
        in_specs=[
            pl.BlockSpec((1, D_HID), lambda i: (0, 0)),
            pl.BlockSpec((D_HID, D_HID), lambda i: (0, 0)),
            pl.BlockSpec((_BD, D_HID), lambda i: (i, 0)),
            pl.BlockSpec((_BD, D_HID), lambda i: (i, 0)),
        ],
        out_specs=[
            pl.BlockSpec((_BD, 1), lambda i: (i, 0)),
            pl.BlockSpec((_BD, 1), lambda i: (i, 0)),
        ],
        out_shape=[
            jax.ShapeDtypeStruct((N, 1), _F32),
            jax.ShapeDtypeStruct((N, 1), _F32),
        ],
        scratch_shapes=[pltpu.VMEM((D_HID, 1), _F32)],
    )(s1, W_disc, z1, z2)


def kernel(x, edge_index, perm, W_gcn, b_gcn, prelu_a, W_disc):
    src = edge_index[0]
    dst = edge_index[1]
    degE, xp = _prep(x, perm, dst)
    y, y2, dinv2d = _scale(degE.reshape(N, 1), x, xp)
    acc1, acc2 = _agg(y, y2, src, dst)
    z1, z2, s1 = _dense(acc1, y, acc2, y2, dinv2d, W_gcn,
                        b_gcn.reshape(1, D_HID), prelu_a.reshape(1, 1))
    pos2d, neg2d = _disc(s1, W_disc, z1, z2)
    return (jnp.squeeze(pos2d, -1), jnp.squeeze(neg2d, -1))

# --- scband reference (transcript-rebuilt; emitter-appended) ---
"""Pipeline reference for scband-dgi-24489903521945 (READ-ONLY COPY).

The authoritative reference and input builder live on the scoring server;
editing this copy changes nothing except your own understanding.
"""

import jax, jax.numpy as jnp
import numpy as np

N = 10000
E = 320000
D_IN = 128
D_HID = 512


def setup_inputs(seed: int = 0) -> dict:
    key = jax.random.key(seed)
    ks = jax.random.split(key, 8)
    x = jax.random.normal(ks[0], (N, D_IN), dtype=jnp.float32)
    edge_index = jax.random.randint(ks[1], (2, E), 0, N, dtype=jnp.int32)
    perm = jax.random.permutation(ks[2], N).astype(jnp.int32)
    # GCNConv weight (glorot) and bias (zeros), matching PyG defaults
    limit = float(np.sqrt(6.0 / (D_IN + D_HID)))
    W_gcn = jax.random.uniform(ks[3], (D_IN, D_HID), dtype=jnp.float32, minval=-limit, maxval=limit)
    b_gcn = jnp.zeros((D_HID,), dtype=jnp.float32)
    # PReLU single learnable slope, torch default init 0.25
    prelu_a = jnp.array(0.25, dtype=jnp.float32)
    # Discriminator weight: uniform(-1/sqrt(d), 1/sqrt(d))
    bound = 1.0 / float(np.sqrt(D_HID))
    W_disc = jax.random.uniform(ks[4], (D_HID, D_HID), dtype=jnp.float32, minval=-bound, maxval=bound)
    return {
        "x": x,
        "edge_index": edge_index,
        "perm": perm,
        "W_gcn": W_gcn,
        "b_gcn": b_gcn,
        "prelu_a": prelu_a,
        "W_disc": W_disc,
    }


def _gcn_conv(x, edge_index, W, b):
    n = x.shape[0]
    # add self loops (PyG gcn_norm default: add_self_loops=True, fill_value=1)
    loop = jnp.arange(n, dtype=edge_index.dtype)
    src = jnp.concatenate([edge_index[0], loop])
    dst = jnp.concatenate([edge_index[1], loop])
    ew = jnp.ones(src.shape[0], dtype=x.dtype)
    deg = jnp.zeros((n,), dtype=x.dtype).at[dst].add(ew)
    dinv = jnp.where(deg > 0, 1.0 / jnp.sqrt(deg), 0.0)
    norm = dinv[src] * dinv[dst]
    h = x @ W
    msg = h[src] * norm[:, None]
    out = jnp.zeros((n, h.shape[1]), dtype=x.dtype).at[dst].add(msg)
    return out + b


def _prelu(x, a):
    return jnp.where(x >= 0, x, a * x)


def _encode(x, edge_index, W_gcn, b_gcn, prelu_a):
    # dropout=0.0 (identity), bn=False
    return _prelu(_gcn_conv(x, edge_index, W_gcn, b_gcn), prelu_a)


def reference(x, edge_index, perm, W_gcn, b_gcn, prelu_a, W_disc):
    z1 = _encode(x, edge_index, W_gcn, b_gcn, prelu_a)
    x_corrupt = x[perm]
    z2 = _encode(x_corrupt, edge_index, W_gcn, b_gcn, prelu_a)
    summary = jax.nn.sigmoid(jnp.mean(z1, axis=0))
    ws = W_disc @ summary
    pos = jnp.squeeze(z1 @ ws)
    neg = jnp.squeeze(z2 @ ws)
    return (pos, neg)

if __name__ == "__main__":
    import jax
    _d = setup_inputs()
    print(jax.jit(kernel)(*tuple(_d.values())))

</pallas_src>

<mosaic_0001>
#map = affine_map<(d0, d1) -> (0, 0)>
#map1 = affine_map<(d0, d1) -> (0)>
module attributes {stable_mosaic.version = 14 : i64} {
  func.func @_prep(%arg0: i32, %arg1: i32, %arg2: memref<10000x128xf32, #tpu.memory_space<hbm>>, %arg3: memref<10000xi32, #tpu.memory_space<hbm>>, %arg4: memref<320000xi32, #tpu.memory_space<hbm>>, %arg5: memref<10000xf32, #tpu.memory_space<hbm>>, %arg6: memref<10000x128xf32, #tpu.memory_space<hbm>>, %arg7: memref<128xi32, #tpu.memory_space<vmem>>, %arg8: memref<16xi32, #tpu.memory_space<vmem>>, %arg9: memref<32xi32, #tpu.memory_space<vmem>>, %arg10: memref<128xf32, #tpu.memory_space<vmem>>, %arg11: memref<32xf32, #tpu.memory_space<vmem>>, %arg12: memref<128xf32, #tpu.memory_space<vmem>>, %arg13: memref<128x128xf32, #tpu.memory_space<vmem>>, %arg14: memref<16x128xf32, #tpu.memory_space<vmem>>, %arg15: memref<10000xf32, #tpu.memory_space<vmem_shared>>, %arg16: memref<!tpu.dma_semaphore, #tpu.memory_space<semaphore_mem>>) attributes {dimension_semantics = [#tpu.dimension_semantics<core_parallel>, #tpu.dimension_semantics<subcore_parallel>], iteration_bounds = array<i64: 2, 16>, scalar_prefetch = 0 : i64, scratch_operands = 10 : i64, tpu.core_type = #tpu.core_type<sc_vector_subcore>, window_params = [{transform_indices = #map}, {transform_indices = #map1}, {transform_indices = #map1}, {transform_indices = #map1}, {transform_indices = #map}]} {
    %broadcast_in_dim3A = arith.constant 1.000000e+00 : f32
    %broadcast_in_dim3A_0 = vector.broadcast %broadcast_in_dim3A : f32 to vector<16xf32>
    %swap3A = arith.constant 0 : index
    %swap3A_1 = tpu.vector_load %arg10[%swap3A] {strides = array<i32>} : memref<128xf32, #tpu.memory_space<vmem>>, vector<16xf32>,
    %swap3A_2 = vector.shape_cast %swap3A_1 : vector<16xf32> to vector<16xf32>
    %swap3A_3 = vector.shape_cast %broadcast_in_dim3A_0 : vector<16xf32> to vector<16xf32>
    tpu.vector_store %arg10[%swap3A], %swap3A_3 {strides = array<i32>} : memref<128xf32, #tpu.memory_space<vmem>>, vector<16xf32>,
    %swap3A_4 = arith.constant 16 : index
    %swap3A_5 = tpu.vector_load %arg10[%swap3A_4] {strides = array<i32>} : memref<128xf32, #tpu.memory_space<vmem>>, vector<16xf32>,
    %swap3A_6 = vector.shape_cast %swap3A_5 : vector<16xf32> to vector<16xf32>
    %swap3A_7 = vector.shape_cast %broadcast_in_dim3A_0 : vector<16xf32> to vector<16xf32>
    tpu.vector_store %arg10[%swap3A_4], %swap3A_7 {strides = array<i32>} : memref<128xf32, #tpu.memory_space<vmem>>, vector<16xf32>,
    %swap3A_8 = arith.constant 32 : index
    %swap3A_9 = tpu.vector_load %arg10[%swap3A_8] {strides = array<i32>} : memref<128xf32, #tpu.memory_space<vmem>>, vector<16xf32>,
    %swap3A_10 = vector.shape_cast %swap3A_9 : vector<16xf32> to vector<16xf32>
    %swap3A_11 = vector.shape_cast %broadcast_in_dim3A_0 : vector<16xf32> to vector<16xf32>
    tpu.vector_store %arg10[%swap3A_8], %swap3A_11 {strides = array<i32>} : memref<128xf32, #tpu.memory_space<vmem>>, vector<16xf32>,
    %swap3A_12 = arith.constant 48 : index
    %swap3A_13 = tpu.vector_load %arg10[%swap3A_12] {strides = array<i32>} : memref<128xf32, #tpu.memory_space<vmem>>, vector<16xf32>,
    %swap3A_14 = vector.shape_cast %swap3A_13 : vector<16xf32> to vector<16xf32>
    %swap3A_15 = vector.shape_cast %broadcast_in_dim3A_0 : vector<16xf32> to vector<16xf32>
    tpu.vector_store %arg10[%swap3A_12], %swap3A_15 {strides = array<i32>} : memref<128xf32, #tpu.memory_space<vmem>>, vector<16xf32>,
    %swap3A_16 = arith.constant 64 : index
    %swap3A_17 = tpu.vector_load %arg10[%swap3A_16] {strides = array<i32>} : memref<128xf32, #tpu.memory_space<vmem>>, vector<16xf32>,
    %swap3A_18 = vector.shape_cast %swap3A_17 : vector<16xf32> to vector<16xf32>
    %swap3A_19 = vector.shape_cast %broadcast_in_dim3A_0 : vector<16xf32> to vector<16xf32>
    tpu.vector_store %arg10[%swap3A_16], %swap3A_19 {strides = array<i32>} : memref<128xf32, #tpu.memory_space<vmem>>, vector<16xf32>,
    %swap3A_20 = arith.constant 80 : index
    %swap3A_21 = tpu.vector_load %arg10[%swap3A_20] {strides = array<i32>} : memref<128xf32, #tpu.memory_space<vmem>>, vector<16xf32>,
    %swap3A_22 = vector.shape_cast %swap3A_21 : vector<16xf32> to vector<16xf32>
    %swap3A_23 = vector.shape_cast %broadcast_in_dim3A_0 : vector<16xf32> to vector<16xf32>
    tpu.vector_store %arg10[%swap3A_20], %swap3A_23 {strides = array<i32>} : memref<128xf32, #tpu.memory_space<vmem>>, vector<16xf32>,
    %swap3A_24 = arith.constant 96 : index
    %swap3A_25 = tpu.vector_load %arg10[%swap3A_24] {strides = array<i32>} : memref<128xf32, #tpu.memory_space<vmem>>, vector<16xf32>,
    %swap3A_26 = vector.shape_cast %swap3A_25 : vector<16xf32> to vector<16xf32>
    %swap3A_27 = vector.shape_cast %broadcast_in_dim3A_0 : vector<16xf32> to vector<16xf32>
    tpu.vector_store %arg10[%swap3A_24], %swap3A_27 {strides = array<i32>} : memref<128xf32, #tpu.memory_space<vmem>>, vector<16xf32>,
    %swap3A_28 = arith.constant 112 : index
    %swap3A_29 = tpu.vector_load %arg10[%swap3A_28] {strides = array<i32>} : memref<128xf32, #tpu.memory_space<vmem>>, vector<16xf32>,
    %swap3A_30 = vector.shape_cast %swap3A_29 : vector<16xf32> to vector<16xf32>
    %swap3A_31 = vector.shape_cast %broadcast_in_dim3A_0 : vector<16xf32> to vector<16xf32>
    tpu.vector_store %arg10[%swap3A_28], %swap3A_31 {strides = array<i32>} : memref<128xf32, #tpu.memory_space<vmem>>, vector<16xf32>,
    %broadcast_in_dim3A_32 = arith.constant 1.000000e+00 : f32
    %broadcast_in_dim3A_33 = vector.broadcast %broadcast_in_dim3A_32 : f32 to vector<16xf32>
    %swap3A_34 = arith.constant 0 : index
    %swap3A_35 = tpu.vector_load %arg11[%swap3A_34] {strides = array<i32>} : memref<32xf32, #tpu.memory_space<vmem>>, vector<16xf32>,
    %swap3A_36 = vector.shape_cast %swap3A_35 : vector<16xf32> to vector<16xf32>
    %swap3A_37 = vector.shape_cast %broadcast_in_dim3A_33 : vector<16xf32> to vector<16xf32>
    tpu.vector_store %arg11[%swap3A_34], %swap3A_37 {strides = array<i32>} : memref<32xf32, #tpu.memory_space<vmem>>, vector<16xf32>,
    %swap3A_38 = arith.constant 16 : index
    %swap3A_39 = tpu.vector_load %arg11[%swap3A_38] {strides = array<i32>} : memref<32xf32, #tpu.memory_space<vmem>>, vector<16xf32>,
    %swap3A_40 = vector.shape_cast %swap3A_39 : vector<16xf32> to vector<16xf32>
    %swap3A_41 = vector.shape_cast %broadcast_in_dim3A_33 : vector<16xf32> to vector<16xf32>
    tpu.vector_store %arg11[%swap3A_38], %swap3A_41 {strides = array<i32>} : memref<32xf32, #tpu.memory_space<vmem>>, vector<16xf32>,
    %broadcast_in_dim3A_42 = arith.constant 0.000000e+00 : f32
    %broadcast_in_dim3A_43 = vector.broadcast %broadcast_in_dim3A_42 : f32 to vector<16xf32>
    %swap3A_44 = arith.constant 0 : index
    %swap3A_45 = tpu.vector_load %arg12[%swap3A_44] {strides = array<i32>} : memref<128xf32, #tpu.memory_space<vmem>>, vector<16xf32>,
    %swap3A_46 = vector.shape_cast %swap3A_45 : vector<16xf32> to vector<16xf32>
    %swap3A_47 = vector.shape_cast %broadcast_in_dim3A_43 : vector<16xf32> to vector<16xf32>
    tpu.vector_store %arg12[%swap3A_44], %swap3A_47 {strides = array<i32>} : memref<128xf32, #tpu.memory_space<vmem>>, vector<16xf32>,
    %swap3A_48 = arith.constant 16 : index
    %swap3A_49 = tpu.vector_load %arg12[%swap3A_48] {strides = array<i32>} : memref<128xf32, #tpu.memory_space<vmem>>, vector<16xf32>,
    %swap3A_50 = vector.shape_cast %swap3A_49 : vector<16xf32> to vector<16xf32>
    %swap3A_51 = vector.shape_cast %broadcast_in_dim3A_43 : vector<16xf32> to vector<16xf32>
    tpu.vector_store %arg12[%swap3A_48], %swap3A_51 {strides = array<i32>} : memref<128xf32, #tpu.memory_space<vmem>>, vector<16xf32>,
    %swap3A_52 = arith.constant 32 : index
    %swap3A_53 = tpu.vector_load %arg12[%swap3A_52] {strides = array<i32>} : memref<128xf32, #tpu.memory_space<vmem>>, vector<16xf32>,
    %swap3A_54 = vector.shape_cast %swap3A_53 : vector<16xf32> to vector<16xf32>
    %swap3A_55 = vector.shape_cast %broadcast_in_dim3A_43 : vector<16xf32> to vector<16xf32>
    tpu.vector_store %arg12[%swap3A_52], %swap3A_55 {strides = array<i32>} : memref<128xf32, #tpu.memory_space<vmem>>, vector<16xf32>,
    %swap3A_56 = arith.constant 48 : index
    %swap3A_57 = tpu.vector_load %arg12[%swap3A_56] {strides = array<i32>} : memref<128xf32, #tpu.memory_space<vmem>>, vector<16xf32>,
    %swap3A_58 = vector.shape_cast %swap3A_57 : vector<16xf32> to vector<16xf32>
    %swap3A_59 = vector.shape_cast %broadcast_in_dim3A_43 : vector<16xf32> to vector<16xf32>
    tpu.vector_store %arg12[%swap3A_56], %swap3A_59 {strides = array<i32>} : memref<128xf32, #tpu.memory_space<vmem>>, vector<16xf32>,
    %swap3A_60 = arith.constant 64 : index
    %swap3A_61 = tpu.vector_load %arg12[%swap3A_60] {strides = array<i32>} : memref<128xf32, #tpu.memory_space<vmem>>, vector<16xf32>,
    %swap3A_62 = vector.shape_cast %swap3A_61 : vector<16xf32> to vector<16xf32>
    %swap3A_63 = vector.shape_cast %broadcast_in_dim3A_43 : vector<16xf32> to vector<16xf32>
    tpu.vector_store %arg12[%swap3A_60], %swap3A_63 {strides = array<i32>} : memref<128xf32, #tpu.memory_space<vmem>>, vector<16xf32>,
    %swap3A_64 = arith.constant 80 : index
    %swap3A_65 = tpu.vector_load %arg12[%swap3A_64] {strides = array<i32>} : memref<128xf32, #tpu.memory_space<vmem>>, vector<16xf32>,
    %swap3A_66 = vector.shape_cast %swap3A_65 : vector<16xf32> to vector<16xf32>
    %swap3A_67 = vector.shape_cast %broadcast_in_dim3A_43 : vector<16xf32> to vector<16xf32>
    tpu.vector_store %arg12[%swap3A_64], %swap3A_67 {strides = array<i32>} : memref<128xf32, #tpu.memory_space<vmem>>, vector<16xf32>,
    %swap3A_68 = arith.constant 96 : index
    %swap3A_69 = tpu.vector_load %arg12[%swap3A_68] {strides = array<i32>} : memref<128xf32, #tpu.memory_space<vmem>>, vector<16xf32>,
    %swap3A_70 = vector.shape_cast %swap3A_69 : vector<16xf32> to vector<16xf32>
    %swap3A_71 = vector.shape_cast %broadcast_in_dim3A_43 : vector<16xf32> to vector<16xf32>
    tpu.vector_store %arg12[%swap3A_68], %swap3A_71 {strides = array<i32>} : memref<128xf32, #tpu.memory_space<vmem>>, vector<16xf32>,
    %swap3A_72 = arith.constant 112 : index
    %swap3A_73 = tpu.vector_load %arg12[%swap3A_72] {strides = array<i32>} : memref<128xf32, #tpu.memory_space<vmem>>, vector<16xf32>,
    %swap3A_74 = vector.shape_cast %swap3A_73 : vector<16xf32> to vector<16xf32>
    %swap3A_75 = vector.shape_cast %broadcast_in_dim3A_43 : vector<16xf32> to vector<16xf32>
    tpu.vector_store %arg12[%swap3A_72], %swap3A_75 {strides = array<i32>} : memref<128xf32, #tpu.memory_space<vmem>>, vector<16xf32>,
    %add3A = arith.constant 0 : i32
    %add3A_76 = arith.addi %arg1, %add3A : i32
    %lt3A = arith.constant 78 : i32
    %lt3A_77 = arith.cmpi slt, %add3A_76, %lt3A : i32
    %convert_element_type3A = arith.extui %lt3A_77 : i1 to i32
    %cond3A = arith.constant 0 : i32
    %cond3A_78 = arith.cmpi ne, %convert_element_type3A, %cond3A : i32
    scf.if %cond3A_78 {
      %mul3A = arith.constant 128 : i32
      %mul3A_127 = arith.muli %add3A_76, %mul3A : i32
      "tpu.region"() ({
        %run_scoped3A = tpu.sem_alloc : memref<!tpu.dma_semaphore, #tpu.memory_space<semaphore_mem>>
        %dma_start3A = tpu.memref_slice %arg15[%mul3A_127] : memref<10000xf32, #tpu.memory_space<vmem_shared>> -> memref<128xf32, #tpu.memory_space<vmem_shared>>
        %dma_start3A_128 = tpu.memref_slice %arg15[%mul3A_127] : memref<10000xf32, #tpu.memory_space<vmem_shared>> -> memref<128xf32, #tpu.memory_space<vmem_shared>>
        tpu.enqueue_dma source(%arg12 : memref<128xf32, #tpu.memory_space<vmem>>) target(%dma_start3A_128 : memref<128xf32, #tpu.memory_space<vmem_shared>>) target_semaphore(%run_scoped3A : memref<!tpu.dma_semaphore, #tpu.memory_space<semaphore_mem>>)
        %dma_wait3A = tpu.memref_slice %arg15[%mul3A_127] : memref<10000xf32, #tpu.memory_space<vmem_shared>> -> memref<128xf32, #tpu.memory_space<vmem_shared>>
        %dma_wait3A_129 = tpu.memref_slice %arg15[%mul3A_127] : memref<10000xf32, #tpu.memory_space<vmem_shared>> -> memref<128xf32, #tpu.memory_space<vmem_shared>>
        tpu.wait_dma2 semaphore(%run_scoped3A : memref<!tpu.dma_semaphore, #tpu.memory_space<semaphore_mem>>) src(%arg12 : memref<128xf32, #tpu.memory_space<vmem>>) dst(%dma_wait3A_129 : memref<128xf32, #tpu.memory_space<vmem_shared>>)
        tpu.yield
      }) : () -> ()
    } else {
    }
    %add3A_79 = arith.constant 16 : i32
    %add3A_80 = arith.addi %arg1, %add3A_79 : i32
    %lt3A_81 = arith.constant 78 : i32
    %lt3A_82 = arith.cmpi slt, %add3A_80, %lt3A_81 : i32
    %convert_element_type3A_83 = arith.extui %lt3A_82 : i1 to i32
    %cond3A_84 = arith.constant 0 : i32
    %cond3A_85 = arith.cmpi ne, %convert_element_type3A_83, %cond3A_84 : i32
    scf.if %cond3A_85 {
      %mul3A = arith.constant 128 : i32
      %mul3A_127 = arith.muli %add3A_80, %mul3A : i32
      "tpu.region"() ({
        %run_scoped3A = tpu.sem_alloc : memref<!tpu.dma_semaphore, #tpu.memory_space<semaphore_mem>>
        %dma_start3A = tpu.memref_slice %arg15[%mul3A_127] : memref<10000xf32, #tpu.memory_space<vmem_shared>> -> memref<128xf32, #tpu.memory_space<vmem_shared>>
        %dma_start3A_128 = tpu.memref_slice %arg15[%mul3A_127] : memref<10000xf32, #tpu.memory_space<vmem_shared>> -> memref<128xf32, #tpu.memory_space<vmem_shared>>
        tpu.enqueue_dma source(%arg12 : memref<128xf32, #tpu.memory_space<vmem>>) target(%dma_start3A_128 : memref<128xf32, #tpu.memory_space<vmem_shared>>) target_semaphore(%run_scoped3A : memref<!tpu.dma_semaphore, #tpu.memory_space<semaphore_mem>>)
        %dma_wait3A = tpu.memref_slice %arg15[%mul3A_127] : memref<10000xf32, #tpu.memory_space<vmem_shared>> -> memref<128xf32, #tpu.memory_space<vmem_shared>>
        %dma_wait3A_129 = tpu.memref_slice %arg15[%mul3A_127] : memref<10000xf32, #tpu.memory_space<vmem_shared>> -> memref<128xf32, #tpu.memory_space<vmem_shared>>
        tpu.wait_dma2 semaphore(%run_scoped3A : memref<!tpu.dma_semaphore, #tpu.memory_space<semaphore_mem>>) src(%arg12 : memref<128xf32, #tpu.memory_space<vmem>>) dst(%dma_wait3A_129 : memref<128xf32, #tpu.memory_space<vmem_shared>>)
        tpu.yield
      }) : () -> ()
    } else {
    }
    %add3A_86 = arith.constant 32 : i32
    %add3A_87 = arith.addi %arg1, %add3A_86 : i32
    %lt3A_88 = arith.constant 78 : i32
    %lt3A_89 = arith.cmpi slt, %add3A_87, %lt3A_88 : i32
    %convert_element_type3A_90 = arith.extui %lt3A_89 : i1 to i32
    %cond3A_91 = arith.constant 0 : i32
    %cond3A_92 = arith.cmpi ne, %convert_element_type3A_90, %cond3A_91 : i32
    scf.if %cond3A_92 {
      %mul3A = arith.constant 128 : i32
      %mul3A_127 = arith.muli %add3A_87, %mul3A : i32
      "tpu.region"() ({
        %run_scoped3A = tpu.sem_alloc : memref<!tpu.dma_semaphore, #tpu.memory_space<semaphore_mem>>
        %dma_start3A = tpu.memref_slice %arg15[%mul3A_127] : memref<10000xf32, #tpu.memory_space<vmem_shared>> -> memref<128xf32, #tpu.memory_space<vmem_shared>>
        %dma_start3A_128 = tpu.memref_slice %arg15[%mul3A_127] : memref<10000xf32, #tpu.memory_space<vmem_shared>> -> memref<128xf32, #tpu.memory_space<vmem_shared>>
        tpu.enqueue_dma source(%arg12 : memref<128xf32, #tpu.memory_space<vmem>>) target(%dma_start3A_128 : memref<128xf32, #tpu.memory_space<vmem_shared>>) target_semaphore(%run_scoped3A : memref<!tpu.dma_semaphore, #tpu.memory_space<semaphore_mem>>)
        %dma_wait3A = tpu.memref_slice %arg15[%mul3A_127] : memref<10000xf32, #tpu.memory_space<vmem_shared>> -> memref<128xf32, #tpu.memory_space<vmem_shared>>
        %dma_wait3A_129 = tpu.memref_slice %arg15[%mul3A_127] : memref<10000xf32, #tpu.memory_space<vmem_shared>> -> memref<128xf32, #tpu.memory_space<vmem_shared>>
        tpu.wait_dma2 semaphore(%run_scoped3A : memref<!tpu.dma_semaphore, #tpu.memory_space<semaphore_mem>>) src(%arg12 : memref<128xf32, #tpu.memory_space<vmem>>) dst(%dma_wait3A_129 : memref<128xf32, #tpu.memory_space<vmem_shared>>)
        tpu.yield
      }) : () -> ()
    } else {
    }
    %add3A_93 = arith.constant 48 : i32
    %add3A_94 = arith.addi %arg1, %add3A_93 : i32
    %lt3A_95 = arith.constant 78 : i32
    %lt3A_96 = arith.cmpi slt, %add3A_94, %lt3A_95 : i32
    %convert_element_type3A_97 = arith.extui %lt3A_96 : i1 to i32
    %cond3A_98 = arith.constant 0 : i32
    %cond3A_99 = arith.cmpi ne, %convert_element_type3A_97, %cond3A_98 : i32
    scf.if %cond3A_99 {
      %mul3A = arith.constant 128 : i32
      %mul3A_127 = arith.muli %add3A_94, %mul3A : i32
      "tpu.region"() ({
        %run_scoped3A = tpu.sem_alloc : memref<!tpu.dma_semaphore, #tpu.memory_space<semaphore_mem>>
        %dma_start3A = tpu.memref_slice %arg15[%mul3A_127] : memref<10000xf32, #tpu.memory_space<vmem_shared>> -> memref<128xf32, #tpu.memory_space<vmem_shared>>
        %dma_start3A_128 = tpu.memref_slice %arg15[%mul3A_127] : memref<10000xf32, #tpu.memory_space<vmem_shared>> -> memref<128xf32, #tpu.memory_space<vmem_shared>>
        tpu.enqueue_dma source(%arg12 : memref<128xf32, #tpu.memory_space<vmem>>) target(%dma_start3A_128 : memref<128xf32, #tpu.memory_space<vmem_shared>>) target_semaphore(%run_scoped3A : memref<!tpu.dma_semaphore, #tpu.memory_space<semaphore_mem>>)
        %dma_wait3A = tpu.memref_slice %arg15[%mul3A_127] : memref<10000xf32, #tpu.memory_space<vmem_shared>> -> memref<128xf32, #tpu.memory_space<vmem_shared>>
        %dma_wait3A_129 = tpu.memref_slice %arg15[%mul3A_127] : memref<10000xf32, #tpu.memory_space<vmem_shared>> -> memref<128xf32, #tpu.memory_space<vmem_shared>>
        tpu.wait_dma2 semaphore(%run_scoped3A : memref<!tpu.dma_semaphore, #tpu.memory_space<semaphore_mem>>) src(%arg12 : memref<128xf32, #tpu.memory_space<vmem>>) dst(%dma_wait3A_129 : memref<128xf32, #tpu.memory_space<vmem_shared>>)
        tpu.yield
      }) : () -> ()
    } else {
    }
    %add3A_100 = arith.constant 64 : i32
    %add3A_101 = arith.addi %arg1, %add3A_100 : i32
    %lt3A_102 = arith.constant 78 : i32
    %lt3A_103 = arith.cmpi slt, %add3A_101, %lt3A_102 : i32
    %convert_element_type3A_104 = arith.extui %lt3A_103 : i1 to i32
    %cond3A_105 = arith.constant 0 : i32
    %cond3A_106 = arith.cmpi ne, %convert_element_type3A_104, %cond3A_105 : i32
    scf.if %cond3A_106 {
      %mul3A = arith.constant 128 : i32
      %mul3A_127 = arith.muli %add3A_101, %mul3A : i32
      "tpu.region"() ({
        %run_scoped3A = tpu.sem_alloc : memref<!tpu.dma_semaphore, #tpu.memory_space<semaphore_mem>>
        %dma_start3A = tpu.memref_slice %arg15[%mul3A_127] : memref<10000xf32, #tpu.memory_space<vmem_shared>> -> memref<128xf32, #tpu.memory_space<vmem_shared>>
        %dma_start3A_128 = tpu.memref_slice %arg15[%mul3A_127] : memref<10000xf32, #tpu.memory_space<vmem_shared>> -> memref<128xf32, #tpu.memory_space<vmem_shared>>
        tpu.enqueue_dma source(%arg12 : memref<128xf32, #tpu.memory_space<vmem>>) target(%dma_start3A_128 : memref<128xf32, #tpu.memory_space<vmem_shared>>) target_semaphore(%run_scoped3A : memref<!tpu.dma_semaphore, #tpu.memory_space<semaphore_mem>>)
        %dma_wait3A = tpu.memref_slice %arg15[%mul3A_127] : memref<10000xf32, #tpu.memory_space<vmem_shared>> -> memref<128xf32, #tpu.memory_space<vmem_shared>>
        %dma_wait3A_129 = tpu.memref_slice %arg15[%mul3A_127] : memref<10000xf32, #tpu.memory_space<vmem_shared>> -> memref<128xf32, #tpu.memory_space<vmem_shared>>
        tpu.wait_dma2 semaphore(%run_scoped3A : memref<!tpu.dma_semaphore, #tpu.memory_space<semaphore_mem>>) src(%arg12 : memref<128xf32, #tpu.memory_space<vmem>>) dst(%dma_wait3A_129 : memref<128xf32, #tpu.memory_space<vmem_shared>>)
        tpu.yield
      }) : () -> ()
    } else {
    }
    %eq3A = arith.constant 14 : i32
    %eq3A_107 = arith.cmpi eq, %arg1, %eq3A : i32
    %convert_element_type3A_108 = arith.extui %eq3A_107 : i1 to i32
    %cond3A_109 = arith.constant 0 : i32
    %cond3A_110 = arith.cmpi ne, %convert_element_type3A_108, %cond3A_109 : i32
    scf.if %cond3A_110 {
      "tpu.region"() ({
        %run_scoped3A = tpu.sem_alloc : memref<!tpu.dma_semaphore, #tpu.memory_space<semaphore_mem>>
        %dma_start3A = arith.constant 0 : i32
        %dma_start3A_127 = tpu.memref_slice %arg12[%dma_start3A] : memref<128xf32, #tpu.memory_space<vmem>> -> memref<16xf32, #tpu.memory_space<vmem>>
        %dma_start3A_128 = arith.constant 9984 : i32
        %dma_start3A_129 = tpu.memref_slice %arg15[%dma_start3A_128] : memref<10000xf32, #tpu.memory_space<vmem_shared>> -> memref<16xf32, #tpu.memory_space<vmem_shared>>
        %dma_start3A_130 = arith.constant 9984 : i32
        %dma_start3A_131 = tpu.memref_slice %arg15[%dma_start3A_130] : memref<10000xf32, #tpu.memory_space<vmem_shared>> -> memref<16xf32, #tpu.memory_space<vmem_shared>>
        %dma_start3A_132 = arith.constant 0 : i32
        %dma_start3A_133 = tpu.memref_slice %arg12[%dma_start3A_132] : memref<128xf32, #tpu.memory_space<vmem>> -> memref<16xf32, #tpu.memory_space<vmem>>
        tpu.enqueue_dma source(%dma_start3A_133 : memref<16xf32, #tpu.memory_space<vmem>>) target(%dma_start3A_131 : memref<16xf32, #tpu.memory_space<vmem_shared>>) target_semaphore(%run_scoped3A : memref<!tpu.dma_semaphore, #tpu.memory_space<semaphore_mem>>)
        %dma_wait3A = arith.constant 0 : i32
        %dma_wait3A_134 = tpu.memref_slice %arg12[%dma_wait3A] : memref<128xf32, #tpu.memory_space<vmem>> -> memref<16xf32, #tpu.memory_space<vmem>>
        %dma_wait3A_135 = arith.constant 9984 : i32
        %dma_wait3A_136 = tpu.memref_slice %arg15[%dma_wait3A_135] : memref<10000xf32, #tpu.memory_space<vmem_shared>> -> memref<16xf32, #tpu.memory_space<vmem_shared>>
        %dma_wait3A_137 = arith.constant 9984 : i32
        %dma_wait3A_138 = tpu.memref_slice %arg15[%dma_wait3A_137] : memref<10000xf32, #tpu.memory_space<vmem_shared>> -> memref<16xf32, #tpu.memory_space<vmem_shared>>
        %dma_wait3A_139 = arith.constant 0 : i32
        %dma_wait3A_140 = tpu.memref_slice %arg12[%dma_wait3A_139] : memref<128xf32, #tpu.memory_space<vmem>> -> memref<16xf32, #tpu.memory_space<vmem>>
        tpu.wait_dma2 semaphore(%run_scoped3A : memref<!tpu.dma_semaphore, #tpu.memory_space<semaphore_mem>>) src(%dma_wait3A_140 : memref<16xf32, #tpu.memory_space<vmem>>) dst(%dma_wait3A_138 : memref<16xf32, #tpu.memory_space<vmem_shared>>)
        tpu.yield
      }) : () -> ()
    } else {
    }
    %barrier3A = arith.constant 0 : index
    tpu.barrier barrier_id(%barrier3A)
    %eq3A_111 = arith.constant 0 : i32
    %eq3A_112 = arith.cmpi eq, %arg0, %eq3A_111 : i32
    %convert_element_type3A_113 = arith.extui %eq3A_112 : i1 to i32
    %cond3A_114 = arith.constant 0 : i32
    %cond3A_115 = arith.cmpi ne, %convert_element_type3A_113, %cond3A_114 : i32
    scf.if %cond3A_115 {
      %scan3A = arith.constant 0 : i32
      %scan3A_127 = arith.constant 0 : i32
      %scan3A_128 = arith.constant 156 : i32
      %scan3A_129 = arith.addi %scan3A_127, %scan3A_128 : i32
      %scan3A_130 = arith.constant 1 : i32
      scf.for %scan3A_135 = %scan3A_127 to %scan3A_129 step %scan3A_130  : i32 {
        %mul3A_136 = arith.constant 20000 : i32
        %mul3A_137 = arith.muli %arg1, %mul3A_136 : i32
        %mul3A_138 = arith.constant 128 : i32
        %mul3A_139 = arith.muli %scan3A_135, %mul3A_138 : i32
        %add3A_140 = arith.addi %mul3A_137, %mul3A_139 : i32
        %multiple_of3A_141 = tpu.assume_multiple %add3A_140, 8 : i32
        "tpu.region"() ({
          %run_scoped3A = tpu.sem_alloc : memref<!tpu.dma_semaphore, #tpu.memory_space<semaphore_mem>>
          %dma_start3A = tpu.memref_slice %arg4[%multiple_of3A_141] : memref<320000xi32, #tpu.memory_space<hbm>> -> memref<128xi32, #tpu.memory_space<hbm>>
          %dma_start3A_142 = tpu.memref_slice %arg4[%multiple_of3A_141] : memref<320000xi32, #tpu.memory_space<hbm>> -> memref<128xi32, #tpu.memory_space<hbm>>
          tpu.enqueue_dma source(%dma_start3A_142 : memref<128xi32, #tpu.memory_space<hbm>>) target(%arg7 : memref<128xi32, #tpu.memory_space<vmem>>) target_semaphore(%run_scoped3A : memref<!tpu.dma_semaphore, #tpu.memory_space<semaphore_mem>>)
          %dma_wait3A = tpu.memref_slice %arg4[%multiple_of3A_141] : memref<320000xi32, #tpu.memory_space<hbm>> -> memref<128xi32, #tpu.memory_space<hbm>>
          %dma_wait3A_143 = tpu.memref_slice %arg4[%multiple_of3A_141] : memref<320000xi32, #tpu.memory_space<hbm>> -> memref<128xi32, #tpu.memory_space<hbm>>
          tpu.wait_dma2 semaphore(%run_scoped3A : memref<!tpu.dma_semaphore, #tpu.memory_space<semaphore_mem>>) src(%dma_wait3A_143 : memref<128xi32, #tpu.memory_space<hbm>>) dst(%arg7 : memref<128xi32, #tpu.memory_space<vmem>>)
          tpu.yield
        }) : () -> ()
        "tpu.region"() ({
          %run_scoped3A = tpu.sem_alloc : memref<!tpu.dma_semaphore, #tpu.memory_space<semaphore_mem>>
          %dma_start3A = arith.constant 0 : i32
          %dma_start3A_142 = tpu.memref_slice %arg15[%dma_start3A] : memref<10000xf32, #tpu.memory_space<vmem_shared>> -> memref<10000xf32, #tpu.memory_space<vmem_shared>>
          tpu.enqueue_indirect_dma source(%arg10 : memref<128xf32, #tpu.memory_space<vmem>>) target(%dma_start3A_142 : memref<10000xf32, #tpu.memory_space<vmem_shared>>) offsets(%arg7 : memref<128xi32, #tpu.memory_space<vmem>>) semaphore(%run_scoped3A : memref<!tpu.dma_semaphore, #tpu.memory_space<semaphore_mem>>) {add = true}
          %dma_wait3A = arith.constant 0 : i32
          %dma_wait3A_143 = tpu.memref_slice %arg15[%dma_wait3A] : memref<10000xf32, #tpu.memory_space<vmem_shared>> -> memref<10000xf32, #tpu.memory_space<vmem_shared>>
          tpu.wait_indirect_dma semaphore(%run_scoped3A : memref<!tpu.dma_semaphore, #tpu.memory_space<semaphore_mem>>) src(%arg10 : memref<128xf32, #tpu.memory_space<vmem>>) dst(%dma_wait3A_143 : memref<10000xf32, #tpu.memory_space<vmem_shared>>)
          tpu.yield
        }) : () -> ()
      }
      %scan3A_131 = arith.constant 156 : i32
      %mul3A = arith.constant 20000 : i32
      %mul3A_132 = arith.muli %arg1, %mul3A : i32
      %add3A_133 = arith.constant 19968 : i32
      %add3A_134 = arith.addi %mul3A_132, %add3A_133 : i32
      %multiple_of3A = tpu.assume_multiple %add3A_134, 8 : i32
      "tpu.region"() ({
        %run_scoped3A = tpu.sem_alloc : memref<!tpu.dma_semaphore, #tpu.memory_space<semaphore_mem>>
        %dma_start3A = tpu.memref_slice %arg4[%multiple_of3A] : memref<320000xi32, #tpu.memory_space<hbm>> -> memref<32xi32, #tpu.memory_space<hbm>>
        %dma_start3A_135 = tpu.memref_slice %arg4[%multiple_of3A] : memref<320000xi32, #tpu.memory_space<hbm>> -> memref<32xi32, #tpu.memory_space<hbm>>
        tpu.enqueue_dma source(%dma_start3A_135 : memref<32xi32, #tpu.memory_space<hbm>>) target(%arg9 : memref<32xi32, #tpu.memory_space<vmem>>) target_semaphore(%run_scoped3A : memref<!tpu.dma_semaphore, #tpu.memory_space<semaphore_mem>>)
        %dma_wait3A = tpu.memref_slice %arg4[%multiple_of3A] : memref<320000xi32, #tpu.memory_space<hbm>> -> memref<32xi32, #tpu.memory_space<hbm>>
        %dma_wait3A_136 = tpu.memref_slice %arg4[%multiple_of3A] : memref<320000xi32, #tpu.memory_space<hbm>> -> memref<32xi32, #tpu.memory_space<hbm>>
        tpu.wait_dma2 semaphore(%run_scoped3A : memref<!tpu.dma_semaphore, #tpu.memory_space<semaphore_mem>>) src(%dma_wait3A_136 : memref<32xi32, #tpu.memory_space<hbm>>) dst(%arg9 : memref<32xi32, #tpu.memory_space<vmem>>)
        tpu.yield
      }) : () -> ()
      "tpu.region"() ({
        %run_scoped3A = tpu.sem_alloc : memref<!tpu.dma_semaphore, #tpu.memory_space<semaphore_mem>>
        %dma_start3A = arith.constant 0 : i32
        %dma_start3A_135 = tpu.memref_slice %arg15[%dma_start3A] : memref<10000xf32, #tpu.memory_space<vmem_shared>> -> memref<10000xf32, #tpu.memory_space<vmem_shared>>
        tpu.enqueue_indirect_dma source(%arg11 : memref<32xf32, #tpu.memory_space<vmem>>) target(%dma_start3A_135 : memref<10000xf32, #tpu.memory_space<vmem_shared>>) offsets(%arg9 : memref<32xi32, #tpu.memory_space<vmem>>) semaphore(%run_scoped3A : memref<!tpu.dma_semaphore, #tpu.memory_space<semaphore_mem>>) {add = true}
        %dma_wait3A = arith.constant 0 : i32
        %dma_wait3A_136 = tpu.memref_slice %arg15[%dma_wait3A] : memref<10000xf32, #tpu.memory_space<vmem_shared>> -> memref<10000xf32, #tpu.memory_space<vmem_shared>>
        tpu.wait_indirect_dma semaphore(%run_scoped3A : memref<!tpu.dma_semaphore, #tpu.memory_space<semaphore_mem>>) src(%arg11 : memref<32xf32, #tpu.memory_space<vmem>>) dst(%dma_wait3A_136 : memref<10000xf32, #tpu.memory_space<vmem_shared>>)
        tpu.yield
      }) : () -> ()
    } else {
    }
    %eq3A_116 = arith.constant 1 : i32
    %eq3A_117 = arith.cmpi eq, %arg0, %eq3A_116 : i32
    %convert_element_type3A_118 = arith.extui %eq3A_117 : i1 to i32
    %cond3A_119 = arith.constant 0 : i32
    %cond3A_120 = arith.cmpi ne, %convert_element_type3A_118, %cond3A_119 : i32
    scf.if %cond3A_120 {
      %add3A_127 = arith.constant 0 : i32
      %add3A_128 = arith.addi %arg1, %add3A_127 : i32
      %lt3A_129 = arith.constant 78 : i32
      %lt3A_130 = arith.cmpi slt, %add3A_128, %lt3A_129 : i32
      %convert_element_type3A_131 = arith.extui %lt3A_130 : i1 to i32
      %cond3A_132 = arith.constant 0 : i32
      %cond3A_133 = arith.cmpi ne, %convert_element_type3A_131, %cond3A_132 : i32
      scf.if %cond3A_133 {
        %mul3A = arith.constant 128 : i32
        %mul3A_167 = arith.muli %add3A_128, %mul3A : i32
        %multiple_of3A = tpu.assume_multiple %mul3A_167, 8 : i32
        "tpu.region"() ({
          %run_scoped3A = tpu.sem_alloc : memref<!tpu.dma_semaphore, #tpu.memory_space<semaphore_mem>>
          %dma_start3A_172 = tpu.memref_slice %arg3[%multiple_of3A] : memref<10000xi32, #tpu.memory_space<hbm>> -> memref<128xi32, #tpu.memory_space<hbm>>
          %dma_start3A_173 = tpu.memref_slice %arg3[%multiple_of3A] : memref<10000xi32, #tpu.memory_space<hbm>> -> memref<128xi32, #tpu.memory_space<hbm>>
          tpu.enqueue_dma source(%dma_start3A_173 : memref<128xi32, #tpu.memory_space<hbm>>) target(%arg7 : memref<128xi32, #tpu.memory_space<vmem>>) target_semaphore(%run_scoped3A : memref<!tpu.dma_semaphore, #tpu.memory_space<semaphore_mem>>)
          %dma_wait3A_174 = tpu.memref_slice %arg3[%multiple_of3A] : memref<10000xi32, #tpu.memory_space<hbm>> -> memref<128xi32, #tpu.memory_space<hbm>>
          %dma_wait3A_175 = tpu.memref_slice %arg3[%multiple_of3A] : memref<10000xi32, #tpu.memory_space<hbm>> -> memref<128xi32, #tpu.memory_space<hbm>>
          tpu.wait_dma2 semaphore(%run_scoped3A : memref<!tpu.dma_semaphore, #tpu.memory_space<semaphore_mem>>) src(%dma_wait3A_175 : memref<128xi32, #tpu.memory_space<hbm>>) dst(%arg7 : memref<128xi32, #tpu.memory_space<vmem>>)
          tpu.yield
        }) : () -> ()
        %dma_start3A = arith.constant 0 : i32
        %dma_start3A_168 = arith.constant 0 : i32
        %dma_start3A_169 = tpu.memref_slice %arg2[%dma_start3A, %dma_start3A_168] : memref<10000x128xf32, #tpu.memory_space<hbm>> -> memref<10000x128xf32, #tpu.memory_space<hbm>>
        tpu.enqueue_indirect_dma source(%dma_start3A_169 : memref<10000x128xf32, #tpu.memory_space<hbm>>) target(%arg13 : memref<128x128xf32, #tpu.memory_space<vmem>>) offsets(%arg7 : memref<128xi32, #tpu.memory_space<vmem>>) semaphore(%arg16 : memref<!tpu.dma_semaphore, #tpu.memory_space<semaphore_mem>>)
        %dma_wait3A = arith.constant 0 : i32
        %dma_wait3A_170 = arith.constant 0 : i32
        %dma_wait3A_171 = tpu.memref_slice %arg2[%dma_wait3A, %dma_wait3A_170] : memref<10000x128xf32, #tpu.memory_space<hbm>> -> memref<10000x128xf32, #tpu.memory_space<hbm>>
        tpu.wait_indirect_dma semaphore(%arg16 : memref<!tpu.dma_semaphore, #tpu.memory_space<semaphore_mem>>) src(%dma_wait3A_171 : memref<10000x128xf32, #tpu.memory_space<hbm>>) dst(%arg13 : memref<128x128xf32, #tpu.memory_space<vmem>>)
        "tpu.region"() ({
          %run_scoped3A = tpu.sem_alloc : memref<!tpu.dma_semaphore, #tpu.memory_space<semaphore_mem>>
          %dma_start3A_172 = arith.constant 0 : i32
          %dma_start3A_173 = tpu.memref_slice %arg6[%multiple_of3A, %dma_start3A_172] : memref<10000x128xf32, #tpu.memory_space<hbm>> -> memref<128x128xf32, #tpu.memory_space<hbm>>
          %dma_start3A_174 = arith.constant 0 : i32
          %dma_start3A_175 = tpu.memref_slice %arg6[%multiple_of3A, %dma_start3A_174] : memref<10000x128xf32, #tpu.memory_space<hbm>> -> memref<128x128xf32, #tpu.memory_space<hbm>>
          tpu.enqueue_dma source(%arg13 : memref<128x128xf32, #tpu.memory_space<vmem>>) target(%dma_start3A_175 : memref<128x128xf32, #tpu.memory_space<hbm>>) target_semaphore(%run_scoped3A : memref<!tpu.dma_semaphore, #tpu.memory_space<semaphore_mem>>)
          %dma_wait3A_176 = arith.constant 0 : i32
          %dma_wait3A_177 = tpu.memref_slice %arg6[%multiple_of3A, %dma_wait3A_176] : memref<10000x128xf32, #tpu.memory_space<hbm>> -> memref<128x128xf32, #tpu.memory_space<hbm>>
          %dma_wait3A_178 = arith.constant 0 : i32
          %dma_wait3A_179 = tpu.memref_slice %arg6[%multiple_of3A, %dma_wait3A_178] : memref<10000x128xf32, #tpu.memory_space<hbm>> -> memref<128x128xf32, #tpu.memory_space<hbm>>
          tpu.wait_dma2 semaphore(%run_scoped3A : memref<!tpu.dma_semaphore, #tpu.memory_space<semaphore_mem>>) src(%arg13 : memref<128x128xf32, #tpu.memory_space<vmem>>) dst(%dma_wait3A_179 : memref<128x128xf32, #tpu.memory_space<hbm>>)
          tpu.yield
        }) : () -> ()
      } else {
      }
      %add3A_134 = arith.constant 16 : i32
      %add3A_135 = arith.addi %arg1, %add3A_134 : i32
      %lt3A_136 = arith.constant 78 : i32
      %lt3A_137 = arith.cmpi slt, %add3A_135, %lt3A_136 : i32
      %convert_element_type3A_138 = arith.extui %lt3A_137 : i1 to i32
      %cond3A_139 = arith.constant 0 : i32
      %cond3A_140 = arith.cmpi ne, %convert_element_type3A_138, %cond3A_139 : i32
      scf.if %cond3A_140 {
        %mul3A = arith.constant 128 : i32
        %mul3A_167 = arith.muli %add3A_135, %mul3A : i32
        %multiple_of3A = tpu.assume_multiple %mul3A_167, 8 : i32
        "tpu.region"() ({
          %run_scoped3A = tpu.sem_alloc : memref<!tpu.dma_semaphore, #tpu.memory_space<semaphore_mem>>
          %dma_start3A_172 = tpu.memref_slice %arg3[%multiple_of3A] : memref<10000xi32, #tpu.memory_space<hbm>> -> memref<128xi32, #tpu.memory_space<hbm>>
          %dma_start3A_173 = tpu.memref_slice %arg3[%multiple_of3A] : memref<10000xi32, #tpu.memory_space<hbm>> -> memref<128xi32, #tpu.memory_space<hbm>>
          tpu.enqueue_dma source(%dma_start3A_173 : memref<128xi32, #tpu.memory_space<hbm>>) target(%arg7 : memref<128xi32, #tpu.memory_space<vmem>>) target_semaphore(%run_scoped3A : memref<!tpu.dma_semaphore, #tpu.memory_space<semaphore_mem>>)
          %dma_wait3A_174 = tpu.memref_slice %arg3[%multiple_of3A] : memref<10000xi32, #tpu.memory_space<hbm>> -> memref<128xi32, #tpu.memory_space<hbm>>
          %dma_wait3A_175 = tpu.memref_slice %arg3[%multiple_of3A] : memref<10000xi32, #tpu.memory_space<hbm>> -> memref<128xi32, #tpu.memory_space<hbm>>
          tpu.wait_dma2 semaphore(%run_scoped3A : memref<!tpu.dma_semaphore, #tpu.memory_space<semaphore_mem>>) src(%dma_wait3A_175 : memref<128xi32, #tpu.memory_space<hbm>>) dst(%arg7 : memref<128xi32, #tpu.memory_space<vmem>>)
          tpu.yield
        }) : () -> ()
        %dma_start3A = arith.constant 0 : i32
        %dma_start3A_168 = arith.constant 0 : i32
        %dma_start3A_169 = tpu.memref_slice %arg2[%dma_start3A, %dma_start3A_168] : memref<10000x128xf32, #tpu.memory_space<hbm>> -> memref<10000x128xf32, #tpu.memory_space<hbm>>
        tpu.enqueue_indirect_dma source(%dma_start3A_169 : memref<10000x128xf32, #tpu.memory_space<hbm>>) target(%arg13 : memref<128x128xf32, #tpu.memory_space<vmem>>) offsets(%arg7 : memref<128xi32, #tpu.memory_space<vmem>>) semaphore(%arg16 : memref<!tpu.dma_semaphore, #tpu.memory_space<semaphore_mem>>)
        %dma_wait3A = arith.constant 0 : i32
        %dma_wait3A_170 = arith.constant 0 : i32
        %dma_wait3A_171 = tpu.memref_slice %arg2[%dma_wait3A, %dma_wait3A_170] : memref<10000x128xf32, #tpu.memory_space<hbm>> -> memref<10000x128xf32, #tpu.memory_space<hbm>>
        tpu.wait_indirect_dma semaphore(%arg16 : memref<!tpu.dma_semaphore, #tpu.memory_space<semaphore_mem>>) src(%dma_wait3A_171 : memref<10000x128xf32, #tpu.memory_space<hbm>>) dst(%arg13 : memref<128x128xf32, #tpu.memory_space<vmem>>)
        "tpu.region"() ({
          %run_scoped3A = tpu.sem_alloc : memref<!tpu.dma_semaphore, #tpu.memory_space<semaphore_mem>>
          %dma_start3A_172 = arith.constant 0 : i32
          %dma_start3A_173 = tpu.memref_slice %arg6[%multiple_of3A, %dma_start3A_172] : memref<10000x128xf32, #tpu.memory_space<hbm>> -> memref<128x128xf32, #tpu.memory_space<hbm>>
          %dma_start3A_174 = arith.constant 0 : i32
          %dma_start3A_175 = tpu.memref_slice %arg6[%multiple_of3A, %dma_start3A_174] : memref<10000x128xf32, #tpu.memory_space<hbm>> -> memref<128x128xf32, #tpu.memory_space<hbm>>
          tpu.enqueue_dma source(%arg13 : memref<128x128xf32, #tpu.memory_space<vmem>>) target(%dma_start3A_175 : memref<128x128xf32, #tpu.memory_space<hbm>>) target_semaphore(%run_scoped3A : memref<!tpu.dma_semaphore, #tpu.memory_space<semaphore_mem>>)
          %dma_wait3A_176 = arith.constant 0 : i32
          %dma_wait3A_177 = tpu.memref_slice %arg6[%multiple_of3A, %dma_wait3A_176] : memref<10000x128xf32, #tpu.memory_space<hbm>> -> memref<128x128xf32, #tpu.memory_space<hbm>>
          %dma_wait3A_178 = arith.constant 0 : i32
          %dma_wait3A_179 = tpu.memref_slice %arg6[%multiple_of3A, %dma_wait3A_178] : memref<10000x128xf32, #tpu.memory_space<hbm>> -> memref<128x128xf32, #tpu.memory_space<hbm>>
          tpu.wait_dma2 semaphore(%run_scoped3A : memref<!tpu.dma_semaphore, #tpu.memory_space<semaphore_mem>>) src(%arg13 : memref<128x128xf32, #tpu.memory_space<vmem>>) dst(%dma_wait3A_179 : memref<128x128xf32, #tpu.memory_space<hbm>>)
          tpu.yield
        }) : () -> ()
      } else {
      }
      %add3A_141 = arith.constant 32 : i32
      %add3A_142 = arith.addi %arg1, %add3A_141 : i32
      %lt3A_143 = arith.constant 78 : i32
      %lt3A_144 = arith.cmpi slt, %add3A_142, %lt3A_143 : i32
      %convert_element_type3A_145 = arith.extui %lt3A_144 : i1 to i32
      %cond3A_146 = arith.constant 0 : i32
      %cond3A_147 = arith.cmpi ne, %convert_element_type3A_145, %cond3A_146 : i32
      scf.if %cond3A_147 {
        %mul3A = arith.constant 128 : i32
        %mul3A_167 = arith.muli %add3A_142, %mul3A : i32
        %multiple_of3A = tpu.assume_multiple %mul3A_167, 8 : i32
        "tpu.region"() ({
          %run_scoped3A = tpu.sem_alloc : memref<!tpu.dma_semaphore, #tpu.memory_space<semaphore_mem>>
          %dma_start3A_172 = tpu.memref_slice %arg3[%multiple_of3A] : memref<10000xi32, #tpu.memory_space<hbm>> -> memref<128xi32, #tpu.memory_space<hbm>>
          %dma_start3A_173 = tpu.memref_slice %arg3[%multiple_of3A] : memref<10000xi32, #tpu.memory_space<hbm>> -> memref<128xi32, #tpu.memory_space<hbm>>
          tpu.enqueue_dma source(%dma_start3A_173 : memref<128xi32, #tpu.memory_space<hbm>>) target(%arg7 : memref<128xi32, #tpu.memory_space<vmem>>) target_semaphore(%run_scoped3A : memref<!tpu.dma_semaphore, #tpu.memory_space<semaphore_mem>>)
          %dma_wait3A_174 = tpu.memref_slice %arg3[%multiple_of3A] : memref<10000xi32, #tpu.memory_space<hbm>> -> memref<128xi32, #tpu.memory_space<hbm>>
          %dma_wait3A_175 = tpu.memref_slice %arg3[%multiple_of3A] : memref<10000xi32, #tpu.memory_space<hbm>> -> memref<128xi32, #tpu.memory_space<hbm>>
          tpu.wait_dma2 semaphore(%run_scoped3A : memref<!tpu.dma_semaphore, #tpu.memory_space<semaphore_mem>>) src(%dma_wait3A_175 : memref<128xi32, #tpu.memory_space<hbm>>) dst(%arg7 : memref<128xi32, #tpu.memory_space<vmem>>)
          tpu.yield
        }) : () -> ()
        %dma_start3A = arith.constant 0 : i32
        %dma_start3A_168 = arith.constant 0 : i32
        %dma_start3A_169 = tpu.memref_slice %arg2[%dma_start3A, %dma_start3A_168] : memref<10000x128xf32, #tpu.memory_space<hbm>> -> memref<10000x128xf32, #tpu.memory_space<hbm>>
        tpu.enqueue_indirect_dma source(%dma_start3A_169 : memref<10000x128xf32, #tpu.memory_space<hbm>>) target(%arg13 : memref<128x128xf32, #tpu.memory_space<vmem>>) offsets(%arg7 : memref<128xi32, #tpu.memory_space<vmem>>) semaphore(%arg16 : memref<!tpu.dma_semaphore, #tpu.memory_space<semaphore_mem>>)
        %dma_wait3A = arith.constant 0 : i32
        %dma_wait3A_170 = arith.constant 0 : i32
        %dma_wait3A_171 = tpu.memref_slice %arg2[%dma_wait3A, %dma_wait3A_170] : memref<10000x128xf32, #tpu.memory_space<hbm>> -> memref<10000x128xf32, #tpu.memory_space<hbm>>
        tpu.wait_indirect_dma semaphore(%arg16 : memref<!tpu.dma_semaphore, #tpu.memory_space<semaphore_mem>>) src(%dma_wait3A_171 : memref<10000x128xf32, #tpu.memory_space<hbm>>) dst(%arg13 : memref<128x128xf32, #tpu.memory_space<vmem>>)
        "tpu.region"() ({
          %run_scoped3A = tpu.sem_alloc : memref<!tpu.dma_semaphore, #tpu.memory_space<semaphore_mem>>
          %dma_start3A_172 = arith.constant 0 : i32
          %dma_start3A_173 = tpu.memref_slice %arg6[%multiple_of3A, %dma_start3A_172] : memref<10000x128xf32, #tpu.memory_space<hbm>> -> memref<128x128xf32, #tpu.memory_space<hbm>>
          %dma_start3A_174 = arith.constant 0 : i32
          %dma_start3A_175 = tpu.memref_slice %arg6[%multiple_of3A, %dma_start3A_174] : memref<10000x128xf32, #tpu.memory_space<hbm>> -> memref<128x128xf32, #tpu.memory_space<hbm>>
          tpu.enqueue_dma source(%arg13 : memref<128x128xf32, #tpu.memory_space<vmem>>) target(%dma_start3A_175 : memref<128x128xf32, #tpu.memory_space<hbm>>) target_semaphore(%run_scoped3A : memref<!tpu.dma_semaphore, #tpu.memory_space<semaphore_mem>>)
          %dma_wait3A_176 = arith.constant 0 : i32
          %dma_wait3A_177 = tpu.memref_slice %arg6[%multiple_of3A, %dma_wait3A_176] : memref<10000x128xf32, #tpu.memory_space<hbm>> -> memref<128x128xf32, #tpu.memory_space<hbm>>
          %dma_wait3A_178 = arith.constant 0 : i32
          %dma_wait3A_179 = tpu.memref_slice %arg6[%multiple_of3A, %dma_wait3A_178] : memref<10000x128xf32, #tpu.memory_space<hbm>> -> memref<128x128xf32, #tpu.memory_space<hbm>>
          tpu.wait_dma2 semaphore(%run_scoped3A : memref<!tpu.dma_semaphore, #tpu.memory_space<semaphore_mem>>) src(%arg13 : memref<128x128xf32, #tpu.memory_space<vmem>>) dst(%dma_wait3A_179 : memref<128x128xf32, #tpu.memory_space<hbm>>)
          tpu.yield
        }) : () -> ()
      } else {
      }
      %add3A_148 = arith.constant 48 : i32
      %add3A_149 = arith.addi %arg1, %add3A_148 : i32
      %lt3A_150 = arith.constant 78 : i32
      %lt3A_151 = arith.cmpi slt, %add3A_149, %lt3A_150 : i32
      %convert_element_type3A_152 = arith.extui %lt3A_151 : i1 to i32
      %cond3A_153 = arith.constant 0 : i32
      %cond3A_154 = arith.cmpi ne, %convert_element_type3A_152, %cond3A_153 : i32
      scf.if %cond3A_154 {
        %mul3A = arith.constant 128 : i32
        %mul3A_167 = arith.muli %add3A_149, %mul3A : i32
        %multiple_of3A = tpu.assume_multiple %mul3A_167, 8 : i32
        "tpu.region"() ({
          %run_scoped3A = tpu.sem_alloc : memref<!tpu.dma_semaphore, #tpu.memory_space<semaphore_mem>>
          %dma_start3A_172 = tpu.memref_slice %arg3[%multiple_of3A] : memref<10000xi32, #tpu.memory_space<hbm>> -> memref<128xi32, #tpu.memory_space<hbm>>
          %dma_start3A_173 = tpu.memref_slice %arg3[%multiple_of3A] : memref<10000xi32, #tpu.memory_space<hbm>> -> memref<128xi32, #tpu.memory_space<hbm>>
          tpu.enqueue_dma source(%dma_start3A_173 : memref<128xi32, #tpu.memory_space<hbm>>) target(%arg7 : memref<128xi32, #tpu.memory_space<vmem>>) target_semaphore(%run_scoped3A : memref<!tpu.dma_semaphore, #tpu.memory_space<semaphore_mem>>)
          %dma_wait3A_174 = tpu.memref_slice %arg3[%multiple_of3A] : memref<10000xi32, #tpu.memory_space<hbm>> -> memref<128xi32, #tpu.memory_space<hbm>>
          %dma_wait3A_175 = tpu.memref_slice %arg3[%multiple_of3A] : memref<10000xi32, #tpu.memory_space<hbm>> -> memref<128xi32, #tpu.memory_space<hbm>>
          tpu.wait_dma2 semaphore(%run_scoped3A : memref<!tpu.dma_semaphore, #tpu.memory_space<semaphore_mem>>) src(%dma_wait3A_175 : memref<128xi32, #tpu.memory_space<hbm>>) dst(%arg7 : memref<128xi32, #tpu.memory_space<vmem>>)
          tpu.yield
        }) : () -> ()
        %dma_start3A = arith.constant 0 : i32
        %dma_start3A_168 = arith.constant 0 : i32
        %dma_start3A_169 = tpu.memref_slice %arg2[%dma_start3A, %dma_start3A_168] : memref<10000x128xf32, #tpu.memory_space<hbm>> -> memref<10000x128xf32, #tpu.memory_space<hbm>>
        tpu.enqueue_indirect_dma source(%dma_start3A_169 : memref<10000x128xf32, #tpu.memory_space<hbm>>) target(%arg13 : memref<128x128xf32, #tpu.memory_space<vmem>>) offsets(%arg7 : memref<128xi32, #tpu.memory_space<vmem>>) semaphore(%arg16 : memref<!tpu.dma_semaphore, #tpu.memory_space<semaphore_mem>>)
        %dma_wait3A = arith.constant 0 : i32
        %dma_wait3A_170 = arith.constant 0 : i32
        %dma_wait3A_171 = tpu.memref_slice %arg2[%dma_wait3A, %dma_wait3A_170] : memref<10000x128xf32, #tpu.memory_space<hbm>> -> memref<10000x128xf32, #tpu.memory_space<hbm>>
        tpu.wait_indirect_dma semaphore(%arg16 : memref<!tpu.dma_semaphore, #tpu.memory_space<semaphore_mem>>) src(%dma_wait3A_171 : memref<10000x128xf32, #tpu.memory_space<hbm>>) dst(%arg13 : memref<128x128xf32, #tpu.memory_space<vmem>>)
        "tpu.region"() ({
          %run_scoped3A = tpu.sem_alloc : memref<!tpu.dma_semaphore, #tpu.memory_space<semaphore_mem>>
          %dma_start3A_172 = arith.constant 0 : i32
          %dma_start3A_173 = tpu.memref_slice %arg6[%multiple_of3A, %dma_start3A_172] : memref<10000x128xf32, #tpu.memory_space<hbm>> -> memref<128x128xf32, #tpu.memory_space<hbm>>
          %dma_start3A_174 = arith.constant 0 : i32
          %dma_start3A_175 = tpu.memref_slice %arg6[%multiple_of3A, %dma_start3A_174] : memref<10000x128xf32, #tpu.memory_space<hbm>> -> memref<128x128xf32, #tpu.memory_space<hbm>>
          tpu.enqueue_dma source(%arg13 : memref<128x128xf32, #tpu.memory_space<vmem>>) target(%dma_start3A_175 : memref<128x128xf32, #tpu.memory_space<hbm>>) target_semaphore(%run_scoped3A : memref<!tpu.dma_semaphore, #tpu.memory_space<semaphore_mem>>)
          %dma_wait3A_176 = arith.constant 0 : i32
          %dma_wait3A_177 = tpu.memref_slice %arg6[%multiple_of3A, %dma_wait3A_176] : memref<10000x128xf32, #tpu.memory_space<hbm>> -> memref<128x128xf32, #tpu.memory_space<hbm>>
          %dma_wait3A_178 = arith.constant 0 : i32
          %dma_wait3A_179 = tpu.memref_slice %arg6[%multiple_of3A, %dma_wait3A_178] : memref<10000x128xf32, #tpu.memory_space<hbm>> -> memref<128x128xf32, #tpu.memory_space<hbm>>
          tpu.wait_dma2 semaphore(%run_scoped3A : memref<!tpu.dma_semaphore, #tpu.memory_space<semaphore_mem>>) src(%arg13 : memref<128x128xf32, #tpu.memory_space<vmem>>) dst(%dma_wait3A_179 : memref<128x128xf32, #tpu.memory_space<hbm>>)
          tpu.yield
        }) : () -> ()
      } else {
      }
      %add3A_155 = arith.constant 64 : i32
      %add3A_156 = arith.addi %arg1, %add3A_155 : i32
      %lt3A_157 = arith.constant 78 : i32
      %lt3A_158 = arith.cmpi slt, %add3A_156, %lt3A_157 : i32
      %convert_element_type3A_159 = arith.extui %lt3A_158 : i1 to i32
      %cond3A_160 = arith.constant 0 : i32
      %cond3A_161 = arith.cmpi ne, %convert_element_type3A_159, %cond3A_160 : i32
      scf.if %cond3A_161 {
        %mul3A = arith.constant 128 : i32
        %mul3A_167 = arith.muli %add3A_156, %mul3A : i32
        %multiple_of3A = tpu.assume_multiple %mul3A_167, 8 : i32
        "tpu.region"() ({
          %run_scoped3A = tpu.sem_alloc : memref<!tpu.dma_semaphore, #tpu.memory_space<semaphore_mem>>
          %dma_start3A_172 = tpu.memref_slice %arg3[%multiple_of3A] : memref<10000xi32, #tpu.memory_space<hbm>> -> memref<128xi32, #tpu.memory_space<hbm>>
          %dma_start3A_173 = tpu.memref_slice %arg3[%multiple_of3A] : memref<10000xi32, #tpu.memory_space<hbm>> -> memref<128xi32, #tpu.memory_space<hbm>>
          tpu.enqueue_dma source(%dma_start3A_173 : memref<128xi32, #tpu.memory_space<hbm>>) target(%arg7 : memref<128xi32, #tpu.memory_space<vmem>>) target_semaphore(%run_scoped3A : memref<!tpu.dma_semaphore, #tpu.memory_space<semaphore_mem>>)
          %dma_wait3A_174 = tpu.memref_slice %arg3[%multiple_of3A] : memref<10000xi32, #tpu.memory_space<hbm>> -> memref<128xi32, #tpu.memory_space<hbm>>
          %dma_wait3A_175 = tpu.memref_slice %arg3[%multiple_of3A] : memref<10000xi32, #tpu.memory_space<hbm>> -> memref<128xi32, #tpu.memory_space<hbm>>
          tpu.wait_dma2 semaphore(%run_scoped3A : memref<!tpu.dma_semaphore, #tpu.memory_space<semaphore_mem>>) src(%dma_wait3A_175 : memref<128xi32, #tpu.memory_space<hbm>>) dst(%arg7 : memref<128xi32, #tpu.memory_space<vmem>>)
          tpu.yield
        }) : () -> ()
        %dma_start3A = arith.constant 0 : i32
        %dma_start3A_168 = arith.constant 0 : i32
        %dma_start3A_169 = tpu.memref_slice %arg2[%dma_start3A, %dma_start3A_168] : memref<10000x128xf32, #tpu.memory_space<hbm>> -> memref<10000x128xf32, #tpu.memory_space<hbm>>
        tpu.enqueue_indirect_dma source(%dma_start3A_169 : memref<10000x128xf32, #tpu.memory_space<hbm>>) target(%arg13 : memref<128x128xf32, #tpu.memory_space<vmem>>) offsets(%arg7 : memref<128xi32, #tpu.memory_space<vmem>>) semaphore(%arg16 : memref<!tpu.dma_semaphore, #tpu.memory_space<semaphore_mem>>)
        %dma_wait3A = arith.constant 0 : i32
        %dma_wait3A_170 = arith.constant 0 : i32
        %dma_wait3A_171 = tpu.memref_slice %arg2[%dma_wait3A, %dma_wait3A_170] : memref<10000x128xf32, #tpu.memory_space<hbm>> -> memref<10000x128xf32, #tpu.memory_space<hbm>>
        tpu.wait_indirect_dma semaphore(%arg16 : memref<!tpu.dma_semaphore, #tpu.memory_space<semaphore_mem>>) src(%dma_wait3A_171 : memref<10000x128xf32, #tpu.memory_space<hbm>>) dst(%arg13 : memref<128x128xf32, #tpu.memory_space<vmem>>)
        "tpu.region"() ({
          %run_scoped3A = tpu.sem_alloc : memref<!tpu.dma_semaphore, #tpu.memory_space<semaphore_mem>>
          %dma_start3A_172 = arith.constant 0 : i32
          %dma_start3A_173 = tpu.memref_slice %arg6[%multiple_of3A, %dma_start3A_172] : memref<10000x128xf32, #tpu.memory_space<hbm>> -> memref<128x128xf32, #tpu.memory_space<hbm>>
          %dma_start3A_174 = arith.constant 0 : i32
          %dma_start3A_175 = tpu.memref_slice %arg6[%multiple_of3A, %dma_start3A_174] : memref<10000x128xf32, #tpu.memory_space<hbm>> -> memref<128x128xf32, #tpu.memory_space<hbm>>
          tpu.enqueue_dma source(%arg13 : memref<128x128xf32, #tpu.memory_space<vmem>>) target(%dma_start3A_175 : memref<128x128xf32, #tpu.memory_space<hbm>>) target_semaphore(%run_scoped3A : memref<!tpu.dma_semaphore, #tpu.memory_space<semaphore_mem>>)
          %dma_wait3A_176 = arith.constant 0 : i32
          %dma_wait3A_177 = tpu.memref_slice %arg6[%multiple_of3A, %dma_wait3A_176] : memref<10000x128xf32, #tpu.memory_space<hbm>> -> memref<128x128xf32, #tpu.memory_space<hbm>>
          %dma_wait3A_178 = arith.constant 0 : i32
          %dma_wait3A_179 = tpu.memref_slice %arg6[%multiple_of3A, %dma_wait3A_178] : memref<10000x128xf32, #tpu.memory_space<hbm>> -> memref<128x128xf32, #tpu.memory_space<hbm>>
          tpu.wait_dma2 semaphore(%run_scoped3A : memref<!tpu.dma_semaphore, #tpu.memory_space<semaphore_mem>>) src(%arg13 : memref<128x128xf32, #tpu.memory_space<vmem>>) dst(%dma_wait3A_179 : memref<128x128xf32, #tpu.memory_space<hbm>>)
          tpu.yield
        }) : () -> ()
      } else {
      }
      %eq3A_162 = arith.constant 14 : i32
      %eq3A_163 = arith.cmpi eq, %arg1, %eq3A_162 : i32
      %convert_element_type3A_164 = arith.extui %eq3A_163 : i1 to i32
      %cond3A_165 = arith.constant 0 : i32
      %cond3A_166 = arith.cmpi ne, %convert_element_type3A_164, %cond3A_165 : i32
      scf.if %cond3A_166 {
        "tpu.region"() ({
          %run_scoped3A = tpu.sem_alloc : memref<!tpu.dma_semaphore, #tpu.memory_space<semaphore_mem>>
          %dma_start3A_171 = arith.constant 9984 : i32
          %dma_start3A_172 = tpu.memref_slice %arg3[%dma_start3A_171] : memref<10000xi32, #tpu.memory_space<hbm>> -> memref<16xi32, #tpu.memory_space<hbm>>
          %dma_start3A_173 = arith.constant 9984 : i32
          %dma_start3A_174 = tpu.memref_slice %arg3[%dma_start3A_173] : memref<10000xi32, #tpu.memory_space<hbm>> -> memref<16xi32, #tpu.memory_space<hbm>>
          tpu.enqueue_dma source(%dma_start3A_174 : memref<16xi32, #tpu.memory_space<hbm>>) target(%arg8 : memref<16xi32, #tpu.memory_space<vmem>>) target_semaphore(%run_scoped3A : memref<!tpu.dma_semaphore, #tpu.memory_space<semaphore_mem>>)
          %dma_wait3A_175 = arith.constant 9984 : i32
          %dma_wait3A_176 = tpu.memref_slice %arg3[%dma_wait3A_175] : memref<10000xi32, #tpu.memory_space<hbm>> -> memref<16xi32, #tpu.memory_space<hbm>>
          %dma_wait3A_177 = arith.constant 9984 : i32
          %dma_wait3A_178 = tpu.memref_slice %arg3[%dma_wait3A_177] : memref<10000xi32, #tpu.memory_space<hbm>> -> memref<16xi32, #tpu.memory_space<hbm>>
          tpu.wait_dma2 semaphore(%run_scoped3A : memref<!tpu.dma_semaphore, #tpu.memory_space<semaphore_mem>>) src(%dma_wait3A_178 : memref<16xi32, #tpu.memory_space<hbm>>) dst(%arg8 : memref<16xi32, #tpu.memory_space<vmem>>)
          tpu.yield
        }) : () -> ()
        %dma_start3A = arith.constant 0 : i32
        %dma_start3A_167 = arith.constant 0 : i32
        %dma_start3A_168 = tpu.memref_slice %arg2[%dma_start3A, %dma_start3A_167] : memref<10000x128xf32, #tpu.memory_space<hbm>> -> memref<10000x128xf32, #tpu.memory_space<hbm>>
        tpu.enqueue_indirect_dma source(%dma_start3A_168 : memref<10000x128xf32, #tpu.memory_space<hbm>>) target(%arg14 : memref<16x128xf32, #tpu.memory_space<vmem>>) offsets(%arg8 : memref<16xi32, #tpu.memory_space<vmem>>) semaphore(%arg16 : memref<!tpu.dma_semaphore, #tpu.memory_space<semaphore_mem>>)
        %dma_wait3A = arith.constant 0 : i32
        %dma_wait3A_169 = arith.constant 0 : i32
        %dma_wait3A_170 = tpu.memref_slice %arg2[%dma_wait3A, %dma_wait3A_169] : memref<10000x128xf32, #tpu.memory_space<hbm>> -> memref<10000x128xf32, #tpu.memory_space<hbm>>
        tpu.wait_indirect_dma semaphore(%arg16 : memref<!tpu.dma_semaphore, #tpu.memory_space<semaphore_mem>>) src(%dma_wait3A_170 : memref<10000x128xf32, #tpu.memory_space<hbm>>) dst(%arg14 : memref<16x128xf32, #tpu.memory_space<vmem>>)
        "tpu.region"() ({
          %run_scoped3A = tpu.sem_alloc : memref<!tpu.dma_semaphore, #tpu.memory_space<semaphore_mem>>
          %dma_start3A_171 = arith.constant 9984 : i32
          %dma_start3A_172 = arith.constant 0 : i32
          %dma_start3A_173 = tpu.memref_slice %arg6[%dma_start3A_171, %dma_start3A_172] : memref<10000x128xf32, #tpu.memory_space<hbm>> -> memref<16x128xf32, #tpu.memory_space<hbm>>
          %dma_start3A_174 = arith.constant 9984 : i32
          %dma_start3A_175 = arith.constant 0 : i32
          %dma_start3A_176 = tpu.memref_slice %arg6[%dma_start3A_174, %dma_start3A_175] : memref<10000x128xf32, #tpu.memory_space<hbm>> -> memref<16x128xf32, #tpu.memory_space<hbm>>
          tpu.enqueue_dma source(%arg14 : memref<16x128xf32, #tpu.memory_space<vmem>>) target(%dma_start3A_176 : memref<16x128xf32, #tpu.memory_space<hbm>>) target_semaphore(%run_scoped3A : memref<!tpu.dma_semaphore, #tpu.memory_space<semaphore_mem>>)
          %dma_wait3A_177 = arith.constant 9984 : i32
          %dma_wait3A_178 = arith.constant 0 : i32
          %dma_wait3A_179 = tpu.memref_slice %arg6[%dma_wait3A_177, %dma_wait3A_178] : memref<10000x128xf32, #tpu.memory_space<hbm>> -> memref<16x128xf32, #tpu.memory_space<hbm>>
          %dma_wait3A_180 = arith.constant 9984 : i32
          %dma_wait3A_181 = arith.constant 0 : i32
          %dma_wait3A_182 = tpu.memref_slice %arg6[%dma_wait3A_180, %dma_wait3A_181] : memref<10000x128xf32, #tpu.memory_space<hbm>> -> memref<16x128xf32, #tpu.memory_space<hbm>>
          tpu.wait_dma2 semaphore(%run_scoped3A : memref<!tpu.dma_semaphore, #tpu.memory_space<semaphore_mem>>) src(%arg14 : memref<16x128xf32, #tpu.memory_space<vmem>>) dst(%dma_wait3A_182 : memref<16x128xf32, #tpu.memory_space<hbm>>)
          tpu.yield
        }) : () -> ()
      } else {
      }
    } else {
    }
    %barrier3A_121 = arith.constant 0 : index
    tpu.barrier barrier_id(%barrier3A_121)
    %eq3A_122 = arith.constant 0 : i32
    %eq3A_123 = arith.cmpi eq, %arg0, %eq3A_122 : i32
    %convert_element_type3A_124 = arith.extui %eq3A_123 : i1 to i32
    %cond3A_125 = arith.constant 0 : i32
    %cond3A_126 = arith.cmpi ne, %convert_element_type3A_124, %cond3A_125 : i32
    scf.if %cond3A_126 {
      %add3A_127 = arith.constant 0 : i32
      %add3A_128 = arith.addi %arg1, %add3A_127 : i32
      %lt3A_129 = arith.constant 78 : i32
      %lt3A_130 = arith.cmpi slt, %add3A_128, %lt3A_129 : i32
      %convert_element_type3A_131 = arith.extui %lt3A_130 : i1 to i32
      %cond3A_132 = arith.constant 0 : i32
      %cond3A_133 = arith.cmpi ne, %convert_element_type3A_131, %cond3A_132 : i32
      scf.if %cond3A_133 {
        %mul3A = arith.constant 128 : i32
        %mul3A_167 = arith.muli %add3A_128, %mul3A : i32
        %multiple_of3A = tpu.assume_multiple %mul3A_167, 8 : i32
        "tpu.region"() ({
          %run_scoped3A = tpu.sem_alloc : memref<!tpu.dma_semaphore, #tpu.memory_space<semaphore_mem>>
          %dma_start3A = tpu.memref_slice %arg15[%multiple_of3A] : memref<10000xf32, #tpu.memory_space<vmem_shared>> -> memref<128xf32, #tpu.memory_space<vmem_shared>>
          %dma_start3A_168 = tpu.memref_slice %arg15[%multiple_of3A] : memref<10000xf32, #tpu.memory_space<vmem_shared>> -> memref<128xf32, #tpu.memory_space<vmem_shared>>
          tpu.enqueue_dma source(%dma_start3A_168 : memref<128xf32, #tpu.memory_space<vmem_shared>>) target(%arg12 : memref<128xf32, #tpu.memory_space<vmem>>) target_semaphore(%run_scoped3A : memref<!tpu.dma_semaphore, #tpu.memory_space<semaphore_mem>>)
          %dma_wait3A = tpu.memref_slice %arg15[%multiple_of3A] : memref<10000xf32, #tpu.memory_space<vmem_shared>> -> memref<128xf32, #tpu.memory_space<vmem_shared>>
          %dma_wait3A_169 = tpu.memref_slice %arg15[%multiple_of3A] : memref<10000xf32, #tpu.memory_space<vmem_shared>> -> memref<128xf32, #tpu.memory_space<vmem_shared>>
          tpu.wait_dma2 semaphore(%run_scoped3A : memref<!tpu.dma_semaphore, #tpu.memory_space<semaphore_mem>>) src(%dma_wait3A_169 : memref<128xf32, #tpu.memory_space<vmem_shared>>) dst(%arg12 : memref<128xf32, #tpu.memory_space<vmem>>)
          tpu.yield
        }) : () -> ()
        "tpu.region"() ({
          %run_scoped3A = tpu.sem_alloc : memref<!tpu.dma_semaphore, #tpu.memory_space<semaphore_mem>>
          %dma_start3A = tpu.memref_slice %arg5[%multiple_of3A] : memref<10000xf32, #tpu.memory_space<hbm>> -> memref<128xf32, #tpu.memory_space<hbm>>
          %dma_start3A_168 = tpu.memref_slice %arg5[%multiple_of3A] : memref<10000xf32, #tpu.memory_space<hbm>> -> memref<128xf32, #tpu.memory_space<hbm>>
          tpu.enqueue_dma source(%arg12 : memref<128xf32, #tpu.memory_space<vmem>>) target(%dma_start3A_168 : memref<128xf32, #tpu.memory_space<hbm>>) target_semaphore(%run_scoped3A : memref<!tpu.dma_semaphore, #tpu.memory_space<semaphore_mem>>)
          %dma_wait3A = tpu.memref_slice %arg5[%multiple_of3A] : memref<10000xf32, #tpu.memory_space<hbm>> -> memref<128xf32, #tpu.memory_space<hbm>>
          %dma_wait3A_169 = tpu.memref_slice %arg5[%multiple_of3A] : memref<10000xf32, #tpu.memory_space<hbm>> -> memref<128xf32, #tpu.memory_space<hbm>>
          tpu.wait_dma2 semaphore(%run_scoped3A : memref<!tpu.dma_semaphore, #tpu.memory_space<semaphore_mem>>) src(%arg12 : memref<128xf32, #tpu.memory_space<vmem>>) dst(%dma_wait3A_169 : memref<128xf32, #tpu.memory_space<hbm>>)
          tpu.yield
        }) : () -> ()
      } else {
      }
      %add3A_134 = arith.constant 16 : i32
      %add3A_135 = arith.addi %arg1, %add3A_134 : i32
      %lt3A_136 = arith.constant 78 : i32
      %lt3A_137 = arith.cmpi slt, %add3A_135, %lt3A_136 : i32
      %convert_element_type3A_138 = arith.extui %lt3A_137 : i1 to i32
      %cond3A_139 = arith.constant 0 : i32
      %cond3A_140 = arith.cmpi ne, %convert_element_type3A_138, %cond3A_139 : i32
      scf.if %cond3A_140 {
        %mul3A = arith.constant 128 : i32
        %mul3A_167 = arith.muli %add3A_135, %mul3A : i32
        %multiple_of3A = tpu.assume_multiple %mul3A_167, 8 : i32
        "tpu.region"() ({
          %run_scoped3A = tpu.sem_alloc : memref<!tpu.dma_semaphore, #tpu.memory_space<semaphore_mem>>
          %dma_start3A = tpu.memref_slice %arg15[%multiple_of3A] : memref<10000xf32, #tpu.memory_space<vmem_shared>> -> memref<128xf32, #tpu.memory_space<vmem_shared>>
          %dma_start3A_168 = tpu.memref_slice %arg15[%multiple_of3A] : memref<10000xf32, #tpu.memory_space<vmem_shared>> -> memref<128xf32, #tpu.memory_space<vmem_shared>>
          tpu.enqueue_dma source(%dma_start3A_168 : memref<128xf32, #tpu.memory_space<vmem_shared>>) target(%arg12 : memref<128xf32, #tpu.memory_space<vmem>>) target_semaphore(%run_scoped3A : memref<!tpu.dma_semaphore, #tpu.memory_space<semaphore_mem>>)
          %dma_wait3A = tpu.memref_slice %arg15[%multiple_of3A] : memref<10000xf32, #tpu.memory_space<vmem_shared>> -> memref<128xf32, #tpu.memory_space<vmem_shared>>
          %dma_wait3A_169 = tpu.memref_slice %arg15[%multiple_of3A] : memref<10000xf32, #tpu.memory_space<vmem_shared>> -> memref<128xf32, #tpu.memory_space<vmem_shared>>
          tpu.wait_dma2 semaphore(%run_scoped3A : memref<!tpu.dma_semaphore, #tpu.memory_space<semaphore_mem>>) src(%dma_wait3A_169 : memref<128xf32, #tpu.memory_space<vmem_shared>>) dst(%arg12 : memref<128xf32, #tpu.memory_space<vmem>>)
          tpu.yield
        }) : () -> ()
        "tpu.region"() ({
          %run_scoped3A = tpu.sem_alloc : memref<!tpu.dma_semaphore, #tpu.memory_space<semaphore_mem>>
          %dma_start3A = tpu.memref_slice %arg5[%multiple_of3A] : memref<10000xf32, #tpu.memory_space<hbm>> -> memref<128xf32, #tpu.memory_space<hbm>>
          %dma_start3A_168 = tpu.memref_slice %arg5[%multiple_of3A] : memref<10000xf32, #tpu.memory_space<hbm>> -> memref<128xf32, #tpu.memory_space<hbm>>
          tpu.enqueue_dma source(%arg12 : memref<128xf32, #tpu.memory_space<vmem>>) target(%dma_start3A_168 : memref<128xf32, #tpu.memory_space<hbm>>) target_semaphore(%run_scoped3A : memref<!tpu.dma_semaphore, #tpu.memory_space<semaphore_mem>>)
          %dma_wait3A = tpu.memref_slice %arg5[%multiple_of3A] : memref<10000xf32, #tpu.memory_space<hbm>> -> memref<128xf32, #tpu.memory_space<hbm>>
          %dma_wait3A_169 = tpu.memref_slice %arg5[%multiple_of3A] : memref<10000xf32, #tpu.memory_space<hbm>> -> memref<128xf32, #tpu.memory_space<hbm>>
          tpu.wait_dma2 semaphore(%run_scoped3A : memref<!tpu.dma_semaphore, #tpu.memory_space<semaphore_mem>>) src(%arg12 : memref<128xf32, #tpu.memory_space<vmem>>) dst(%dma_wait3A_169 : memref<128xf32, #tpu.memory_space<hbm>>)
          tpu.yield
        }) : () -> ()
      } else {
      }
      %add3A_141 = arith.constant 32 : i32
      %add3A_142 = arith.addi %arg1, %add3A_141 : i32
      %lt3A_143 = arith.constant 78 : i32
      %lt3A_144 = arith.cmpi slt, %add3A_142, %lt3A_143 : i32
      %convert_element_type3A_145 = arith.extui %lt3A_144 : i1 to i32
      %cond3A_146 = arith.constant 0 : i32
      %cond3A_147 = arith.cmpi ne, %convert_element_type3A_145, %cond3A_146 : i32
      scf.if %cond3A_147 {
        %mul3A = arith.constant 128 : i32
        %mul3A_167 = arith.muli %add3A_142, %mul3A : i32
        %multiple_of3A = tpu.assume_multiple %mul3A_167, 8 : i32
        "tpu.region"() ({
          %run_scoped3A = tpu.sem_alloc : memref<!tpu.dma_semaphore, #tpu.memory_space<semaphore_mem>>
          %dma_start3A = tpu.memref_slice %arg15[%multiple_of3A] : memref<10000xf32, #tpu.memory_space<vmem_shared>> -> memref<128xf32, #tpu.memory_space<vmem_shared>>
          %dma_start3A_168 = tpu.memref_slice %arg15[%multiple_of3A] : memref<10000xf32, #tpu.memory_space<vmem_shared>> -> memref<128xf32, #tpu.memory_space<vmem_shared>>
          tpu.enqueue_dma source(%dma_start3A_168 : memref<128xf32, #tpu.memory_space<vmem_shared>>) target(%arg12 : memref<128xf32, #tpu.memory_space<vmem>>) target_semaphore(%run_scoped3A : memref<!tpu.dma_semaphore, #tpu.memory_space<semaphore_mem>>)
          %dma_wait3A = tpu.memref_slice %arg15[%multiple_of3A] : memref<10000xf32, #tpu.memory_space<vmem_shared>> -> memref<128xf32, #tpu.memory_space<vmem_shared>>
          %dma_wait3A_169 = tpu.memref_slice %arg15[%multiple_of3A] : memref<10000xf32, #tpu.memory_space<vmem_shared>> -> memref<128xf32, #tpu.memory_space<vmem_shared>>
          tpu.wait_dma2 semaphore(%run_scoped3A : memref<!tpu.dma_semaphore, #tpu.memory_space<semaphore_mem>>) src(%dma_wait3A_169 : memref<128xf32, #tpu.memory_space<vmem_shared>>) dst(%arg12 : memref<128xf32, #tpu.memory_space<vmem>>)
          tpu.yield
        }) : () -> ()
        "tpu.region"() ({
          %run_scoped3A = tpu.sem_alloc : memref<!tpu.dma_semaphore, #tpu.memory_space<semaphore_mem>>
          %dma_start3A = tpu.memref_slice %arg5[%multiple_of3A] : memref<10000xf32, #tpu.memory_space<hbm>> -> memref<128xf32, #tpu.memory_space<hbm>>
          %dma_start3A_168 = tpu.memref_slice %arg5[%multiple_of3A] : memref<10000xf32, #tpu.memory_space<hbm>> -> memref<128xf32, #tpu.memory_space<hbm>>
          tpu.enqueue_dma source(%arg12 : memref<128xf32, #tpu.memory_space<vmem>>) target(%dma_start3A_168 : memref<128xf32, #tpu.memory_space<hbm>>) target_semaphore(%run_scoped3A : memref<!tpu.dma_semaphore, #tpu.memory_space<semaphore_mem>>)
          %dma_wait3A = tpu.memref_slice %arg5[%multiple_of3A] : memref<10000xf32, #tpu.memory_space<hbm>> -> memref<128xf32, #tpu.memory_space<hbm>>
          %dma_wait3A_169 = tpu.memref_slice %arg5[%multiple_of3A] : memref<10000xf32, #tpu.memory_space<hbm>> -> memref<128xf32, #tpu.memory_space<hbm>>
          tpu.wait_dma2 semaphore(%run_scoped3A : memref<!tpu.dma_semaphore, #tpu.memory_space<semaphore_mem>>) src(%arg12 : memref<128xf32, #tpu.memory_space<vmem>>) dst(%dma_wait3A_169 : memref<128xf32, #tpu.memory_space<hbm>>)
          tpu.yield
        }) : () -> ()
      } else {
      }
      %add3A_148 = arith.constant 48 : i32
      %add3A_149 = arith.addi %arg1, %add3A_148 : i32
      %lt3A_150 = arith.constant 78 : i32
      %lt3A_151 = arith.cmpi slt, %add3A_149, %lt3A_150 : i32
      %convert_element_type3A_152 = arith.extui %lt3A_151 : i1 to i32
      %cond3A_153 = arith.constant 0 : i32
      %cond3A_154 = arith.cmpi ne, %convert_element_type3A_152, %cond3A_153 : i32
      scf.if %cond3A_154 {
        %mul3A = arith.constant 128 : i32
        %mul3A_167 = arith.muli %add3A_149, %mul3A : i32
        %multiple_of3A = tpu.assume_multiple %mul3A_167, 8 : i32
        "tpu.region"() ({
          %run_scoped3A = tpu.sem_alloc : memref<!tpu.dma_semaphore, #tpu.memory_space<semaphore_mem>>
          %dma_start3A = tpu.memref_slice %arg15[%multiple_of3A] : memref<10000xf32, #tpu.memory_space<vmem_shared>> -> memref<128xf32, #tpu.memory_space<vmem_shared>>
          %dma_start3A_168 = tpu.memref_slice %arg15[%multiple_of3A] : memref<10000xf32, #tpu.memory_space<vmem_shared>> -> memref<128xf32, #tpu.memory_space<vmem_shared>>
          tpu.enqueue_dma source(%dma_start3A_168 : memref<128xf32, #tpu.memory_space<vmem_shared>>) target(%arg12 : memref<128xf32, #tpu.memory_space<vmem>>) target_semaphore(%run_scoped3A : memref<!tpu.dma_semaphore, #tpu.memory_space<semaphore_mem>>)
          %dma_wait3A = tpu.memref_slice %arg15[%multiple_of3A] : memref<10000xf32, #tpu.memory_space<vmem_shared>> -> memref<128xf32, #tpu.memory_space<vmem_shared>>
          %dma_wait3A_169 = tpu.memref_slice %arg15[%multiple_of3A] : memref<10000xf32, #tpu.memory_space<vmem_shared>> -> memref<128xf32, #tpu.memory_space<vmem_shared>>
          tpu.wait_dma2 semaphore(%run_scoped3A : memref<!tpu.dma_semaphore, #tpu.memory_space<semaphore_mem>>) src(%dma_wait3A_169 : memref<128xf32, #tpu.memory_space<vmem_shared>>) dst(%arg12 : memref<128xf32, #tpu.memory_space<vmem>>)
          tpu.yield
        }) : () -> ()
        "tpu.region"() ({
          %run_scoped3A = tpu.sem_alloc : memref<!tpu.dma_semaphore, #tpu.memory_space<semaphore_mem>>
          %dma_start3A = tpu.memref_slice %arg5[%multiple_of3A] : memref<10000xf32, #tpu.memory_space<hbm>> -> memref<128xf32, #tpu.memory_space<hbm>>
          %dma_start3A_168 = tpu.memref_slice %arg5[%multiple_of3A] : memref<10000xf32, #tpu.memory_space<hbm>> -> memref<128xf32, #tpu.memory_space<hbm>>
          tpu.enqueue_dma source(%arg12 : memref<128xf32, #tpu.memory_space<vmem>>) target(%dma_start3A_168 : memref<128xf32, #tpu.memory_space<hbm>>) target_semaphore(%run_scoped3A : memref<!tpu.dma_semaphore, #tpu.memory_space<semaphore_mem>>)
          %dma_wait3A = tpu.memref_slice %arg5[%multiple_of3A] : memref<10000xf32, #tpu.memory_space<hbm>> -> memref<128xf32, #tpu.memory_space<hbm>>
          %dma_wait3A_169 = tpu.memref_slice %arg5[%multiple_of3A] : memref<10000xf32, #tpu.memory_space<hbm>> -> memref<128xf32, #tpu.memory_space<hbm>>
          tpu.wait_dma2 semaphore(%run_scoped3A : memref<!tpu.dma_semaphore, #tpu.memory_space<semaphore_mem>>) src(%arg12 : memref<128xf32, #tpu.memory_space<vmem>>) dst(%dma_wait3A_169 : memref<128xf32, #tpu.memory_space<hbm>>)
          tpu.yield
        }) : () -> ()
      } else {
      }
      %add3A_155 = arith.constant 64 : i32
      %add3A_156 = arith.addi %arg1, %add3A_155 : i32
      %lt3A_157 = arith.constant 78 : i32
      %lt3A_158 = arith.cmpi slt, %add3A_156, %lt3A_157 : i32
      %convert_element_type3A_159 = arith.extui %lt3A_158 : i1 to i32
      %cond3A_160 = arith.constant 0 : i32
      %cond3A_161 = arith.cmpi ne, %convert_element_type3A_159, %cond3A_160 : i32
      scf.if %cond3A_161 {
        %mul3A = arith.constant 128 : i32
        %mul3A_167 = arith.muli %add3A_156, %mul3A : i32
        %multiple_of3A = tpu.assume_multiple %mul3A_167, 8 : i32
        "tpu.region"() ({
          %run_scoped3A = tpu.sem_alloc : memref<!tpu.dma_semaphore, #tpu.memory_space<semaphore_mem>>
          %dma_start3A = tpu.memref_slice %arg15[%multiple_of3A] : memref<10000xf32, #tpu.memory_space<vmem_shared>> -> memref<128xf32, #tpu.memory_space<vmem_shared>>
          %dma_start3A_168 = tpu.memref_slice %arg15[%multiple_of3A] : memref<10000xf32, #tpu.memory_space<vmem_shared>> -> memref<128xf32, #tpu.memory_space<vmem_shared>>
          tpu.enqueue_dma source(%dma_start3A_168 : memref<128xf32, #tpu.memory_space<vmem_shared>>) target(%arg12 : memref<128xf32, #tpu.memory_space<vmem>>) target_semaphore(%run_scoped3A : memref<!tpu.dma_semaphore, #tpu.memory_space<semaphore_mem>>)
          %dma_wait3A = tpu.memref_slice %arg15[%multiple_of3A] : memref<10000xf32, #tpu.memory_space<vmem_shared>> -> memref<128xf32, #tpu.memory_space<vmem_shared>>
          %dma_wait3A_169 = tpu.memref_slice %arg15[%multiple_of3A] : memref<10000xf32, #tpu.memory_space<vmem_shared>> -> memref<128xf32, #tpu.memory_space<vmem_shared>>
          tpu.wait_dma2 semaphore(%run_scoped3A : memref<!tpu.dma_semaphore, #tpu.memory_space<semaphore_mem>>) src(%dma_wait3A_169 : memref<128xf32, #tpu.memory_space<vmem_shared>>) dst(%arg12 : memref<128xf32, #tpu.memory_space<vmem>>)
          tpu.yield
        }) : () -> ()
        "tpu.region"() ({
          %run_scoped3A = tpu.sem_alloc : memref<!tpu.dma_semaphore, #tpu.memory_space<semaphore_mem>>
          %dma_start3A = tpu.memref_slice %arg5[%multiple_of3A] : memref<10000xf32, #tpu.memory_space<hbm>> -> memref<128xf32, #tpu.memory_space<hbm>>
          %dma_start3A_168 = tpu.memref_slice %arg5[%multiple_of3A] : memref<10000xf32, #tpu.memory_space<hbm>> -> memref<128xf32, #tpu.memory_space<hbm>>
          tpu.enqueue_dma source(%arg12 : memref<128xf32, #tpu.memory_space<vmem>>) target(%dma_start3A_168 : memref<128xf32, #tpu.memory_space<hbm>>) target_semaphore(%run_scoped3A : memref<!tpu.dma_semaphore, #tpu.memory_space<semaphore_mem>>)
          %dma_wait3A = tpu.memref_slice %arg5[%multiple_of3A] : memref<10000xf32, #tpu.memory_space<hbm>> -> memref<128xf32, #tpu.memory_space<hbm>>
          %dma_wait3A_169 = tpu.memref_slice %arg5[%multiple_of3A] : memref<10000xf32, #tpu.memory_space<hbm>> -> memref<128xf32, #tpu.memory_space<hbm>>
          tpu.wait_dma2 semaphore(%run_scoped3A : memref<!tpu.dma_semaphore, #tpu.memory_space<semaphore_mem>>) src(%arg12 : memref<128xf32, #tpu.memory_space<vmem>>) dst(%dma_wait3A_169 : memref<128xf32, #tpu.memory_space<hbm>>)
          tpu.yield
        }) : () -> ()
      } else {
      }
      %eq3A_162 = arith.constant 14 : i32
      %eq3A_163 = arith.cmpi eq, %arg1, %eq3A_162 : i32
      %convert_element_type3A_164 = arith.extui %eq3A_163 : i1 to i32
      %cond3A_165 = arith.constant 0 : i32
      %cond3A_166 = arith.cmpi ne, %convert_element_type3A_164, %cond3A_165 : i32
      scf.if %cond3A_166 {
        "tpu.region"() ({
          %run_scoped3A = tpu.sem_alloc : memref<!tpu.dma_semaphore, #tpu.memory_space<semaphore_mem>>
          %dma_start3A = arith.constant 0 : i32
          %dma_start3A_167 = tpu.memref_slice %arg12[%dma_start3A] : memref<128xf32, #tpu.memory_space<vmem>> -> memref<16xf32, #tpu.memory_space<vmem>>
          %dma_start3A_168 = arith.constant 9984 : i32
          %dma_start3A_169 = tpu.memref_slice %arg15[%dma_start3A_168] : memref<10000xf32, #tpu.memory_space<vmem_shared>> -> memref<16xf32, #tpu.memory_space<vmem_shared>>
          %dma_start3A_170 = arith.constant 0 : i32
          %dma_start3A_171 = tpu.memref_slice %arg12[%dma_start3A_170] : memref<128xf32, #tpu.memory_space<vmem>> -> memref<16xf32, #tpu.memory_space<vmem>>
          %dma_start3A_172 = arith.constant 9984 : i32
          %dma_start3A_173 = tpu.memref_slice %arg15[%dma_start3A_172] : memref<10000xf32, #tpu.memory_space<vmem_shared>> -> memref<16xf32, #tpu.memory_space<vmem_shared>>
          tpu.enqueue_dma source(%dma_start3A_173 : memref<16xf32, #tpu.memory_space<vmem_shared>>) target(%dma_start3A_171 : memref<16xf32, #tpu.memory_space<vmem>>) target_semaphore(%run_scoped3A : memref<!tpu.dma_semaphore, #tpu.memory_space<semaphore_mem>>)
          %dma_wait3A = arith.constant 0 : i32
          %dma_wait3A_174 = tpu.memref_slice %arg12[%dma_wait3A] : memref<128xf32, #tpu.memory_space<vmem>> -> memref<16xf32, #tpu.memory_space<vmem>>
          %dma_wait3A_175 = arith.constant 9984 : i32
          %dma_wait3A_176 = tpu.memref_slice %arg15[%dma_wait3A_175] : memref<10000xf32, #tpu.memory_space<vmem_shared>> -> memref<16xf32, #tpu.memory_space<vmem_shared>>
          %dma_wait3A_177 = arith.constant 0 : i32
          %dma_wait3A_178 = tpu.memref_slice %arg12[%dma_wait3A_177] : memref<128xf32, #tpu.memory_space<vmem>> -> memref<16xf32, #tpu.memory_space<vmem>>
          %dma_wait3A_179 = arith.constant 9984 : i32
          %dma_wait3A_180 = tpu.memref_slice %arg15[%dma_wait3A_179] : memref<10000xf32, #tpu.memory_space<vmem_shared>> -> memref<16xf32, #tpu.memory_space<vmem_shared>>
          tpu.wait_dma2 semaphore(%run_scoped3A : memref<!tpu.dma_semaphore, #tpu.memory_space<semaphore_mem>>) src(%dma_wait3A_180 : memref<16xf32, #tpu.memory_space<vmem_shared>>) dst(%dma_wait3A_178 : memref<16xf32, #tpu.memory_space<vmem>>)
          tpu.yield
        }) : () -> ()
        "tpu.region"() ({
          %run_scoped3A = tpu.sem_alloc : memref<!tpu.dma_semaphore, #tpu.memory_space<semaphore_mem>>
          %dma_start3A = arith.constant 0 : i32
          %dma_start3A_167 = tpu.memref_slice %arg12[%dma_start3A] : memref<128xf32, #tpu.memory_space<vmem>> -> memref<16xf32, #tpu.memory_space<vmem>>
          %dma_start3A_168 = arith.constant 9984 : i32
          %dma_start3A_169 = tpu.memref_slice %arg5[%dma_start3A_168] : memref<10000xf32, #tpu.memory_space<hbm>> -> memref<16xf32, #tpu.memory_space<hbm>>
          %dma_start3A_170 = arith.constant 9984 : i32
          %dma_start3A_171 = tpu.memref_slice %arg5[%dma_start3A_170] : memref<10000xf32, #tpu.memory_space<hbm>> -> memref<16xf32, #tpu.memory_space<hbm>>
          %dma_start3A_172 = arith.constant 0 : i32
          %dma_start3A_173 = tpu.memref_slice %arg12[%dma_start3A_172] : memref<128xf32, #tpu.memory_space<vmem>> -> memref<16xf32, #tpu.memory_space<vmem>>
          tpu.enqueue_dma source(%dma_start3A_173 : memref<16xf32, #tpu.memory_space<vmem>>) target(%dma_start3A_171 : memref<16xf32, #tpu.memory_space<hbm>>) target_semaphore(%run_scoped3A : memref<!tpu.dma_semaphore, #tpu.memory_space<semaphore_mem>>)
          %dma_wait3A = arith.constant 0 : i32
          %dma_wait3A_174 = tpu.memref_slice %arg12[%dma_wait3A] : memref<128xf32, #tpu.memory_space<vmem>> -> memref<16xf32, #tpu.memory_space<vmem>>
          %dma_wait3A_175 = arith.constant 9984 : i32
          %dma_wait3A_176 = tpu.memref_slice %arg5[%dma_wait3A_175] : memref<10000xf32, #tpu.memory_space<hbm>> -> memref<16xf32, #tpu.memory_space<hbm>>
          %dma_wait3A_177 = arith.constant 9984 : i32
          %dma_wait3A_178 = tpu.memref_slice %arg5[%dma_wait3A_177] : memref<10000xf32, #tpu.memory_space<hbm>> -> memref<16xf32, #tpu.memory_space<hbm>>
          %dma_wait3A_179 = arith.constant 0 : i32
          %dma_wait3A_180 = tpu.memref_slice %arg12[%dma_wait3A_179] : memref<128xf32, #tpu.memory_space<vmem>> -> memref<16xf32, #tpu.memory_space<vmem>>
          tpu.wait_dma2 semaphore(%run_scoped3A : memref<!tpu.dma_semaphore, #tpu.memory_space<semaphore_mem>>) src(%dma_wait3A_180 : memref<16xf32, #tpu.memory_space<vmem>>) dst(%dma_wait3A_178 : memref<16xf32, #tpu.memory_space<hbm>>)
          tpu.yield
        }) : () -> ()
      } else {
      }
    } else {
    }
    return
  }
}

#map = affine_map<(d0, d1) -> (0, 0)>
#map1 = affine_map<(d0, d1) -> (0)>
module attributes {stable_mosaic.version = 14 : i64} {
  func.func @_agg(%arg0: i32, %arg1: i32, %arg2: memref<10000x128xf32, #tpu.memory_space<hbm>>, %arg3: memref<10000x128xf32, #tpu.memory_space<hbm>>, %arg4: memref<320000xi32, #tpu.memory_space<hbm>>, %arg5: memref<320000xi32, #tpu.memory_space<hbm>>, %arg6: memref<10000x128xf32, #tpu.memory_space<hbm>>, %arg7: memref<10000x128xf32, #tpu.memory_space<hbm>>, %arg8: memref<128xi32, #tpu.memory_space<vmem>>, %arg9: memref<128xi32, #tpu.memory_space<vmem>>, %arg10: memref<32xi32, #tpu.memory_space<vmem>>, %arg11: memref<32xi32, #tpu.memory_space<vmem>>, %arg12: memref<128x128xf32, #tpu.memory_space<vmem>>, %arg13: memref<32x128xf32, #tpu.memory_space<vmem>>, %arg14: memref<10000x128xf32, #tpu.memory_space<vmem_shared>>, %arg15: memref<!tpu.dma_semaphore, #tpu.memory_space<semaphore_mem>>) attributes {dimension_semantics = [#tpu.dimension_semantics<core_parallel>, #tpu.dimension_semantics<subcore_parallel>], iteration_bounds = array<i64: 2, 16>, scalar_prefetch = 0 : i64, scratch_operands = 8 : i64, tpu.core_type = #tpu.core_type<sc_vector_subcore>, window_params = [{transform_indices = #map}, {transform_indices = #map}, {transform_indices = #map1}, {transform_indices = #map1}, {transform_indices = #map}, {transform_indices = #map}]} {
    %broadcast_in_dim3A = arith.constant 0.000000e+00 : f32
    %broadcast_in_dim3A_0 = vector.broadcast %broadcast_in_dim3A : f32 to vector<16xf32>
    %swap3A = arith.constant 0 : i32
    %swap3A_1 = arith.index_cast %swap3A : i32 to index
    %swap3A_2 = arith.constant 0 : index
    %swap3A_3 = tpu.vector_load %arg13[%swap3A_1, %swap3A_2] {strides = array<i32>} : memref<32x128xf32, #tpu.memory_space<vmem>>, vector<1x16xf32>,
    %swap3A_4 = vector.shape_cast %swap3A_3 : vector<1x16xf32> to vector<16xf32>
    %swap3A_5 = vector.shape_cast %broadcast_in_dim3A_0 : vector<16xf32> to vector<1x16xf32>
    tpu.vector_store %arg13[%swap3A_1, %swap3A_2], %swap3A_5 {strides = array<i32>} : memref<32x128xf32, #tpu.memory_space<vmem>>, vector<1x16xf32>,
    %swap3A_6 = arith.constant 0 : i32
    %swap3A_7 = arith.index_cast %swap3A_6 : i32 to index
    %swap3A_8 = arith.constant 16 : index
    %swap3A_9 = tpu.vector_load %arg13[%swap3A_7, %swap3A_8] {strides = array<i32>} : memref<32x128xf32, #tpu.memory_space<vmem>>, vector<1x16xf32>,
    %swap3A_10 = vector.shape_cast %swap3A_9 : vector<1x16xf32> to vector<16xf32>
    %swap3A_11 = vector.shape_cast %broadcast_in_dim3A_0 : vector<16xf32> to vector<1x16xf32>
    tpu.vector_store %arg13[%swap3A_7, %swap3A_8], %swap3A_11 {strides = array<i32>} : memref<32x128xf32, #tpu.memory_space<vmem>>, vector<1x16xf32>,
    %swap3A_12 = arith.constant 0 : i32
    %swap3A_13 = arith.index_cast %swap3A_12 : i32 to index
    %swap3A_14 = arith.constant 32 : index
    %swap3A_15 = tpu.vector_load %arg13[%swap3A_13, %swap3A_14] {strides = array<i32>} : memref<32x128xf32, #tpu.memory_space<vmem>>, vector<1x16xf32>,
    %swap3A_16 = vector.shape_cast %swap3A_15 : vector<1x16xf32> to vector<16xf32>
    %swap3A_17 = vector.shape_cast %broadcast_in_dim3A_0 : vector<16xf32> to vector<1x16xf32>
    tpu.vector_store %arg13[%swap3A_13, %swap3A_14], %swap3A_17 {strides = array<i32>} : memref<32x128xf32, #tpu.memory_space<vmem>>, vector<1x16xf32>,
    %swap3A_18 = arith.constant 0 : i32
    %swap3A_19 = arith.index_cast %swap3A_18 : i32 to index
    %swap3A_20 = arith.constant 48 : index
    %swap3A_21 = tpu.vector_load %arg13[%swap3A_19, %swap3A_20] {strides = array<i32>} : memref<32x128xf32, #tpu.memory_space<vmem>>, vector<1x16xf32>,
    %swap3A_22 = vector.shape_cast %swap3A_21 : vector<1x16xf32> to vector<16xf32>
    %swap3A_23 = vector.shape_cast %broadcast_in_dim3A_0 : vector<16xf32> to vector<1x16xf32>
    tpu.vector_store %arg13[%swap3A_19, %swap3A_20], %swap3A_23 {strides = array<i32>} : memref<32x128xf32, #tpu.memory_space<vmem>>, vector<1x16xf32>,
    %swap3A_24 = arith.constant 0 : i32
    %swap3A_25 = arith.index_cast %swap3A_24 : i32 to index
    %swap3A_26 = arith.constant 64 : index
    %swap3A_27 = tpu.vector_load %arg13[%swap3A_25, %swap3A_26] {strides = array<i32>} : memref<32x128xf32, #tpu.memory_space<vmem>>, vector<1x16xf32>,
    %swap3A_28 = vector.shape_cast %swap3A_27 : vector<1x16xf32> to vector<16xf32>
    %swap3A_29 = vector.shape_cast %broadcast_in_dim3A_0 : vector<16xf32> to vector<1x16xf32>
    tpu.vector_store %arg13[%swap3A_25, %swap3A_26], %swap3A_29 {strides = array<i32>} : memref<32x128xf32, #tpu.memory_space<vmem>>, vector<1x16xf32>,
    %swap3A_30 = arith.constant 0 : i32
    %swap3A_31 = arith.index_cast %swap3A_30 : i32 to index
    %swap3A_32 = arith.constant 80 : index
    %swap3A_33 = tpu.vector_load %arg13[%swap3A_31, %swap3A_32] {strides = array<i32>} : memref<32x128xf32, #tpu.memory_space<vmem>>, vector<1x16xf32>,
    %swap3A_34 = vector.shape_cast %swap3A_33 : vector<1x16xf32> to vector<16xf32>
    %swap3A_35 = vector.shape_cast %broadcast_in_dim3A_0 : vector<16xf32> to vector<1x16xf32>
    tpu.vector_store %arg13[%swap3A_31, %swap3A_32], %swap3A_35 {strides = array<i32>} : memref<32x128xf32, #tpu.memory_space<vmem>>, vector<1x16xf32>,
    %swap3A_36 = arith.constant 0 : i32
    %swap3A_37 = arith.index_cast %swap3A_36 : i32 to index
    %swap3A_38 = arith.constant 96 : index
    %swap3A_39 = tpu.vector_load %arg13[%swap3A_37, %swap3A_38] {strides = array<i32>} : memref<32x128xf32, #tpu.memory_space<vmem>>, vector<1x16xf32>,
    %swap3A_40 = vector.shape_cast %swap3A_39 : vector<1x16xf32> to vector<16xf32>
    %swap3A_41 = vector.shape_cast %broadcast_in_dim3A_0 : vector<16xf32> to vector<1x16xf32>
    tpu.vector_store %arg13[%swap3A_37, %swap3A_38], %swap3A_41 {strides = array<i32>} : memref<32x128xf32, #tpu.memory_space<vmem>>, vector<1x16xf32>,
    %swap3A_42 = arith.constant 0 : i32
    %swap3A_43 = arith.index_cast %swap3A_42 : i32 to index
    %swap3A_44 = arith.constant 112 : index
    %swap3A_45 = tpu.vector_load %arg13[%swap3A_43, %swap3A_44] {strides = array<i32>} : memref<32x128xf32, #tpu.memory_space<vmem>>, vector<1x16xf32>,
    %swap3A_46 = vector.shape_cast %swap3A_45 : vector<1x16xf32> to vector<16xf32>
    %swap3A_47 = vector.shape_cast %broadcast_in_dim3A_0 : vector<16xf32> to vector<1x16xf32>
    tpu.vector_store %arg13[%swap3A_43, %swap3A_44], %swap3A_47 {strides = array<i32>} : memref<32x128xf32, #tpu.memory_space<vmem>>, vector<1x16xf32>,
    %swap3A_48 = arith.constant 1 : i32
    %swap3A_49 = arith.index_cast %swap3A_48 : i32 to index
    %swap3A_50 = arith.constant 0 : index
    %swap3A_51 = tpu.vector_load %arg13[%swap3A_49, %swap3A_50] {strides = array<i32>} : memref<32x128xf32, #tpu.memory_space<vmem>>, vector<1x16xf32>,
    %swap3A_52 = vector.shape_cast %swap3A_51 : vector<1x16xf32> to vector<16xf32>
    %swap3A_53 = vector.shape_cast %broadcast_in_dim3A_0 : vector<16xf32> to vector<1x16xf32>
    tpu.vector_store %arg13[%swap3A_49, %swap3A_50], %swap3A_53 {strides = array<i32>} : memref<32x128xf32, #tpu.memory_space<vmem>>, vector<1x16xf32>,
    %swap3A_54 = arith.constant 1 : i32
    %swap3A_55 = arith.index_cast %swap3A_54 : i32 to index
    %swap3A_56 = arith.constant 16 : index
    %swap3A_57 = tpu.vector_load %arg13[%swap3A_55, %swap3A_56] {strides = array<i32>} : memref<32x128xf32, #tpu.memory_space<vmem>>, vector<1x16xf32>,
    %swap3A_58 = vector.shape_cast %swap3A_57 : vector<1x16xf32> to vector<16xf32>
    %swap3A_59 = vector.shape_cast %broadcast_in_dim3A_0 : vector<16xf32> to vector<1x16xf32>
    tpu.vector_store %arg13[%swap3A_55, %swap3A_56], %swap3A_59 {strides = array<i32>} : memref<32x128xf32, #tpu.memory_space<vmem>>, vector<1x16xf32>,
    %swap3A_60 = arith.constant 1 : i32
    %swap3A_61 = arith.index_cast %swap3A_60 : i32 to index
    %swap3A_62 = arith.constant 32 : index
    %swap3A_63 = tpu.vector_load %arg13[%swap3A_61, %swap3A_62] {strides = array<i32>} : memref<32x128xf32, #tpu.memory_space<vmem>>, vector<1x16xf32>,
    %swap3A_64 = vector.shape_cast %swap3A_63 : vector<1x16xf32> to vector<16xf32>
    %swap3A_65 = vector.shape_cast %broadcast_in_dim3A_0 : vector<16xf32> to vector<1x16xf32>
    tpu.vector_store %arg13[%swap3A_61, %swap3A_62], %swap3A_65 {strides = array<i32>} : memref<32x128xf32, #tpu.memory_space<vmem>>, vector<1x16xf32>,
    %swap3A_66 = arith.constant 1 : i32
    %swap3A_67 = arith.index_cast %swap3A_66 : i32 to index
    %swap3A_68 = arith.constant 48 : index
    %swap3A_69 = tpu.vector_load %arg13[%swap3A_67, %swap3A_68] {strides = array<i32>} : memref<32x128xf32, #tpu.memory_space<vmem>>, vector<1x16xf32>,
    %swap3A_70 = vector.shape_cast %swap3A_69 : vector<1x16xf32> to vector<16xf32>
    %swap3A_71 = vector.shape_cast %broadcast_in_dim3A_0 : vector<16xf32> to vector<1x16xf32>
    tpu.vector_store %arg13[%swap3A_67, %swap3A_68], %swap3A_71 {strides = array<i32>} : memref<32x128xf32, #tpu.memory_space<vmem>>, vector<1x16xf32>,
    %swap3A_72 = arith.constant 1 : i32
    %swap3A_73 = arith.index_cast %swap3A_72 : i32 to index
    %swap3A_74 = arith.constant 64 : index
    %swap3A_75 = tpu.vector_load %arg13[%swap3A_73, %swap3A_74] {strides = array<i32>} : memref<32x128xf32, #tpu.memory_space<vmem>>, vector<1x16xf32>,
    %swap3A_76 = vector.shape_cast %swap3A_75 : vector<1x16xf32> to vector<16xf32>
    %swap3A_77 = vector.shape_cast %broadcast_in_dim3A_0 : vector<16xf32> to vector<1x16xf32>
    tpu.vector_store %arg13[%swap3A_73, %swap3A_74], %swap3A_77 {strides = array<i32>} : memref<32x128xf32, #tpu.memory_space<vmem>>, vector<1x16xf32>,
    %swap3A_78 = arith.constant 1 : i32
    %swap3A_79 = arith.index_cast %swap3A_78 : i32 to index
    %swap3A_80 = arith.constant 80 : index
    %swap3A_81 = tpu.vector_load %arg13[%swap3A_79, %swap3A_80] {strides = array<i32>} : memref<32x128xf32, #tpu.memory_space<vmem>>, vector<1x16xf32>,
    %swap3A_82 = vector.shape_cast %swap3A_81 : vector<1x16xf32> to vector<16xf32>
    %swap3A_83 = vector.shape_cast %broadcast_in_dim3A_0 : vector<16xf32> to vector<1x16xf32>
    tpu.vector_store %arg13[%swap3A_79, %swap3A_80], %swap3A_83 {strides = array<i32>} : memref<32x128xf32, #tpu.memory_space<vmem>>, vector<1x16xf32>,
    %swap3A_84 = arith.constant 1 : i32
    %swap3A_85 = arith.index_cast %swap3A_84 : i32 to index
    %swap3A_86 = arith.constant 96 : index
    %swap3A_87 = tpu.vector_load %arg13[%swap3A_85, %swap3A_86] {strides = array<i32>} : memref<32x128xf32, #tpu.memory_space<vmem>>, vector<1x16xf32>,
    %swap3A_88 = vector.shape_cast %swap3A_87 : vector<1x16xf32> to vector<16xf32>
    %swap3A_89 = vector.shape_cast %broadcast_in_dim3A_0 : vector<16xf32> to vector<1x16xf32>
    tpu.vector_store %arg13[%swap3A_85, %swap3A_86], %swap3A_89 {strides = array<i32>} : memref<32x128xf32, #tpu.memory_space<vmem>>, vector<1x16xf32>,
    %swap3A_90 = arith.constant 1 : i32
    %swap3A_91 = arith.index_cast %swap3A_90 : i32 to index
    %swap3A_92 = arith.constant 112 : index
    %swap3A_93 = tpu.vector_load %arg13[%swap3A_91, %swap3A_92] {strides = array<i32>} : memref<32x128xf32, #tpu.memory_space<vmem>>, vector<1x16xf32>,
    %swap3A_94 = vector.shape_cast %swap3A_93 : vector<1x16xf32> to vector<16xf32>
    %swap3A_95 = vector.shape_cast %broadcast_in_dim3A_0 : vector<16xf32> to vector<1x16xf32>
    tpu.vector_store %arg13[%swap3A_91, %swap3A_92], %swap3A_95 {strides = array<i32>} : memref<32x128xf32, #tpu.memory_space<vmem>>, vector<1x16xf32>,
    %swap3A_96 = arith.constant 2 : i32
    %swap3A_97 = arith.index_cast %swap3A_96 : i32 to index
    %swap3A_98 = arith.constant 0 : index
    %swap3A_99 = tpu.vector_load %arg13[%swap3A_97, %swap3A_98] {strides = array<i32>} : memref<32x128xf32, #tpu.memory_space<vmem>>, vector<1x16xf32>,
    %swap3A_100 = vector.shape_cast %swap3A_99 : vector<1x16xf32> to vector<16xf32>
    %swap3A_101 = vector.shape_cast %broadcast_in_dim3A_0 : vector<16xf32> to vector<1x16xf32>
    tpu.vector_store %arg13[%swap3A_97, %swap3A_98], %swap3A_101 {strides = array<i32>} : memref<32x128xf32, #tpu.memory_space<vmem>>, vector<1x16xf32>,
    %swap3A_102 = arith.constant 2 : i32
    %swap3A_103 = arith.index_cast %swap3A_102 : i32 to index
    %swap3A_104 = arith.constant 16 : index
    %swap3A_105 = tpu.vector_load %arg13[%swap3A_103, %swap3A_104] {strides = array<i32>} : memref<32x128xf32, #tpu.memory_space<vmem>>, vector<1x16xf32>,
    %swap3A_106 = vector.shape_cast %swap3A_105 : vector<1x16xf32> to vector<16xf32>
    %swap3A_107 = vector.shape_cast %broadcast_in_dim3A_0 : vector<16xf32> to vector<1x16xf32>
    tpu.vector_store %arg13[%swap3A_103, %swap3A_104], %swap3A_107 {strides = array<i32>} : memref<32x128xf32, #tpu.memory_space<vmem>>, vector<1x16xf32>,
    %swap3A_108 = arith.constant 2 : i32
    %swap3A_109 = arith.index_cast %swap3A_108 : i32 to index
    %swap3A_110 = arith.constant 32 : index
    %swap3A_111 = tpu.vector_load %arg13[%swap3A_109, %swap3A_110] {strides = array<i32>} : memref<32x128xf32, #tpu.memory_space<vmem>>, vector<1x16xf32>,
    %swap3A_112 = vector.shape_cast %swap3A_111 : vector<1x16xf32> to vector<16xf32>
    %swap3A_113 = vector.shape_cast %broadcast_in_dim3A_0 : vector<16xf32> to vector<1x16xf32>
    tpu.vector_store %arg13[%swap3A_109, %swap3A_110], %swap3A_113 {strides = array<i32>} : memref<32x128xf32, #tpu.memory_space<vmem>>, vector<1x16xf32>,
    %swap3A_114 = arith.constant 2 : i32
    %swap3A_115 = arith.index_cast %swap3A_114 : i32 to index
    %swap3A_116 = arith.constant 48 : index
    %swap3A_117 = tpu.vector_load %arg13[%swap3A_115, %swap3A_116] {strides = array<i32>} : memref<32x128xf32, #tpu.memory_space<vmem>>, vector<1x16xf32>,
    %swap3A_118 = vector.shape_cast %swap3A_117 : vector<1x16xf32> to vector<16xf32>
    %swap3A_119 = vector.shape_cast %broadcast_in_dim3A_0 : vector<16xf32> to vector<1x16xf32>
    tpu.vector_store %arg13[%swap3A_115, %swap3A_116], %swap3A_119 {strides = array<i32>} : memref<32x128xf32, #tpu.memory_space<vmem>>, vector<1x16xf32>,
    %swap3A_120 = arith.constant 2 : i32
    %swap3A_121 = arith.index_cast %swap3A_120 : i32 to index
    %swap3A_122 = arith.constant 64 : index
    %swap3A_123 = tpu.vector_load %arg13[%swap3A_121, %swap3A_122] {strides = array<i32>} : memref<32x128xf32, #tpu.memory_space<vmem>>, vector<1x16xf32>,
    %swap3A_124 = vector.shape_cast %swap3A_123 : vector<1x16xf32> to vector<16xf32>
    %swap3A_125 = vector.shape_cast %broadcast_in_dim3A_0 : vector<16xf32> to vector<1x16xf32>
    tpu.vector_store %arg13[%swap3A_121, %swap3A_122], %swap3A_125 {strides = array<i32>} : memref<32x128xf32, #tpu.memory_space<vmem>>, vector<1x16xf32>,
    %swap3A_126 = arith.constant 2 : i32
    %swap3A_127 = arith.index_cast %swap3A_126 : i32 to index
    %swap3A_128 = arith.constant 80 : index
    %swap3A_129 = tpu.vector_load %arg13[%swap3A_127, %swap3A_128] {strides = array<i32>} : memref<32x128xf32, #tpu.memory_space<vmem>>, vector<1x16xf32>,
    %swap3A_130 = vector.shape_cast %swap3A_129 : vector<1x16xf32> to vector<16xf32>
    %swap3A_131 = vector.shape_cast %broadcast_in_dim3A_0 : vector<16xf32> to vector<1x16xf32>
    tpu.vector_store %arg13[%swap3A_127, %swap3A_128], %swap3A_131 {strides = array<i32>} : memref<32x128xf32, #tpu.memory_space<vmem>>, vector<1x16xf32>,
    %swap3A_132 = arith.constant 2 : i32
    %swap3A_133 = arith.index_cast %swap3A_132 : i32 to index
    %swap3A_134 = arith.constant 96 : index
    %swap3A_135 = tpu.vector_load %arg13[%swap3A_133, %swap3A_134] {strides = array<i32>} : memref<32x128xf32, #tpu.memory_space<vmem>>, vector<1x16xf32>,
    %swap3A_136 = vector.shape_cast %swap3A_135 : vector<1x16xf32> to vector<16xf32>
    %swap3A_137 = vector.shape_cast %broadcast_in_dim3A_0 : vector<16xf32> to vector<1x16xf32>
    tpu.vector_store %arg13[%swap3A_133, %swap3A_134], %swap3A_137 {strides = array<i32>} : memref<32x128xf32, #tpu.memory_space<vmem>>, vector<1x16xf32>,
    %swap3A_138 = arith.constant 2 : i32
    %swap3A_139 = arith.index_cast %swap3A_138 : i32 to index
    %swap3A_140 = arith.constant 112 : index
    %swap3A_141 = tpu.vector_load %arg13[%swap3A_139, %swap3A_140] {strides = array<i32>} : memref<32x128xf32, #tpu.memory_space<vmem>>, vector<1x16xf32>,
    %swap3A_142 = vector.shape_cast %swap3A_141 : vector<1x16xf32> to vector<16xf32>
    %swap3A_143 = vector.shape_cast %broadcast_in_dim3A_0 : vector<16xf32> to vector<1x16xf32>
    tpu.vector_store %arg13[%swap3A_139, %swap3A_140], %swap3A_143 {strides = array<i32>} : memref<32x128xf32, #tpu.memory_space<vmem>>, vector<1x16xf32>,
    %swap3A_144 = arith.constant 3 : i32
    %swap3A_145 = arith.index_cast %swap3A_144 : i32 to index
    %swap3A_146 = arith.constant 0 : index
    %swap3A_147 = tpu.vector_load %arg13[%swap3A_145, %swap3A_146] {strides = array<i32>} : memref<32x128xf32, #tpu.memory_space<vmem>>, vector<1x16xf32>,
    %swap3A_148 = vector.shape_cast %swap3A_147 : vector<1x16xf32> to vector<16xf32>
    %swap3A_149 = vector.shape_cast %broadcast_in_dim3A_0 : vector<16xf32> to vector<1x16xf32>
    tpu.vector_store %arg13[%swap3A_145, %swap3A_146], %swap3A_149 {strides = array<i32>} : memref<32x128xf32, #tpu.memory_space<vmem>>, vector<1x16xf32>,
    %swap3A_150 = arith.constant 3 : i32
    %swap3A_151 = arith.index_cast %swap3A_150 : i32 to index
    %swap3A_152 = arith.constant 16 : index
    %swap3A_153 = tpu.vector_load %arg13[%swap3A_151, %swap3A_152] {strides = array<i32>} : memref<32x128xf32, #tpu.memory_space<vmem>>, vector<1x16xf32>,
    %swap3A_154 = vector.shape_cast %swap3A_153 : vector<1x16xf32> to vector<16xf32>
    %swap3A_155 = vector.shape_cast %broadcast_in_dim3A_0 : vector<16xf32> to vector<1x16xf32>
    tpu.vector_store %arg13[%swap3A_151, %swap3A_152], %swap3A_155 {strides = array<i32>} : memref<32x128xf32, #tpu.memory_space<vmem>>, vector<1x16xf32>,
    %swap3A_156 = arith.constant 3 : i32
    %swap3A_157 = arith.index_cast %swap3A_156 : i32 to index
    %swap3A_158 = arith.constant 32 : index
    %swap3A_159 = tpu.vector_load %arg13[%swap3A_157, %swap3A_158] {strides = array<i32>} : memref<32x128xf32, #tpu.memory_space<vmem>>, vector<1x16xf32>,
    %swap3A_160 = vector.shape_cast %swap3A_159 : vector<1x16xf32> to vector<16xf32>
    %swap3A_161 = vector.shape_cast %broadcast_in_dim3A_0 : vector<16xf32> to vector<1x16xf32>
    tpu.vector_store %arg13[%swap3A_157, %swap3A_158], %swap3A_161 {strides = array<i32>} : memref<32x128xf32, #tpu.memory_space<vmem>>, vector<1x16xf32>,
    %swap3A_162 = arith.constant 3 : i32
    %swap3A_163 = arith.index_cast %swap3A_162 : i32 to index
    %swap3A_164 = arith.constant 48 : index
    %swap3A_165 = tpu.vector_load %arg13[%swap3A_163, %swap3A_164] {strides = array<i32>} : memref<32x128xf32, #tpu.memory_space<vmem>>, vector<1x16xf32>,
    %swap3A_166 = vector.shape_cast %swap3A_165 : vector<1x16xf32> to vector<16xf32>
    %swap3A_167 = vector.shape_cast %broadcast_in_dim3A_0 : vector<16xf32> to vector<1x16xf32>
    tpu.vector_store %arg13[%swap3A_163, %swap3A_164], %swap3A_167 {strides = array<i32>} : memref<32x128xf32, #tpu.memory_space<vmem>>, vector<1x16xf32>,
    %swap3A_168 = arith.constant 3 : i32
    %swap3A_169 = arith.index_cast %swap3A_168 : i32 to index
    %swap3A_170 = arith.constant 64 : index
    %swap3A_171 = tpu.vector_load %arg13[%swap3A_169, %swap3A_170] {strides = array<i32>} : memref<32x128xf32, #tpu.memory_space<vmem>>, vector<1x16xf32>,
    %swap3A_172 = vector.shape_cast %swap3A_171 : vector<1x16xf32> to vector<16xf32>
    %swap3A_173 = vector.shape_cast %broadcast_in_dim3A_0 : vector<16xf32> to vector<1x16xf32>
    tpu.vector_store %arg13[%swap3A_169, %swap3A_170], %swap3A_173 {strides = array<i32>} : memref<32x128xf32, #tpu.memory_space<vmem>>, vector<1x16xf32>,
    %swap3A_174 = arith.constant 3 : i32
    %swap3A_175 = arith.index_cast %swap3A_174 : i32 to index
    %swap3A_176 = arith.constant 80 : index
    %swap3A_177 = tpu.vector_load %arg13[%swap3A_175, %swap3A_176] {strides = array<i32>} : memref<32x128xf32, #tpu.memory_space<vmem>>, vector<1x16xf32>,
    %swap3A_178 = vector.shape_cast %swap3A_177 : vector<1x16xf32> to vector<16xf32>
    %swap3A_179 = vector.shape_cast %broadcast_in_dim3A_0 : vector<16xf32> to vector<1x16xf32>
    tpu.vector_store %arg13[%swap3A_175, %swap3A_176], %swap3A_179 {strides = array<i32>} : memref<32x128xf32, #tpu.memory_space<vmem>>, vector<1x16xf32>,
    %swap3A_180 = arith.constant 3 : i32
    %swap3A_181 = arith.index_cast %swap3A_180 : i32 to index
    %swap3A_182 = arith.constant 96 : index
    %swap3A_183 = tpu.vector_load %arg13[%swap3A_181, %swap3A_182] {strides = array<i32>} : memref<32x128xf32, #tpu.memory_space<vmem>>, vector<1x16xf32>,
    %swap3A_184 = vector.shape_cast %swap3A_183 : vector<1x16xf32> to vector<16xf32>
    %swap3A_185 = vector.shape_cast %broadcast_in_dim3A_0 : vector<16xf32> to vector<1x16xf32>
    tpu.vector_store %arg13[%swap3A_181, %swap3A_182], %swap3A_185 {strides = array<i32>} : memref<32x128xf32, #tpu.memory_space<vmem>>, vector<1x16xf32>,
    %swap3A_186 = arith.constant 3 : i32
    %swap3A_187 = arith.index_cast %swap3A_186 : i32 to index
    %swap3A_188 = arith.constant 112 : index
    %swap3A_189 = tpu.vector_load %arg13[%swap3A_187, %swap3A_188] {strides = array<i32>} : memref<32x128xf32, #tpu.memory_space<vmem>>, vector<1x16xf32>,
    %swap3A_190 = vector.shape_cast %swap3A_189 : vector<1x16xf32> to vector<16xf32>
    %swap3A_191 = vector.shape_cast %broadcast_in_dim3A_0 : vector<16xf32> to vector<1x16xf32>
    tpu.vector_store %arg13[%swap3A_187, %swap3A_188], %swap3A_191 {strides = array<i32>} : memref<32x128xf32, #tpu.memory_space<vmem>>, vector<1x16xf32>,
    %swap3A_192 = arith.constant 4 : i32
    %swap3A_193 = arith.index_cast %swap3A_192 : i32 to index
    %swap3A_194 = arith.constant 0 : index
    %swap3A_195 = tpu.vector_load %arg13[%swap3A_193, %swap3A_194] {strides = array<i32>} : memref<32x128xf32, #tpu.memory_space<vmem>>, vector<1x16xf32>,
    %swap3A_196 = vector.shape_cast %swap3A_195 : vector<1x16xf32> to vector<16xf32>
    %swap3A_197 = vector.shape_cast %broadcast_in_dim3A_0 : vector<16xf32> to vector<1x16xf32>
    tpu.vector_store %arg13[%swap3A_193, %swap3A_194], %swap3A_197 {strides = array<i32>} : memref<32x128xf32, #tpu.memory_space<vmem>>, vector<1x16xf32>,
    %swap3A_198 = arith.constant 4 : i32
    %swap3A_199 = arith.index_cast %swap3A_198 : i32 to index
    %swap3A_200 = arith.constant 16 : index
    %swap3A_201 = tpu.vector_load %arg13[%swap3A_199, %swap3A_200] {strides = array<i32>} : memref<32x128xf32, #tpu.memory_space<vmem>>, vector<1x16xf32>,
    %swap3A_202 = vector.shape_cast %swap3A_201 : vector<1x16xf32> to vector<16xf32>
    %swap3A_203 = vector.shape_cast %broadcast_in_dim3A_0 : vector<16xf32> to vector<1x16xf32>
    tpu.vector_store %arg13[%swap3A_199, %swap3A_200], %swap3A_203 {strides = array<i32>} : memref<32x128xf32, #tpu.memory_space<vmem>>, vector<1x16xf32>,
    %swap3A_204 = arith.constant 4 : i32
    %swap3A_205 = arith.index_cast %swap3A_204 : i32 to index
    %swap3A_206 = arith.constant 32 : index
    %swap3A_207 = tpu.vector_load %arg13[%swap3A_205, %swap3A_206] {strides = array<i32>} : memref<32x128xf32, #tpu.memory_space<vmem>>, vector<1x16xf32>,
    %swap3A_208 = vector.shape_cast %swap3A_207 : vector<1x16xf32> to vector<16xf32>
    %swap3A_209 = vector.shape_cast %broadcast_in_dim3A_0 : vector<16xf32> to vector<1x16xf32>
    tpu.vector_store %arg13[%swap3A_205, %swap3A_206], %swap3A_209 {strides = array<i32>} : memref<32x128xf32, #tpu.memory_space<vmem>>, vector<1x16xf32>,
    %swap3A_210 = arith.constant 4 : i32
    %swap3A_211 = arith.index_cast %swap3A_210 : i32 to index
    %swap3A_212 = arith.constant 48 : index
    %swap3A_213 = tpu.vector_load %arg13[%swap3A_211, %swap3A_212] {strides = array<i32>} : memref<32x128xf32, #tpu.memory_space<vmem>>, vector<1x16xf32>,
    %swap3A_214 = vector.shape_cast %swap3A_213 : vector<1x16xf32> to vector<16xf32>
    %swap3A_215 = vector.shape_cast %broadcast_in_dim3A_0 : vector<16xf32> to vector<1x16xf32>
    tpu.vector_store %arg13[%swap3A_211, %swap3A_212], %swap3A_215 {strides = array<i32>} : memref<32x128xf32, #tpu.memory_space<vmem>>, vector<1x16xf32>,
    %swap3A_216 = arith.constant 4 : i32
    %swap3A_217 = arith.index_cast %swap3A_216 : i32 to index
    %swap3A_218 = arith.constant 64 : index
    %swap3A_219 = tpu.vector_load %arg13[%swap3A_217, %swap3A_218] {strides = array<i32>} : memref<32x128xf32, #tpu.memory_space<vmem>>, vector<1x16xf32>,
    %swap3A_220 = vector.shape_cast %swap3A_219 : vector<1x16xf32> to vector<16xf32>
    %swap3A_221 = vector.shape_cast %broadcast_in_dim3A_0 : vector<16xf32> to vector<1x16xf32>
    tpu.vector_store %arg13[%swap3A_217, %swap3A_218], %swap3A_221 {strides = array<i32>} : memref<32x128xf32, #tpu.memory_space<vmem>>, vector<1x16xf32>,
    %swap3A_222 = arith.constant 4 : i32
    %swap3A_223 = arith.index_cast %swap3A_222 : i32 to index
    %swap3A_224 = arith.constant 80 : index
    %swap3A_225 = tpu.vector_load %arg13[%swap3A_223, %swap3A_224] {strides = array<i32>} : memref<32x128xf32, #tpu.memory_space<vmem>>, vector<1x16xf32>,
    %swap3A_226 = vector.shape_cast %swap3A_225 : vector<1x16xf32> to vector<16xf32>
    %swap3A_227 = vector.shape_cast %broadcast_in_dim3A_0 : vector<16xf32> to vector<1x16xf32>
    tpu.vector_store %arg13[%swap3A_223, %swap3A_224], %swap3A_227 {strides = array<i32>} : memref<32x128xf32, #tpu.memory_space<vmem>>, vector<1x16xf32>,
    %swap3A_228 = arith.constant 4 : i32
    %swap3A_229 = arith.index_cast %swap3A_228 : i32 to index
    %swap3A_230 = arith.constant 96 : index
    %swap3A_231 = tpu.vector_load %arg13[%swap3A_229, %swap3A_230] {strides = array<i32>} : memref<32x128xf32, #tpu.memory_space<vmem>>, vector<1x16xf32>,
    %swap3A_232 = vector.shape_cast %swap3A_231 : vector<1x16xf32> to vector<16xf32>
    %swap3A_233 = vector.shape_cast %broadcast_in_dim3A_0 : vector<16xf32> to vector<1x16xf32>
    tpu.vector_store %arg13[%swap3A_229, %swap3A_230], %swap3A_233 {strides = array<i32>} : memref<32x128xf32, #tpu.memory_space<vmem>>, vector<1x16xf32>,
    %swap3A_234 = arith.constant 4 : i32
    %swap3A_235 = arith.index_cast %swap3A_234 : i32 to index
    %swap3A_236 = arith.constant 112 : index
    %swap3A_237 = tpu.vector_load %arg13[%swap3A_235, %swap3A_236] {strides = array<i32>} : memref<32x128xf32, #tpu.memory_space<vmem>>, vector<1x16xf32>,
    %swap3A_238 = vector.shape_cast %swap3A_237 : vector<1x16xf32> to vector<16xf32>
    %swap3A_239 = vector.shape_cast %broadcast_in_dim3A_0 : vector<16xf32> to vector<1x16xf32>
    tpu.vector_store %arg13[%swap3A_235, %swap3A_236], %swap3A_239 {strides = array<i32>} : memref<32x128xf32, #tpu.memory_space<vmem>>, vector<1x16xf32>,
    %swap3A_240 = arith.constant 5 : i32
    %swap3A_241 = arith.index_cast %swap3A_240 : i32 to index
    %swap3A_242 = arith.constant 0 : index
    %swap3A_243 = tpu.vector_load %arg13[%swap3A_241, %swap3A_242] {strides = array<i32>} : memref<32x128xf32, #tpu.memory_space<vmem>>, vector<1x16xf32>,
    %swap3A_244 = vector.shape_cast %swap3A_243 : vector<1x16xf32> to vector<16xf32>
    %swap3A_245 = vector.shape_cast %broadcast_in_dim3A_0 : vector<16xf32> to vector<1x16xf32>
    tpu.vector_store %arg13[%swap3A_241, %swap3A_242], %swap3A_245 {strides = array<i32>} : memref<32x128xf32, #tpu.memory_space<vmem>>, vector<1x16xf32>,
    %swap3A_246 = arith.constant 5 : i32
    %swap3A_247 = arith.index_cast %swap3A_246 : i32 to index
    %swap3A_248 = arith.constant 16 : index
    %swap3A_249 = tpu.vector_load %arg13[%swap3A_247, %swap3A_248] {strides = array<i32>} : memref<32x128xf32, #tpu.memory_space<vmem>>, vector<1x16xf32>,
    %swap3A_250 = vector.shape_cast %swap3A_249 : vector<1x16xf32> to vector<16xf32>
    %swap3A_251 = vector.shape_cast %broadcast_in_dim3A_0 : vector<16xf32> to vector<1x16xf32>
    tpu.vector_store %arg13[%swap3A_247, %swap3A_248], %swap3A_251 {strides = array<i32>} : memref<32x128xf32, #tpu.memory_space<vmem>>, vector<1x16xf32>,
    %swap3A_252 = arith.constant 5 : i32
    %swap3A_253 = arith.index_cast %swap3A_252 : i32 to index
    %swap3A_254 = arith.constant 32 : index
    %swap3A_255 = tpu.vector_load %arg13[%swap3A_253, %swap3A_254] {strides = array<i32>} : memref<32x128xf32, #tpu.memory_space<vmem>>, vector<1x16xf32>,
    %swap3A_256 = vector.shape_cast %swap3A_255 : vector<1x16xf32> to vector<16xf32>
    %swap3A_257 = vector.shape_cast %broadcast_in_dim3A_0 : vector<16xf32> to vector<1x16xf32>
    tpu.vector_store %arg13[%swap3A_253, %swap3A_254], %swap3A_257 {strides = array<i32>} : memref<32x128xf32, #tpu.memory_space<vmem>>, vector<1x16xf32>,
    %swap3A_258 = arith.constant 5 : i32
    %swap3A_259 = arith.index_cast %swap3A_258 : i32 to index
    %swap3A_260 = arith.constant 48 : index
    %swap3A_261 = tpu.vector_load %arg13[%swap3A_259, %swap3A_260] {strides = array<i32>} : memref<32x128xf32, #tpu.memory_space<vmem>>, vector<1x16xf32>,
    %swap3A_262 = vector.shape_cast %swap3A_261 : vector<1x16xf32> to vector<16xf32>
    %swap3A_263 = vector.shape_cast %broadcast_in_dim3A_0 : vector<16xf32> to vector<1x16xf32>
    tpu.vector_store %arg13[%swap3A_259, %swap3A_260], %swap3A_263 {strides = array<i32>} : memref<32x128xf32, #tpu.memory_space<vmem>>, vector<1x16xf32>,
    %swap3A_264 = arith.constant 5 : i32
    %swap3A_265 = arith.index_cast %swap3A_264 : i32 to index
    %swap3A_266 = arith.constant 64 : index
    %swap3A_267 = tpu.vector_load %arg13[%swap3A_265, %swap3A_266] {strides = array<i32>} : memref<32x128xf32, #tpu.memory_space<vmem>>, vector<1x16xf32>,
    %swap3A_268 = vector.shape_cast %swap3A_267 : vector<1x16xf32> to vector<16xf32>
    %swap3A_269 = vector.shape_cast %broadcast_in_dim3A_0 : vector<16xf32> to vector<1x16xf32>
    tpu.vector_store %arg13[%swap3A_265, %swap3A_266], %swap3A_269 {strides = array<i32>} : memref<32x128xf32, #tpu.memory_space<vmem>>, vector<1x16xf32>,
    %swap3A_270 = arith.constant 5 : i32
    %swap3A_271 = arith.index_cast %swap3A_270 : i32 to index
    %swap3A_272 = arith.constant 80 : index
    %swap3A_273 = tpu.vector_load %arg13[%swap3A_271, %swap3A_272] {strides = array<i32>} : memref<32x128xf32, #tpu.memory_space<vmem>>, vector<1x16xf32>,
    %swap3A_274 = vector.shape_cast %swap3A_273 : vector<1x16xf32> to vector<16xf32>
    %swap3A_275 = vector.shape_cast %broadcast_in_dim3A_0 : vector<16xf32> to vector<1x16xf32>
    tpu.vector_store %arg13[%swap3A_271, %swap3A_272], %swap3A_275 {strides = array<i32>} : memref<32x128xf32, #tpu.memory_space<vmem>>, vector<1x16xf32>,
    %swap3A_276 = arith.constant 5 : i32
    %swap3A_277 = arith.index_cast %swap3A_276 : i32 to index
    %swap3A_278 = arith.constant 96 : index
    %swap3A_279 = tpu.vector_load %arg13[%swap3A_277, %swap3A_278] {strides = array<i32>} : memref<32x128xf32, #tpu.memory_space<vmem>>, vector<1x16xf32>,
    %swap3A_280 = vector.shape_cast %swap3A_279 : vector<1x16xf32> to vector<16xf32>
    %swap3A_281 = vector.shape_cast %broadcast_in_dim3A_0 : vector<16xf32> to vector<1x16xf32>
    tpu.vector_store %arg13[%swap3A_277, %swap3A_278], %swap3A_281 {strides = array<i32>} : memref<32x128xf32, #tpu.memory_space<vmem>>, vector<1x16xf32>,
    %swap3A_282 = arith.constant 5 : i32
    %swap3A_283 = arith.index_cast %swap3A_282 : i32 to index
    %swap3A_284 = arith.constant 112 : index
    %swap3A_285 = tpu.vector_load %arg13[%swap3A_283, %swap3A_284] {strides = array<i32>} : memref<32x128xf32, #tpu.memory_space<vmem>>, vector<1x16xf32>,
    %swap3A_286 = vector.shape_cast %swap3A_285 : vector<1x16xf32> to vector<16xf32>
    %swap3A_287 = vector.shape_cast %broadcast_in_dim3A_0 : vector<16xf32> to vector<1x16xf32>
    tpu.vector_store %arg13[%swap3A_283, %swap3A_284], %swap3A_287 {strides = array<i32>} : memref<32x128xf32, #tpu.memory_space<vmem>>, vector<1x16xf32>,
    %swap3A_288 = arith.constant 6 : i32
    %swap3A_289 = arith.index_cast %swap3A_288 : i32 to index
    %swap3A_290 = arith.constant 0 : index
    %swap3A_291 = tpu.vector_load %arg13[%swap3A_289, %swap3A_290] {strides = array<i32>} : memref<32x128xf32, #tpu.memory_space<vmem>>, vector<1x16xf32>,
    %swap3A_292 = vector.shape_cast %swap3A_291 : vector<1x16xf32> to vector<16xf32>
    %swap3A_293 = vector.shape_cast %broadcast_in_dim3A_0 : vector<16xf32> to vector<1x16xf32>
    tpu.vector_store %arg13[%swap3A_289, %swap3A_290], %swap3A_293 {strides = array<i32>} : memref<32x128xf32, #tpu.memory_space<vmem>>, vector<1x16xf32>,
    %swap3A_294 = arith.constant 6 : i32
    %swap3A_295 = arith.index_cast %swap3A_294 : i32 to index
    %swap3A_296 = arith.constant 16 : index
    %swap3A_297 = tpu.vector_load %arg13[%swap3A_295, %swap3A_296] {strides = array<i32>} : memref<32x128xf32, #tpu.memory_space<vmem>>, vector<1x16xf32>,
    %swap3A_298 = vector.shape_cast %swap3A_297 : vector<1x16xf32> to vector<16xf32>
    %swap3A_299 = vector.shape_cast %broadcast_in_dim3A_0 : vector<16xf32> to vector<1x16xf32>
    tpu.vector_store %arg13[%swap3A_295, %swap3A_296], %swap3A_299 {strides = array<i32>} : memref<32x128xf32, #tpu.memory_space<vmem>>, vector<1x16xf32>,
    %swap3A_300 = arith.constant 6 : i32
    %swap3A_301 = arith.index_cast %swap3A_300 : i32 to index
    %swap3A_302 = arith.constant 32 : index
    %swap3A_303 = tpu.vector_load %arg13[%swap3A_301, %swap3A_302] {strides = array<i32>} : memref<32x128xf32, #tpu.memory_space<vmem>>, vector<1x16xf32>,
    %swap3A_304 = vector.shape_cast %swap3A_303 : vector<1x16xf32> to vector<16xf32>
    %swap3A_305 = vector.shape_cast %broadcast_in_dim3A_0 : vector<16xf32> to vector<1x16xf32>
    tpu.vector_store %arg13[%swap3A_301, %swap3A_302], %swap3A_305 {strides = array<i32>} : memref<32x128xf32, #tpu.memory_space<vmem>>, vector<1x16xf32>,
    %swap3A_306 = arith.constant 6 : i32
    %swap3A_307 = arith.index_cast %swap3A_306 : i32 to index
    %swap3A_308 = arith.constant 48 : index
    %swap3A_309 = tpu.vector_load %arg13[%swap3A_307, %swap3A_308] {strides = array<i32>} : memref<32x128xf32, #tpu.memory_space<vmem>>, vector<1x16xf32>,
    %swap3A_310 = vector.shape_cast %swap3A_309 : vector<1x16xf32> to vector<16xf32>
    %swap3A_311 = vector.shape_cast %broadcast_in_dim3A_0 : vector<16xf32> to vector<1x16xf32>
    tpu.vector_store %arg13[%swap3A_307, %swap3A_308], %swap3A_311 {strides = array<i32>} : memref<32x128xf32, #tpu.memory_space<vmem>>, vector<1x16xf32>,
    %swap3A_312 = arith.constant 6 : i32
    %swap3A_313 = arith.index_cast %swap3A_312 : i32 to index
    %swap3A_314 = arith.constant 64 : index
    %swap3A_315 = tpu.vector_load %arg13[%swap3A_313, %swap3A_314] {strides = array<i32>} : memref<32x128xf32, #tpu.memory_space<vmem>>, vector<1x16xf32>,
    %swap3A_316 = vector.shape_cast %swap3A_315 : vector<1x16xf32> to vector<16xf32>
    %swap3A_317 = vector.shape_cast %broadcast_in_dim3A_0 : vector<16xf32> to vector<1x16xf32>
    tpu.vector_store %arg13[%swap3A_313, %swap3A_314], %swap3A_317 {strides = array<i32>} : memref<32x128xf32, #tpu.memory_space<vmem>>, vector<1x16xf32>,
    %swap3A_318 = arith.constant 6 : i32
    %swap3A_319 = arith.index_cast %swap3A_318 : i32 to index
    %swap3A_320 = arith.constant 80 : index
    %swap3A_321 = tpu.vector_load %arg13[%swap3A_319, %swap3A_320] {strides = array<i32>} : memref<32x128xf32, #tpu.memory_space<vmem>>, vector<1x16xf32>,
    %swap3A_322 = vector.shape_cast %swap3A_321 : vector<1x16xf32> to vector<16xf32>
    %swap3A_323 = vector.shape_cast %broadcast_in_dim3A_0 : vector<16xf32> to vector<1x16xf32>
    tpu.vector_store %arg13[%swap3A_319, %swap3A_320], %swap3A_323 {strides = array<i32>} : memref<32x128xf32, #tpu.memory_space<vmem>>, vector<1x16xf32>,
    %swap3A_324 = arith.constant 6 : i32
    %swap3A_325 = arith.index_cast %swap3A_324 : i32 to index
    %swap3A_326 = arith.constant 96 : index
    %swap3A_327 = tpu.vector_load %arg13[%swap3A_325, %swap3A_326] {strides = array<i32>} : memref<32x128xf32, #tpu.memory_space<vmem>>, vector<1x16xf32>,
    %swap3A_328 = vector.shape_cast %swap3A_327 : vector<1x16xf32> to vector<16xf32>
    %swap3A_329 = vector.shape_cast %broadcast_in_dim3A_0 : vector<16xf32> to vector<1x16xf32>
    tpu.vector_store %arg13[%swap3A_325, %swap3A_326], %swap3A_329 {strides = array<i32>} : memref<32x128xf32, #tpu.memory_space<vmem>>, vector<1x16xf32>,
    %swap3A_330 = arith.constant 6 : i32
    %swap3A_331 = arith.index_cast %swap3A_330 : i32 to index
    %swap3A_332 = arith.constant 112 : index
    %swap3A_333 = tpu.vector_load %arg13[%swap3A_331, %swap3A_332] {strides = array<i32>} : memref<32x128xf32, #tpu.memory_space<vmem>>, vector<1x16xf32>,
    %swap3A_334 = vector.shape_cast %swap3A_333 : vector<1x16xf32> to vector<16xf32>
    %swap3A_335 = vector.shape_cast %broadcast_in_dim3A_0 : vector<16xf32> to vector<1x16xf32>
    tpu.vector_store %arg13[%swap3A_331, %swap3A_332], %swap3A_335 {strides = array<i32>} : memref<32x128xf32, #tpu.memory_space<vmem>>, vector<1x16xf32>,
    %swap3A_336 = arith.constant 7 : i32
    %swap3A_337 = arith.index_cast %swap3A_336 : i32 to index
    %swap3A_338 = arith.constant 0 : index
    %swap3A_339 = tpu.vector_load %arg13[%swap3A_337, %swap3A_338] {strides = array<i32>} : memref<32x128xf32, #tpu.memory_space<vmem>>, vector<1x16xf32>,
    %swap3A_340 = vector.shape_cast %swap3A_339 : vector<1x16xf32> to vector<16xf32>
    %swap3A_341 = vector.shape_cast %broadcast_in_dim3A_0 : vector<16xf32> to vector<1x16xf32>
    tpu.vector_store %arg13[%swap3A_337, %swap3A_338], %swap3A_341 {strides = array<i32>} : memref<32x128xf32, #tpu.memory_space<vmem>>, vector<1x16xf32>,
    %swap3A_342 = arith.constant 7 : i32
    %swap3A_343 = arith.index_cast %swap3A_342 : i32 to index
    %swap3A_344 = arith.constant 16 : index
    %swap3A_345 = tpu.vector_load %arg13[%swap3A_343, %swap3A_344] {strides = array<i32>} : memref<32x128xf32, #tpu.memory_space<vmem>>, vector<1x16xf32>,
    %swap3A_346 = vector.shape_cast %swap3A_345 : vector<1x16xf32> to vector<16xf32>
    %swap3A_347 = vector.shape_cast %broadcast_in_dim3A_0 : vector<16xf32> to vector<1x16xf32>
    tpu.vector_store %arg13[%swap3A_343, %swap3A_344], %swap3A_347 {strides = array<i32>} : memref<32x128xf32, #tpu.memory_space<vmem>>, vector<1x16xf32>,
    %swap3A_348 = arith.constant 7 : i32
    %swap3A_349 = arith.index_cast %swap3A_348 : i32 to index
    %swap3A_350 = arith.constant 32 : index
    %swap3A_351 = tpu.vector_load %arg13[%swap3A_349, %swap3A_350] {strides = array<i32>} : memref<32x128xf32, #tpu.memory_space<vmem>>, vector<1x16xf32>,
    %swap3A_352 = vector.shape_cast %swap3A_351 : vector<1x16xf32> to vector<16xf32>
    %swap3A_353 = vector.shape_cast %broadcast_in_dim3A_0 : vector<16xf32> to vector<1x16xf32>
    tpu.vector_store %arg13[%swap3A_349, %swap3A_350], %swap3A_353 {strides = array<i32>} : memref<32x128xf32, #tpu.memory_space<vmem>>, vector<1x16xf32>,
    %swap3A_354 = arith.constant 7 : i32
    %swap3A_355 = arith.index_cast %swap3A_354 : i32 to index
    %swap3A_356 = arith.constant 48 : index
    %swap3A_357 = tpu.vector_load %arg13[%swap3A_355, %swap3A_356] {strides = array<i32>} : memref<32x128xf32, #tpu.memory_space<vmem>>, vector<1x16xf32>,
    %swap3A_358 = vector.shape_cast %swap3A_357 : vector<1x16xf32> to vector<16xf32>
    %swap3A_359 = vector.shape_cast %broadcast_in_dim3A_0 : vector<16xf32> to vector<1x16xf32>
    tpu.vector_store %arg13[%swap3A_355, %swap3A_356], %swap3A_359 {strides = array<i32>} : memref<32x128xf32, #tpu.memory_space<vmem>>, vector<1x16xf32>,
    %swap3A_360 = arith.constant 7 : i32
    %swap3A_361 = arith.index_cast %swap3A_360 : i32 to index
    %swap3A_362 = arith.constant 64 : index
    %swap3A_363 = tpu.vector_load %arg13[%swap3A_361, %swap3A_362] {strides = array<i32>} : memref<32x128xf32, #tpu.memory_space<vmem>>, vector<1x16xf32>,
    %swap3A_364 = vector.shape_cast %swap3A_363 : vector<1x16xf32> to vector<16xf32>
    %swap3A_365 = vector.shape_cast %broadcast_in_dim3A_0 : vector<16xf32> to vector<1x16xf32>
    tpu.vector_store %arg13[%swap3A_361, %swap3A_362], %swap3A_365 {strides = array<i32>} : memref<32x128xf32, #tpu.memory_space<vmem>>, vector<1x16xf32>,
    %swap3A_366 = arith.constant 7 : i32
    %swap3A_367 = arith.index_cast %swap3A_366 : i32 to index
    %swap3A_368 = arith.constant 80 : index
    %swap3A_369 = tpu.vector_load %arg13[%swap3A_367, %swap3A_368] {strides = array<i32>} : memref<32x128xf32, #tpu.memory_space<vmem>>, vector<1x16xf32>,
    %swap3A_370 = vector.shape_cast %swap3A_369 : vector<1x16xf32> to vector<16xf32>
    %swap3A_371 = vector.shape_cast %broadcast_in_dim3A_0 : vector<16xf32> to vector<1x16xf32>
    tpu.vector_store %arg13[%swap3A_367, %swap3A_368], %swap3A_371 {strides = array<i32>} : memref<32x128xf32, #tpu.memory_space<vmem>>, vector<1x16xf32>,
    %swap3A_372 = arith.constant 7 : i32
    %swap3A_373 = arith.index_cast %swap3A_372 : i32 to index
    %swap3A_374 = arith.constant 96 : index
    %swap3A_375 = tpu.vector_load %arg13[%swap3A_373, %swap3A_374] {strides = array<i32>} : memref<32x128xf32, #tpu.memory_space<vmem>>, vector<1x16xf32>,
    %swap3A_376 = vector.shape_cast %swap3A_375 : vector<1x16xf32> to vector<16xf32>
    %swap3A_377 = vector.shape_cast %broadcast_in_dim3A_0 : vector<16xf32> to vector<1x16xf32>
    tpu.vector_store %arg13[%swap3A_373, %swap3A_374], %swap3A_377 {strides = array<i32>} : memref<32x128xf32, #tpu.memory_space<vmem>>, vector<1x16xf32>,
    %swap3A_378 = arith.constant 7 : i32
    %swap3A_379 = arith.index_cast %swap3A_378 : i32 to index
    %swap3A_380 = arith.constant 112 : index
    %swap3A_381 = tpu.vector_load %arg13[%swap3A_379, %swap3A_380] {strides = array<i32>} : memref<32x128xf32, #tpu.memory_space<vmem>>, vector<1x16xf32>,
    %swap3A_382 = vector.shape_cast %swap3A_381 : vector<1x16xf32> to vector<16xf32>
    %swap3A_383 = vector.shape_cast %broadcast_in_dim3A_0 : vector<16xf32> to vector<1x16xf32>
    tpu.vector_store %arg13[%swap3A_379, %swap3A_380], %swap3A_383 {strides = array<i32>} : memref<32x128xf32, #tpu.memory_space<vmem>>, vector<1x16xf32>,
    %swap3A_384 = arith.constant 8 : i32
    %swap3A_385 = arith.index_cast %swap3A_384 : i32 to index
    %swap3A_386 = arith.constant 0 : index
    %swap3A_387 = tpu.vector_load %arg13[%swap3A_385, %swap3A_386] {strides = array<i32>} : memref<32x128xf32, #tpu.memory_space<vmem>>, vector<1x16xf32>,
    %swap3A_388 = vector.shape_cast %swap3A_387 : vector<1x16xf32> to vector<16xf32>
    %swap3A_389 = vector.shape_cast %broadcast_in_dim3A_0 : vector<16xf32> to vector<1x16xf32>
    tpu.vector_store %arg13[%swap3A_385, %swap3A_386], %swap3A_389 {strides = array<i32>} : memref<32x128xf32, #tpu.memory_space<vmem>>, vector<1x16xf32>,
    %swap3A_390 = arith.constant 8 : i32
    %swap3A_391 = arith.index_cast %swap3A_390 : i32 to index
    %swap3A_392 = arith.constant 16 : index
    %swap3A_393 = tpu.vector_load %arg13[%swap3A_391, %swap3A_392] {strides = array<i32>} : memref<32x128xf32, #tpu.memory_space<vmem>>, vector<1x16xf32>,
    %swap3A_394 = vector.shape_cast %swap3A_393 : vector<1x16xf32> to vector<16xf32>
    %swap3A_395 = vector.shape_cast %broadcast_in_dim3A_0 : vector<16xf32> to vector<1x16xf32>
    tpu.vector_store %arg13[%swap3A_391, %swap3A_392], %swap3A_395 {strides = array<i32>} : memref<32x128xf32, #tpu.memory_space<vmem>>, vector<1x16xf32>,
    %swap3A_396 = arith.constant 8 : i32
    %swap3A_397 = arith.index_cast %swap3A_396 : i32 to index
    %swap3A_398 = arith.constant 32 : index
    %swap3A_399 = tpu.vector_load %arg13[%swap3A_397, %swap3A_398] {strides = array<i32>} : memref<32x128xf32, #tpu.memory_space<vmem>>, vector<1x16xf32>,
    %swap3A_400 = vector.shape_cast %swap3A_399 : vector<1x16xf32> to vector<16xf32>
    %swap3A_401 = vector.shape_cast %broadcast_in_dim3A_0 : vector<16xf32> to vector<1x16xf32>
    tpu.vector_store %arg13[%swap3A_397, %swap3A_398], %swap3A_401 {strides = array<i32>} : memref<32x128xf32, #tpu.memory_space<vmem>>, vector<1x16xf32>,
    %swap3A_402 = arith.constant 8 : i32
    %swap3A_403 = arith.index_cast %swap3A_402 : i32 to index
    %swap3A_404 = arith.constant 48 : index
    %swap3A_405 = tpu.vector_load %arg13[%swap3A_403, %swap3A_404] {strides = array<i32>} : memref<32x128xf32, #tpu.memory_space<vmem>>, vector<1x16xf32>,
    %swap3A_406 = vector.shape_cast %swap3A_405 : vector<1x16xf32> to vector<16xf32>
    %swap3A_407 = vector.shape_cast %broadcast_in_dim3A_0 : vector<16xf32> to vector<1x16xf32>
    tpu.vector_store %arg13[%swap3A_403, %swap3A_404], %swap3A_407 {strides = array<i32>} : memref<32x128xf32, #tpu.memory_space<vmem>>, vector<1x16xf32>,
    %swap3A_408 = arith.constant 8 : i32
    %swap3A_409 = arith.index_cast %swap3A_408 : i32 to index
    %swap3A_410 = arith.constant 64 : index
    %swap3A_411 = tpu.vector_load %arg13[%swap3A_409, %swap3A_410] {strides = array<i32>} : memref<32x128xf32, #tpu.memory_space<vmem>>, vector<1x16xf32>,
    %swap3A_412 = vector.shape_cast %swap3A_411 : vector<1x16xf32> to vector<16xf32>
    %swap3A_413 = vector.shape_cast %broadcast_in_dim3A_0 : vector<16xf32> to vector<1x16xf32>
    tpu.vector_store %arg13[%swap3A_409, %swap3A_410], %swap3A_413 {strides = array<i32>} : memref<32x128xf32, #tpu.memory_space<vmem>>, vector<1x16xf32>,
    %swap3A_414 = arith.constant 8 : i32
    %swap3A_415 = arith.index_cast %swap3A_414 : i32 to index
    %swap3A_416 = arith.constant 80 : index
    %swap3A_417 = tpu.vector_load %arg13[%swap3A_415, %swap3A_416] {strides = array<i32>} : memref<32x128xf32, #tpu.memory_space<vmem>>, vector<1x16xf32>,
    %swap3A_418 = vector.shape_cast %swap3A_417 : vector<1x16xf32> to vector<16xf32>
    %swap3A_419 = vector.shape_cast %broadcast_in_dim3A_0 : vector<16xf32> to vector<1x16xf32>
    tpu.vector_store %arg13[%swap3A_415, %swap3A_416], %swap3A_419 {strides = array<i32>} : memref<32x128xf32, #tpu.memory_space<vmem>>, vector<1x16xf32>,
    %swap3A_420 = arith.constant 8 : i32
    %swap3A_421 = arith.index_cast %swap3A_420 : i32 to index
    %swap3A_422 = arith.constant 96 : index
    %swap3A_423 = tpu.vector_load %arg13[%swap3A_421, %swap3A_422] {strides = array<i32>} : memref<32x128xf32, #tpu.memory_space<vmem>>, vector<1x16xf32>,
    %swap3A_424 = vector.shape_cast %swap3A_423 : vector<1x16xf32> to vector<16xf32>
    %swap3A_425 = vector.shape_cast %broadcast_in_dim3A_0 : vector<16xf32> to vector<1x16xf32>
    tpu.vector_store %arg13[%swap3A_421, %swap3A_422], %swap3A_425 {strides = array<i32>} : memref<32x128xf32, #tpu.memory_space<vmem>>, vector<1x16xf32>,
    %swap3A_426 = arith.constant 8 : i32
    %swap3A_427 = arith.index_cast %swap3A_426 : i32 to index
    %swap3A_428 = arith.constant 112 : index
    %swap3A_429 = tpu.vector_load %arg13[%swap3A_427, %swap3A_428] {strides = array<i32>} : memref<32x128xf32, #tpu.memory_space<vmem>>, vector<1x16xf32>,
    %swap3A_430 = vector.shape_cast %swap3A_429 : vector<1x16xf32> to vector<16xf32>
    %swap3A_431 = vector.shape_cast %broadcast_in_dim3A_0 : vector<16xf32> to vector<1x16xf32>
    tpu.vector_store %arg13[%swap3A_427, %swap3A_428], %swap3A_431 {strides = array<i32>} : memref<32x128xf32, #tpu.memory_space<vmem>>, vector<1x16xf32>,
    %swap3A_432 = arith.constant 9 : i32
    %swap3A_433 = arith.index_cast %swap3A_432 : i32 to index
    %swap3A_434 = arith.constant 0 : index
    %swap3A_435 = tpu.vector_load %arg13[%swap3A_433, %swap3A_434] {strides = array<i32>} : memref<32x128xf32, #tpu.memory_space<vmem>>, vector<1x16xf32>,
    %swap3A_436 = vector.shape_cast %swap3A_435 : vector<1x16xf32> to vector<16xf32>
    %swap3A_437 = vector.shape_cast %broadcast_in_dim3A_0 : vector<16xf32> to vector<1x16xf32>
    tpu.vector_store %arg13[%swap3A_433, %swap3A_434], %swap3A_437 {strides = array<i32>} : memref<32x128xf32, #tpu.memory_space<vmem>>, vector<1x16xf32>,
    %swap3A_438 = arith.constant 9 : i32
    %swap3A_439 = arith.index_cast %swap3A_438 : i32 to index
    %swap3A_440 = arith.constant 16 : index
    %swap3A_441 = tpu.vector_load %arg13[%swap3A_439, %swap3A_440] {strides = array<i32>} : memref<32x128xf32, #tpu.memory_space<vmem>>, vector<1x16xf32>,
    %swap3A_442 = vector.shape_cast %swap3A_441 : vector<1x16xf32> to vector<16xf32>
    %swap3A_443 = vector.shape_cast %broadcast_in_dim3A_0 : vector<16xf32> to vector<1x16xf32>
    tpu.vector_store %arg13[%swap3A_439, %swap3A_440], %swap3A_443 {strides = array<i32>} : memref<32x128xf32, #tpu.memory_space<vmem>>, vector<1x16xf32>,
    %swap3A_444 = arith.constant 9 : i32
    %swap3A_445 = arith.index_cast %swap3A_444 : i32 to index
    %swap3A_446 = arith.constant 32 : index
    %swap3A_447 = tpu.vector_load %arg13[%swap3A_445, %swap3A_446] {strides = array<i32>} : memref<32x128xf32, #tpu.memory_space<vmem>>, vector<1x16xf32>,
    %swap3A_448 = vector.shape_cast %swap3A_447 : vector<1x16xf32> to vector<16xf32>
    %swap3A_449 = vector.shape_cast %broadcast_in_dim3A_0 : vector<16xf32> to vector<1x16xf32>
    tpu.vector_store %arg13[%swap3A_445, %swap3A_446], %swap3A_449 {strides = array<i32>} : memref<32x128xf32, #tpu.memory_space<vmem>>, vector<1x16xf32>,
    %swap3A_450 = arith.constant 9 : i32
    %swap3A_451 = arith.index_cast %swap3A_450 : i32 to index
    %swap3A_452 = arith.constant 48 : index
    %swap3A_453 = tpu.vector_load %arg13[%swap3A_451, %swap3A_452] {strides = array<i32>} : memref<32x128xf32, #tpu.memory_space<vmem>>, vector<1x16xf32>,
    %swap3A_454 = vector.shape_cast %swap3A_453 : vector<1x16xf32> to vector<16xf32>
    %swap3A_455 = vector.shape_cast %broadcast_in_dim3A_0 : vector<16xf32> to vector<1x16xf32>
    tpu.vector_store %arg13[%swap3A_451, %swap3A_452], %swap3A_455 {strides = array<i32>} : memref<32x128xf32, #tpu.memory_space<vmem>>, vector<1x16xf32>,
    %swap3A_456 = arith.constant 9 : i32
    %swap3A_457 = arith.index_cast %swap3A_456 : i32 to index
    %swap3A_458 = arith.constant 64 : index
    %swap3A_459 = tpu.vector_load %arg13[%swap3A_457, %swap3A_458] {strides = array<i32>} : memref<32x128xf32, #tpu.memory_space<vmem>>, vector<1x16xf32>,
    %swap3A_460 = vector.shape_cast %swap3A_459 : vector<1x16xf32> to vector<16xf32>
    %swap3A_461 = vector.shape_cast %broadcast_in_dim3A_0 : vector<16xf32> to vector<1x16xf32>
    tpu.vector_store %arg13[%swap3A_457, %swap3A_458], %swap3A_461 {strides = array<i32>} : memref<32x128xf32, #tpu.memory_space<vmem>>, vector<1x16xf32>,
    %swap3A_462 = arith.constant 9 : i32
    %swap3A_463 = arith.index_cast %swap3A_462 : i32 to index
    %swap3A_464 = arith.constant 80 : index
    %swap3A_465 = tpu.vector_load %arg13[%swap3A_463, %swap3A_464] {strides = array<i32>} : memref<32x128xf32, #tpu.memory_space<vmem>>, vector<1x16xf32>,
    %swap3A_466 = vector.shape_cast %swap3A_465 : vector<1x16xf32> to vector<16xf32>
    %swap3A_467 = vector.shape_cast %broadcast_in_dim3A_0 : vector<16xf32> to vector<1x16xf32>
    tpu.vector_store %arg13[%swap3A_463, %swap3A_464], %swap3A_467 {strides = array<i32>} : memref<32x128xf32, #tpu.memory_space<vmem>>, vector<1x16xf32>,
    %swap3A_468 = arith.constant 9 : i32
    %swap3A_469 = arith.index_cast %swap3A_468 : i32 to index
    %swap3A_470 = arith.constant 96 : index
    %swap3A_471 = tpu.vector_load %arg13[%swap3A_469, %swap3A_470] {strides = array<i32>} : memref<32x128xf32, #tpu.memory_space<vmem>>, vector<1x16xf32>,
    %swap3A_472 = vector.shape_cast %swap3A_471 : vector<1x16xf32> to vector<16xf32>
    %swap3A_473 = vector.shape_cast %broadcast_in_dim3A_0 : vector<16xf32> to vector<1x16xf32>
    tpu.vector_store %arg13[%swap3A_469, %swap3A_470], %swap3A_473 {strides = array<i32>} : memref<32x128xf32, #tpu.memory_space<vmem>>, vector<1x16xf32>,
    %swap3A_474 = arith.constant 9 : i32
    %swap3A_475 = arith.index_cast %swap3A_474 : i32 to index
    %swap3A_476 = arith.constant 112 : index
    %swap3A_477 = tpu.vector_load %arg13[%swap3A_475, %swap3A_476] {strides = array<i32>} : memref<32x128xf32, #tpu.memory_space<vmem>>, vector<1x16xf32>,
    %swap3A_478 = vector.shape_cast %swap3A_477 : vector<1x16xf32> to vector<16xf32>
    %swap3A_479 = vector.shape_cast %broadcast_in_dim3A_0 : vector<16xf32> to vector<1x16xf32>
    tpu.vector_store %arg13[%swap3A_475, %swap3A_476], %swap3A_479 {strides = array<i32>} : memref<32x128xf32, #tpu.memory_space<vmem>>, vector<1x16xf32>,
    %swap3A_480 = arith.constant 10 : i32
    %swap3A_481 = arith.index_cast %swap3A_480 : i32 to index
    %swap3A_482 = arith.constant 0 : index
    %swap3A_483 = tpu.vector_load %arg13[%swap3A_481, %swap3A_482] {strides = array<i32>} : memref<32x128xf32, #tpu.memory_space<vmem>>, vector<1x16xf32>,
    %swap3A_484 = vector.shape_cast %swap3A_483 : vector<1x16xf32> to vector<16xf32>
    %swap3A_485 = vector.shape_cast %broadcast_in_dim3A_0 : vector<16xf32> to vector<1x16xf32>
    tpu.vector_store %arg13[%swap3A_481, %swap3A_482], %swap3A_485 {strides = array<i32>} : memref<32x128xf32, #tpu.memory_space<vmem>>, vector<1x16xf32>,
    %swap3A_486 = arith.constant 10 : i32
    %swap3A_487 = arith.index_cast %swap3A_486 : i32 to index
    %swap3A_488 = arith.constant 16 : index
    %swap3A_489 = tpu.vector_load %arg13[%swap3A_487, %swap3A_488] {strides = array<i32>} : memref<32x128xf32, #tpu.memory_space<vmem>>, vector<1x16xf32>,
    %swap3A_490 = vector.shape_cast %swap3A_489 : vector<1x16xf32> to vector<16xf32>
    %swap3A_491 = vector.shape_cast %broadcast_in_dim3A_0 : vector<16xf32> to vector<1x16xf32>
    tpu.vector_store %arg13[%swap3A_487, %swap3A_488], %swap3A_491 {strides = array<i32>} : memref<32x128xf32, #tpu.memory_space<vmem>>, vector<1x16xf32>,
    %swap3A_492 = arith.constant 10 : i32
    %swap3A_493 = arith.index_cast %swap3A_492 : i32 to index
    %swap3A_494 = arith.constant 32 : index
    %swap3A_495 = tpu.vector_load %arg13[%swap3A_493, %swap3A_494] {strides = array<i32>} : memref<32x128xf32, #tpu.memory_space<vmem>>, vector<1x16xf32>,
    %swap3A_496 = vector.shape_cast %swap3A_495 : vector<1x16xf32> to vector<16xf32>
    %swap3A_497 = vector.shape_cast %broadcast_in_dim3A_0 : vector<16xf32> to vector<1x16xf32>
    tpu.vector_store %arg13[%swap3A_493, %swap3A_494], %swap3A_497 {strides = array<i32>} : memref<32x128xf32, #tpu.memory_space<vmem>>, vector<1x16xf32>,
    %swap3A_498 = arith.constant 10 : i32
    %swap3A_499 = arith.index_cast %swap3A_498 : i32 to index
    %swap3A_500 = arith.constant 48 : index
    %swap3A_501 = tpu.vector_load %arg13[%swap3A_499, %swap3A_500] {strides = array<i32>} : memref<32x128xf32, #tpu.memory_space<vmem>>, vector<1x16xf32>,
    %swap3A_502 = vector.shape_cast %swap3A_501 : vector<1x16xf32> to vector<16xf32>
    %swap3A_503 = vector.shape_cast %broadcast_in_dim3A_0 : vector<16xf32> to vector<1x16xf32>
    tpu.vector_store %arg13[%swap3A_499, %swap3A_500], %swap3A_503 {strides = array<i32>} : memref<32x128xf32, #tpu.memory_space<vmem>>, vector<1x16xf32>,
    %swap3A_504 = arith.constant 10 : i32
    %swap3A_505 = arith.index_cast %swap3A_504 : i32 to index
    %swap3A_506 = arith.constant 64 : index
    %swap3A_507 = tpu.vector_load %arg13[%swap3A_505, %swap3A_506] {strides = array<i32>} : memref<32x128xf32, #tpu.memory_space<vmem>>, vector<1x16xf32>,
    %swap3A_508 = vector.shape_cast %swap3A_507 : vector<1x16xf32> to vector<16xf32>
    %swap3A_509 = vector.shape_cast %broadcast_in_dim3A_0 : vector<16xf32> to vector<1x16xf32>
    tpu.vector_store %arg13[%swap3A_505, %swap3A_506], %swap3A_509 {strides = array<i32>} : memref<32x128xf32, #tpu.memory_space<vmem>>, vector<1x16xf32>,
    %swap3A_510 = arith.constant 10 : i32
    %swap3A_511 = arith.index_cast %swap3A_510 : i32 to index
    %swap3A_512 = arith.constant 80 : index
    %swap3A_513 = tpu.vector_load %arg13[%swap3A_511, %swap3A_512] {strides = array<i32>} : memref<32x128xf32, #tpu.memory_space<vmem>>, vector<1x16xf32>,
    %swap3A_514 = vector.shape_cast %swap3A_513 : vector<1x16xf32> to vector<16xf32>
    %swap3A_515 = vector.shape_cast %broadcast_in_dim3A_0 : vector<16xf32> to vector<1x16xf32>
    tpu.vector_store %arg13[%swap3A_511, %swap3A_512], %swap3A_515 {strides = array<i32>} : memref<32x128xf32, #tpu.memory_space<vmem>>, vector<1x16xf32>,
    %swap3A_516 = arith.constant 10 : i32
    %swap3A_517 = arith.index_cast %swap3A_516 : i32 to index
    %swap3A_518 = arith.constant 96 : index
    %swap3A_519 = tpu.vector_load %arg13[%swap3A_517, %swap3A_518] {strides = array<i32>} : memref<32x128xf32, #tpu.memory_space<vmem>>, vector<1x16xf32>,
    %swap3A_520 = vector.shape_cast %swap3A_519 : vector<1x16xf32> to vector<16xf32>
    %swap3A_521 = vector.shape_cast %broadcast_in_dim3A_0 : vector<16xf32> to vector<1x16xf32>
    tpu.vector_store %arg13[%swap3A_517, %swap3A_518], %swap3A_521 {strides = array<i32>} : memref<32x128xf32, #tpu.memory_space<vmem>>, vector<1x16xf32>,
    %swap3A_522 = arith.constant 10 : i32
    %swap3A_523 = arith.index_cast %swap3A_522 : i32 to index
    %swap3A_524 = arith.constant 112 : index
    %swap3A_525 = tpu.vector_load %arg13[%swap3A_523, %swap3A_524] {strides = array<i32>} : memref<32x128xf32, #tpu.memory_space<vmem>>, vector<1x16xf32>,
    %swap3A_526 = vector.shape_cast %swap3A_525 : vector<1x16xf32> to vector<16xf32>
    %swap3A_527 = vector.shape_cast %broadcast_in_dim3A_0 : vector<16xf32> to vector<1x16xf32>
    tpu.vector_store %arg13[%swap3A_523, %swap3A_524], %swap3A_527 {strides = array<i32>} : memref<32x128xf32, #tpu.memory_space<vmem>>, vector<1x16xf32>,
    %swap3A_528 = arith.constant 11 : i32
    %swap3A_529 = arith.index_cast %swap3A_528 : i32 to index
    %swap3A_530 = arith.constant 0 : index
    %swap3A_531 = tpu.vector_load %arg13[%swap3A_529, %swap3A_530] {strides = array<i32>} : memref<32x128xf32, #tpu.memory_space<vmem>>, vector<1x16xf32>,
    %swap3A_532 = vector.shape_cast %swap3A_531 : vector<1x16xf32> to vector<16xf32>
    %swap3A_533 = vector.shape_cast %broadcast_in_dim3A_0 : vector<16xf32> to vector<1x16xf32>
    tpu.vector_store %arg13[%swap3A_529, %swap3A_530], %swap3A_533 {strides = array<i32>} : memref<32x128xf32, #tpu.memory_space<vmem>>, vector<1x16xf32>,
    %swap3A_534 = arith.constant 11 : i32
    %swap3A_535 = arith.index_cast %swap3A_534 : i32 to index
    %swap3A_536 = arith.constant 16 : index
    %swap3A_537 = tpu.vector_load %arg13[%swap3A_535, %swap3A_536] {strides = array<i32>} : memref<32x128xf32, #tpu.memory_space<vmem>>, vector<1x16xf32>,
    %swap3A_538 = vector.shape_cast %swap3A_537 : vector<1x16xf32> to vector<16xf32>
    %swap3A_539 = vector.shape_cast %broadcast_in_dim3A_0 : vector<16xf32> to vector<1x16xf32>
    tpu.vector_store %arg13[%swap3A_535, %swap3A_536], %swap3A_539 {strides = array<i32>} : memref<32x128xf32, #tpu.memory_space<vmem>>, vector<1x16xf32>,
    %swap3A_540 = arith.constant 11 : i32
    %swap3A_541 = arith.index_cast %swap3A_540 : i32 to index
    %swap3A_542 = arith.constant 32 : index
    %swap3A_543 = tpu.vector_load %arg13[%swap3A_541, %swap3A_542] {strides = array<i32>} : memref<32x128xf32, #tpu.memory_space<vmem>>, vector<1x16xf32>,
    %swap3A_544 = vector.shape_cast %swap3A_543 : vector<1x16xf32> to vector<16xf32>
    %swap3A_545 = vector.shape_cast %broadcast_in_dim3A_0 : vector<16xf32> to vector<1x16xf32>
    tpu.vector_store %arg13[%swap3A_541, %swap3A_542], %swap3A_545 {strides = array<i32>} : memref<32x128xf32, #tpu.memory_space<vmem>>, vector<1x16xf32>,
    %swap3A_546 = arith.constant 11 : i32
    %swap3A_547 = arith.index_cast %swap3A_546 : i32 to index
    %swap3A_548 = arith.constant 48 : index
    %swap3A_549 = tpu.vector_load %arg13[%swap3A_547, %swap3A_548] {strides = array<i32>} : memref<32x128xf32, #tpu.memory_space<vmem>>, vector<1x16xf32>,
    %swap3A_550 = vector.shape_cast %swap3A_549 : vector<1x16xf32> to vector<16xf32>
    %swap3A_551 = vector.shape_cast %broadcast_in_dim3A_0 : vector<16xf32> to vector<1x16xf32>
    tpu.vector_store %arg13[%swap3A_547, %swap3A_548], %swap3A_551 {strides = array<i32>} : memref<32x128xf32, #tpu.memory_space<vmem>>, vector<1x16xf32>,
    %swap3A_552 = arith.constant 11 : i32
    %swap3A_553 = arith.index_cast %swap3A_552 : i32 to index
    %swap3A_554 = arith.constant 64 : index
    %swap3A_555 = tpu.vector_load %arg13[%swap3A_553, %swap3A_554] {strides = array<i32>} : memref<32x128xf32, #tpu.memory_space<vmem>>, vector<1x16xf32>,
    %swap3A_556 = vector.shape_cast %swap3A_555 : vector<1x16xf32> to vector<16xf32>
    %swap3A_557 = vector.shape_cast %broadcast_in_dim3A_0 : vector<16xf32> to vector<1x16xf32>
    tpu.vector_store %arg13[%swap3A_553, %swap3A_554], %swap3A_557 {strides = array<i32>} : memref<32x128xf32, #tpu.memory_space<vmem>>, vector<1x16xf32>,
    %swap3A_558 = arith.constant 11 : i32
    %swap3A_559 = arith.index_cast %swap3A_558 : i32 to index
    %swap3A_560 = arith.constant 80 : index
    %swap3A_561 = tpu.vector_load %arg13[%swap3A_559, %swap3A_560] {strides = array<i32>} : memref<32x128xf32, #tpu.memory_space<vmem>>, vector<1x16xf32>,
    %swap3A_562 = vector.shape_cast %swap3A_561 : vector<1x16xf32> to vector<16xf32>
    %swap3A_563 = vector.shape_cast %broadcast_in_dim3A_0 : vector<16xf32> to vector<1x16xf32>
    tpu.vector_store %arg13[%swap3A_559, %swap3A_560], %swap3A_563 {strides = array<i32>} : memref<32x128xf32, #tpu.memory_space<vmem>>, vector<1x16xf32>,
    %swap3A_564 = arith.constant 11 : i32
    %swap3A_565 = arith.index_cast %swap3A_564 : i32 to index
    %swap3A_566 = arith.constant 96 : index
    %swap3A_567 = tpu.vector_load %arg13[%swap3A_565, %swap3A_566] {strides = array<i32>} : memref<32x128xf32, #tpu.memory_space<vmem>>, vector<1x16xf32>,
    %swap3A_568 = vector.shape_cast %swap3A_567 : vector<1x16xf32> to vector<16xf32>
    %swap3A_569 = vector.shape_cast %broadcast_in_dim3A_0 : vector<16xf32> to vector<1x16xf32>
    tpu.vector_store %arg13[%swap3A_565, %swap3A_566], %swap3A_569 {strides = array<i32>} : memref<32x128xf32, #tpu.memory_space<vmem>>, vector<1x16xf32>,
    %swap3A_570 = arith.constant 11 : i32
    %swap3A_571 = arith.index_cast %swap3A_570 : i32 to index
    %swap3A_572 = arith.constant 112 : index
    %swap3A_573 = tpu.vector_load %arg13[%swap3A_571, %swap3A_572] {strides = array<i32>} : memref<32x128xf32, #tpu.memory_space<vmem>>, vector<1x16xf32>,
    %swap3A_574 = vector.shape_cast %swap3A_573 : vector<1x16xf32> to vector<16xf32>
    %swap3A_575 = vector.shape_cast %broadcast_in_dim3A_0 : vector<16xf32> to vector<1x16xf32>
    tpu.vector_store %arg13[%swap3A_571, %swap3A_572], %swap3A_575 {strides = array<i32>} : memref<32x128xf32, #tpu.memory_space<vmem>>, vector<1x16xf32>,
    %swap3A_576 = arith.constant 12 : i32
    %swap3A_577 = arith.index_cast %swap3A_576 : i32 to index
    %swap3A_578 = arith.constant 0 : index
    %swap3A_579 = tpu.vector_load %arg13[%swap3A_577, %swap3A_578] {strides = array<i32>} : memref<32x128xf32, #tpu.memory_space<vmem>>, vector<1x16xf32>,
    %swap3A_580 = vector.shape_cast %swap3A_579 : vector<1x16xf32> to vector<16xf32>
    %swap3A_581 = vector.shape_cast %broadcast_in_dim3A_0 : vector<16xf32> to vector<1x16xf32>
    tpu.vector_store %arg13[%swap3A_577, %swap3A_578], %swap3A_581 {strides = array<i32>} : memref<32x128xf32, #tpu.memory_space<vmem>>, vector<1x16xf32>,
    %swap3A_582 = arith.constant 12 : i32
    %swap3A_583 = arith.index_cast %swap3A_582 : i32 to index
    %swap3A_584 = arith.constant 16 : index
    %swap3A_585 = tpu.vector_load %arg13[%swap3A_583, %swap3A_584] {strides = array<i32>} : memref<32x128xf32, #tpu.memory_space<vmem>>, vector<1x16xf32>,
    %swap3A_586 = vector.shape_cast %swap3A_585 : vector<1x16xf32> to vector<16xf32>
    %swap3A_587 = vector.shape_cast %broadcast_in_dim3A_0 : vector<16xf32> to vector<1x16xf32>
    tpu.vector_store %arg13[%swap3A_583, %swap3A_584], %swap3A_587 {strides = array<i32>} : memref<32x128xf32, #tpu.memory_space<vmem>>, vector<1x16xf32>,
    %swap3A_588 = arith.constant 12 : i32
    %swap3A_589 = arith.index_cast %swap3A_588 : i32 to index
    %swap3A_590 = arith.constant 32 : index
    %swap3A_591 = tpu.vector_load %arg13[%swap3A_589, %swap3A_590] {strides = array<i32>} : memref<32x128xf32, #tpu.memory_space<vmem>>, vector<1x16xf32>,
    %swap3A_592 = vector.shape_cast %swap3A_591 : vector<1x16xf32> to vector<16xf32>
    %swap3A_593 = vector.shape_cast %broadcast_in_dim3A_0 : vector<16xf32> to vector<1x16xf32>
    tpu.vector_store %arg13[%swap3A_589, %swap3A_590], %swap3A_593 {strides = array<i32>} : memref<32x128xf32, #tpu.memory_space<vmem>>, vector<1x16xf32>,
    %swap3A_594 = arith.constant 12 : i32
    %swap3A_595 = arith.index_cast %swap3A_594 : i32 to index
    %swap3A_596 = arith.constant 48 : index
    %swap3A_597 = tpu.vector_load %arg13[%swap3A_595, %swap3A_596] {strides = array<i32>} : memref<32x128xf32, #tpu.memory_space<vmem>>, vector<1x16xf32>,
    %swap3A_598 = vector.shape_cast %swap3A_597 : vector<1x16xf32> to vector<16xf32>
    %swap3A_599 = vector.shape_cast %broadcast_in_dim3A_0 : vector<16xf32> to vector<1x16xf32>
    tpu.vector_store %arg13[%swap3A_595, %swap3A_596], %swap3A_599 {strides = array<i32>} : memref<32x128xf32, #tpu.memory_space<vmem>>, vector<1x16xf32>,
    %swap3A_600 = arith.constant 12 : i32
    %swap3A_601 = arith.index_cast %swap3A_600 : i32 to index
    %swap3A_602 = arith.constant 64 : index
    %swap3A_603 = tpu.vector_load %arg13[%swap3A_601, %swap3A_602] {strides = array<i32>} : memref<32x128xf32, #tpu.memory_space<vmem>>, vector<1x16xf32>,
    %swap3A_604 = vector.shape_cast %swap3A_603 : vector<1x16xf32> to vector<16xf32>
    %swap3A_605 = vector.shape_cast %broadcast_in_dim3A_0 : vector<16xf32> to vector<1x16xf32>
    tpu.vector_store %arg13[%swap3A_601, %swap3A_602], %swap3A_605 {strides = array<i32>} : memref<32x128xf32, #tpu.memory_space<vmem>>, vector<1x16xf32>,
    %swap3A_606 = arith.constant 12 : i32
    %swap3A_607 = arith.index_cast %swap3A_606 : i32 to index
    %swap3A_608 = arith.constant 80 : index
    %swap3A_609 = tpu.vector_load %arg13[%swap3A_607, %swap3A_608] {strides = array<i32>} : memref<32x128xf32, #tpu.memory_space<vmem>>, vector<1x16xf32>,
    %swap3A_610 = vector.shape_cast %swap3A_609 : vector<1x16xf32> to vector<16xf32>
    %swap3A_611 = vector.shape_cast %broadcast_in_dim3A_0 : vector<16xf32> to vector<1x16xf32>
    tpu.vector_store %arg13[%swap3A_607, %swap3A_608], %swap3A_611 {strides = array<i32>} : memref<32x128xf32, #tpu.memory_space<vmem>>, vector<1x16xf32>,
    %swap3A_612 = arith.constant 12 : i32
    %swap3A_613 = arith.index_cast %swap3A_612 : i32 to index
    %swap3A_614 = arith.constant 96 : index
    %swap3A_615 = tpu.vector_load %arg13[%swap3A_613, %swap3A_614] {strides = array<i32>} : memref<32x128xf32, #tpu.memory_space<vmem>>, vector<1x16xf32>,
    %swap3A_616 = vector.shape_cast %swap3A_615 : vector<1x16xf32> to vector<16xf32>
    %swap3A_617 = vector.shape_cast %broadcast_in_dim3A_0 : vector<16xf32> to vector<1x16xf32>
    tpu.vector_store %arg13[%swap3A_613, %swap3A_614], %swap3A_617 {strides = array<i32>} : memref<32x128xf32, #tpu.memory_space<vmem>>, vector<1x16xf32>,
    %swap3A_618 = arith.constant 12 : i32
    %swap3A_619 = arith.index_cast %swap3A_618 : i32 to index
    %swap3A_620 = arith.constant 112 : index
    %swap3A_621 = tpu.vector_load %arg13[%swap3A_619, %swap3A_620] {strides = array<i32>} : memref<32x128xf32, #tpu.memory_space<vmem>>, vector<1x16xf32>,
    %swap3A_622 = vector.shape_cast %swap3A_621 : vector<1x16xf32> to vector<16xf32>
    %swap3A_623 = vector.shape_cast %broadcast_in_dim3A_0 : vector<16xf32> to vector<1x16xf32>
    tpu.vector_store %arg13[%swap3A_619, %swap3A_620], %swap3A_623 {strides = array<i32>} : memref<32x128xf32, #tpu.memory_space<vmem>>, vector<1x16xf32>,
    %swap3A_624 = arith.constant 13 : i32
    %swap3A_625 = arith.index_cast %swap3A_624 : i32 to index
    %swap3A_626 = arith.constant 0 : index
    %swap3A_627 = tpu.vector_load %arg13[%swap3A_625, %swap3A_626] {strides = array<i32>} : memref<32x128xf32, #tpu.memory_space<vmem>>, vector<1x16xf32>,
    %swap3A_628 = vector.shape_cast %swap3A_627 : vector<1x16xf32> to vector<16xf32>
    %swap3A_629 = vector.shape_cast %broadcast_in_dim3A_0 : vector<16xf32> to vector<1x16xf32>
    tpu.vector_store %arg13[%swap3A_625, %swap3A_626], %swap3A_629 {strides = array<i32>} : memref<32x128xf32, #tpu.memory_space<vmem>>, vector<1x16xf32>,
    %swap3A_630 = arith.constant 13 : i32
    %swap3A_631 = arith.index_cast %swap3A_630 : i32 to index
    %swap3A_632 = arith.constant 16 : index
    %swap3A_633 = tpu.vector_load %arg13[%swap3A_631, %swap3A_632] {strides = array<i32>} : memref<32x128xf32, #tpu.memory_space<vmem>>, vector<1x16xf32>,
    %swap3A_634 = vector.shape_cast %swap3A_633 : vector<1x16xf32> to vector<16xf32>
    %swap3A_635 = vector.shape_cast %broadcast_in_dim3A_0 : vector<16xf32> to vector<1x16xf32>
    tpu.vector_store %arg13[%swap3A_631, %swap3A_632], %swap3A_635 {strides = array<i32>} : memref<32x128xf32, #tpu.memory_space<vmem>>, vector<1x16xf32>,
    %swap3A_636 = arith.constant 13 : i32
    %swap3A_637 = arith.index_cast %swap3A_636 : i32 to index
    %swap3A_638 = arith.constant 32 : index
    %swap3A_639 = tpu.vector_load %arg13[%swap3A_637, %swap3A_638] {strides = array<i32>} : memref<32x128xf32, #tpu.memory_space<vmem>>, vector<1x16xf32>,
    %swap3A_640 = vector.shape_cast %swap3A_639 : vector<1x16xf32> to vector<16xf32>
    %swap3A_641 = vector.shape_cast %broadcast_in_dim3A_0 : vector<16xf32> to vector<1x16xf32>
    tpu.vector_store %arg13[%swap3A_637, %swap3A_638], %swap3A_641 {strides = array<i32>} : memref<32x128xf32, #tpu.memory_space<vmem>>, vector<1x16xf32>,
    %swap3A_642 = arith.constant 13 : i32
    %swap3A_643 = arith.index_cast %swap3A_642 : i32 to index
    %swap3A_644 = arith.constant 48 : index
    %swap3A_645 = tpu.vector_load %arg13[%swap3A_643, %swap3A_644] {strides = array<i32>} : memref<32x128xf32, #tpu.memory_space<vmem>>, vector<1x16xf32>,
    %swap3A_646 = vector.shape_cast %swap3A_645 : vector<1x16xf32> to vector<16xf32>
    %swap3A_647 = vector.shape_cast %broadcast_in_dim3A_0 : vector<16xf32> to vector<1x16xf32>
    tpu.vector_store %arg13[%swap3A_643, %swap3A_644], %swap3A_647 {strides = array<i32>} : memref<32x128xf32, #tpu.memory_space<vmem>>, vector<1x16xf32>,
    %swap3A_648 = arith.constant 13 : i32
    %swap3A_649 = arith.index_cast %swap3A_648 : i32 to index
    %swap3A_650 = arith.constant 64 : index
    %swap3A_651 = tpu.vector_load %arg13[%swap3A_649, %swap3A_650] {strides = array<i32>} : memref<32x128xf32, #tpu.memory_space<vmem>>, vector<1x16xf32>,
    %swap3A_652 = vector.shape_cast %swap3A_651 : vector<1x16xf32> to vector<16xf32>
    %swap3A_653 = vector.shape_cast %broadcast_in_dim3A_0 : vector<16xf32> to vector<1x16xf32>
    tpu.vector_store %arg13[%swap3A_649, %swap3A_650], %swap3A_653 {strides = array<i32>} : memref<32x128xf32, #tpu.memory_space<vmem>>, vector<1x16xf32>,
    %swap3A_654 = arith.constant 13 : i32
    %swap3A_655 = arith.index_cast %swap3A_654 : i32 to index
    %swap3A_656 = arith.constant 80 : index
    %swap3A_657 = tpu.vector_load %arg13[%swap3A_655, %swap3A_656] {strides = array<i32>} : memref<32x128xf32, #tpu.memory_space<vmem>>, vector<1x16xf32>,
    %swap3A_658 = vector.shape_cast %swap3A_657 : vector<1x16xf32> to vector<16xf32>
    %swap3A_659 = vector.shape_cast %broadcast_in_dim3A_0 : vector<16xf32> to vector<1x16xf32>
    tpu.vector_store %arg13[%swap3A_655, %swap3A_656], %swap3A_659 {strides = array<i32>} : memref<32x128xf32, #tpu.memory_space<vmem>>, vector<1x16xf32>,
    %swap3A_660 = arith.constant 13 : i32
    %swap3A_661 = arith.index_cast %swap3A_660 : i32 to index
    %swap3A_662 = arith.constant 96 : index
    %swap3A_663 = tpu.vector_load %arg13[%swap3A_661, %swap3A_662] {strides = array<i32>} : memref<32x128xf32, #tpu.memory_space<vmem>>, vector<1x16xf32>,
    %swap3A_664 = vector.shape_cast %swap3A_663 : vector<1x16xf32> to vector<16xf32>
    %swap3A_665 = vector.shape_cast %broadcast_in_dim3A_0 : vector<16xf32> to vector<1x16xf32>
    tpu.vector_store %arg13[%swap3A_661, %swap3A_662], %swap3A_665 {strides = array<i32>} : memref<32x128xf32, #tpu.memory_space<vmem>>, vector<1x16xf32>,
    %swap3A_666 = arith.constant 13 : i32
    %swap3A_667 = arith.index_cast %swap3A_666 : i32 to index
    %swap3A_668 = arith.constant 112 : index
    %swap3A_669 = tpu.vector_load %arg13[%swap3A_667, %swap3A_668] {strides = array<i32>} : memref<32x128xf32, #tpu.memory_space<vmem>>, vector<1x16xf32>,
    %swap3A_670 = vector.shape_cast %swap3A_669 : vector<1x16xf32> to vector<16xf32>
    %swap3A_671 = vector.shape_cast %broadcast_in_dim3A_0 : vector<16xf32> to vector<1x16xf32>
    tpu.vector_store %arg13[%swap3A_667, %swap3A_668], %swap3A_671 {strides = array<i32>} : memref<32x128xf32, #tpu.memory_space<vmem>>, vector<1x16xf32>,
    %swap3A_672 = arith.constant 14 : i32
    %swap3A_673 = arith.index_cast %swap3A_672 : i32 to index
    %swap3A_674 = arith.constant 0 : index
    %swap3A_675 = tpu.vector_load %arg13[%swap3A_673, %swap3A_674] {strides = array<i32>} : memref<32x128xf32, #tpu.memory_space<vmem>>, vector<1x16xf32>,
    %swap3A_676 = vector.shape_cast %swap3A_675 : vector<1x16xf32> to vector<16xf32>
    %swap3A_677 = vector.shape_cast %broadcast_in_dim3A_0 : vector<16xf32> to vector<1x16xf32>
    tpu.vector_store %arg13[%swap3A_673, %swap3A_674], %swap3A_677 {strides = array<i32>} : memref<32x128xf32, #tpu.memory_space<vmem>>, vector<1x16xf32>,
    %swap3A_678 = arith.constant 14 : i32
    %swap3A_679 = arith.index_cast %swap3A_678 : i32 to index
    %swap3A_680 = arith.constant 16 : index
    %swap3A_681 = tpu.vector_load %arg13[%swap3A_679, %swap3A_680] {strides = array<i32>} : memref<32x128xf32, #tpu.memory_space<vmem>>, vector<1x16xf32>,
    %swap3A_682 = vector.shape_cast %swap3A_681 : vector<1x16xf32> to vector<16xf32>
    %swap3A_683 = vector.shape_cast %broadcast_in_dim3A_0 : vector<16xf32> to vector<1x16xf32>
    tpu.vector_store %arg13[%swap3A_679, %swap3A_680], %swap3A_683 {strides = array<i32>} : memref<32x128xf32, #tpu.memory_space<vmem>>, vector<1x16xf32>,
    %swap3A_684 = arith.constant 14 : i32
    %swap3A_685 = arith.index_cast %swap3A_684 : i32 to index
    %swap3A_686 = arith.constant 32 : index
    %swap3A_687 = tpu.vector_load %arg13[%swap3A_685, %swap3A_686] {strides = array<i32>} : memref<32x128xf32, #tpu.memory_space<vmem>>, vector<1x16xf32>,
    %swap3A_688 = vector.shape_cast %swap3A_687 : vector<1x16xf32> to vector<16xf32>
    %swap3A_689 = vector.shape_cast %broadcast_in_dim3A_0 : vector<16xf32> to vector<1x16xf32>
    tpu.vector_store %arg13[%swap3A_685, %swap3A_686], %swap3A_689 {strides = array<i32>} : memref<32x128xf32, #tpu.memory_space<vmem>>, vector<1x16xf32>,
    %swap3A_690 = arith.constant 14 : i32
    %swap3A_691 = arith.index_cast %swap3A_690 : i32 to index
    %swap3A_692 = arith.constant 48 : index
    %swap3A_693 = tpu.vector_load %arg13[%swap3A_691, %swap3A_692] {strides = array<i32>} : memref<32x128xf32, #tpu.memory_space<vmem>>, vector<1x16xf32>,
    %swap3A_694 = vector.shape_cast %swap3A_693 : vector<1x16xf32> to vector<16xf32>
    %swap3A_695 = vector.shape_cast %broadcast_in_dim3A_0 : vector<16xf32> to vector<1x16xf32>
    tpu.vector_store %arg13[%swap3A_691, %swap3A_692], %swap3A_695 {strides = array<i32>} : memref<32x128xf32, #tpu.memory_space<vmem>>, vector<1x16xf32>,
    %swap3A_696 = arith.constant 14 : i32
    %swap3A_697 = arith.index_cast %swap3A_696 : i32 to index
    %swap3A_698 = arith.constant 64 : index
    %swap3A_699 = tpu.vector_load %arg13[%swap3A_697, %swap3A_698] {strides = array<i32>} : memref<32x128xf32, #tpu.memory_space<vmem>>, vector<1x16xf32>,
    %swap3A_700 = vector.shape_cast %swap3A_699 : vector<1x16xf32> to vector<16xf32>
    %swap3A_701 = vector.shape_cast %broadcast_in_dim3A_0 : vector<16xf32> to vector<1x16xf32>
    tpu.vector_store %arg13[%swap3A_697, %swap3A_698], %swap3A_701 {strides = array<i32>} : memref<32x128xf32, #tpu.memory_space<vmem>>, vector<1x16xf32>,
    %swap3A_702 = arith.constant 14 : i32
    %swap3A_703 = arith.index_cast %swap3A_702 : i32 to index
    %swap3A_704 = arith.constant 80 : index
    %swap3A_705 = tpu.vector_load %arg13[%swap3A_703, %swap3A_704] {strides = array<i32>} : memref<32x128xf32, #tpu.memory_space<vmem>>, vector<1x16xf32>,
    %swap3A_706 = vector.shape_cast %swap3A_705 : vector<1x16xf32> to vector<16xf32>
    %swap3A_707 = vector.shape_cast %broadcast_in_dim3A_0 : vector<16xf32> to vector<1x16xf32>
    tpu.vector_store %arg13[%swap3A_703, %swap3A_704], %swap3A_707 {strides = array<i32>} : memref<32x128xf32, #tpu.memory_space<vmem>>, vector<1x16xf32>,
    %swap3A_708 = arith.constant 14 : i32
    %swap3A_709 = arith.index_cast %swap3A_708 : i32 to index
    %swap3A_710 = arith.constant 96 : index
    %swap3A_711 = tpu.vector_load %arg13[%swap3A_709, %swap3A_710] {strides = array<i32>} : memref<32x128xf32, #tpu.memory_space<vmem>>, vector<1x16xf32>,
    %swap3A_712 = vector.shape_cast %swap3A_711 : vector<1x16xf32> to vector<16xf32>
    %swap3A_713 = vector.shape_cast %broadcast_in_dim3A_0 : vector<16xf32> to vector<1x16xf32>
    tpu.vector_store %arg13[%swap3A_709, %swap3A_710], %swap3A_713 {strides = array<i32>} : memref<32x128xf32, #tpu.memory_space<vmem>>, vector<1x16xf32>,
    %swap3A_714 = arith.constant 14 : i32
    %swap3A_715 = arith.index_cast %swap3A_714 : i32 to index
    %swap3A_716 = arith.constant 112 : index
    %swap3A_717 = tpu.vector_load %arg13[%swap3A_715, %swap3A_716] {strides = array<i32>} : memref<32x128xf32, #tpu.memory_space<vmem>>, vector<1x16xf32>,
    %swap3A_718 = vector.shape_cast %swap3A_717 : vector<1x16xf32> to vector<16xf32>
    %swap3A_719 = vector.shape_cast %broadcast_in_dim3A_0 : vector<16xf32> to vector<1x16xf32>
    tpu.vector_store %arg13[%swap3A_715, %swap3A_716], %swap3A_719 {strides = array<i32>} : memref<32x128xf32, #tpu.memory_space<vmem>>, vector<1x16xf32>,
    %swap3A_720 = arith.constant 15 : i32
    %swap3A_721 = arith.index_cast %swap3A_720 : i32 to index
    %swap3A_722 = arith.constant 0 : index
    %swap3A_723 = tpu.vector_load %arg13[%swap3A_721, %swap3A_722] {strides = array<i32>} : memref<32x128xf32, #tpu.memory_space<vmem>>, vector<1x16xf32>,
    %swap3A_724 = vector.shape_cast %swap3A_723 : vector<1x16xf32> to vector<16xf32>
    %swap3A_725 = vector.shape_cast %broadcast_in_dim3A_0 : vector<16xf32> to vector<1x16xf32>
    tpu.vector_store %arg13[%swap3A_721, %swap3A_722], %swap3A_725 {strides = array<i32>} : memref<32x128xf32, #tpu.memory_space<vmem>>, vector<1x16xf32>,
    %swap3A_726 = arith.constant 15 : i32
    %swap3A_727 = arith.index_cast %swap3A_726 : i32 to index
    %swap3A_728 = arith.constant 16 : index
    %swap3A_729 = tpu.vector_load %arg13[%swap3A_727, %swap3A_728] {strides = array<i32>} : memref<32x128xf32, #tpu.memory_space<vmem>>, vector<1x16xf32>,
    %swap3A_730 = vector.shape_cast %swap3A_729 : vector<1x16xf32> to vector<16xf32>
    %swap3A_731 = vector.shape_cast %broadcast_in_dim3A_0 : vector<16xf32> to vector<1x16xf32>
    tpu.vector_store %arg13[%swap3A_727, %swap3A_728], %swap3A_731 {strides = array<i32>} : memref<32x128xf32, #tpu.memory_space<vmem>>, vector<1x16xf32>,
    %swap3A_732 = arith.constant 15 : i32
    %swap3A_733 = arith.index_cast %swap3A_732 : i32 to index
    %swap3A_734 = arith.constant 32 : index
    %swap3A_735 = tpu.vector_load %arg13[%swap3A_733, %swap3A_734] {strides = array<i32>} : memref<32x128xf32, #tpu.memory_space<vmem>>, vector<1x16xf32>,
    %swap3A_736 = vector.shape_cast %swap3A_735 : vector<1x16xf32> to vector<16xf32>
    %swap3A_737 = vector.shape_cast %broadcast_in_dim3A_0 : vector<16xf32> to vector<1x16xf32>
    tpu.vector_store %arg13[%swap3A_733, %swap3A_734], %swap3A_737 {strides = array<i32>} : memref<32x128xf32, #tpu.memory_space<vmem>>, vector<1x16xf32>,
    %swap3A_738 = arith.constant 15 : i32
    %swap3A_739 = arith.index_cast %swap3A_738 : i32 to index
    %swap3A_740 = arith.constant 48 : index
    %swap3A_741 = tpu.vector_load %arg13[%swap3A_739, %swap3A_740] {strides = array<i32>} : memref<32x128xf32, #tpu.memory_space<vmem>>, vector<1x16xf32>,
    %swap3A_742 = vector.shape_cast %swap3A_741 : vector<1x16xf32> to vector<16xf32>
    %swap3A_743 = vector.shape_cast %broadcast_in_dim3A_0 : vector<16xf32> to vector<1x16xf32>
    tpu.vector_store %arg13[%swap3A_739, %swap3A_740], %swap3A_743 {strides = array<i32>} : memref<32x128xf32, #tpu.memory_space<vmem>>, vector<1x16xf32>,
    %swap3A_744 = arith.constant 15 : i32
    %swap3A_745 = arith.index_cast %swap3A_744 : i32 to index
    %swap3A_746 = arith.constant 64 : index
    %swap3A_747 = tpu.vector_load %arg13[%swap3A_745, %swap3A_746] {strides = array<i32>} : memref<32x128xf32, #tpu.memory_space<vmem>>, vector<1x16xf32>,
    %swap3A_748 = vector.shape_cast %swap3A_747 : vector<1x16xf32> to vector<16xf32>
    %swap3A_749 = vector.shape_cast %broadcast_in_dim3A_0 : vector<16xf32> to vector<1x16xf32>
    tpu.vector_store %arg13[%swap3A_745, %swap3A_746], %swap3A_749 {strides = array<i32>} : memref<32x128xf32, #tpu.memory_space<vmem>>, vector<1x16xf32>,
    %swap3A_750 = arith.constant 15 : i32
    %swap3A_751 = arith.index_cast %swap3A_750 : i32 to index
    %swap3A_752 = arith.constant 80 : index
    %swap3A_753 = tpu.vector_load %arg13[%swap3A_751, %swap3A_752] {strides = array<i32>} : memref<32x128xf32, #tpu.memory_space<vmem>>, vector<1x16xf32>,
    %swap3A_754 = vector.shape_cast %swap3A_753 : vector<1x16xf32> to vector<16xf32>
    %swap3A_755 = vector.shape_cast %broadcast_in_dim3A_0 : vector<16xf32> to vector<1x16xf32>
    tpu.vector_store %arg13[%swap3A_751, %swap3A_752], %swap3A_755 {strides = array<i32>} : memref<32x128xf32, #tpu.memory_space<vmem>>, vector<1x16xf32>,
    %swap3A_756 = arith.constant 15 : i32
    %swap3A_757 = arith.index_cast %swap3A_756 : i32 to index
    %swap3A_758 = arith.constant 96 : index
    %swap3A_759 = tpu.vector_load %arg13[%swap3A_757, %swap3A_758] {strides = array<i32>} : memref<32x128xf32, #tpu.memory_space<vmem>>, vector<1x16xf32>,
    %swap3A_760 = vector.shape_cast %swap3A_759 : vector<1x16xf32> to vector<16xf32>
    %swap3A_761 = vector.shape_cast %broadcast_in_dim3A_0 : vector<16xf32> to vector<1x16xf32>
    tpu.vector_store %arg13[%swap3A_757, %swap3A_758], %swap3A_761 {strides = array<i32>} : memref<32x128xf32, #tpu.memory_space<vmem>>, vector<1x16xf32>,
    %swap3A_762 = arith.constant 15 : i32
    %swap3A_763 = arith.index_cast %swap3A_762 : i32 to index
    %swap3A_764 = arith.constant 112 : index
    %swap3A_765 = tpu.vector_load %arg13[%swap3A_763, %swap3A_764] {strides = array<i32>} : memref<32x128xf32, #tpu.memory_space<vmem>>, vector<1x16xf32>,
    %swap3A_766 = vector.shape_cast %swap3A_765 : vector<1x16xf32> to vector<16xf32>
    %swap3A_767 = vector.shape_cast %broadcast_in_dim3A_0 : vector<16xf32> to vector<1x16xf32>
    tpu.vector_store %arg13[%swap3A_763, %swap3A_764], %swap3A_767 {strides = array<i32>} : memref<32x128xf32, #tpu.memory_space<vmem>>, vector<1x16xf32>,
    %swap3A_768 = arith.constant 16 : i32
    %swap3A_769 = arith.index_cast %swap3A_768 : i32 to index
    %swap3A_770 = arith.constant 0 : index
    %swap3A_771 = tpu.vector_load %arg13[%swap3A_769, %swap3A_770] {strides = array<i32>} : memref<32x128xf32, #tpu.memory_space<vmem>>, vector<1x16xf32>,
    %swap3A_772 = vector.shape_cast %swap3A_771 : vector<1x16xf32> to vector<16xf32>
    %swap3A_773 = vector.shape_cast %broadcast_in_dim3A_0 : vector<16xf32> to vector<1x16xf32>
    tpu.vector_store %arg13[%swap3A_769, %swap3A_770], %swap3A_773 {strides = array<i32>} : memref<32x128xf32, #tpu.memory_space<vmem>>, vector<1x16xf32>,
    %swap3A_774 = arith.constant 16 : i32
    %swap3A_775 = arith.index_cast %swap3A_774 : i32 to index
    %swap3A_776 = arith.constant 16 : index
    %swap3A_777 = tpu.vector_load %arg13[%swap3A_775, %swap3A_776] {strides = array<i32>} : memref<32x128xf32, #tpu.memory_space<vmem>>, vector<1x16xf32>,
    %swap3A_778 = vector.shape_cast %swap3A_777 : vector<1x16xf32> to vector<16xf32>
    %swap3A_779 = vector.shape_cast %broadcast_in_dim3A_0 : vector<16xf32> to vector<1x16xf32>
    tpu.vector_store %arg13[%swap3A_775, %swap3A_776], %swap3A_779 {strides = array<i32>} : memref<32x128xf32, #tpu.memory_space<vmem>>, vector<1x16xf32>,
    %swap3A_780 = arith.constant 16 : i32
    %swap3A_781 = arith.index_cast %swap3A_780 : i32 to index
    %swap3A_782 = arith.constant 32 : index
    %swap3A_783 = tpu.vector_load %arg13[%swap3A_781, %swap3A_782] {strides = array<i32>} : memref<32x128xf32, #tpu.memory_space<vmem>>, vector<1x16xf32>,
    %swap3A_784 = vector.shape_cast %swap3A_783 : vector<1x16xf32> to vector<16xf32>
    %swap3A_785 = vector.shape_cast %broadcast_in_dim3A_0 : vector<16xf32> to vector<1x16xf32>
    tpu.vector_store %arg13[%swap3A_781, %swap3A_782], %swap3A_785 {strides = array<i32>} : memref<32x128xf32, #tpu.memory_space<vmem>>, vector<1x16xf32>,
    %swap3A_786 = arith.constant 16 : i32
    %swap3A_787 = arith.index_cast %swap3A_786 : i32 to index
    %swap3A_788 = arith.constant 48 : index
    %swap3A_789 = tpu.vector_load %arg13[%swap3A_787, %swap3A_788] {strides = array<i32>} : memref<32x128xf32, #tpu.memory_space<vmem>>, vector<1x16xf32>,
    %swap3A_790 = vector.shape_cast %swap3A_789 : vector<1x16xf32> to vector<16xf32>
    %swap3A_791 = vector.shape_cast %broadcast_in_dim3A_0 : vector<16xf32> to vector<1x16xf32>
    tpu.vector_store %arg13[%swap3A_787, %swap3A_788], %swap3A_791 {strides = array<i32>} : memref<32x128xf32, #tpu.memory_space<vmem>>, vector<1x16xf32>,
    %swap3A_792 = arith.constant 16 : i32
    %swap3A_793 = arith.index_cast %swap3A_792 : i32 to index
    %swap3A_794 = arith.constant 64 : index
    %swap3A_795 = tpu.vector_load %arg13[%swap3A_793, %swap3A_794] {strides = array<i32>} : memref<32x128xf32, #tpu.memory_space<vmem>>, vector<1x16xf32>,
    %swap3A_796 = vector.shape_cast %swap3A_795 : vector<1x16xf32> to vector<16xf32>
    %swap3A_797 = vector.shape_cast %broadcast_in_dim3A_0 : vector<16xf32> to vector<1x16xf32>
    tpu.vector_store %arg13[%swap3A_793, %swap3A_794], %swap3A_797 {strides = array<i32>} : memref<32x128xf32, #tpu.memory_space<vmem>>, vector<1x16xf32>,
    %swap3A_798 = arith.constant 16 : i32
    %swap3A_799 = arith.index_cast %swap3A_798 : i32 to index
    %swap3A_800 = arith.constant 80 : index
    %swap3A_801 = tpu.vector_load %arg13[%swap3A_799, %swap3A_800] {strides = array<i32>} : memref<32x128xf32, #tpu.memory_space<vmem>>, vector<1x16xf32>,
    %swap3A_802 = vector.shape_cast %swap3A_801 : vector<1x16xf32> to vector<16xf32>
    %swap3A_803 = vector.shape_cast %broadcast_in_dim3A_0 : vector<16xf32> to vector<1x16xf32>
    tpu.vector_store %arg13[%swap3A_799, %swap3A_800], %swap3A_803 {strides = array<i32>} : memref<32x128xf32, #tpu.memory_space<vmem>>, vector<1x16xf32>,
    %swap3A_804 = arith.constant 16 : i32
    %swap3A_805 = arith.index_cast %swap3A_804 : i32 to index
    %swap3A_806 = arith.constant 96 : index
    %swap3A_807 = tpu.vector_load %arg13[%swap3A_805, %swap3A_806] {strides = array<i32>} : memref<32x128xf32, #tpu.memory_space<vmem>>, vector<1x16xf32>,
    %swap3A_808 = vector.shape_cast %swap3A_807 : vector<1x16xf32> to vector<16xf32>
    %swap3A_809 = vector.shape_cast %broadcast_in_dim3A_0 : vector<16xf32> to vector<1x16xf32>
    tpu.vector_store %arg13[%swap3A_805, %swap3A_806], %swap3A_809 {strides = array<i32>} : memref<32x128xf32, #tpu.memory_space<vmem>>, vector<1x16xf32>,
    %swap3A_810 = arith.constant 16 : i32
    %swap3A_811 = arith.index_cast %swap3A_810 : i32 to index
    %swap3A_812 = arith.constant 112 : index
    %swap3A_813 = tpu.vector_load %arg13[%swap3A_811, %swap3A_812] {strides = array<i32>} : memref<32x128xf32, #tpu.memory_space<vmem>>, vector<1x16xf32>,
    %swap3A_814 = vector.shape_cast %swap3A_813 : vector<1x16xf32> to vector<16xf32>
    %swap3A_815 = vector.shape_cast %broadcast_in_dim3A_0 : vector<16xf32> to vector<1x16xf32>
    tpu.vector_store %arg13[%swap3A_811, %swap3A_812], %swap3A_815 {strides = array<i32>} : memref<32x128xf32, #tpu.memory_space<vmem>>, vector<1x16xf32>,
    %swap3A_816 = arith.constant 17 : i32
    %swap3A_817 = arith.index_cast %swap3A_816 : i32 to index
    %swap3A_818 = arith.constant 0 : index
    %swap3A_819 = tpu.vector_load %arg13[%swap3A_817, %swap3A_818] {strides = array<i32>} : memref<32x128xf32, #tpu.memory_space<vmem>>, vector<1x16xf32>,
    %swap3A_820 = vector.shape_cast %swap3A_819 : vector<1x16xf32> to vector<16xf32>
    %swap3A_821 = vector.shape_cast %broadcast_in_dim3A_0 : vector<16xf32> to vector<1x16xf32>
    tpu.vector_store %arg13[%swap3A_817, %swap3A_818], %swap3A_821 {strides = array<i32>} : memref<32x128xf32, #tpu.memory_space<vmem>>, vector<1x16xf32>,
    %swap3A_822 = arith.constant 17 : i32
    %swap3A_823 = arith.index_cast %swap3A_822 : i32 to index
    %swap3A_824 = arith.constant 16 : index
    %swap3A_825 = tpu.vector_load %arg13[%swap3A_823, %swap3A_824] {strides = array<i32>} : memref<32x128xf32, #tpu.memory_space<vmem>>, vector<1x16xf32>,
    %swap3A_826 = vector.shape_cast %swap3A_825 : vector<1x16xf32> to vector<16xf32>
    %swap3A_827 = vector.shape_cast %broadcast_in_dim3A_0 : vector<16xf32> to vector<1x16xf32>
    tpu.vector_store %arg13[%swap3A_823, %swap3A_824], %swap3A_827 {strides = array<i32>} : memref<32x128xf32, #tpu.memory_space<vmem>>, vector<1x16xf32>,
    %swap3A_828 = arith.constant 17 : i32
    %swap3A_829 = arith.index_cast %swap3A_828 : i32 to index
    %swap3A_830 = arith.constant 32 : index
    %swap3A_831 = tpu.vector_load %arg13[%swap3A_829, %swap3A_830] {strides = array<i32>} : memref<32x128xf32, #tpu.memory_space<vmem>>, vector<1x16xf32>,
    %swap3A_832 = vector.shape_cast %swap3A_831 : vector<1x16xf32> to vector<16xf32>
    %swap3A_833 = vector.shape_cast %broadcast_in_dim3A_0 : vector<16xf32> to vector<1x16xf32>
    tpu.vector_store %arg13[%swap3A_829, %swap3A_830], %swap3A_833 {strides = array<i32>} : memref<32x128xf32, #tpu.memory_space<vmem>>, vector<1x16xf32>,
    %swap3A_834 = arith.constant 17 : i32
    %swap3A_835 = arith.index_cast %swap3A_834 : i32 to index
    %swap3A_836 = arith.constant 48 : index
    %swap3A_837 = tpu.vector_load %arg13[%swap3A_835, %swap3A_836] {strides = array<i32>} : memref<32x128xf32, #tpu.memory_space<vmem>>, vector<1x16xf32>,
    %swap3A_838 = vector.shape_cast %swap3A_837 : vector<1x16xf32> to vector<16xf32>
    %swap3A_839 = vector.shape_cast %broadcast_in_dim3A_0 : vector<16xf32> to vector<1x16xf32>
    tpu.vector_store %arg13[%swap3A_835, %swap3A_836], %swap3A_839 {strides = array<i32>} : memref<32x128xf32, #tpu.memory_space<vmem>>, vector<1x16xf32>,
    %swap3A_840 = arith.constant 17 : i32
    %swap3A_841 = arith.index_cast %swap3A_840 : i32 to index
    %swap3A_842 = arith.constant 64 : index
    %swap3A_843 = tpu.vector_load %arg13[%swap3A_841, %swap3A_842] {strides = array<i32>} : memref<32x128xf32, #tpu.memory_space<vmem>>, vector<1x16xf32>,
    %swap3A_844 = vector.shape_cast %swap3A_843 : vector<1x16xf32> to vector<16xf32>
    %swap3A_845 = vector.shape_cast %broadcast_in_dim3A_0 : vector<16xf32> to vector<1x16xf32>
    tpu.vector_store %arg13[%swap3A_841, %swap3A_842], %swap3A_845 {strides = array<i32>} : memref<32x128xf32, #tpu.memory_space<vmem>>, vector<1x16xf32>,
    %swap3A_846 = arith.constant 17 : i32
    %swap3A_847 = arith.index_cast %swap3A_846 : i32 to index
    %swap3A_848 = arith.constant 80 : index
    %swap3A_849 = tpu.vector_load %arg13[%swap3A_847, %swap3A_848] {strides = array<i32>} : memref<32x128xf32, #tpu.memory_space<vmem>>, vector<1x16xf32>,
    %swap3A_850 = vector.shape_cast %swap3A_849 : vector<1x16xf32> to vector<16xf32>
    %swap3A_851 = vector.shape_cast %broadcast_in_dim3A_0 : vector<16xf32> to vector<1x16xf32>
    tpu.vector_store %arg13[%swap3A_847, %swap3A_848], %swap3A_851 {strides = array<i32>} : memref<32x128xf32, #tpu.memory_space<vmem>>, vector<1x16xf32>,
    %swap3A_852 = arith.constant 17 : i32
    %swap3A_853 = arith.index_cast %swap3A_852 : i32 to index
    %swap3A_854 = arith.constant 96 : index
    %swap3A_855 = tpu.vector_load %arg13[%swap3A_853, %swap3A_854] {strides = array<i32>} : memref<32x128xf32, #tpu.memory_space<vmem>>, vector<1x16xf32>,
    %swap3A_856 = vector.shape_cast %swap3A_855 : vector<1x16xf32> to vector<16xf32>
    %swap3A_857 = vector.shape_cast %broadcast_in_dim3A_0 : vector<16xf32> to vector<1x16xf32>
    tpu.vector_store %arg13[%swap3A_853, %swap3A_854], %swap3A_857 {strides = array<i32>} : memref<32x128xf32, #tpu.memory_space<vmem>>, vector<1x16xf32>,
    %swap3A_858 = arith.constant 17 : i32
    %swap3A_859 = arith.index_cast %swap3A_858 : i32 to index
    %swap3A_860 = arith.constant 112 : index
    %swap3A_861 = tpu.vector_load %arg13[%swap3A_859, %swap3A_860] {strides = array<i32>} : memref<32x128xf32, #tpu.memory_space<vmem>>, vector<1x16xf32>,
    %swap3A_862 = vector.shape_cast %swap3A_861 : vector<1x16xf32> to vector<16xf32>
    %swap3A_863 = vector.shape_cast %broadcast_in_dim3A_0 : vector<16xf32> to vector<1x16xf32>
    tpu.vector_store %arg13[%swap3A_859, %swap3A_860], %swap3A_863 {strides = array<i32>} : memref<32x128xf32, #tpu.memory_space<vmem>>, vector<1x16xf32>,
    %swap3A_864 = arith.constant 18 : i32
    %swap3A_865 = arith.index_cast %swap3A_864 : i32 to index
    %swap3A_866 = arith.constant 0 : index
    %swap3A_867 = tpu.vector_load %arg13[%swap3A_865, %swap3A_866] {strides = array<i32>} : memref<32x128xf32, #tpu.memory_space<vmem>>, vector<1x16xf32>,
    %swap3A_868 = vector.shape_cast %swap3A_867 : vector<1x16xf32> to vector<16xf32>
    %swap3A_869 = vector.shape_cast %broadcast_in_dim3A_0 : vector<16xf32> to vector<1x16xf32>
    tpu.vector_store %arg13[%swap3A_865, %swap3A_866], %swap3A_869 {strides = array<i32>} : memref<32x128xf32, #tpu.memory_space<vmem>>, vector<1x16xf32>,
    %swap3A_870 = arith.constant 18 : i32
    %swap3A_871 = arith.index_cast %swap3A_870 : i32 to index
    %swap3A_872 = arith.constant 16 : index
    %swap3A_873 = tpu.vector_load %arg13[%swap3A_871, %swap3A_872] {strides = array<i32>} : memref<32x128xf32, #tpu.memory_space<vmem>>, vector<1x16xf32>,
    %swap3A_874 = vector.shape_cast %swap3A_873 : vector<1x16xf32> to vector<16xf32>
    %swap3A_875 = vector.shape_cast %broadcast_in_dim3A_0 : vector<16xf32> to vector<1x16xf32>
    tpu.vector_store %arg13[%swap3A_871, %swap3A_872], %swap3A_875 {strides = array<i32>} : memref<32x128xf32, #tpu.memory_space<vmem>>, vector<1x16xf32>,
    %swap3A_876 = arith.constant 18 : i32
    %swap3A_877 = arith.index_cast %swap3A_876 : i32 to index
    %swap3A_878 = arith.constant 32 : index
    %swap3A_879 = tpu.vector_load %arg13[%swap3A_877, %swap3A_878] {strides = array<i32>} : memref<32x128xf32, #tpu.memory_space<vmem>>, vector<1x16xf32>,
    %swap3A_880 = vector.shape_cast %swap3A_879 : vector<1x16xf32> to vector<16xf32>
    %swap3A_881 = vector.shape_cast %broadcast_in_dim3A_0 : vector<16xf32> to vector<1x16xf32>
    tpu.vector_store %arg13[%swap3A_877, %swap3A_878], %swap3A_881 {strides = array<i32>} : memref<32x128xf32, #tpu.memory_space<vmem>>, vector<1x16xf32>,
    %swap3A_882 = arith.constant 18 : i32
    %swap3A_883 = arith.index_cast %swap3A_882 : i32 to index
    %swap3A_884 = arith.constant 48 : index
    %swap3A_885 = tpu.vector_load %arg13[%swap3A_883, %swap3A_884] {strides = array<i32>} : memref<32x128xf32, #tpu.memory_space<vmem>>, vector<1x16xf32>,
    %swap3A_886 = vector.shape_cast %swap3A_885 : vector<1x16xf32> to vector<16xf32>
    %swap3A_887 = vector.shape_cast %broadcast_in_dim3A_0 : vector<16xf32> to vector<1x16xf32>
    tpu.vector_store %arg13[%swap3A_883, %swap3A_884], %swap3A_887 {strides = array<i32>} : memref<32x128xf32, #tpu.memory_space<vmem>>, vector<1x16xf32>,
    %swap3A_888 = arith.constant 18 : i32
    %swap3A_889 = arith.index_cast %swap3A_888 : i32 to index
    %swap3A_890 = arith.constant 64 : index
    %swap3A_891 = tpu.vector_load %arg13[%swap3A_889, %swap3A_890] {strides = array<i32>} : memref<32x128xf32, #tpu.memory_space<vmem>>, vector<1x16xf32>,
    %swap3A_892 = vector.shape_cast %swap3A_891 : vector<1x16xf32> to vector<16xf32>
    %swap3A_893 = vector.shape_cast %broadcast_in_dim3A_0 : vector<16xf32> to vector<1x16xf32>
    tpu.vector_store %arg13[%swap3A_889, %swap3A_890], %swap3A_893 {strides = array<i32>} : memref<32x128xf32, #tpu.memory_space<vmem>>, vector<1x16xf32>,
    %swap3A_894 = arith.constant 18 : i32
    %swap3A_895 = arith.index_cast %swap3A_894 : i32 to index
    %swap3A_896 = arith.constant 80 : index
    %swap3A_897 = tpu.vector_load %arg13[%swap3A_895, %swap3A_896] {strides = array<i32>} : memref<32x128xf32, #tpu.memory_space<vmem>>, vector<1x16xf32>,
    %swap3A_898 = vector.shape_cast %swap3A_897 : vector<1x16xf32> to vector<16xf32>
    %swap3A_899 = vector.shape_cast %broadcast_in_dim3A_0 : vector<16xf32> to vector<1x16xf32>
    tpu.vector_store %arg13[%swap3A_895, %swap3A_896], %swap3A_899 {strides = array<i32>} : memref<32x128xf32, #tpu.memory_space<vmem>>, vector<1x16xf32>,
    %swap3A_900 = arith.constant 18 : i32
    %swap3A_901 = arith.index_cast %swap3A_900 : i32 to index
    %swap3A_902 = arith.constant 96 : index
    %swap3A_903 = tpu.vector_load %arg13[%swap3A_901, %swap3A_902] {strides = array<i32>} : memref<32x128xf32, #tpu.memory_space<vmem>>, vector<1x16xf32>,
    %swap3A_904 = vector.shape_cast %swap3A_903 : vector<1x16xf32> to vector<16xf32>
    %swap3A_905 = vector.shape_cast %broadcast_in_dim3A_0 : vector<16xf32> to vector<1x16xf32>
    tpu.vector_store %arg13[%swap3A_901, %swap3A_902], %swap3A_905 {strides = array<i32>} : memref<32x128xf32, #tpu.memory_space<vmem>>, vector<1x16xf32>,
    %swap3A_906 = arith.constant 18 : i32
    %swap3A_907 = arith.index_cast %swap3A_906 : i32 to index
    %swap3A_908 = arith.constant 112 : index
    %swap3A_909 = tpu.vector_load %arg13[%swap3A_907, %swap3A_908] {strides = array<i32>} : memref<32x128xf32, #tpu.memory_space<vmem>>, vector<1x16xf32>,
    %swap3A_910 = vector.shape_cast %swap3A_909 : vector<1x16xf32> to vector<16xf32>
    %swap3A_911 = vector.shape_cast %broadcast_in_dim3A_0 : vector<16xf32> to vector<1x16xf32>
    tpu.vector_store %arg13[%swap3A_907, %swap3A_908], %swap3A_911 {strides = array<i32>} : memref<32x128xf32, #tpu.memory_space<vmem>>, vector<1x16xf32>,
    %swap3A_912 = arith.constant 19 : i32
    %swap3A_913 = arith.index_cast %swap3A_912 : i32 to index
    %swap3A_914 = arith.constant 0 : index
    %swap3A_915 = tpu.vector_load %arg13[%swap3A_913, %swap3A_914] {strides = array<i32>} : memref<32x128xf32, #tpu.memory_space<vmem>>, vector<1x16xf32>,
    %swap3A_916 = vector.shape_cast %swap3A_915 : vector<1x16xf32> to vector<16xf32>
    %swap3A_917 = vector.shape_cast %broadcast_in_dim3A_0 : vector<16xf32> to vector<1x16xf32>
    tpu.vector_store %arg13[%swap3A_913, %swap3A_914], %swap3A_917 {strides = array<i32>} : memref<32x128xf32, #tpu.memory_space<vmem>>, vector<1x16xf32>,
    %swap3A_918 = arith.constant 19 : i32
    %swap3A_919 = arith.index_cast %swap3A_918 : i32 to index
    %swap3A_920 = arith.constant 16 : index
    %swap3A_921 = tpu.vector_load %arg13[%swap3A_919, %swap3A_920] {strides = array<i32>} : memref<32x128xf32, #tpu.memory_space<vmem>>, vector<1x16xf32>,
    %swap3A_922 = vector.shape_cast %swap3A_921 : vector<1x16xf32> to vector<16xf32>
    %swap3A_923 = vector.shape_cast %broadcast_in_dim3A_0 : vector<16xf32> to vector<1x16xf32>
    tpu.vector_store %arg13[%swap3A_919, %swap3A_920], %swap3A_923 {strides = array<i32>} : memref<32x128xf32, #tpu.memory_space<vmem>>, vector<1x16xf32>,
    %swap3A_924 = arith.constant 19 : i32
    %swap3A_925 = arith.index_cast %swap3A_924 : i32 to index
    %swap3A_926 = arith.constant 32 : index
    %swap3A_927 = tpu.vector_load %arg13[%swap3A_925, %swap3A_926] {strides = array<i32>} : memref<32x128xf32, #tpu.memory_space<vmem>>, vector<1x16xf32>,
    %swap3A_928 = vector.shape_cast %swap3A_927 : vector<1x16xf32> to vector<16xf32>
    %swap3A_929 = vector.shape_cast %broadcast_in_dim3A_0 : vector<16xf32> to vector<1x16xf32>
    tpu.vector_store %arg13[%swap3A_925, %swap3A_926], %swap3A_929 {strides = array<i32>} : memref<32x128xf32, #tpu.memory_space<vmem>>, vector<1x16xf32>,
    %swap3A_930 = arith.constant 19 : i32
    %swap3A_931 = arith.index_cast %swap3A_930 : i32 to index
    %swap3A_932 = arith.constant 48 : index
    %swap3A_933 = tpu.vector_load %arg13[%swap3A_931, %swap3A_932] {strides = array<i32>} : memref<32x128xf32, #tpu.memory_space<vmem>>, vector<1x16xf32>,
    %swap3A_934 = vector.shape_cast %swap3A_933 : vector<1x16xf32> to vector<16xf32>
    %swap3A_935 = vector.shape_cast %broadcast_in_dim3A_0 : vector<16xf32> to vector<1x16xf32>
    tpu.vector_store %arg13[%swap3A_931, %swap3A_932], %swap3A_935 {strides = array<i32>} : memref<32x128xf32, #tpu.memory_space<vmem>>, vector<1x16xf32>,
    %swap3A_936 = arith.constant 19 : i32
    %swap3A_937 = arith.index_cast %swap3A_936 : i32 to index
    %swap3A_938 = arith.constant 64 : index
    %swap3A_939 = tpu.vector_load %arg13[%swap3A_937, %swap3A_938] {strides = array<i32>} : memref<32x128xf32, #tpu.memory_space<vmem>>, vector<1x16xf32>,
    %swap3A_940 = vector.shape_cast %swap3A_939 : vector<1x16xf32> to vector<16xf32>
    %swap3A_941 = vector.shape_cast %broadcast_in_dim3A_0 : vector<16xf32> to vector<1x16xf32>
    tpu.vector_store %arg13[%swap3A_937, %swap3A_938], %swap3A_941 {strides = array<i32>} : memref<32x128xf32, #tpu.memory_space<vmem>>, vector<1x16xf32>,
    %swap3A_942 = arith.constant 19 : i32
    %swap3A_943 = arith.index_cast %swap3A_942 : i32 to index
    %swap3A_944 = arith.constant 80 : index
    %swap3A_945 = tpu.vector_load %arg13[%swap3A_943, %swap3A_944] {strides = array<i32>} : memref<32x128xf32, #tpu.memory_space<vmem>>, vector<1x16xf32>,
    %swap3A_946 = vector.shape_cast %swap3A_945 : vector<1x16xf32> to vector<16xf32>
    %swap3A_947 = vector.shape_cast %broadcast_in_dim3A_0 : vector<16xf32> to vector<1x16xf32>
    tpu.vector_store %arg13[%swap3A_943, %swap3A_944], %swap3A_947 {strides = array<i32>} : memref<32x128xf32, #tpu.memory_space<vmem>>, vector<1x16xf32>,
    %swap3A_948 = arith.constant 19 : i32
    %swap3A_949 = arith.index_cast %swap3A_948 : i32 to index
    %swap3A_950 = arith.constant 96 : index
    %swap3A_951 = tpu.vector_load %arg13[%swap3A_949, %swap3A_950] {strides = array<i32>} : memref<32x128xf32, #tpu.memory_space<vmem>>, vector<1x16xf32>,
    %swap3A_952 = vector.shape_cast %swap3A_951 : vector<1x16xf32> to vector<16xf32>
    %swap3A_953 = vector.shape_cast %broadcast_in_dim3A_0 : vector<16xf32> to vector<1x16xf32>
    tpu.vector_store %arg13[%swap3A_949, %swap3A_950], %swap3A_953 {strides = array<i32>} : memref<32x128xf32, #tpu.memory_space<vmem>>, vector<1x16xf32>,
    %swap3A_954 = arith.constant 19 : i32
    %swap3A_955 = arith.index_cast %swap3A_954 : i32 to index
    %swap3A_956 = arith.constant 112 : index
    %swap3A_957 = tpu.vector_load %arg13[%swap3A_955, %swap3A_956] {strides = array<i32>} : memref<32x128xf32, #tpu.memory_space<vmem>>, vector<1x16xf32>,
    %swap3A_958 = vector.shape_cast %swap3A_957 : vector<1x16xf32> to vector<16xf32>
    %swap3A_959 = vector.shape_cast %broadcast_in_dim3A_0 : vector<16xf32> to vector<1x16xf32>
    tpu.vector_store %arg13[%swap3A_955, %swap3A_956], %swap3A_959 {strides = array<i32>} : memref<32x128xf32, #tpu.memory_space<vmem>>, vector<1x16xf32>,
    %swap3A_960 = arith.constant 20 : i32
    %swap3A_961 = arith.index_cast %swap3A_960 : i32 to index
    %swap3A_962 = arith.constant 0 : index
    %swap3A_963 = tpu.vector_load %arg13[%swap3A_961, %swap3A_962] {strides = array<i32>} : memref<32x128xf32, #tpu.memory_space<vmem>>, vector<1x16xf32>,
    %swap3A_964 = vector.shape_cast %swap3A_963 : vector<1x16xf32> to vector<16xf32>
    %swap3A_965 = vector.shape_cast %broadcast_in_dim3A_0 : vector<16xf32> to vector<1x16xf32>
    tpu.vector_store %arg13[%swap3A_961, %swap3A_962], %swap3A_965 {strides = array<i32>} : memref<32x128xf32, #tpu.memory_space<vmem>>, vector<1x16xf32>,
    %swap3A_966 = arith.constant 20 : i32
    %swap3A_967 = arith.index_cast %swap3A_966 : i32 to index
    %swap3A_968 = arith.constant 16 : index
    %swap3A_969 = tpu.vector_load %arg13[%swap3A_967, %swap3A_968] {strides = array<i32>} : memref<32x128xf32, #tpu.memory_space<vmem>>, vector<1x16xf32>,
    %swap3A_970 = vector.shape_cast %swap3A_969 : vector<1x16xf32> to vector<16xf32>
    %swap3A_971 = vector.shape_cast %broadcast_in_dim3A_0 : vector<16xf32> to vector<1x16xf32>
    tpu.vector_store %arg13[%swap3A_967, %swap3A_968], %swap3A_971 {strides = array<i32>} : memref<32x128xf32, #tpu.memory_space<vmem>>, vector<1x16xf32>,
    %swap3A_972 = arith.constant 20 : i32
    %swap3A_973 = arith.index_cast %swap3A_972 : i32 to index
    %swap3A_974 = arith.constant 32 : index
    %swap3A_975 = tpu.vector_load %arg13[%swap3A_973, %swap3A_974] {strides = array<i32>} : memref<32x128xf32, #tpu.memory_space<vmem>>, vector<1x16xf32>,
    %swap3A_976 = vector.shape_cast %swap3A_975 : vector<1x16xf32> to vector<16xf32>
    %swap3A_977 = vector.shape_cast %broadcast_in_dim3A_0 : vector<16xf32> to vector<1x16xf32>
    tpu.vector_store %arg13[%swap3A_973, %swap3A_974], %swap3A_977 {strides = array<i32>} : memref<32x128xf32, #tpu.memory_space<vmem>>, vector<1x16xf32>,
    %swap3A_978 = arith.constant 20 : i32
    %swap3A_979 = arith.index_cast %swap3A_978 : i32 to index
    %swap3A_980 = arith.constant 48 : index
    %swap3A_981 = tpu.vector_load %arg13[%swap3A_979, %swap3A_980] {strides = array<i32>} : memref<32x128xf32, #tpu.memory_space<vmem>>, vector<1x16xf32>,
    %swap3A_982 = vector.shape_cast %swap3A_981 : vector<1x16xf32> to vector<16xf32>
    %swap3A_983 = vector.shape_cast %broadcast_in_dim3A_0 : vector<16xf32> to vector<1x16xf32>
    tpu.vector_store %arg13[%swap3A_979, %swap3A_980], %swap3A_983 {strides = array<i32>} : memref<32x128xf32, #tpu.memory_space<vmem>>, vector<1x16xf32>,
    %swap3A_984 = arith.constant 20 : i32
    %swap3A_985 = arith.index_cast %swap3A_984 : i32 to index
    %swap3A_986 = arith.constant 64 : index
    %swap3A_987 = tpu.vector_load %arg13[%swap3A_985, %swap3A_986] {strides = array<i32>} : memref<32x128xf32, #tpu.memory_space<vmem>>, vector<1x16xf32>,
    %swap3A_988 = vector.shape_cast %swap3A_987 : vector<1x16xf32> to vector<16xf32>
    %swap3A_989 = vector.shape_cast %broadcast_in_dim3A_0 : vector<16xf32> to vector<1x16xf32>
    tpu.vector_store %arg13[%swap3A_985, %swap3A_986], %swap3A_989 {strides = array<i32>} : memref<32x128xf32, #tpu.memory_space<vmem>>, vector<1x16xf32>,
    %swap3A_990 = arith.constant 20 : i32
    %swap3A_991 = arith.index_cast %swap3A_990 : i32 to index
    %swap3A_992 = arith.constant 80 : index
    %swap3A_993 = tpu.vector_load %arg13[%swap3A_991, %swap3A_992] {strides = array<i32>} : memref<32x128xf32, #tpu.memory_space<vmem>>, vector<1x16xf32>,
    %swap3A_994 = vector.shape_cast %swap3A_993 : vector<1x16xf32> to vector<16xf32>
    %swap3A_995 = vector.shape_cast %broadcast_in_dim3A_0 : vector<16xf32> to vector<1x16xf32>
    tpu.vector_store %arg13[%swap3A_991, %swap3A_992], %swap3A_995 {strides = array<i32>} : memref<32x128xf32, #tpu.memory_space<vmem>>, vector<1x16xf32>,
    %swap3A_996 = arith.constant 20 : i32
    %swap3A_997 = arith.index_cast %swap3A_996 : i32 to index
    %swap3A_998 = arith.constant 96 : index
    %swap3A_999 = tpu.vector_load %arg13[%swap3A_997, %swap3A_998] {strides = array<i32>} : memref<32x128xf32, #tpu.memory_space<vmem>>, vector<1x16xf32>,
    %swap3A_1000 = vector.shape_cast %swap3A_999 : vector<1x16xf32> to vector<16xf32>
    %swap3A_1001 = vector.shape_cast %broadcast_in_dim3A_0 : vector<16xf32> to vector<1x16xf32>
    tpu.vector_store %arg13[%swap3A_997, %swap3A_998], %swap3A_1001 {strides = array<i32>} : memref<32x128xf32, #tpu.memory_space<vmem>>, vector<1x16xf32>,
    %swap3A_1002 = arith.constant 20 : i32
    %swap3A_1003 = arith.index_cast %swap3A_1002 : i32 to index
    %swap3A_1004 = arith.constant 112 : index
    %swap3A_1005 = tpu.vector_load %arg13[%swap3A_1003, %swap3A_1004] {strides = array<i32>} : memref<32x128xf32, #tpu.memory_space<vmem>>, vector<1x16xf32>,
    %swap3A_1006 = vector.shape_cast %swap3A_1005 : vector<1x16xf32> to vector<16xf32>
    %swap3A_1007 = vector.shape_cast %broadcast_in_dim3A_0 : vector<16xf32> to vector<1x16xf32>
    tpu.vector_store %arg13[%swap3A_1003, %swap3A_1004], %swap3A_1007 {strides = array<i32>} : memref<32x128xf32, #tpu.memory_space<vmem>>, vector<1x16xf32>,
    %swap3A_1008 = arith.constant 21 : i32
    %swap3A_1009 = arith.index_cast %swap3A_1008 : i32 to index
    %swap3A_1010 = arith.constant 0 : index
    %swap3A_1011 = tpu.vector_load %arg13[%swap3A_1009, %swap3A_1010] {strides = array<i32>} : memref<32x128xf32, #tpu.memory_space<vmem>>, vector<1x16xf32>,
    %swap3A_1012 = vector.shape_cast %swap3A_1011 : vector<1x16xf32> to vector<16xf32>
    %swap3A_1013 = vector.shape_cast %broadcast_in_dim3A_0 : vector<16xf32> to vector<1x16xf32>
    tpu.vector_store %arg13[%swap3A_1009, %swap3A_1010], %swap3A_1013 {strides = array<i32>} : memref<32x128xf32, #tpu.memory_space<vmem>>, vector<1x16xf32>,
    %swap3A_1014 = arith.constant 21 : i32
    %swap3A_1015 = arith.index_cast %swap3A_1014 : i32 to index
    %swap3A_1016 = arith.constant 16 : index
    %swap3A_1017 = tpu.vector_load %arg13[%swap3A_1015, %swap3A_1016] {strides = array<i32>} : memref<32x128xf32, #tpu.memory_space<vmem>>, vector<1x16xf32>,
    %swap3A_1018 = vector.shape_cast %swap3A_1017 : vector<1x16xf32> to vector<16xf32>
    %swap3A_1019 = vector.shape_cast %broadcast_in_dim3A_0 : vector<16xf32> to vector<1x16xf32>
    tpu.vector_store %arg13[%swap3A_1015, %swap3A_1016], %swap3A_1019 {strides = array<i32>} : memref<32x128xf32, #tpu.memory_space<vmem>>, vector<1x16xf32>,
    %swap3A_1020 = arith.constant 21 : i32
    %swap3A_1021 = arith.index_cast %swap3A_1020 : i32 to index
    %swap3A_1022 = arith.constant 32 : index
    %swap3A_1023 = tpu.vector_load %arg13[%swap3A_1021, %swap3A_1022] {strides = array<i32>} : memref<32x128xf32, #tpu.memory_space<vmem>>, vector<1x16xf32>,
    %swap3A_1024 = vector.shape_cast %swap3A_1023 : vector<1x16xf32> to vector<16xf32>
    %swap3A_1025 = vector.shape_cast %broadcast_in_dim3A_0 : vector<16xf32> to vector<1x16xf32>
    tpu.vector_store %arg13[%swap3A_1021, %swap3A_1022], %swap3A_1025 {strides = array<i32>} : memref<32x128xf32, #tpu.memory_space<vmem>>, vector<1x16xf32>,
    %swap3A_1026 = arith.constant 21 : i32
    %swap3A_1027 = arith.index_cast %swap3A_1026 : i32 to index
    %swap3A_1028 = arith.constant 48 : index
    %swap3A_1029 = tpu.vector_load %arg13[%swap3A_1027, %swap3A_1028] {strides = array<i32>} : memref<32x128xf32, #tpu.memory_space<vmem>>, vector<1x16xf32>,
    %swap3A_1030 = vector.shape_cast %swap3A_1029 : vector<1x16xf32> to vector<16xf32>
    %swap3A_1031 = vector.shape_cast %broadcast_in_dim3A_0 : vector<16xf32> to vector<1x16xf32>
    tpu.vector_store %arg13[%swap3A_1027, %swap3A_1028], %swap3A_1031 {strides = array<i32>} : memref<32x128xf32, #tpu.memory_space<vmem>>, vector<1x16xf32>,
    %swap3A_1032 = arith.constant 21 : i32
    %swap3A_1033 = arith.index_cast %swap3A_1032 : i32 to index
    %swap3A_1034 = arith.constant 64 : index
    %swap3A_1035 = tpu.vector_load %arg13[%swap3A_1033, %swap3A_1034] {strides = array<i32>} : memref<32x128xf32, #tpu.memory_space<vmem>>, vector<1x16xf32>,
    %swap3A_1036 = vector.shape_cast %swap3A_1035 : vector<1x16xf32> to vector<16xf32>
    %swap3A_1037 = vector.shape_cast %broadcast_in_dim3A_0 : vector<16xf32> to vector<1x16xf32>
    tpu.vector_store %arg13[%swap3A_1033, %swap3A_1034], %swap3A_1037 {strides = array<i32>} : memref<32x128xf32, #tpu.memory_space<vmem>>, vector<1x16xf32>,
    %swap3A_1038 = arith.constant 21 : i32
    %swap3A_1039 = arith.index_cast %swap3A_1038 : i32 to index
    %swap3A_1040 = arith.constant 80 : index
    %swap3A_1041 = tpu.vector_load %arg13[%swap3A_1039, %swap3A_1040] {strides = array<i32>} : memref<32x128xf32, #tpu.memory_space<vmem>>, vector<1x16xf32>,
    %swap3A_1042 = vector.shape_cast %swap3A_1041 : vector<1x16xf32> to vector<16xf32>
    %swap3A_1043 = vector.shape_cast %broadcast_in_dim3A_0 : vector<16xf32> to vector<1x16xf32>
    tpu.vector_store %arg13[%swap3A_1039, %swap3A_1040], %swap3A_1043 {strides = array<i32>} : memref<32x128xf32, #tpu.memory_space<vmem>>, vector<1x16xf32>,
    %swap3A_1044 = arith.constant 21 : i32
    %swap3A_1045 = arith.index_cast %swap3A_1044 : i32 to index
    %swap3A_1046 = arith.constant 96 : index
    %swap3A_1047 = tpu.vector_load %arg13[%swap3A_1045, %swap3A_1046] {strides = array<i32>} : memref<32x128xf32, #tpu.memory_space<vmem>>, vector<1x16xf32>,
    %swap3A_1048 = vector.shape_cast %swap3A_1047 : vector<1x16xf32> to vector<16xf32>
    %swap3A_1049 = vector.shape_cast %broadcast_in_dim3A_0 : vector<16xf32> to vector<1x16xf32>
    tpu.vector_store %arg13[%swap3A_1045, %swap3A_1046], %swap3A_1049 {strides = array<i32>} : memref<32x128xf32, #tpu.memory_space<vmem>>, vector<1x16xf32>,
    %swap3A_1050 = arith.constant 21 : i32
    %swap3A_1051 = arith.index_cast %swap3A_1050 : i32 to index
    %swap3A_1052 = arith.constant 112 : index
    %swap3A_1053 = tpu.vector_load %arg13[%swap3A_1051, %swap3A_1052] {strides = array<i32>} : memref<32x128xf32, #tpu.memory_space<vmem>>, vector<1x16xf32>,
    %swap3A_1054 = vector.shape_cast %swap3A_1053 : vector<1x16xf32> to vector<16xf32>
    %swap3A_1055 = vector.shape_cast %broadcast_in_dim3A_0 : vector<16xf32> to vector<1x16xf32>
    tpu.vector_store %arg13[%swap3A_1051, %swap3A_1052], %swap3A_1055 {strides = array<i32>} : memref<32x128xf32, #tpu.memory_space<vmem>>, vector<1x16xf32>,
    %swap3A_1056 = arith.constant 22 : i32
    %swap3A_1057 = arith.index_cast %swap3A_1056 : i32 to index
    %swap3A_1058 = arith.constant 0 : index
    %swap3A_1059 = tpu.vector_load %arg13[%swap3A_1057, %swap3A_1058] {strides = array<i32>} : memref<32x128xf32, #tpu.memory_space<vmem>>, vector<1x16xf32>,
    %swap3A_1060 = vector.shape_cast %swap3A_1059 : vector<1x16xf32> to vector<16xf32>
    %swap3A_1061 = vector.shape_cast %broadcast_in_dim3A_0 : vector<16xf32> to vector<1x16xf32>
    tpu.vector_store %arg13[%swap3A_1057, %swap3A_1058], %swap3A_1061 {strides = array<i32>} : memref<32x128xf32, #tpu.memory_space<vmem>>, vector<1x16xf32>,
    %swap3A_1062 = arith.constant 22 : i32
    %swap3A_1063 = arith.index_cast %swap3A_1062 : i32 to index
    %swap3A_1064 = arith.constant 16 : index
    %swap3A_1065 = tpu.vector_load %arg13[%swap3A_1063, %swap3A_1064] {strides = array<i32>} : memref<32x128xf32, #tpu.memory_space<vmem>>, vector<1x16xf32>,
    %swap3A_1066 = vector.shape_cast %swap3A_1065 : vector<1x16xf32> to vector<16xf32>
    %swap3A_1067 = vector.shape_cast %broadcast_in_dim3A_0 : vector<16xf32> to vector<1x16xf32>
    tpu.vector_store %arg13[%swap3A_1063, %swap3A_1064], %swap3A_1067 {strides = array<i32>} : memref<32x128xf32, #tpu.memory_space<vmem>>, vector<1x16xf32>,
    %swap3A_1068 = arith.constant 22 : i32
    %swap3A_1069 = arith.index_cast %swap3A_1068 : i32 to index
    %swap3A_1070 = arith.constant 32 : index
    %swap3A_1071 = tpu.vector_load %arg13[%swap3A_1069, %swap3A_1070] {strides = array<i32>} : memref<32x128xf32, #tpu.memory_space<vmem>>, vector<1x16xf32>,
    %swap3A_1072 = vector.shape_cast %swap3A_1071 : vector<1x16xf32> to vector<16xf32>
    %swap3A_1073 = vector.shape_cast %broadcast_in_dim3A_0 : vector<16xf32> to vector<1x16xf32>
    tpu.vector_store %arg13[%swap3A_1069, %swap3A_1070], %swap3A_1073 {strides = array<i32>} : memref<32x128xf32, #tpu.memory_space<vmem>>, vector<1x16xf32>,
    %swap3A_1074 = arith.constant 22 : i32
    %swap3A_1075 = arith.index_cast %swap3A_1074 : i32 to index
    %swap3A_1076 = arith.constant 48 : index
    %swap3A_1077 = tpu.vector_load %arg13[%swap3A_1075, %swap3A_1076] {strides = array<i32>} : memref<32x128xf32, #tpu.memory_space<vmem>>, vector<1x16xf32>,
    %swap3A_1078 = vector.shape_cast %swap3A_1077 : vector<1x16xf32> to vector<16xf32>
    %swap3A_1079 = vector.shape_cast %broadcast_in_dim3A_0 : vector<16xf32> to vector<1x16xf32>
    tpu.vector_store %arg13[%swap3A_1075, %swap3A_1076], %swap3A_1079 {strides = array<i32>} : memref<32x128xf32, #tpu.memory_space<vmem>>, vector<1x16xf32>,
    %swap3A_1080 = arith.constant 22 : i32
    %swap3A_1081 = arith.index_cast %swap3A_1080 : i32 to index
    %swap3A_1082 = arith.constant 64 : index
    %swap3A_1083 = tpu.vector_load %arg13[%swap3A_1081, %swap3A_1082] {strides = array<i32>} : memref<32x128xf32, #tpu.memory_space<vmem>>, vector<1x16xf32>,
    %swap3A_1084 = vector.shape_cast %swap3A_1083 : vector<1x16xf32> to vector<16xf32>
    %swap3A_1085 = vector.shape_cast %broadcast_in_dim3A_0 : vector<16xf32> to vector<1x16xf32>
    tpu.vector_store %arg13[%swap3A_1081, %swap3A_1082], %swap3A_1085 {strides = array<i32>} : memref<32x128xf32, #tpu.memory_space<vmem>>, vector<1x16xf32>,
    %swap3A_1086 = arith.constant 22 : i32
    %swap3A_1087 = arith.index_cast %swap3A_1086 : i32 to index
    %swap3A_1088 = arith.constant 80 : index
    %swap3A_1089 = tpu.vector_load %arg13[%swap3A_1087, %swap3A_1088] {strides = array<i32>} : memref<32x128xf32, #tpu.memory_space<vmem>>, vector<1x16xf32>,
    %swap3A_1090 = vector.shape_cast %swap3A_1089 : vector<1x16xf32> to vector<16xf32>
    %swap3A_1091 = vector.shape_cast %broadcast_in_dim3A_0 : vector<16xf32> to vector<1x16xf32>
    tpu.vector_store %arg13[%swap3A_1087, %swap3A_1088], %swap3A_1091 {strides = array<i32>} : memref<32x128xf32, #tpu.memory_space<vmem>>, vector<1x16xf32>,
    %swap3A_1092 = arith.constant 22 : i32
    %swap3A_1093 = arith.index_cast %swap3A_1092 : i32 to index
    %swap3A_1094 = arith.constant 96 : index
    %swap3A_1095 = tpu.vector_load %arg13[%swap3A_1093, %swap3A_1094] {strides = array<i32>} : memref<32x128xf32, #tpu.memory_space<vmem>>, vector<1x16xf32>,
    %swap3A_1096 = vector.shape_cast %swap3A_1095 : vector<1x16xf32> to vector<16xf32>
    %swap3A_1097 = vector.shape_cast %broadcast_in_dim3A_0 : vector<16xf32> to vector<1x16xf32>
    tpu.vector_store %arg13[%swap3A_1093, %swap3A_1094], %swap3A_1097 {strides = array<i32>} : memref<32x128xf32, #tpu.memory_space<vmem>>, vector<1x16xf32>,
    %swap3A_1098 = arith.constant 22 : i32
    %swap3A_1099 = arith.index_cast %swap3A_1098 : i32 to index
    %swap3A_1100 = arith.constant 112 : index
    %swap3A_1101 = tpu.vector_load %arg13[%swap3A_1099, %swap3A_1100] {strides = array<i32>} : memref<32x128xf32, #tpu.memory_space<vmem>>, vector<1x16xf32>,
    %swap3A_1102 = vector.shape_cast %swap3A_1101 : vector<1x16xf32> to vector<16xf32>
    %swap3A_1103 = vector.shape_cast %broadcast_in_dim3A_0 : vector<16xf32> to vector<1x16xf32>
    tpu.vector_store %arg13[%swap3A_1099, %swap3A_1100], %swap3A_1103 {strides = array<i32>} : memref<32x128xf32, #tpu.memory_space<vmem>>, vector<1x16xf32>,
    %swap3A_1104 = arith.constant 23 : i32
    %swap3A_1105 = arith.index_cast %swap3A_1104 : i32 to index
    %swap3A_1106 = arith.constant 0 : index
    %swap3A_1107 = tpu.vector_load %arg13[%swap3A_1105, %swap3A_1106] {strides = array<i32>} : memref<32x128xf32, #tpu.memory_space<vmem>>, vector<1x16xf32>,
    %swap3A_1108 = vector.shape_cast %swap3A_1107 : vector<1x16xf32> to vector<16xf32>
    %swap3A_1109 = vector.shape_cast %broadcast_in_dim3A_0 : vector<16xf32> to vector<1x16xf32>
    tpu.vector_store %arg13[%swap3A_1105, %swap3A_1106], %swap3A_1109 {strides = array<i32>} : memref<32x128xf32, #tpu.memory_space<vmem>>, vector<1x16xf32>,
    %swap3A_1110 = arith.constant 23 : i32
    %swap3A_1111 = arith.index_cast %swap3A_1110 : i32 to index
    %swap3A_1112 = arith.constant 16 : index
    %swap3A_1113 = tpu.vector_load %arg13[%swap3A_1111, %swap3A_1112] {strides = array<i32>} : memref<32x128xf32, #tpu.memory_space<vmem>>, vector<1x16xf32>,
    %swap3A_1114 = vector.shape_cast %swap3A_1113 : vector<1x16xf32> to vector<16xf32>
    %swap3A_1115 = vector.shape_cast %broadcast_in_dim3A_0 : vector<16xf32> to vector<1x16xf32>
    tpu.vector_store %arg13[%swap3A_1111, %swap3A_1112], %swap3A_1115 {strides = array<i32>} : memref<32x128xf32, #tpu.memory_space<vmem>>, vector<1x16xf32>,
    %swap3A_1116 = arith.constant 23 : i32
    %swap3A_1117 = arith.index_cast %swap3A_1116 : i32 to index
    %swap3A_1118 = arith.constant 32 : index
    %swap3A_1119 = tpu.vector_load %arg13[%swap3A_1117, %swap3A_1118] {strides = array<i32>} : memref<32x128xf32, #tpu.memory_space<vmem>>, vector<1x16xf32>,
    %swap3A_1120 = vector.shape_cast %swap3A_1119 : vector<1x16xf32> to vector<16xf32>
    %swap3A_1121 = vector.shape_cast %broadcast_in_dim3A_0 : vector<16xf32> to vector<1x16xf32>
    tpu.vector_store %arg13[%swap3A_1117, %swap3A_1118], %swap3A_1121 {strides = array<i32>} : memref<32x128xf32, #tpu.memory_space<vmem>>, vector<1x16xf32>,
    %swap3A_1122 = arith.constant 23 : i32
    %swap3A_1123 = arith.index_cast %swap3A_1122 : i32 to index
    %swap3A_1124 = arith.constant 48 : index
    %swap3A_1125 = tpu.vector_load %arg13[%swap3A_1123, %swap3A_1124] {strides = array<i32>} : memref<32x128xf32, #tpu.memory_space<vmem>>, vector<1x16xf32>,
    %swap3A_1126 = vector.shape_cast %swap3A_1125 : vector<1x16xf32> to vector<16xf32>
    %swap3A_1127 = vector.shape_cast %broadcast_in_dim3A_0 : vector<16xf32> to vector<1x16xf32>
    tpu.vector_store %arg13[%swap3A_1123, %swap3A_1124], %swap3A_1127 {strides = array<i32>} : memref<32x128xf32, #tpu.memory_space<vmem>>, vector<1x16xf32>,
    %swap3A_1128 = arith.constant 23 : i32
    %swap3A_1129 = arith.index_cast %swap3A_1128 : i32 to index
    %swap3A_1130 = arith.constant 64 : index
    %swap3A_1131 = tpu.vector_load %arg13[%swap3A_1129, %swap3A_1130] {strides = array<i32>} : memref<32x128xf32, #tpu.memory_space<vmem>>, vector<1x16xf32>,
    %swap3A_1132 = vector.shape_cast %swap3A_1131 : vector<1x16xf32> to vector<16xf32>
    %swap3A_1133 = vector.shape_cast %broadcast_in_dim3A_0 : vector<16xf32> to vector<1x16xf32>
    tpu.vector_store %arg13[%swap3A_1129, %swap3A_1130], %swap3A_1133 {strides = array<i32>} : memref<32x128xf32, #tpu.memory_space<vmem>>, vector<1x16xf32>,
    %swap3A_1134 = arith.constant 23 : i32
    %swap3A_1135 = arith.index_cast %swap3A_1134 : i32 to index
    %swap3A_1136 = arith.constant 80 : index
    %swap3A_1137 = tpu.vector_load %arg13[%swap3A_1135, %swap3A_1136] {strides = array<i32>} : memref<32x128xf32, #tpu.memory_space<vmem>>, vector<1x16xf32>,
    %swap3A_1138 = vector.shape_cast %swap3A_1137 : vector<1x16xf32> to vector<16xf32>
    %swap3A_1139 = vector.shape_cast %broadcast_in_dim3A_0 : vector<16xf32> to vector<1x16xf32>
    tpu.vector_store %arg13[%swap3A_1135, %swap3A_1136], %swap3A_1139 {strides = array<i32>} : memref<32x128xf32, #tpu.memory_space<vmem>>, vector<1x16xf32>,
    %swap3A_1140 = arith.constant 23 : i32
    %swap3A_1141 = arith.index_cast %swap3A_1140 : i32 to index
    %swap3A_1142 = arith.constant 96 : index
    %swap3A_1143 = tpu.vector_load %arg13[%swap3A_1141, %swap3A_1142] {strides = array<i32>} : memref<32x128xf32, #tpu.memory_space<vmem>>, vector<1x16xf32>,
    %swap3A_1144 = vector.shape_cast %swap3A_1143 : vector<1x16xf32> to vector<16xf32>
    %swap3A_1145 = vector.shape_cast %broadcast_in_dim3A_0 : vector<16xf32> to vector<1x16xf32>
    tpu.vector_store %arg13[%swap3A_1141, %swap3A_1142], %swap3A_1145 {strides = array<i32>} : memref<32x128xf32, #tpu.memory_space<vmem>>, vector<1x16xf32>,
    %swap3A_1146 = arith.constant 23 : i32
    %swap3A_1147 = arith.index_cast %swap3A_1146 : i32 to index
    %swap3A_1148 = arith.constant 112 : index
    %swap3A_1149 = tpu.vector_load %arg13[%swap3A_1147, %swap3A_1148] {strides = array<i32>} : memref<32x128xf32, #tpu.memory_space<vmem>>, vector<1x16xf32>,
    %swap3A_1150 = vector.shape_cast %swap3A_1149 : vector<1x16xf32> to vector<16xf32>
    %swap3A_1151 = vector.shape_cast %broadcast_in_dim3A_0 : vector<16xf32> to vector<1x16xf32>
    tpu.vector_store %arg13[%swap3A_1147, %swap3A_1148], %swap3A_1151 {strides = array<i32>} : memref<32x128xf32, #tpu.memory_space<vmem>>, vector<1x16xf32>,
    %swap3A_1152 = arith.constant 24 : i32
    %swap3A_1153 = arith.index_cast %swap3A_1152 : i32 to index
    %swap3A_1154 = arith.constant 0 : index
    %swap3A_1155 = tpu.vector_load %arg13[%swap3A_1153, %swap3A_1154] {strides = array<i32>} : memref<32x128xf32, #tpu.memory_space<vmem>>, vector<1x16xf32>,
    %swap3A_1156 = vector.shape_cast %swap3A_1155 : vector<1x16xf32> to vector<16xf32>
    %swap3A_1157 = vector.shape_cast %broadcast_in_dim3A_0 : vector<16xf32> to vector<1x16xf32>
    tpu.vector_store %arg13[%swap3A_1153, %swap3A_1154], %swap3A_1157 {strides = array<i32>} : memref<32x128xf32, #tpu.memory_space<vmem>>, vector<1x16xf32>,
    %swap3A_1158 = arith.constant 24 : i32
    %swap3A_1159 = arith.index_cast %swap3A_1158 : i32 to index
    %swap3A_1160 = arith.constant 16 : index
    %swap3A_1161 = tpu.vector_load %arg13[%swap3A_1159, %swap3A_1160] {strides = array<i32>} : memref<32x128xf32, #tpu.memory_space<vmem>>, vector<1x16xf32>,
    %swap3A_1162 = vector.shape_cast %swap3A_1161 : vector<1x16xf32> to vector<16xf32>
    %swap3A_1163 = vector.shape_cast %broadcast_in_dim3A_0 : vector<16xf32> to vector<1x16xf32>
    tpu.vector_store %arg13[%swap3A_1159, %swap3A_1160], %swap3A_1163 {strides = array<i32>} : memref<32x128xf32, #tpu.memory_space<vmem>>, vector<1x16xf32>,
    %swap3A_1164 = arith.constant 24 : i32
    %swap3A_1165 = arith.index_cast %swap3A_1164 : i32 to index
    %swap3A_1166 = arith.constant 32 : index
    %swap3A_1167 = tpu.vector_load %arg13[%swap3A_1165, %swap3A_1166] {strides = array<i32>} : memref<32x128xf32, #tpu.memory_space<vmem>>, vector<1x16xf32>,
    %swap3A_1168 = vector.shape_cast %swap3A_1167 : vector<1x16xf32> to vector<16xf32>
    %swap3A_1169 = vector.shape_cast %broadcast_in_dim3A_0 : vector<16xf32> to vector<1x16xf32>
    tpu.vector_store %arg13[%swap3A_1165, %swap3A_1166], %swap3A_1169 {strides = array<i32>} : memref<32x128xf32, #tpu.memory_space<vmem>>, vector<1x16xf32>,
    %swap3A_1170 = arith.constant 24 : i32
    %swap3A_1171 = arith.index_cast %swap3A_1170 : i32 to index
    %swap3A_1172 = arith.constant 48 : index
    %swap3A_1173 = tpu.vector_load %arg13[%swap3A_1171, %swap3A_1172] {strides = array<i32>} : memref<32x128xf32, #tpu.memory_space<vmem>>, vector<1x16xf32>,
    %swap3A_1174 = vector.shape_cast %swap3A_1173 : vector<1x16xf32> to vector<16xf32>
    %swap3A_1175 = vector.shape_cast %broadcast_in_dim3A_0 : vector<16xf32> to vector<1x16xf32>
    tpu.vector_store %arg13[%swap3A_1171, %swap3A_1172], %swap3A_1175 {strides = array<i32>} : memref<32x128xf32, #tpu.memory_space<vmem>>, vector<1x16xf32>,
    %swap3A_1176 = arith.constant 24 : i32
    %swap3A_1177 = arith.index_cast %swap3A_1176 : i32 to index
    %swap3A_1178 = arith.constant 64 : index
    %swap3A_1179 = tpu.vector_load %arg13[%swap3A_1177, %swap3A_1178] {strides = array<i32>} : memref<32x128xf32, #tpu.memory_space<vmem>>, vector<1x16xf32>,
    %swap3A_1180 = vector.shape_cast %swap3A_1179 : vector<1x16xf32> to vector<16xf32>
    %swap3A_1181 = vector.shape_cast %broadcast_in_dim3A_0 : vector<16xf32> to vector<1x16xf32>
    tpu.vector_store %arg13[%swap3A_1177, %swap3A_1178], %swap3A_1181 {strides = array<i32>} : memref<32x128xf32, #tpu.memory_space<vmem>>, vector<1x16xf32>,
    %swap3A_1182 = arith.constant 24 : i32
    %swap3A_1183 = arith.index_cast %swap3A_1182 : i32 to index
    %swap3A_1184 = arith.constant 80 : index
    %swap3A_1185 = tpu.vector_load %arg13[%swap3A_1183, %swap3A_1184] {strides = array<i32>} : memref<32x128xf32, #tpu.memory_space<vmem>>, vector<1x16xf32>,
    %swap3A_1186 = vector.shape_cast %swap3A_1185 : vector<1x16xf32> to vector<16xf32>
    %swap3A_1187 = vector.shape_cast %broadcast_in_dim3A_0 : vector<16xf32> to vector<1x16xf32>
    tpu.vector_store %arg13[%swap3A_1183, %swap3A_1184], %swap3A_1187 {strides = array<i32>} : memref<32x128xf32, #tpu.memory_space<vmem>>, vector<1x16xf32>,
    %swap3A_1188 = arith.constant 24 : i32
    %swap3A_1189 = arith.index_cast %swap3A_1188 : i32 to index
    %swap3A_1190 = arith.constant 96 : index
    %swap3A_1191 = tpu.vector_load %arg13[%swap3A_1189, %swap3A_1190] {strides = array<i32>} : memref<32x128xf32, #tpu.memory_space<vmem>>, vector<1x16xf32>,
    %swap3A_1192 = vector.shape_cast %swap3A_1191 : vector<1x16xf32> to vector<16xf32>
    %swap3A_1193 = vector.shape_cast %broadcast_in_dim3A_0 : vector<16xf32> to vector<1x16xf32>
    tpu.vector_store %arg13[%swap3A_1189, %swap3A_1190], %swap3A_1193 {strides = array<i32>} : memref<32x128xf32, #tpu.memory_space<vmem>>, vector<1x16xf32>,
    %swap3A_1194 = arith.constant 24 : i32
    %swap3A_1195 = arith.index_cast %swap3A_1194 : i32 to index
    %swap3A_1196 = arith.constant 112 : index
    %swap3A_1197 = tpu.vector_load %arg13[%swap3A_1195, %swap3A_1196] {strides = array<i32>} : memref<32x128xf32, #tpu.memory_space<vmem>>, vector<1x16xf32>,
    %swap3A_1198 = vector.shape_cast %swap3A_1197 : vector<1x16xf32> to vector<16xf32>
    %swap3A_1199 = vector.shape_cast %broadcast_in_dim3A_0 : vector<16xf32> to vector<1x16xf32>
    tpu.vector_store %arg13[%swap3A_1195, %swap3A_1196], %swap3A_1199 {strides = array<i32>} : memref<32x128xf32, #tpu.memory_space<vmem>>, vector<1x16xf32>,
    %swap3A_1200 = arith.constant 25 : i32
    %swap3A_1201 = arith.index_cast %swap3A_1200 : i32 to index
    %swap3A_1202 = arith.constant 0 : index
    %swap3A_1203 = tpu.vector_load %arg13[%swap3A_1201, %swap3A_1202] {strides = array<i32>} : memref<32x128xf32, #tpu.memory_space<vmem>>, vector<1x16xf32>,
    %swap3A_1204 = vector.shape_cast %swap3A_1203 : vector<1x16xf32> to vector<16xf32>
    %swap3A_1205 = vector.shape_cast %broadcast_in_dim3A_0 : vector<16xf32> to vector<1x16xf32>
    tpu.vector_store %arg13[%swap3A_1201, %swap3A_1202], %swap3A_1205 {strides = array<i32>} : memref<32x128xf32, #tpu.memory_space<vmem>>, vector<1x16xf32>,
    %swap3A_1206 = arith.constant 25 : i32
    %swap3A_1207 = arith.index_cast %swap3A_1206 : i32 to index
    %swap3A_1208 = arith.constant 16 : index
    %swap3A_1209 = tpu.vector_load %arg13[%swap3A_1207, %swap3A_1208] {strides = array<i32>} : memref<32x128xf32, #tpu.memory_space<vmem>>, vector<1x16xf32>,
    %swap3A_1210 = vector.shape_cast %swap3A_1209 : vector<1x16xf32> to vector<16xf32>
    %swap3A_1211 = vector.shape_cast %broadcast_in_dim3A_0 : vector<16xf32> to vector<1x16xf32>
    tpu.vector_store %arg13[%swap3A_1207, %swap3A_1208], %swap3A_1211 {strides = array<i32>} : memref<32x128xf32, #tpu.memory_space<vmem>>, vector<1x16xf32>,
    %swap3A_1212 = arith.constant 25 : i32
    %swap3A_1213 = arith.index_cast %swap3A_1212 : i32 to index
    %swap3A_1214 = arith.constant 32 : index
    %swap3A_1215 = tpu.vector_load %arg13[%swap3A_1213, %swap3A_1214] {strides = array<i32>} : memref<32x128xf32, #tpu.memory_space<vmem>>, vector<1x16xf32>,
    %swap3A_1216 = vector.shape_cast %swap3A_1215 : vector<1x16xf32> to vector<16xf32>
    %swap3A_1217 = vector.shape_cast %broadcast_in_dim3A_0 : vector<16xf32> to vector<1x16xf32>
    tpu.vector_store %arg13[%swap3A_1213, %swap3A_1214], %swap3A_1217 {strides = array<i32>} : memref<32x128xf32, #tpu.memory_space<vmem>>, vector<1x16xf32>,
    %swap3A_1218 = arith.constant 25 : i32
    %swap3A_1219 = arith.index_cast %swap3A_1218 : i32 to index
    %swap3A_1220 = arith.constant 48 : index
    %swap3A_1221 = tpu.vector_load %arg13[%swap3A_1219, %swap3A_1220] {strides = array<i32>} : memref<32x128xf32, #tpu.memory_space<vmem>>, vector<1x16xf32>,
    %swap3A_1222 = vector.shape_cast %swap3A_1221 : vector<1x16xf32> to vector<16xf32>
    %swap3A_1223 = vector.shape_cast %broadcast_in_dim3A_0 : vector<16xf32> to vector<1x16xf32>
    tpu.vector_store %arg13[%swap3A_1219, %swap3A_1220], %swap3A_1223 {strides = array<i32>} : memref<32x128xf32, #tpu.memory_space<vmem>>, vector<1x16xf32>,
    %swap3A_1224 = arith.constant 25 : i32
    %swap3A_1225 = arith.index_cast %swap3A_1224 : i32 to index
    %swap3A_1226 = arith.constant 64 : index
    %swap3A_1227 = tpu.vector_load %arg13[%swap3A_1225, %swap3A_1226] {strides = array<i32>} : memref<32x128xf32, #tpu.memory_space<vmem>>, vector<1x16xf32>,
    %swap3A_1228 = vector.shape_cast %swap3A_1227 : vector<1x16xf32> to vector<16xf32>
    %swap3A_1229 = vector.shape_cast %broadcast_in_dim3A_0 : vector<16xf32> to vector<1x16xf32>
    tpu.vector_store %arg13[%swap3A_1225, %swap3A_1226], %swap3A_1229 {strides = array<i32>} : memref<32x128xf32, #tpu.memory_space<vmem>>, vector<1x16xf32>,
    %swap3A_1230 = arith.constant 25 : i32
    %swap3A_1231 = arith.index_cast %swap3A_1230 : i32 to index
    %swap3A_1232 = arith.constant 80 : index
    %swap3A_1233 = tpu.vector_load %arg13[%swap3A_1231, %swap3A_1232] {strides = array<i32>} : memref<32x128xf32, #tpu.memory_space<vmem>>, vector<1x16xf32>,
    %swap3A_1234 = vector.shape_cast %swap3A_1233 : vector<1x16xf32> to vector<16xf32>
    %swap3A_1235 = vector.shape_cast %broadcast_in_dim3A_0 : vector<16xf32> to vector<1x16xf32>
    tpu.vector_store %arg13[%swap3A_1231, %swap3A_1232], %swap3A_1235 {strides = array<i32>} : memref<32x128xf32, #tpu.memory_space<vmem>>, vector<1x16xf32>,
    %swap3A_1236 = arith.constant 25 : i32
    %swap3A_1237 = arith.index_cast %swap3A_1236 : i32 to index
    %swap3A_1238 = arith.constant 96 : index
    %swap3A_1239 = tpu.vector_load %arg13[%swap3A_1237, %swap3A_1238] {strides = array<i32>} : memref<32x128xf32, #tpu.memory_space<vmem>>, vector<1x16xf32>,
    %swap3A_1240 = vector.shape_cast %swap3A_1239 : vector<1x16xf32> to vector<16xf32>
    %swap3A_1241 = vector.shape_cast %broadcast_in_dim3A_0 : vector<16xf32> to vector<1x16xf32>
    tpu.vector_store %arg13[%swap3A_1237, %swap3A_1238], %swap3A_1241 {strides = array<i32>} : memref<32x128xf32, #tpu.memory_space<vmem>>, vector<1x16xf32>,
    %swap3A_1242 = arith.constant 25 : i32
    %swap3A_1243 = arith.index_cast %swap3A_1242 : i32 to index
    %swap3A_1244 = arith.constant 112 : index
    %swap3A_1245 = tpu.vector_load %arg13[%swap3A_1243, %swap3A_1244] {strides = array<i32>} : memref<32x128xf32, #tpu.memory_space<vmem>>, vector<1x16xf32>,
    %swap3A_1246 = vector.shape_cast %swap3A_1245 : vector<1x16xf32> to vector<16xf32>
    %swap3A_1247 = vector.shape_cast %broadcast_in_dim3A_0 : vector<16xf32> to vector<1x16xf32>
    tpu.vector_store %arg13[%swap3A_1243, %swap3A_1244], %swap3A_1247 {strides = array<i32>} : memref<32x128xf32, #tpu.memory_space<vmem>>, vector<1x16xf32>,
    %swap3A_1248 = arith.constant 26 : i32
    %swap3A_1249 = arith.index_cast %swap3A_1248 : i32 to index
    %swap3A_1250 = arith.constant 0 : index
    %swap3A_1251 = tpu.vector_load %arg13[%swap3A_1249, %swap3A_1250] {strides = array<i32>} : memref<32x128xf32, #tpu.memory_space<vmem>>, vector<1x16xf32>,
    %swap3A_1252 = vector.shape_cast %swap3A_1251 : vector<1x16xf32> to vector<16xf32>
    %swap3A_1253 = vector.shape_cast %broadcast_in_dim3A_0 : vector<16xf32> to vector<1x16xf32>
    tpu.vector_store %arg13[%swap3A_1249, %swap3A_1250], %swap3A_1253 {strides = array<i32>} : memref<32x128xf32, #tpu.memory_space<vmem>>, vector<1x16xf32>,
    %swap3A_1254 = arith.constant 26 : i32
    %swap3A_1255 = arith.index_cast %swap3A_1254 : i32 to index
    %swap3A_1256 = arith.constant 16 : index
    %swap3A_1257 = tpu.vector_load %arg13[%swap3A_1255, %swap3A_1256] {strides = array<i32>} : memref<32x128xf32, #tpu.memory_space<vmem>>, vector<1x16xf32>,
    %swap3A_1258 = vector.shape_cast %swap3A_1257 : vector<1x16xf32> to vector<16xf32>
    %swap3A_1259 = vector.shape_cast %broadcast_in_dim3A_0 : vector<16xf32> to vector<1x16xf32>
    tpu.vector_store %arg13[%swap3A_1255, %swap3A_1256], %swap3A_1259 {strides = array<i32>} : memref<32x128xf32, #tpu.memory_space<vmem>>, vector<1x16xf32>,
    %swap3A_1260 = arith.constant 26 : i32
    %swap3A_1261 = arith.index_cast %swap3A_1260 : i32 to index
    %swap3A_1262 = arith.constant 32 : index
    %swap3A_1263 = tpu.vector_load %arg13[%swap3A_1261, %swap3A_1262] {strides = array<i32>} : memref<32x128xf32, #tpu.memory_space<vmem>>, vector<1x16xf32>,
    %swap3A_1264 = vector.shape_cast %swap3A_1263 : vector<1x16xf32> to vector<16xf32>
    %swap3A_1265 = vector.shape_cast %broadcast_in_dim3A_0 : vector<16xf32> to vector<1x16xf32>
    tpu.vector_store %arg13[%swap3A_1261, %swap3A_1262], %swap3A_1265 {strides = array<i32>} : memref<32x128xf32, #tpu.memory_space<vmem>>, vector<1x16xf32>,
    %swap3A_1266 = arith.constant 26 : i32
    %swap3A_1267 = arith.index_cast %swap3A_1266 : i32 to index
    %swap3A_1268 = arith.constant 48 : index
    %swap3A_1269 = tpu.vector_load %arg13[%swap3A_1267, %swap3A_1268] {strides = array<i32>} : memref<32x128xf32, #tpu.memory_space<vmem>>, vector<1x16xf32>,
    %swap3A_1270 = vector.shape_cast %swap3A_1269 : vector<1x16xf32> to vector<16xf32>
    %swap3A_1271 = vector.shape_cast %broadcast_in_dim3A_0 : vector<16xf32> to vector<1x16xf32>
    tpu.vector_store %arg13[%swap3A_1267, %swap3A_1268], %swap3A_1271 {strides = array<i32>} : memref<32x128xf32, #tpu.memory_space<vmem>>, vector<1x16xf32>,
    %swap3A_1272 = arith.constant 26 : i32
    %swap3A_1273 = arith.index_cast %swap3A_1272 : i32 to index
    %swap3A_1274 = arith.constant 64 : index
    %swap3A_1275 = tpu.vector_load %arg13[%swap3A_1273, %swap3A_1274] {strides = array<i32>} : memref<32x128xf32, #tpu.memory_space<vmem>>, vector<1x16xf32>,
    %swap3A_1276 = vector.shape_cast %swap3A_1275 : vector<1x16xf32> to vector<16xf32>
    %swap3A_1277 = vector.shape_cast %broadcast_in_dim3A_0 : vector<16xf32> to vector<1x16xf32>
    tpu.vector_store %arg13[%swap3A_1273, %swap3A_1274], %swap3A_1277 {strides = array<i32>} : memref<32x128xf32, #tpu.memory_space<vmem>>, vector<1x16xf32>,
    %swap3A_1278 = arith.constant 26 : i32
    %swap3A_1279 = arith.index_cast %swap3A_1278 : i32 to index
    %swap3A_1280 = arith.constant 80 : index
    %swap3A_1281 = tpu.vector_load %arg13[%swap3A_1279, %swap3A_1280] {strides = array<i32>} : memref<32x128xf32, #tpu.memory_space<vmem>>, vector<1x16xf32>,
    %swap3A_1282 = vector.shape_cast %swap3A_1281 : vector<1x16xf32> to vector<16xf32>
    %swap3A_1283 = vector.shape_cast %broadcast_in_dim3A_0 : vector<16xf32> to vector<1x16xf32>
    tpu.vector_store %arg13[%swap3A_1279, %swap3A_1280], %swap3A_1283 {strides = array<i32>} : memref<32x128xf32, #tpu.memory_space<vmem>>, vector<1x16xf32>,
    %swap3A_1284 = arith.constant 26 : i32
    %swap3A_1285 = arith.index_cast %swap3A_1284 : i32 to index
    %swap3A_1286 = arith.constant 96 : index
    %swap3A_1287 = tpu.vector_load %arg13[%swap3A_1285, %swap3A_1286] {strides = array<i32>} : memref<32x128xf32, #tpu.memory_space<vmem>>, vector<1x16xf32>,
    %swap3A_1288 = vector.shape_cast %swap3A_1287 : vector<1x16xf32> to vector<16xf32>
    %swap3A_1289 = vector.shape_cast %broadcast_in_dim3A_0 : vector<16xf32> to vector<1x16xf32>
    tpu.vector_store %arg13[%swap3A_1285, %swap3A_1286], %swap3A_1289 {strides = array<i32>} : memref<32x128xf32, #tpu.memory_space<vmem>>, vector<1x16xf32>,
    %swap3A_1290 = arith.constant 26 : i32
    %swap3A_1291 = arith.index_cast %swap3A_1290 : i32 to index
    %swap3A_1292 = arith.constant 112 : index
    %swap3A_1293 = tpu.vector_load %arg13[%swap3A_1291, %swap3A_1292] {strides = array<i32>} : memref<32x128xf32, #tpu.memory_space<vmem>>, vector<1x16xf32>,
    %swap3A_1294 = vector.shape_cast %swap3A_1293 : vector<1x16xf32> to vector<16xf32>
    %swap3A_1295 = vector.shape_cast %broadcast_in_dim3A_0 : vector<16xf32> to vector<1x16xf32>
    tpu.vector_store %arg13[%swap3A_1291, %swap3A_1292], %swap3A_1295 {strides = array<i32>} : memref<32x128xf32, #tpu.memory_space<vmem>>, vector<1x16xf32>,
    %swap3A_1296 = arith.constant 27 : i32
    %swap3A_1297 = arith.index_cast %swap3A_1296 : i32 to index
    %swap3A_1298 = arith.constant 0 : index
    %swap3A_1299 = tpu.vector_load %arg13[%swap3A_1297, %swap3A_1298] {strides = array<i32>} : memref<32x128xf32, #tpu.memory_space<vmem>>, vector<1x16xf32>,
    %swap3A_1300 = vector.shape_cast %swap3A_1299 : vector<1x16xf32> to vector<16xf32>
    %swap3A_1301 = vector.shape_cast %broadcast_in_dim3A_0 : vector<16xf32> to vector<1x16xf32>
    tpu.vector_store %arg13[%swap3A_1297, %swap3A_1298], %swap3A_1301 {strides = array<i32>} : memref<32x128xf32, #tpu.memory_space<vmem>>, vector<1x16xf32>,
    %swap3A_1302 = arith.constant 27 : i32
    %swap3A_1303 = arith.index_cast %swap3A_1302 : i32 to index
    %swap3A_1304 = arith.constant 16 : index
    %swap3A_1305 = tpu.vector_load %arg13[%swap3A_1303, %swap3A_1304] {strides = array<i32>} : memref<32x128xf32, #tpu.memory_space<vmem>>, vector<1x16xf32>,
    %swap3A_1306 = vector.shape_cast %swap3A_1305 : vector<1x16xf32> to vector<16xf32>
    %swap3A_1307 = vector.shape_cast %broadcast_in_dim3A_0 : vector<16xf32> to vector<1x16xf32>
    tpu.vector_store %arg13[%swap3A_1303, %swap3A_1304], %swap3A_1307 {strides = array<i32>} : memref<32x128xf32, #tpu.memory_space<vmem>>, vector<1x16xf32>,
    %swap3A_1308 = arith.constant 27 : i32
    %swap3A_1309 = arith.index_cast %swap3A_1308 : i32 to index
    %swap3A_1310 = arith.constant 32 : index
    %swap3A_1311 = tpu.vector_load %arg13[%swap3A_1309, %swap3A_1310] {strides = array<i32>} : memref<32x128xf32, #tpu.memory_space<vmem>>, vector<1x16xf32>,
    %swap3A_1312 = vector.shape_cast %swap3A_1311 : vector<1x16xf32> to vector<16xf32>
    %swap3A_1313 = vector.shape_cast %broadcast_in_dim3A_0 : vector<16xf32> to vector<1x16xf32>
    tpu.vector_store %arg13[%swap3A_1309, %swap3A_1310], %swap3A_1313 {strides = array<i32>} : memref<32x128xf32, #tpu.memory_space<vmem>>, vector<1x16xf32>,
    %swap3A_1314 = arith.constant 27 : i32
    %swap3A_1315 = arith.index_cast %swap3A_1314 : i32 to index
    %swap3A_1316 = arith.constant 48 : index
    %swap3A_1317 = tpu.vector_load %arg13[%swap3A_1315, %swap3A_1316] {strides = array<i32>} : memref<32x128xf32, #tpu.memory_space<vmem>>, vector<1x16xf32>,
    %swap3A_1318 = vector.shape_cast %swap3A_1317 : vector<1x16xf32> to vector<16xf32>
    %swap3A_1319 = vector.shape_cast %broadcast_in_dim3A_0 : vector<16xf32> to vector<1x16xf32>
    tpu.vector_store %arg13[%swap3A_1315, %swap3A_1316], %swap3A_1319 {strides = array<i32>} : memref<32x128xf32, #tpu.memory_space<vmem>>, vector<1x16xf32>,
    %swap3A_1320 = arith.constant 27 : i32
    %swap3A_1321 = arith.index_cast %swap3A_1320 : i32 to index
    %swap3A_1322 = arith.constant 64 : index
    %swap3A_1323 = tpu.vector_load %arg13[%swap3A_1321, %swap3A_1322] {strides = array<i32>} : memref<32x128xf32, #tpu.memory_space<vmem>>, vector<1x16xf32>,
    %swap3A_1324 = vector.shape_cast %swap3A_1323 : vector<1x16xf32> to vector<16xf32>
    %swap3A_1325 = vector.shape_cast %broadcast_in_dim3A_0 : vector<16xf32> to vector<1x16xf32>
    tpu.vector_store %arg13[%swap3A_1321, %swap3A_1322], %swap3A_1325 {strides = array<i32>} : memref<32x128xf32, #tpu.memory_space<vmem>>, vector<1x16xf32>,
    %swap3A_1326 = arith.constant 27 : i32
    %swap3A_1327 = arith.index_cast %swap3A_1326 : i32 to index
    %swap3A_1328 = arith.constant 80 : index
    %swap3A_1329 = tpu.vector_load %arg13[%swap3A_1327, %swap3A_1328] {strides = array<i32>} : memref<32x128xf32, #tpu.memory_space<vmem>>, vector<1x16xf32>,
    %swap3A_1330 = vector.shape_cast %swap3A_1329 : vector<1x16xf32> to vector<16xf32>
    %swap3A_1331 = vector.shape_cast %broadcast_in_dim3A_0 : vector<16xf32> to vector<1x16xf32>
    tpu.vector_store %arg13[%swap3A_1327, %swap3A_1328], %swap3A_1331 {strides = array<i32>} : memref<32x128xf32, #tpu.memory_space<vmem>>, vector<1x16xf32>,
    %swap3A_1332 = arith.constant 27 : i32
    %swap3A_1333 = arith.index_cast %swap3A_1332 : i32 to index
    %swap3A_1334 = arith.constant 96 : index
    %swap3A_1335 = tpu.vector_load %arg13[%swap3A_1333, %swap3A_1334] {strides = array<i32>} : memref<32x128xf32, #tpu.memory_space<vmem>>, vector<1x16xf32>,
    %swap3A_1336 = vector.shape_cast %swap3A_1335 : vector<1x16xf32> to vector<16xf32>
    %swap3A_1337 = vector.shape_cast %broadcast_in_dim3A_0 : vector<16xf32> to vector<1x16xf32>
    tpu.vector_store %arg13[%swap3A_1333, %swap3A_1334], %swap3A_1337 {strides = array<i32>} : memref<32x128xf32, #tpu.memory_space<vmem>>, vector<1x16xf32>,
    %swap3A_1338 = arith.constant 27 : i32
    %swap3A_1339 = arith.index_cast %swap3A_1338 : i32 to index
    %swap3A_1340 = arith.constant 112 : index
    %swap3A_1341 = tpu.vector_load %arg13[%swap3A_1339, %swap3A_1340] {strides = array<i32>} : memref<32x128xf32, #tpu.memory_space<vmem>>, vector<1x16xf32>,
    %swap3A_1342 = vector.shape_cast %swap3A_1341 : vector<1x16xf32> to vector<16xf32>
    %swap3A_1343 = vector.shape_cast %broadcast_in_dim3A_0 : vector<16xf32> to vector<1x16xf32>
    tpu.vector_store %arg13[%swap3A_1339, %swap3A_1340], %swap3A_1343 {strides = array<i32>} : memref<32x128xf32, #tpu.memory_space<vmem>>, vector<1x16xf32>,
    %swap3A_1344 = arith.constant 28 : i32
    %swap3A_1345 = arith.index_cast %swap3A_1344 : i32 to index
    %swap3A_1346 = arith.constant 0 : index
    %swap3A_1347 = tpu.vector_load %arg13[%swap3A_1345, %swap3A_1346] {strides = array<i32>} : memref<32x128xf32, #tpu.memory_space<vmem>>, vector<1x16xf32>,
    %swap3A_1348 = vector.shape_cast %swap3A_1347 : vector<1x16xf32> to vector<16xf32>
    %swap3A_1349 = vector.shape_cast %broadcast_in_dim3A_0 : vector<16xf32> to vector<1x16xf32>
    tpu.vector_store %arg13[%swap3A_1345, %swap3A_1346], %swap3A_1349 {strides = array<i32>} : memref<32x128xf32, #tpu.memory_space<vmem>>, vector<1x16xf32>,
    %swap3A_1350 = arith.constant 28 : i32
    %swap3A_1351 = arith.index_cast %swap3A_1350 : i32 to index
    %swap3A_1352 = arith.constant 16 : index
    %swap3A_1353 = tpu.vector_load %arg13[%swap3A_1351, %swap3A_1352] {strides = array<i32>} : memref<32x128xf32, #tpu.memory_space<vmem>>, vector<1x16xf32>,
    %swap3A_1354 = vector.shape_cast %swap3A_1353 : vector<1x16xf32> to vector<16xf32>
    %swap3A_1355 = vector.shape_cast %broadcast_in_dim3A_0 : vector<16xf32> to vector<1x16xf32>
    tpu.vector_store %arg13[%swap3A_1351, %swap3A_1352], %swap3A_1355 {strides = array<i32>} : memref<32x128xf32, #tpu.memory_space<vmem>>, vector<1x16xf32>,
    %swap3A_1356 = arith.constant 28 : i32
    %swap3A_1357 = arith.index_cast %swap3A_1356 : i32 to index
    %swap3A_1358 = arith.constant 32 : index
    %swap3A_1359 = tpu.vector_load %arg13[%swap3A_1357, %swap3A_1358] {strides = array<i32>} : memref<32x128xf32, #tpu.memory_space<vmem>>, vector<1x16xf32>,
    %swap3A_1360 = vector.shape_cast %swap3A_1359 : vector<1x16xf32> to vector<16xf32>
    %swap3A_1361 = vector.shape_cast %broadcast_in_dim3A_0 : vector<16xf32> to vector<1x16xf32>
    tpu.vector_store %arg13[%swap3A_1357, %swap3A_1358], %swap3A_1361 {strides = array<i32>} : memref<32x128xf32, #tpu.memory_space<vmem>>, vector<1x16xf32>,
    %swap3A_1362 = arith.constant 28 : i32
    %swap3A_1363 = arith.index_cast %swap3A_1362 : i32 to index
    %swap3A_1364 = arith.constant 48 : index
    %swap3A_1365 = tpu.vector_load %arg13[%swap3A_1363, %swap3A_1364] {strides = array<i32>} : memref<32x128xf32, #tpu.memory_space<vmem>>, vector<1x16xf32>,
    %swap3A_1366 = vector.shape_cast %swap3A_1365 : vector<1x16xf32> to vector<16xf32>
    %swap3A_1367 = vector.shape_cast %broadcast_in_dim3A_0 : vector<16xf32> to vector<1x16xf32>
    tpu.vector_store %arg13[%swap3A_1363, %swap3A_1364], %swap3A_1367 {strides = array<i32>} : memref<32x128xf32, #tpu.memory_space<vmem>>, vector<1x16xf32>,
    %swap3A_1368 = arith.constant 28 : i32
    %swap3A_1369 = arith.index_cast %swap3A_1368 : i32 to index
    %swap3A_1370 = arith.constant 64 : index
    %swap3A_1371 = tpu.vector_load %arg13[%swap3A_1369, %swap3A_1370] {strides = array<i32>} : memref<32x128xf32, #tpu.memory_space<vmem>>, vector<1x16xf32>,
    %swap3A_1372 = vector.shape_cast %swap3A_1371 : vector<1x16xf32> to vector<16xf32>
    %swap3A_1373 = vector.shape_cast %broadcast_in_dim3A_0 : vector<16xf32> to vector<1x16xf32>
    tpu.vector_store %arg13[%swap3A_1369, %swap3A_1370], %swap3A_1373 {strides = array<i32>} : memref<32x128xf32, #tpu.memory_space<vmem>>, vector<1x16xf32>,
    %swap3A_1374 = arith.constant 28 : i32
    %swap3A_1375 = arith.index_cast %swap3A_1374 : i32 to index
    %swap3A_1376 = arith.constant 80 : index
    %swap3A_1377 = tpu.vector_load %arg13[%swap3A_1375, %swap3A_1376] {strides = array<i32>} : memref<32x128xf32, #tpu.memory_space<vmem>>, vector<1x16xf32>,
    %swap3A_1378 = vector.shape_cast %swap3A_1377 : vector<1x16xf32> to vector<16xf32>
    %swap3A_1379 = vector.shape_cast %broadcast_in_dim3A_0 : vector<16xf32> to vector<1x16xf32>
    tpu.vector_store %arg13[%swap3A_1375, %swap3A_1376], %swap3A_1379 {strides = array<i32>} : memref<32x128xf32, #tpu.memory_space<vmem>>, vector<1x16xf32>,
    %swap3A_1380 = arith.constant 28 : i32
    %swap3A_1381 = arith.index_cast %swap3A_1380 : i32 to index
    %swap3A_1382 = arith.constant 96 : index
    %swap3A_1383 = tpu.vector_load %arg13[%swap3A_1381, %swap3A_1382] {strides = array<i32>} : memref<32x128xf32, #tpu.memory_space<vmem>>, vector<1x16xf32>,
    %swap3A_1384 = vector.shape_cast %swap3A_1383 : vector<1x16xf32> to vector<16xf32>
    %swap3A_1385 = vector.shape_cast %broadcast_in_dim3A_0 : vector<16xf32> to vector<1x16xf32>
    tpu.vector_store %arg13[%swap3A_1381, %swap3A_1382], %swap3A_1385 {strides = array<i32>} : memref<32x128xf32, #tpu.memory_space<vmem>>, vector<1x16xf32>,
    %swap3A_1386 = arith.constant 28 : i32
    %swap3A_1387 = arith.index_cast %swap3A_1386 : i32 to index
    %swap3A_1388 = arith.constant 112 : index
    %swap3A_1389 = tpu.vector_load %arg13[%swap3A_1387, %swap3A_1388] {strides = array<i32>} : memref<32x128xf32, #tpu.memory_space<vmem>>, vector<1x16xf32>,
    %swap3A_1390 = vector.shape_cast %swap3A_1389 : vector<1x16xf32> to vector<16xf32>
    %swap3A_1391 = vector.shape_cast %broadcast_in_dim3A_0 : vector<16xf32> to vector<1x16xf32>
    tpu.vector_store %arg13[%swap3A_1387, %swap3A_1388], %swap3A_1391 {strides = array<i32>} : memref<32x128xf32, #tpu.memory_space<vmem>>, vector<1x16xf32>,
    %swap3A_1392 = arith.constant 29 : i32
    %swap3A_1393 = arith.index_cast %swap3A_1392 : i32 to index
    %swap3A_1394 = arith.constant 0 : index
    %swap3A_1395 = tpu.vector_load %arg13[%swap3A_1393, %swap3A_1394] {strides = array<i32>} : memref<32x128xf32, #tpu.memory_space<vmem>>, vector<1x16xf32>,
    %swap3A_1396 = vector.shape_cast %swap3A_1395 : vector<1x16xf32> to vector<16xf32>
    %swap3A_1397 = vector.shape_cast %broadcast_in_dim3A_0 : vector<16xf32> to vector<1x16xf32>
    tpu.vector_store %arg13[%swap3A_1393, %swap3A_1394], %swap3A_1397 {strides = array<i32>} : memref<32x128xf32, #tpu.memory_space<vmem>>, vector<1x16xf32>,
    %swap3A_1398 = arith.constant 29 : i32
    %swap3A_1399 = arith.index_cast %swap3A_1398 : i32 to index
    %swap3A_1400 = arith.constant 16 : index
    %swap3A_1401 = tpu.vector_load %arg13[%swap3A_1399, %swap3A_1400] {strides = array<i32>} : memref<32x128xf32, #tpu.memory_space<vmem>>, vector<1x16xf32>,
    %swap3A_1402 = vector.shape_cast %swap3A_1401 : vector<1x16xf32> to vector<16xf32>
    %swap3A_1403 = vector.shape_cast %broadcast_in_dim3A_0 : vector<16xf32> to vector<1x16xf32>
    tpu.vector_store %arg13[%swap3A_1399, %swap3A_1400], %swap3A_1403 {strides = array<i32>} : memref<32x128xf32, #tpu.memory_space<vmem>>, vector<1x16xf32>,
    %swap3A_1404 = arith.constant 29 : i32
    %swap3A_1405 = arith.index_cast %swap3A_1404 : i32 to index
    %swap3A_1406 = arith.constant 32 : index
    %swap3A_1407 = tpu.vector_load %arg13[%swap3A_1405, %swap3A_1406] {strides = array<i32>} : memref<32x128xf32, #tpu.memory_space<vmem>>, vector<1x16xf32>,
    %swap3A_1408 = vector.shape_cast %swap3A_1407 : vector<1x16xf32> to vector<16xf32>
    %swap3A_1409 = vector.shape_cast %broadcast_in_dim3A_0 : vector<16xf32> to vector<1x16xf32>
    tpu.vector_store %arg13[%swap3A_1405, %swap3A_1406], %swap3A_1409 {strides = array<i32>} : memref<32x128xf32, #tpu.memory_space<vmem>>, vector<1x16xf32>,
    %swap3A_1410 = arith.constant 29 : i32
    %swap3A_1411 = arith.index_cast %swap3A_1410 : i32 to index
    %swap3A_1412 = arith.constant 48 : index
    %swap3A_1413 = tpu.vector_load %arg13[%swap3A_1411, %swap3A_1412] {strides = array<i32>} : memref<32x128xf32, #tpu.memory_space<vmem>>, vector<1x16xf32>,
    %swap3A_1414 = vector.shape_cast %swap3A_1413 : vector<1x16xf32> to vector<16xf32>
    %swap3A_1415 = vector.shape_cast %broadcast_in_dim3A_0 : vector<16xf32> to vector<1x16xf32>
    tpu.vector_store %arg13[%swap3A_1411, %swap3A_1412], %swap3A_1415 {strides = array<i32>} : memref<32x128xf32, #tpu.memory_space<vmem>>, vector<1x16xf32>,
    %swap3A_1416 = arith.constant 29 : i32
    %swap3A_1417 = arith.index_cast %swap3A_1416 : i32 to index
    %swap3A_1418 = arith.constant 64 : index
    %swap3A_1419 = tpu.vector_load %arg13[%swap3A_1417, %swap3A_1418] {strides = array<i32>} : memref<32x128xf32, #tpu.memory_space<vmem>>, vector<1x16xf32>,
    %swap3A_1420 = vector.shape_cast %swap3A_1419 : vector<1x16xf32> to vector<16xf32>
    %swap3A_1421 = vector.shape_cast %broadcast_in_dim3A_0 : vector<16xf32> to vector<1x16xf32>
    tpu.vector_store %arg13[%swap3A_1417, %swap3A_1418], %swap3A_1421 {strides = array<i32>} : memref<32x128xf32, #tpu.memory_space<vmem>>, vector<1x16xf32>,
    %swap3A_1422 = arith.constant 29 : i32
    %swap3A_1423 = arith.index_cast %swap3A_1422 : i32 to index
    %swap3A_1424 = arith.constant 80 : index
    %swap3A_1425 = tpu.vector_load %arg13[%swap3A_1423, %swap3A_1424] {strides = array<i32>} : memref<32x128xf32, #tpu.memory_space<vmem>>, vector<1x16xf32>,
    %swap3A_1426 = vector.shape_cast %swap3A_1425 : vector<1x16xf32> to vector<16xf32>
    %swap3A_1427 = vector.shape_cast %broadcast_in_dim3A_0 : vector<16xf32> to vector<1x16xf32>
    tpu.vector_store %arg13[%swap3A_1423, %swap3A_1424], %swap3A_1427 {strides = array<i32>} : memref<32x128xf32, #tpu.memory_space<vmem>>, vector<1x16xf32>,
    %swap3A_1428 = arith.constant 29 : i32
    %swap3A_1429 = arith.index_cast %swap3A_1428 : i32 to index
    %swap3A_1430 = arith.constant 96 : index
    %swap3A_1431 = tpu.vector_load %arg13[%swap3A_1429, %swap3A_1430] {strides = array<i32>} : memref<32x128xf32, #tpu.memory_space<vmem>>, vector<1x16xf32>,
    %swap3A_1432 = vector.shape_cast %swap3A_1431 : vector<1x16xf32> to vector<16xf32>
    %swap3A_1433 = vector.shape_cast %broadcast_in_dim3A_0 : vector<16xf32> to vector<1x16xf32>
    tpu.vector_store %arg13[%swap3A_1429, %swap3A_1430], %swap3A_1433 {strides = array<i32>} : memref<32x128xf32, #tpu.memory_space<vmem>>, vector<1x16xf32>,
    %swap3A_1434 = arith.constant 29 : i32
    %swap3A_1435 = arith.index_cast %swap3A_1434 : i32 to index
    %swap3A_1436 = arith.constant 112 : index
    %swap3A_1437 = tpu.vector_load %arg13[%swap3A_1435, %swap3A_1436] {strides = array<i32>} : memref<32x128xf32, #tpu.memory_space<vmem>>, vector<1x16xf32>,
    %swap3A_1438 = vector.shape_cast %swap3A_1437 : vector<1x16xf32> to vector<16xf32>
    %swap3A_1439 = vector.shape_cast %broadcast_in_dim3A_0 : vector<16xf32> to vector<1x16xf32>
    tpu.vector_store %arg13[%swap3A_1435, %swap3A_1436], %swap3A_1439 {strides = array<i32>} : memref<32x128xf32, #tpu.memory_space<vmem>>, vector<1x16xf32>,
    %swap3A_1440 = arith.constant 30 : i32
    %swap3A_1441 = arith.index_cast %swap3A_1440 : i32 to index
    %swap3A_1442 = arith.constant 0 : index
    %swap3A_1443 = tpu.vector_load %arg13[%swap3A_1441, %swap3A_1442] {strides = array<i32>} : memref<32x128xf32, #tpu.memory_space<vmem>>, vector<1x16xf32>,
    %swap3A_1444 = vector.shape_cast %swap3A_1443 : vector<1x16xf32> to vector<16xf32>
    %swap3A_1445 = vector.shape_cast %broadcast_in_dim3A_0 : vector<16xf32> to vector<1x16xf32>
    tpu.vector_store %arg13[%swap3A_1441, %swap3A_1442], %swap3A_1445 {strides = array<i32>} : memref<32x128xf32, #tpu.memory_space<vmem>>, vector<1x16xf32>,
    %swap3A_1446 = arith.constant 30 : i32
    %swap3A_1447 = arith.index_cast %swap3A_1446 : i32 to index
    %swap3A_1448 = arith.constant 16 : index
    %swap3A_1449 = tpu.vector_load %arg13[%swap3A_1447, %swap3A_1448] {strides = array<i32>} : memref<32x128xf32, #tpu.memory_space<vmem>>, vector<1x16xf32>,
    %swap3A_1450 = vector.shape_cast %swap3A_1449 : vector<1x16xf32> to vector<16xf32>
    %swap3A_1451 = vector.shape_cast %broadcast_in_dim3A_0 : vector<16xf32> to vector<1x16xf32>
    tpu.vector_store %arg13[%swap3A_1447, %swap3A_1448], %swap3A_1451 {strides = array<i32>} : memref<32x128xf32, #tpu.memory_space<vmem>>, vector<1x16xf32>,
    %swap3A_1452 = arith.constant 30 : i32
    %swap3A_1453 = arith.index_cast %swap3A_1452 : i32 to index
    %swap3A_1454 = arith.constant 32 : index
    %swap3A_1455 = tpu.vector_load %arg13[%swap3A_1453, %swap3A_1454] {strides = array<i32>} : memref<32x128xf32, #tpu.memory_space<vmem>>, vector<1x16xf32>,
    %swap3A_1456 = vector.shape_cast %swap3A_1455 : vector<1x16xf32> to vector<16xf32>
    %swap3A_1457 = vector.shape_cast %broadcast_in_dim3A_0 : vector<16xf32> to vector<1x16xf32>
    tpu.vector_store %arg13[%swap3A_1453, %swap3A_1454], %swap3A_1457 {strides = array<i32>} : memref<32x128xf32, #tpu.memory_space<vmem>>, vector<1x16xf32>,
    %swap3A_1458 = arith.constant 30 : i32
    %swap3A_1459 = arith.index_cast %swap3A_1458 : i32 to index
    %swap3A_1460 = arith.constant 48 : index
    %swap3A_1461 = tpu.vector_load %arg13[%swap3A_1459, %swap3A_1460] {strides = array<i32>} : memref<32x128xf32, #tpu.memory_space<vmem>>, vector<1x16xf32>,
    %swap3A_1462 = vector.shape_cast %swap3A_1461 : vector<1x16xf32> to vector<16xf32>
    %swap3A_1463 = vector.shape_cast %broadcast_in_dim3A_0 : vector<16xf32> to vector<1x16xf32>
    tpu.vector_store %arg13[%swap3A_1459, %swap3A_1460], %swap3A_1463 {strides = array<i32>} : memref<32x128xf32, #tpu.memory_space<vmem>>, vector<1x16xf32>,
    %swap3A_1464 = arith.constant 30 : i32
    %swap3A_1465 = arith.index_cast %swap3A_1464 : i32 to index
    %swap3A_1466 = arith.constant 64 : index
    %swap3A_1467 = tpu.vector_load %arg13[%swap3A_1465, %swap3A_1466] {strides = array<i32>} : memref<32x128xf32, #tpu.memory_space<vmem>>, vector<1x16xf32>,
    %swap3A_1468 = vector.shape_cast %swap3A_1467 : vector<1x16xf32> to vector<16xf32>
    %swap3A_1469 = vector.shape_cast %broadcast_in_dim3A_0 : vector<16xf32> to vector<1x16xf32>
    tpu.vector_store %arg13[%swap3A_1465, %swap3A_1466], %swap3A_1469 {strides = array<i32>} : memref<32x128xf32, #tpu.memory_space<vmem>>, vector<1x16xf32>,
    %swap3A_1470 = arith.constant 30 : i32
    %swap3A_1471 = arith.index_cast %swap3A_1470 : i32 to index
    %swap3A_1472 = arith.constant 80 : index
    %swap3A_1473 = tpu.vector_load %arg13[%swap3A_1471, %swap3A_1472] {strides = array<i32>} : memref<32x128xf32, #tpu.memory_space<vmem>>, vector<1x16xf32>,
    %swap3A_1474 = vector.shape_cast %swap3A_1473 : vector<1x16xf32> to vector<16xf32>
    %swap3A_1475 = vector.shape_cast %broadcast_in_dim3A_0 : vector<16xf32> to vector<1x16xf32>
    tpu.vector_store %arg13[%swap3A_1471, %swap3A_1472], %swap3A_1475 {strides = array<i32>} : memref<32x128xf32, #tpu.memory_space<vmem>>, vector<1x16xf32>,
    %swap3A_1476 = arith.constant 30 : i32
    %swap3A_1477 = arith.index_cast %swap3A_1476 : i32 to index
    %swap3A_1478 = arith.constant 96 : index
    %swap3A_1479 = tpu.vector_load %arg13[%swap3A_1477, %swap3A_1478] {strides = array<i32>} : memref<32x128xf32, #tpu.memory_space<vmem>>, vector<1x16xf32>,
    %swap3A_1480 = vector.shape_cast %swap3A_1479 : vector<1x16xf32> to vector<16xf32>
    %swap3A_1481 = vector.shape_cast %broadcast_in_dim3A_0 : vector<16xf32> to vector<1x16xf32>
    tpu.vector_store %arg13[%swap3A_1477, %swap3A_1478], %swap3A_1481 {strides = array<i32>} : memref<32x128xf32, #tpu.memory_space<vmem>>, vector<1x16xf32>,
    %swap3A_1482 = arith.constant 30 : i32
    %swap3A_1483 = arith.index_cast %swap3A_1482 : i32 to index
    %swap3A_1484 = arith.constant 112 : index
    %swap3A_1485 = tpu.vector_load %arg13[%swap3A_1483, %swap3A_1484] {strides = array<i32>} : memref<32x128xf32, #tpu.memory_space<vmem>>, vector<1x16xf32>,
    %swap3A_1486 = vector.shape_cast %swap3A_1485 : vector<1x16xf32> to vector<16xf32>
    %swap3A_1487 = vector.shape_cast %broadcast_in_dim3A_0 : vector<16xf32> to vector<1x16xf32>
    tpu.vector_store %arg13[%swap3A_1483, %swap3A_1484], %swap3A_1487 {strides = array<i32>} : memref<32x128xf32, #tpu.memory_space<vmem>>, vector<1x16xf32>,
    %swap3A_1488 = arith.constant 31 : i32
    %swap3A_1489 = arith.index_cast %swap3A_1488 : i32 to index
    %swap3A_1490 = arith.constant 0 : index
    %swap3A_1491 = tpu.vector_load %arg13[%swap3A_1489, %swap3A_1490] {strides = array<i32>} : memref<32x128xf32, #tpu.memory_space<vmem>>, vector<1x16xf32>,
    %swap3A_1492 = vector.shape_cast %swap3A_1491 : vector<1x16xf32> to vector<16xf32>
    %swap3A_1493 = vector.shape_cast %broadcast_in_dim3A_0 : vector<16xf32> to vector<1x16xf32>
    tpu.vector_store %arg13[%swap3A_1489, %swap3A_1490], %swap3A_1493 {strides = array<i32>} : memref<32x128xf32, #tpu.memory_space<vmem>>, vector<1x16xf32>,
    %swap3A_1494 = arith.constant 31 : i32
    %swap3A_1495 = arith.index_cast %swap3A_1494 : i32 to index
    %swap3A_1496 = arith.constant 16 : index
    %swap3A_1497 = tpu.vector_load %arg13[%swap3A_1495, %swap3A_1496] {strides = array<i32>} : memref<32x128xf32, #tpu.memory_space<vmem>>, vector<1x16xf32>,
    %swap3A_1498 = vector.shape_cast %swap3A_1497 : vector<1x16xf32> to vector<16xf32>
    %swap3A_1499 = vector.shape_cast %broadcast_in_dim3A_0 : vector<16xf32> to vector<1x16xf32>
    tpu.vector_store %arg13[%swap3A_1495, %swap3A_1496], %swap3A_1499 {strides = array<i32>} : memref<32x128xf32, #tpu.memory_space<vmem>>, vector<1x16xf32>,
    %swap3A_1500 = arith.constant 31 : i32
    %swap3A_1501 = arith.index_cast %swap3A_1500 : i32 to index
    %swap3A_1502 = arith.constant 32 : index
    %swap3A_1503 = tpu.vector_load %arg13[%swap3A_1501, %swap3A_1502] {strides = array<i32>} : memref<32x128xf32, #tpu.memory_space<vmem>>, vector<1x16xf32>,
    %swap3A_1504 = vector.shape_cast %swap3A_1503 : vector<1x16xf32> to vector<16xf32>
    %swap3A_1505 = vector.shape_cast %broadcast_in_dim3A_0 : vector<16xf32> to vector<1x16xf32>
    tpu.vector_store %arg13[%swap3A_1501, %swap3A_1502], %swap3A_1505 {strides = array<i32>} : memref<32x128xf32, #tpu.memory_space<vmem>>, vector<1x16xf32>,
    %swap3A_1506 = arith.constant 31 : i32
    %swap3A_1507 = arith.index_cast %swap3A_1506 : i32 to index
    %swap3A_1508 = arith.constant 48 : index
    %swap3A_1509 = tpu.vector_load %arg13[%swap3A_1507, %swap3A_1508] {strides = array<i32>} : memref<32x128xf32, #tpu.memory_space<vmem>>, vector<1x16xf32>,
    %swap3A_1510 = vector.shape_cast %swap3A_1509 : vector<1x16xf32> to vector<16xf32>
    %swap3A_1511 = vector.shape_cast %broadcast_in_dim3A_0 : vector<16xf32> to vector<1x16xf32>
    tpu.vector_store %arg13[%swap3A_1507, %swap3A_1508], %swap3A_1511 {strides = array<i32>} : memref<32x128xf32, #tpu.memory_space<vmem>>, vector<1x16xf32>,
    %swap3A_1512 = arith.constant 31 : i32
    %swap3A_1513 = arith.index_cast %swap3A_1512 : i32 to index
    %swap3A_1514 = arith.constant 64 : index
    %swap3A_1515 = tpu.vector_load %arg13[%swap3A_1513, %swap3A_1514] {strides = array<i32>} : memref<32x128xf32, #tpu.memory_space<vmem>>, vector<1x16xf32>,
    %swap3A_1516 = vector.shape_cast %swap3A_1515 : vector<1x16xf32> to vector<16xf32>
    %swap3A_1517 = vector.shape_cast %broadcast_in_dim3A_0 : vector<16xf32> to vector<1x16xf32>
    tpu.vector_store %arg13[%swap3A_1513, %swap3A_1514], %swap3A_1517 {strides = array<i32>} : memref<32x128xf32, #tpu.memory_space<vmem>>, vector<1x16xf32>,
    %swap3A_1518 = arith.constant 31 : i32
    %swap3A_1519 = arith.index_cast %swap3A_1518 : i32 to index
    %swap3A_1520 = arith.constant 80 : index
    %swap3A_1521 = tpu.vector_load %arg13[%swap3A_1519, %swap3A_1520] {strides = array<i32>} : memref<32x128xf32, #tpu.memory_space<vmem>>, vector<1x16xf32>,
    %swap3A_1522 = vector.shape_cast %swap3A_1521 : vector<1x16xf32> to vector<16xf32>
    %swap3A_1523 = vector.shape_cast %broadcast_in_dim3A_0 : vector<16xf32> to vector<1x16xf32>
    tpu.vector_store %arg13[%swap3A_1519, %swap3A_1520], %swap3A_1523 {strides = array<i32>} : memref<32x128xf32, #tpu.memory_space<vmem>>, vector<1x16xf32>,
    %swap3A_1524 = arith.constant 31 : i32
    %swap3A_1525 = arith.index_cast %swap3A_1524 : i32 to index
    %swap3A_1526 = arith.constant 96 : index
    %swap3A_1527 = tpu.vector_load %arg13[%swap3A_1525, %swap3A_1526] {strides = array<i32>} : memref<32x128xf32, #tpu.memory_space<vmem>>, vector<1x16xf32>,
    %swap3A_1528 = vector.shape_cast %swap3A_1527 : vector<1x16xf32> to vector<16xf32>
    %swap3A_1529 = vector.shape_cast %broadcast_in_dim3A_0 : vector<16xf32> to vector<1x16xf32>
    tpu.vector_store %arg13[%swap3A_1525, %swap3A_1526], %swap3A_1529 {strides = array<i32>} : memref<32x128xf32, #tpu.memory_space<vmem>>, vector<1x16xf32>,
    %swap3A_1530 = arith.constant 31 : i32
    %swap3A_1531 = arith.index_cast %swap3A_1530 : i32 to index
    %swap3A_1532 = arith.constant 112 : index
    %swap3A_1533 = tpu.vector_load %arg13[%swap3A_1531, %swap3A_1532] {strides = array<i32>} : memref<32x128xf32, #tpu.memory_space<vmem>>, vector<1x16xf32>,
    %swap3A_1534 = vector.shape_cast %swap3A_1533 : vector<1x16xf32> to vector<16xf32>
    %swap3A_1535 = vector.shape_cast %broadcast_in_dim3A_0 : vector<16xf32> to vector<1x16xf32>
    tpu.vector_store %arg13[%swap3A_1531, %swap3A_1532], %swap3A_1535 {strides = array<i32>} : memref<32x128xf32, #tpu.memory_space<vmem>>, vector<1x16xf32>,
    %scan3A = arith.constant 0 : i32
    %scan3A_1536 = arith.constant 0 : i32
    %scan3A_1537 = arith.constant 20 : i32
    %scan3A_1538 = arith.addi %scan3A_1536, %scan3A_1537 : i32
    %scan3A_1539 = arith.constant 1 : i32
    scf.for %scan3A_1564 = %scan3A_1536 to %scan3A_1538 step %scan3A_1539  : i32 {
      %mul3A = arith.constant 16 : i32
      %mul3A_1565 = arith.muli %mul3A, %scan3A_1564 : i32
      %add3A = arith.addi %arg1, %mul3A_1565 : i32
      %lt3A = arith.constant 312 : i32
      %lt3A_1566 = arith.cmpi slt, %add3A, %lt3A : i32
      %convert_element_type3A_1567 = arith.extui %lt3A_1566 : i1 to i32
      %cond3A_1568 = arith.constant 0 : i32
      %cond3A_1569 = arith.cmpi ne, %convert_element_type3A_1567, %cond3A_1568 : i32
      scf.if %cond3A_1569 {
        %mul3A_1570 = arith.constant 32 : i32
        %mul3A_1571 = arith.muli %add3A, %mul3A_1570 : i32
        "tpu.region"() ({
          %run_scoped3A = tpu.sem_alloc : memref<!tpu.dma_semaphore, #tpu.memory_space<semaphore_mem>>
          %dma_start3A = arith.constant 0 : i32
          %dma_start3A_1572 = tpu.memref_slice %arg14[%mul3A_1571, %dma_start3A] : memref<10000x128xf32, #tpu.memory_space<vmem_shared>> -> memref<32x128xf32, #tpu.memory_space<vmem_shared>>
          %dma_start3A_1573 = arith.constant 0 : i32
          %dma_start3A_1574 = tpu.memref_slice %arg14[%mul3A_1571, %dma_start3A_1573] : memref<10000x128xf32, #tpu.memory_space<vmem_shared>> -> memref<32x128xf32, #tpu.memory_space<vmem_shared>>
          tpu.enqueue_dma source(%arg13 : memref<32x128xf32, #tpu.memory_space<vmem>>) target(%dma_start3A_1574 : memref<32x128xf32, #tpu.memory_space<vmem_shared>>) target_semaphore(%run_scoped3A : memref<!tpu.dma_semaphore, #tpu.memory_space<semaphore_mem>>)
          %dma_wait3A = arith.constant 0 : i32
          %dma_wait3A_1575 = tpu.memref_slice %arg14[%mul3A_1571, %dma_wait3A] : memref<10000x128xf32, #tpu.memory_space<vmem_shared>> -> memref<32x128xf32, #tpu.memory_space<vmem_shared>>
          %dma_wait3A_1576 = arith.constant 0 : i32
          %dma_wait3A_1577 = tpu.memref_slice %arg14[%mul3A_1571, %dma_wait3A_1576] : memref<10000x128xf32, #tpu.memory_space<vmem_shared>> -> memref<32x128xf32, #tpu.memory_space<vmem_shared>>
          tpu.wait_dma2 semaphore(%run_scoped3A : memref<!tpu.dma_semaphore, #tpu.memory_space<semaphore_mem>>) src(%arg13 : memref<32x128xf32, #tpu.memory_space<vmem>>) dst(%dma_wait3A_1577 : memref<32x128xf32, #tpu.memory_space<vmem_shared>>)
          tpu.yield
        }) : () -> ()
      } else {
      }
    }
    %scan3A_1540 = arith.constant 20 : i32
    %eq3A = arith.constant 0 : i32
    %eq3A_1541 = arith.cmpi eq, %arg1, %eq3A : i32
    %convert_element_type3A = arith.extui %eq3A_1541 : i1 to i32
    %cond3A = arith.constant 0 : i32
    %cond3A_1542 = arith.cmpi ne, %convert_element_type3A, %cond3A : i32
    scf.if %cond3A_1542 {
      "tpu.region"() ({
        %run_scoped3A = tpu.sem_alloc : memref<!tpu.dma_semaphore, #tpu.memory_space<semaphore_mem>>
        %dma_start3A = arith.constant 0 : i32
        %dma_start3A_1564 = arith.constant 0 : i32
        %dma_start3A_1565 = tpu.memref_slice %arg13[%dma_start3A, %dma_start3A_1564] : memref<32x128xf32, #tpu.memory_space<vmem>> -> memref<16x128xf32, #tpu.memory_space<vmem>>
        %dma_start3A_1566 = arith.constant 9984 : i32
        %dma_start3A_1567 = arith.constant 0 : i32
        %dma_start3A_1568 = tpu.memref_slice %arg14[%dma_start3A_1566, %dma_start3A_1567] : memref<10000x128xf32, #tpu.memory_space<vmem_shared>> -> memref<16x128xf32, #tpu.memory_space<vmem_shared>>
        %dma_start3A_1569 = arith.constant 9984 : i32
        %dma_start3A_1570 = arith.constant 0 : i32
        %dma_start3A_1571 = tpu.memref_slice %arg14[%dma_start3A_1569, %dma_start3A_1570] : memref<10000x128xf32, #tpu.memory_space<vmem_shared>> -> memref<16x128xf32, #tpu.memory_space<vmem_shared>>
        %dma_start3A_1572 = arith.constant 0 : i32
        %dma_start3A_1573 = arith.constant 0 : i32
        %dma_start3A_1574 = tpu.memref_slice %arg13[%dma_start3A_1572, %dma_start3A_1573] : memref<32x128xf32, #tpu.memory_space<vmem>> -> memref<16x128xf32, #tpu.memory_space<vmem>>
        tpu.enqueue_dma source(%dma_start3A_1574 : memref<16x128xf32, #tpu.memory_space<vmem>>) target(%dma_start3A_1571 : memref<16x128xf32, #tpu.memory_space<vmem_shared>>) target_semaphore(%run_scoped3A : memref<!tpu.dma_semaphore, #tpu.memory_space<semaphore_mem>>)
        %dma_wait3A = arith.constant 0 : i32
        %dma_wait3A_1575 = arith.constant 0 : i32
        %dma_wait3A_1576 = tpu.memref_slice %arg13[%dma_wait3A, %dma_wait3A_1575] : memref<32x128xf32, #tpu.memory_space<vmem>> -> memref<16x128xf32, #tpu.memory_space<vmem>>
        %dma_wait3A_1577 = arith.constant 9984 : i32
        %dma_wait3A_1578 = arith.constant 0 : i32
        %dma_wait3A_1579 = tpu.memref_slice %arg14[%dma_wait3A_1577, %dma_wait3A_1578] : memref<10000x128xf32, #tpu.memory_space<vmem_shared>> -> memref<16x128xf32, #tpu.memory_space<vmem_shared>>
        %dma_wait3A_1580 = arith.constant 9984 : i32
        %dma_wait3A_1581 = arith.constant 0 : i32
        %dma_wait3A_1582 = tpu.memref_slice %arg14[%dma_wait3A_1580, %dma_wait3A_1581] : memref<10000x128xf32, #tpu.memory_space<vmem_shared>> -> memref<16x128xf32, #tpu.memory_space<vmem_shared>>
        %dma_wait3A_1583 = arith.constant 0 : i32
        %dma_wait3A_1584 = arith.constant 0 : i32
        %dma_wait3A_1585 = tpu.memref_slice %arg13[%dma_wait3A_1583, %dma_wait3A_1584] : memref<32x128xf32, #tpu.memory_space<vmem>> -> memref<16x128xf32, #tpu.memory_space<vmem>>
        tpu.wait_dma2 semaphore(%run_scoped3A : memref<!tpu.dma_semaphore, #tpu.memory_space<semaphore_mem>>) src(%dma_wait3A_1585 : memref<16x128xf32, #tpu.memory_space<vmem>>) dst(%dma_wait3A_1582 : memref<16x128xf32, #tpu.memory_space<vmem_shared>>)
        tpu.yield
      }) : () -> ()
    } else {
    }
    %barrier3A = arith.constant 0 : index
    tpu.barrier barrier_id(%barrier3A)
    %eq3A_1543 = arith.constant 0 : i32
    %eq3A_1544 = arith.cmpi eq, %arg0, %eq3A_1543 : i32
    %convert_element_type3A_1545 = arith.extui %eq3A_1544 : i1 to i32
    %cond3A_1546 = arith.constant 0 : i32
    %cond3A_1547 = arith.cmpi ne, %convert_element_type3A_1545, %cond3A_1546 : i32
    scf.if %cond3A_1547 {
      %scan3A_1564 = arith.constant 0 : i32
      %scan3A_1565 = arith.constant 0 : i32
      %scan3A_1566 = arith.constant 156 : i32
      %scan3A_1567 = arith.addi %scan3A_1565, %scan3A_1566 : i32
      %scan3A_1568 = arith.constant 1 : i32
      scf.for %scan3A_1576 = %scan3A_1565 to %scan3A_1567 step %scan3A_1568  : i32 {
        %mul3A_1577 = arith.constant 20000 : i32
        %mul3A_1578 = arith.muli %arg1, %mul3A_1577 : i32
        %mul3A_1579 = arith.constant 128 : i32
        %mul3A_1580 = arith.muli %scan3A_1576, %mul3A_1579 : i32
        %add3A_1581 = arith.addi %mul3A_1578, %mul3A_1580 : i32
        %multiple_of3A_1582 = tpu.assume_multiple %add3A_1581, 8 : i32
        "tpu.region"() ({
          %run_scoped3A = tpu.sem_alloc : memref<!tpu.dma_semaphore, #tpu.memory_space<semaphore_mem>>
          %dma_start3A_1589 = tpu.memref_slice %arg4[%multiple_of3A_1582] : memref<320000xi32, #tpu.memory_space<hbm>> -> memref<128xi32, #tpu.memory_space<hbm>>
          %dma_start3A_1590 = tpu.memref_slice %arg4[%multiple_of3A_1582] : memref<320000xi32, #tpu.memory_space<hbm>> -> memref<128xi32, #tpu.memory_space<hbm>>
          tpu.enqueue_dma source(%dma_start3A_1590 : memref<128xi32, #tpu.memory_space<hbm>>) target(%arg8 : memref<128xi32, #tpu.memory_space<vmem>>) target_semaphore(%run_scoped3A : memref<!tpu.dma_semaphore, #tpu.memory_space<semaphore_mem>>)
          %dma_wait3A_1591 = tpu.memref_slice %arg4[%multiple_of3A_1582] : memref<320000xi32, #tpu.memory_space<hbm>> -> memref<128xi32, #tpu.memory_space<hbm>>
          %dma_wait3A_1592 = tpu.memref_slice %arg4[%multiple_of3A_1582] : memref<320000xi32, #tpu.memory_space<hbm>> -> memref<128xi32, #tpu.memory_space<hbm>>
          tpu.wait_dma2 semaphore(%run_scoped3A : memref<!tpu.dma_semaphore, #tpu.memory_space<semaphore_mem>>) src(%dma_wait3A_1592 : memref<128xi32, #tpu.memory_space<hbm>>) dst(%arg8 : memref<128xi32, #tpu.memory_space<vmem>>)
          tpu.yield
        }) : () -> ()
        "tpu.region"() ({
          %run_scoped3A = tpu.sem_alloc : memref<!tpu.dma_semaphore, #tpu.memory_space<semaphore_mem>>
          %dma_start3A_1589 = tpu.memref_slice %arg5[%multiple_of3A_1582] : memref<320000xi32, #tpu.memory_space<hbm>> -> memref<128xi32, #tpu.memory_space<hbm>>
          %dma_start3A_1590 = tpu.memref_slice %arg5[%multiple_of3A_1582] : memref<320000xi32, #tpu.memory_space<hbm>> -> memref<128xi32, #tpu.memory_space<hbm>>
          tpu.enqueue_dma source(%dma_start3A_1590 : memref<128xi32, #tpu.memory_space<hbm>>) target(%arg9 : memref<128xi32, #tpu.memory_space<vmem>>) target_semaphore(%run_scoped3A : memref<!tpu.dma_semaphore, #tpu.memory_space<semaphore_mem>>)
          %dma_wait3A_1591 = tpu.memref_slice %arg5[%multiple_of3A_1582] : memref<320000xi32, #tpu.memory_space<hbm>> -> memref<128xi32, #tpu.memory_space<hbm>>
          %dma_wait3A_1592 = tpu.memref_slice %arg5[%multiple_of3A_1582] : memref<320000xi32, #tpu.memory_space<hbm>> -> memref<128xi32, #tpu.memory_space<hbm>>
          tpu.wait_dma2 semaphore(%run_scoped3A : memref<!tpu.dma_semaphore, #tpu.memory_space<semaphore_mem>>) src(%dma_wait3A_1592 : memref<128xi32, #tpu.memory_space<hbm>>) dst(%arg9 : memref<128xi32, #tpu.memory_space<vmem>>)
          tpu.yield
        }) : () -> ()
        %dma_start3A_1583 = arith.constant 0 : i32
        %dma_start3A_1584 = arith.constant 0 : i32
        %dma_start3A_1585 = tpu.memref_slice %arg2[%dma_start3A_1583, %dma_start3A_1584] : memref<10000x128xf32, #tpu.memory_space<hbm>> -> memref<10000x128xf32, #tpu.memory_space<hbm>>
        tpu.enqueue_indirect_dma source(%dma_start3A_1585 : memref<10000x128xf32, #tpu.memory_space<hbm>>) target(%arg12 : memref<128x128xf32, #tpu.memory_space<vmem>>) offsets(%arg8 : memref<128xi32, #tpu.memory_space<vmem>>) semaphore(%arg15 : memref<!tpu.dma_semaphore, #tpu.memory_space<semaphore_mem>>)
        %dma_wait3A_1586 = arith.constant 0 : i32
        %dma_wait3A_1587 = arith.constant 0 : i32
        %dma_wait3A_1588 = tpu.memref_slice %arg2[%dma_wait3A_1586, %dma_wait3A_1587] : memref<10000x128xf32, #tpu.memory_space<hbm>> -> memref<10000x128xf32, #tpu.memory_space<hbm>>
        tpu.wait_indirect_dma semaphore(%arg15 : memref<!tpu.dma_semaphore, #tpu.memory_space<semaphore_mem>>) src(%dma_wait3A_1588 : memref<10000x128xf32, #tpu.memory_space<hbm>>) dst(%arg12 : memref<128x128xf32, #tpu.memory_space<vmem>>)
        "tpu.region"() ({
          %run_scoped3A = tpu.sem_alloc : memref<!tpu.dma_semaphore, #tpu.memory_space<semaphore_mem>>
          %dma_start3A_1589 = arith.constant 0 : i32
          %dma_start3A_1590 = arith.constant 0 : i32
          %dma_start3A_1591 = tpu.memref_slice %arg14[%dma_start3A_1589, %dma_start3A_1590] : memref<10000x128xf32, #tpu.memory_space<vmem_shared>> -> memref<10000x128xf32, #tpu.memory_space<vmem_shared>>
          tpu.enqueue_indirect_dma source(%arg12 : memref<128x128xf32, #tpu.memory_space<vmem>>) target(%dma_start3A_1591 : memref<10000x128xf32, #tpu.memory_space<vmem_shared>>) offsets(%arg9 : memref<128xi32, #tpu.memory_space<vmem>>) semaphore(%run_scoped3A : memref<!tpu.dma_semaphore, #tpu.memory_space<semaphore_mem>>) {add = true}
          %dma_wait3A_1592 = arith.constant 0 : i32
          %dma_wait3A_1593 = arith.constant 0 : i32
          %dma_wait3A_1594 = tpu.memref_slice %arg14[%dma_wait3A_1592, %dma_wait3A_1593] : memref<10000x128xf32, #tpu.memory_space<vmem_shared>> -> memref<10000x128xf32, #tpu.memory_space<vmem_shared>>
          tpu.wait_indirect_dma semaphore(%run_scoped3A : memref<!tpu.dma_semaphore, #tpu.memory_space<semaphore_mem>>) src(%arg12 : memref<128x128xf32, #tpu.memory_space<vmem>>) dst(%dma_wait3A_1594 : memref<10000x128xf32, #tpu.memory_space<vmem_shared>>)
          tpu.yield
        }) : () -> ()
      }
      %scan3A_1569 = arith.constant 156 : i32
      %mul3A = arith.constant 20000 : i32
      %mul3A_1570 = arith.muli %arg1, %mul3A : i32
      %add3A = arith.constant 19968 : i32
      %add3A_1571 = arith.addi %mul3A_1570, %add3A : i32
      %multiple_of3A = tpu.assume_multiple %add3A_1571, 8 : i32
      "tpu.region"() ({
        %run_scoped3A = tpu.sem_alloc : memref<!tpu.dma_semaphore, #tpu.memory_space<semaphore_mem>>
        %dma_start3A_1576 = tpu.memref_slice %arg4[%multiple_of3A] : memref<320000xi32, #tpu.memory_space<hbm>> -> memref<32xi32, #tpu.memory_space<hbm>>
        %dma_start3A_1577 = tpu.memref_slice %arg4[%multiple_of3A] : memref<320000xi32, #tpu.memory_space<hbm>> -> memref<32xi32, #tpu.memory_space<hbm>>
        tpu.enqueue_dma source(%dma_start3A_1577 : memref<32xi32, #tpu.memory_space<hbm>>) target(%arg10 : memref<32xi32, #tpu.memory_space<vmem>>) target_semaphore(%run_scoped3A : memref<!tpu.dma_semaphore, #tpu.memory_space<semaphore_mem>>)
        %dma_wait3A_1578 = tpu.memref_slice %arg4[%multiple_of3A] : memref<320000xi32, #tpu.memory_space<hbm>> -> memref<32xi32, #tpu.memory_space<hbm>>
        %dma_wait3A_1579 = tpu.memref_slice %arg4[%multiple_of3A] : memref<320000xi32, #tpu.memory_space<hbm>> -> memref<32xi32, #tpu.memory_space<hbm>>
        tpu.wait_dma2 semaphore(%run_scoped3A : memref<!tpu.dma_semaphore, #tpu.memory_space<semaphore_mem>>) src(%dma_wait3A_1579 : memref<32xi32, #tpu.memory_space<hbm>>) dst(%arg10 : memref<32xi32, #tpu.memory_space<vmem>>)
        tpu.yield
      }) : () -> ()
      "tpu.region"() ({
        %run_scoped3A = tpu.sem_alloc : memref<!tpu.dma_semaphore, #tpu.memory_space<semaphore_mem>>
        %dma_start3A_1576 = tpu.memref_slice %arg5[%multiple_of3A] : memref<320000xi32, #tpu.memory_space<hbm>> -> memref<32xi32, #tpu.memory_space<hbm>>
        %dma_start3A_1577 = tpu.memref_slice %arg5[%multiple_of3A] : memref<320000xi32, #tpu.memory_space<hbm>> -> memref<32xi32, #tpu.memory_space<hbm>>
        tpu.enqueue_dma source(%dma_start3A_1577 : memref<32xi32, #tpu.memory_space<hbm>>) target(%arg11 : memref<32xi32, #tpu.memory_space<vmem>>) target_semaphore(%run_scoped3A : memref<!tpu.dma_semaphore, #tpu.memory_space<semaphore_mem>>)
        %dma_wait3A_1578 = tpu.memref_slice %arg5[%multiple_of3A] : memref<320000xi32, #tpu.memory_space<hbm>> -> memref<32xi32, #tpu.memory_space<hbm>>
        %dma_wait3A_1579 = tpu.memref_slice %arg5[%multiple_of3A] : memref<320000xi32, #tpu.memory_space<hbm>> -> memref<32xi32, #tpu.memory_space<hbm>>
        tpu.wait_dma2 semaphore(%run_scoped3A : memref<!tpu.dma_semaphore, #tpu.memory_space<semaphore_mem>>) src(%dma_wait3A_1579 : memref<32xi32, #tpu.memory_space<hbm>>) dst(%arg11 : memref<32xi32, #tpu.memory_space<vmem>>)
        tpu.yield
      }) : () -> ()
      %dma_start3A = arith.constant 0 : i32
      %dma_start3A_1572 = arith.constant 0 : i32
      %dma_start3A_1573 = tpu.memref_slice %arg2[%dma_start3A, %dma_start3A_1572] : memref<10000x128xf32, #tpu.memory_space<hbm>> -> memref<10000x128xf32, #tpu.memory_space<hbm>>
      tpu.enqueue_indirect_dma source(%dma_start3A_1573 : memref<10000x128xf32, #tpu.memory_space<hbm>>) target(%arg13 : memref<32x128xf32, #tpu.memory_space<vmem>>) offsets(%arg10 : memref<32xi32, #tpu.memory_space<vmem>>) semaphore(%arg15 : memref<!tpu.dma_semaphore, #tpu.memory_space<semaphore_mem>>)
      %dma_wait3A = arith.constant 0 : i32
      %dma_wait3A_1574 = arith.constant 0 : i32
      %dma_wait3A_1575 = tpu.memref_slice %arg2[%dma_wait3A, %dma_wait3A_1574] : memref<10000x128xf32, #tpu.memory_space<hbm>> -> memref<10000x128xf32, #tpu.memory_space<hbm>>
      tpu.wait_indirect_dma semaphore(%arg15 : memref<!tpu.dma_semaphore, #tpu.memory_space<semaphore_mem>>) src(%dma_wait3A_1575 : memref<10000x128xf32, #tpu.memory_space<hbm>>) dst(%arg13 : memref<32x128xf32, #tpu.memory_space<vmem>>)
      "tpu.region"() ({
        %run_scoped3A = tpu.sem_alloc : memref<!tpu.dma_semaphore, #tpu.memory_space<semaphore_mem>>
        %dma_start3A_1576 = arith.constant 0 : i32
        %dma_start3A_1577 = arith.constant 0 : i32
        %dma_start3A_1578 = tpu.memref_slice %arg14[%dma_start3A_1576, %dma_start3A_1577] : memref<10000x128xf32, #tpu.memory_space<vmem_shared>> -> memref<10000x128xf32, #tpu.memory_space<vmem_shared>>
        tpu.enqueue_indirect_dma source(%arg13 : memref<32x128xf32, #tpu.memory_space<vmem>>) target(%dma_start3A_1578 : memref<10000x128xf32, #tpu.memory_space<vmem_shared>>) offsets(%arg11 : memref<32xi32, #tpu.memory_space<vmem>>) semaphore(%run_scoped3A : memref<!tpu.dma_semaphore, #tpu.memory_space<semaphore_mem>>) {add = true}
        %dma_wait3A_1579 = arith.constant 0 : i32
        %dma_wait3A_1580 = arith.constant 0 : i32
        %dma_wait3A_1581 = tpu.memref_slice %arg14[%dma_wait3A_1579, %dma_wait3A_1580] : memref<10000x128xf32, #tpu.memory_space<vmem_shared>> -> memref<10000x128xf32, #tpu.memory_space<vmem_shared>>
        tpu.wait_indirect_dma semaphore(%run_scoped3A : memref<!tpu.dma_semaphore, #tpu.memory_space<semaphore_mem>>) src(%arg13 : memref<32x128xf32, #tpu.memory_space<vmem>>) dst(%dma_wait3A_1581 : memref<10000x128xf32, #tpu.memory_space<vmem_shared>>)
        tpu.yield
      }) : () -> ()
    } else {
    }
    %eq3A_1548 = arith.constant 1 : i32
    %eq3A_1549 = arith.cmpi eq, %arg0, %eq3A_1548 : i32
    %convert_element_type3A_1550 = arith.extui %eq3A_1549 : i1 to i32
    %cond3A_1551 = arith.constant 0 : i32
    %cond3A_1552 = arith.cmpi ne, %convert_element_type3A_1550, %cond3A_1551 : i32
    scf.if %cond3A_1552 {
      %scan3A_1564 = arith.constant 0 : i32
      %scan3A_1565 = arith.constant 0 : i32
      %scan3A_1566 = arith.constant 156 : i32
      %scan3A_1567 = arith.addi %scan3A_1565, %scan3A_1566 : i32
      %scan3A_1568 = arith.constant 1 : i32
      scf.for %scan3A_1576 = %scan3A_1565 to %scan3A_1567 step %scan3A_1568  : i32 {
        %mul3A_1577 = arith.constant 20000 : i32
        %mul3A_1578 = arith.muli %arg1, %mul3A_1577 : i32
        %mul3A_1579 = arith.constant 128 : i32
        %mul3A_1580 = arith.muli %scan3A_1576, %mul3A_1579 : i32
        %add3A_1581 = arith.addi %mul3A_1578, %mul3A_1580 : i32
        %multiple_of3A_1582 = tpu.assume_multiple %add3A_1581, 8 : i32
        "tpu.region"() ({
          %run_scoped3A = tpu.sem_alloc : memref<!tpu.dma_semaphore, #tpu.memory_space<semaphore_mem>>
          %dma_start3A_1589 = tpu.memref_slice %arg4[%multiple_of3A_1582] : memref<320000xi32, #tpu.memory_space<hbm>> -> memref<128xi32, #tpu.memory_space<hbm>>
          %dma_start3A_1590 = tpu.memref_slice %arg4[%multiple_of3A_1582] : memref<320000xi32, #tpu.memory_space<hbm>> -> memref<128xi32, #tpu.memory_space<hbm>>
          tpu.enqueue_dma source(%dma_start3A_1590 : memref<128xi32, #tpu.memory_space<hbm>>) target(%arg8 : memref<128xi32, #tpu.memory_space<vmem>>) target_semaphore(%run_scoped3A : memref<!tpu.dma_semaphore, #tpu.memory_space<semaphore_mem>>)
          %dma_wait3A_1591 = tpu.memref_slice %arg4[%multiple_of3A_1582] : memref<320000xi32, #tpu.memory_space<hbm>> -> memref<128xi32, #tpu.memory_space<hbm>>
          %dma_wait3A_1592 = tpu.memref_slice %arg4[%multiple_of3A_1582] : memref<320000xi32, #tpu.memory_space<hbm>> -> memref<128xi32, #tpu.memory_space<hbm>>
          tpu.wait_dma2 semaphore(%run_scoped3A : memref<!tpu.dma_semaphore, #tpu.memory_space<semaphore_mem>>) src(%dma_wait3A_1592 : memref<128xi32, #tpu.memory_space<hbm>>) dst(%arg8 : memref<128xi32, #tpu.memory_space<vmem>>)
          tpu.yield
        }) : () -> ()
        "tpu.region"() ({
          %run_scoped3A = tpu.sem_alloc : memref<!tpu.dma_semaphore, #tpu.memory_space<semaphore_mem>>
          %dma_start3A_1589 = tpu.memref_slice %arg5[%multiple_of3A_1582] : memref<320000xi32, #tpu.memory_space<hbm>> -> memref<128xi32, #tpu.memory_space<hbm>>
          %dma_start3A_1590 = tpu.memref_slice %arg5[%multiple_of3A_1582] : memref<320000xi32, #tpu.memory_space<hbm>> -> memref<128xi32, #tpu.memory_space<hbm>>
          tpu.enqueue_dma source(%dma_start3A_1590 : memref<128xi32, #tpu.memory_space<hbm>>) target(%arg9 : memref<128xi32, #tpu.memory_space<vmem>>) target_semaphore(%run_scoped3A : memref<!tpu.dma_semaphore, #tpu.memory_space<semaphore_mem>>)
          %dma_wait3A_1591 = tpu.memref_slice %arg5[%multiple_of3A_1582] : memref<320000xi32, #tpu.memory_space<hbm>> -> memref<128xi32, #tpu.memory_space<hbm>>
          %dma_wait3A_1592 = tpu.memref_slice %arg5[%multiple_of3A_1582] : memref<320000xi32, #tpu.memory_space<hbm>> -> memref<128xi32, #tpu.memory_space<hbm>>
          tpu.wait_dma2 semaphore(%run_scoped3A : memref<!tpu.dma_semaphore, #tpu.memory_space<semaphore_mem>>) src(%dma_wait3A_1592 : memref<128xi32, #tpu.memory_space<hbm>>) dst(%arg9 : memref<128xi32, #tpu.memory_space<vmem>>)
          tpu.yield
        }) : () -> ()
        %dma_start3A_1583 = arith.constant 0 : i32
        %dma_start3A_1584 = arith.constant 0 : i32
        %dma_start3A_1585 = tpu.memref_slice %arg3[%dma_start3A_1583, %dma_start3A_1584] : memref<10000x128xf32, #tpu.memory_space<hbm>> -> memref<10000x128xf32, #tpu.memory_space<hbm>>
        tpu.enqueue_indirect_dma source(%dma_start3A_1585 : memref<10000x128xf32, #tpu.memory_space<hbm>>) target(%arg12 : memref<128x128xf32, #tpu.memory_space<vmem>>) offsets(%arg8 : memref<128xi32, #tpu.memory_space<vmem>>) semaphore(%arg15 : memref<!tpu.dma_semaphore, #tpu.memory_space<semaphore_mem>>)
        %dma_wait3A_1586 = arith.constant 0 : i32
        %dma_wait3A_1587 = arith.constant 0 : i32
        %dma_wait3A_1588 = tpu.memref_slice %arg3[%dma_wait3A_1586, %dma_wait3A_1587] : memref<10000x128xf32, #tpu.memory_space<hbm>> -> memref<10000x128xf32, #tpu.memory_space<hbm>>
        tpu.wait_indirect_dma semaphore(%arg15 : memref<!tpu.dma_semaphore, #tpu.memory_space<semaphore_mem>>) src(%dma_wait3A_1588 : memref<10000x128xf32, #tpu.memory_space<hbm>>) dst(%arg12 : memref<128x128xf32, #tpu.memory_space<vmem>>)
        "tpu.region"() ({
          %run_scoped3A = tpu.sem_alloc : memref<!tpu.dma_semaphore, #tpu.memory_space<semaphore_mem>>
          %dma_start3A_1589 = arith.constant 0 : i32
          %dma_start3A_1590 = arith.constant 0 : i32
          %dma_start3A_1591 = tpu.memref_slice %arg14[%dma_start3A_1589, %dma_start3A_1590] : memref<10000x128xf32, #tpu.memory_space<vmem_shared>> -> memref<10000x128xf32, #tpu.memory_space<vmem_shared>>
          tpu.enqueue_indirect_dma source(%arg12 : memref<128x128xf32, #tpu.memory_space<vmem>>) target(%dma_start3A_1591 : memref<10000x128xf32, #tpu.memory_space<vmem_shared>>) offsets(%arg9 : memref<128xi32, #tpu.memory_space<vmem>>) semaphore(%run_scoped3A : memref<!tpu.dma_semaphore, #tpu.memory_space<semaphore_mem>>) {add = true}
          %dma_wait3A_1592 = arith.constant 0 : i32
          %dma_wait3A_1593 = arith.constant 0 : i32
          %dma_wait3A_1594 = tpu.memref_slice %arg14[%dma_wait3A_1592, %dma_wait3A_1593] : memref<10000x128xf32, #tpu.memory_space<vmem_shared>> -> memref<10000x128xf32, #tpu.memory_space<vmem_shared>>
          tpu.wait_indirect_dma semaphore(%run_scoped3A : memref<!tpu.dma_semaphore, #tpu.memory_space<semaphore_mem>>) src(%arg12 : memref<128x128xf32, #tpu.memory_space<vmem>>) dst(%dma_wait3A_1594 : memref<10000x128xf32, #tpu.memory_space<vmem_shared>>)
          tpu.yield
        }) : () -> ()
      }
      %scan3A_1569 = arith.constant 156 : i32
      %mul3A = arith.constant 20000 : i32
      %mul3A_1570 = arith.muli %arg1, %mul3A : i32
      %add3A = arith.constant 19968 : i32
      %add3A_1571 = arith.addi %mul3A_1570, %add3A : i32
      %multiple_of3A = tpu.assume_multiple %add3A_1571, 8 : i32
      "tpu.region"() ({
        %run_scoped3A = tpu.sem_alloc : memref<!tpu.dma_semaphore, #tpu.memory_space<semaphore_mem>>
        %dma_start3A_1576 = tpu.memref_slice %arg4[%multiple_of3A] : memref<320000xi32, #tpu.memory_space<hbm>> -> memref<32xi32, #tpu.memory_space<hbm>>
        %dma_start3A_1577 = tpu.memref_slice %arg4[%multiple_of3A] : memref<320000xi32, #tpu.memory_space<hbm>> -> memref<32xi32, #tpu.memory_space<hbm>>
        tpu.enqueue_dma source(%dma_start3A_1577 : memref<32xi32, #tpu.memory_space<hbm>>) target(%arg10 : memref<32xi32, #tpu.memory_space<vmem>>) target_semaphore(%run_scoped3A : memref<!tpu.dma_semaphore, #tpu.memory_space<semaphore_mem>>)
        %dma_wait3A_1578 = tpu.memref_slice %arg4[%multiple_of3A] : memref<320000xi32, #tpu.memory_space<hbm>> -> memref<32xi32, #tpu.memory_space<hbm>>
        %dma_wait3A_1579 = tpu.memref_slice %arg4[%multiple_of3A] : memref<320000xi32, #tpu.memory_space<hbm>> -> memref<32xi32, #tpu.memory_space<hbm>>
        tpu.wait_dma2 semaphore(%run_scoped3A : memref<!tpu.dma_semaphore, #tpu.memory_space<semaphore_mem>>) src(%dma_wait3A_1579 : memref<32xi32, #tpu.memory_space<hbm>>) dst(%arg10 : memref<32xi32, #tpu.memory_space<vmem>>)
        tpu.yield
      }) : () -> ()
      "tpu.region"() ({
        %run_scoped3A = tpu.sem_alloc : memref<!tpu.dma_semaphore, #tpu.memory_space<semaphore_mem>>
        %dma_start3A_1576 = tpu.memref_slice %arg5[%multiple_of3A] : memref<320000xi32, #tpu.memory_space<hbm>> -> memref<32xi32, #tpu.memory_space<hbm>>
        %dma_start3A_1577 = tpu.memref_slice %arg5[%multiple_of3A] : memref<320000xi32, #tpu.memory_space<hbm>> -> memref<32xi32, #tpu.memory_space<hbm>>
        tpu.enqueue_dma source(%dma_start3A_1577 : memref<32xi32, #tpu.memory_space<hbm>>) target(%arg11 : memref<32xi32, #tpu.memory_space<vmem>>) target_semaphore(%run_scoped3A : memref<!tpu.dma_semaphore, #tpu.memory_space<semaphore_mem>>)
        %dma_wait3A_1578 = tpu.memref_slice %arg5[%multiple_of3A] : memref<320000xi32, #tpu.memory_space<hbm>> -> memref<32xi32, #tpu.memory_space<hbm>>
        %dma_wait3A_1579 = tpu.memref_slice %arg5[%multiple_of3A] : memref<320000xi32, #tpu.memory_space<hbm>> -> memref<32xi32, #tpu.memory_space<hbm>>
        tpu.wait_dma2 semaphore(%run_scoped3A : memref<!tpu.dma_semaphore, #tpu.memory_space<semaphore_mem>>) src(%dma_wait3A_1579 : memref<32xi32, #tpu.memory_space<hbm>>) dst(%arg11 : memref<32xi32, #tpu.memory_space<vmem>>)
        tpu.yield
      }) : () -> ()
      %dma_start3A = arith.constant 0 : i32
      %dma_start3A_1572 = arith.constant 0 : i32
      %dma_start3A_1573 = tpu.memref_slice %arg3[%dma_start3A, %dma_start3A_1572] : memref<10000x128xf32, #tpu.memory_space<hbm>> -> memref<10000x128xf32, #tpu.memory_space<hbm>>
      tpu.enqueue_indirect_dma source(%dma_start3A_1573 : memref<10000x128xf32, #tpu.memory_space<hbm>>) target(%arg13 : memref<32x128xf32, #tpu.memory_space<vmem>>) offsets(%arg10 : memref<32xi32, #tpu.memory_space<vmem>>) semaphore(%arg15 : memref<!tpu.dma_semaphore, #tpu.memory_space<semaphore_mem>>)
      %dma_wait3A = arith.constant 0 : i32
      %dma_wait3A_1574 = arith.constant 0 : i32
      %dma_wait3A_1575 = tpu.memref_slice %arg3[%dma_wait3A, %dma_wait3A_1574] : memref<10000x128xf32, #tpu.memory_space<hbm>> -> memref<10000x128xf32, #tpu.memory_space<hbm>>
      tpu.wait_indirect_dma semaphore(%arg15 : memref<!tpu.dma_semaphore, #tpu.memory_space<semaphore_mem>>) src(%dma_wait3A_1575 : memref<10000x128xf32, #tpu.memory_space<hbm>>) dst(%arg13 : memref<32x128xf32, #tpu.memory_space<vmem>>)
      "tpu.region"() ({
        %run_scoped3A = tpu.sem_alloc : memref<!tpu.dma_semaphore, #tpu.memory_space<semaphore_mem>>
        %dma_start3A_1576 = arith.constant 0 : i32
        %dma_start3A_1577 = arith.constant 0 : i32
        %dma_start3A_1578 = tpu.memref_slice %arg14[%dma_start3A_1576, %dma_start3A_1577] : memref<10000x128xf32, #tpu.memory_space<vmem_shared>> -> memref<10000x128xf32, #tpu.memory_space<vmem_shared>>
        tpu.enqueue_indirect_dma source(%arg13 : memref<32x128xf32, #tpu.memory_space<vmem>>) target(%dma_start3A_1578 : memref<10000x128xf32, #tpu.memory_space<vmem_shared>>) offsets(%arg11 : memref<32xi32, #tpu.memory_space<vmem>>) semaphore(%run_scoped3A : memref<!tpu.dma_semaphore, #tpu.memory_space<semaphore_mem>>) {add = true}
        %dma_wait3A_1579 = arith.constant 0 : i32
        %dma_wait3A_1580 = arith.constant 0 : i32
        %dma_wait3A_1581 = tpu.memref_slice %arg14[%dma_wait3A_1579, %dma_wait3A_1580] : memref<10000x128xf32, #tpu.memory_space<vmem_shared>> -> memref<10000x128xf32, #tpu.memory_space<vmem_shared>>
        tpu.wait_indirect_dma semaphore(%run_scoped3A : memref<!tpu.dma_semaphore, #tpu.memory_space<semaphore_mem>>) src(%arg13 : memref<32x128xf32, #tpu.memory_space<vmem>>) dst(%dma_wait3A_1581 : memref<10000x128xf32, #tpu.memory_space<vmem_shared>>)
        tpu.yield
      }) : () -> ()
    } else {
    }
    %barrier3A_1553 = arith.constant 0 : index
    tpu.barrier barrier_id(%barrier3A_1553)
    %eq3A_1554 = arith.constant 0 : i32
    %eq3A_1555 = arith.cmpi eq, %arg0, %eq3A_1554 : i32
    %convert_element_type3A_1556 = arith.extui %eq3A_1555 : i1 to i32
    %cond3A_1557 = arith.constant 0 : i32
    %cond3A_1558 = arith.cmpi ne, %convert_element_type3A_1556, %cond3A_1557 : i32
    scf.if %cond3A_1558 {
      %add3A = arith.constant 0 : i32
      %add3A_1564 = arith.addi %arg1, %add3A : i32
      %lt3A = arith.constant 78 : i32
      %lt3A_1565 = arith.cmpi slt, %add3A_1564, %lt3A : i32
      %convert_element_type3A_1566 = arith.extui %lt3A_1565 : i1 to i32
      %cond3A_1567 = arith.constant 0 : i32
      %cond3A_1568 = arith.cmpi ne, %convert_element_type3A_1566, %cond3A_1567 : i32
      scf.if %cond3A_1568 {
        %mul3A = arith.constant 128 : i32
        %mul3A_1602 = arith.muli %add3A_1564, %mul3A : i32
        %multiple_of3A = tpu.assume_multiple %mul3A_1602, 8 : i32
        "tpu.region"() ({
          %run_scoped3A = tpu.sem_alloc : memref<!tpu.dma_semaphore, #tpu.memory_space<semaphore_mem>>
          %dma_start3A = arith.constant 0 : i32
          %dma_start3A_1603 = tpu.memref_slice %arg14[%multiple_of3A, %dma_start3A] : memref<10000x128xf32, #tpu.memory_space<vmem_shared>> -> memref<128x128xf32, #tpu.memory_space<vmem_shared>>
          %dma_start3A_1604 = arith.constant 0 : i32
          %dma_start3A_1605 = tpu.memref_slice %arg14[%multiple_of3A, %dma_start3A_1604] : memref<10000x128xf32, #tpu.memory_space<vmem_shared>> -> memref<128x128xf32, #tpu.memory_space<vmem_shared>>
          tpu.enqueue_dma source(%dma_start3A_1605 : memref<128x128xf32, #tpu.memory_space<vmem_shared>>) target(%arg12 : memref<128x128xf32, #tpu.memory_space<vmem>>) target_semaphore(%run_scoped3A : memref<!tpu.dma_semaphore, #tpu.memory_space<semaphore_mem>>)
          %dma_wait3A = arith.constant 0 : i32
          %dma_wait3A_1606 = tpu.memref_slice %arg14[%multiple_of3A, %dma_wait3A] : memref<10000x128xf32, #tpu.memory_space<vmem_shared>> -> memref<128x128xf32, #tpu.memory_space<vmem_shared>>
          %dma_wait3A_1607 = arith.constant 0 : i32
          %dma_wait3A_1608 = tpu.memref_slice %arg14[%multiple_of3A, %dma_wait3A_1607] : memref<10000x128xf32, #tpu.memory_space<vmem_shared>> -> memref<128x128xf32, #tpu.memory_space<vmem_shared>>
          tpu.wait_dma2 semaphore(%run_scoped3A : memref<!tpu.dma_semaphore, #tpu.memory_space<semaphore_mem>>) src(%dma_wait3A_1608 : memref<128x128xf32, #tpu.memory_space<vmem_shared>>) dst(%arg12 : memref<128x128xf32, #tpu.memory_space<vmem>>)
          tpu.yield
        }) : () -> ()
        "tpu.region"() ({
          %run_scoped3A = tpu.sem_alloc : memref<!tpu.dma_semaphore, #tpu.memory_space<semaphore_mem>>
          %dma_start3A = arith.constant 0 : i32
          %dma_start3A_1603 = tpu.memref_slice %arg6[%multiple_of3A, %dma_start3A] : memref<10000x128xf32, #tpu.memory_space<hbm>> -> memref<128x128xf32, #tpu.memory_space<hbm>>
          %dma_start3A_1604 = arith.constant 0 : i32
          %dma_start3A_1605 = tpu.memref_slice %arg6[%multiple_of3A, %dma_start3A_1604] : memref<10000x128xf32, #tpu.memory_space<hbm>> -> memref<128x128xf32, #tpu.memory_space<hbm>>
          tpu.enqueue_dma source(%arg12 : memref<128x128xf32, #tpu.memory_space<vmem>>) target(%dma_start3A_1605 : memref<128x128xf32, #tpu.memory_space<hbm>>) target_semaphore(%run_scoped3A : memref<!tpu.dma_semaphore, #tpu.memory_space<semaphore_mem>>)
          %dma_wait3A = arith.constant 0 : i32
          %dma_wait3A_1606 = tpu.memref_slice %arg6[%multiple_of3A, %dma_wait3A] : memref<10000x128xf32, #tpu.memory_space<hbm>> -> memref<128x128xf32, #tpu.memory_space<hbm>>
          %dma_wait3A_1607 = arith.constant 0 : i32
          %dma_wait3A_1608 = tpu.memref_slice %arg6[%multiple_of3A, %dma_wait3A_1607] : memref<10000x128xf32, #tpu.memory_space<hbm>> -> memref<128x128xf32, #tpu.memory_space<hbm>>
          tpu.wait_dma2 semaphore(%run_scoped3A : memref<!tpu.dma_semaphore, #tpu.memory_space<semaphore_mem>>) src(%arg12 : memref<128x128xf32, #tpu.memory_space<vmem>>) dst(%dma_wait3A_1608 : memref<128x128xf32, #tpu.memory_space<hbm>>)
          tpu.yield
        }) : () -> ()
      } else {
      }
      %add3A_1569 = arith.constant 16 : i32
      %add3A_1570 = arith.addi %arg1, %add3A_1569 : i32
      %lt3A_1571 = arith.constant 78 : i32
      %lt3A_1572 = arith.cmpi slt, %add3A_1570, %lt3A_1571 : i32
      %convert_element_type3A_1573 = arith.extui %lt3A_1572 : i1 to i32
      %cond3A_1574 = arith.constant 0 : i32
      %cond3A_1575 = arith.cmpi ne, %convert_element_type3A_1573, %cond3A_1574 : i32
      scf.if %cond3A_1575 {
        %mul3A = arith.constant 128 : i32
        %mul3A_1602 = arith.muli %add3A_1570, %mul3A : i32
        %multiple_of3A = tpu.assume_multiple %mul3A_1602, 8 : i32
        "tpu.region"() ({
          %run_scoped3A = tpu.sem_alloc : memref<!tpu.dma_semaphore, #tpu.memory_space<semaphore_mem>>
          %dma_start3A = arith.constant 0 : i32
          %dma_start3A_1603 = tpu.memref_slice %arg14[%multiple_of3A, %dma_start3A] : memref<10000x128xf32, #tpu.memory_space<vmem_shared>> -> memref<128x128xf32, #tpu.memory_space<vmem_shared>>
          %dma_start3A_1604 = arith.constant 0 : i32
          %dma_start3A_1605 = tpu.memref_slice %arg14[%multiple_of3A, %dma_start3A_1604] : memref<10000x128xf32, #tpu.memory_space<vmem_shared>> -> memref<128x128xf32, #tpu.memory_space<vmem_shared>>
          tpu.enqueue_dma source(%dma_start3A_1605 : memref<128x128xf32, #tpu.memory_space<vmem_shared>>) target(%arg12 : memref<128x128xf32, #tpu.memory_space<vmem>>) target_semaphore(%run_scoped3A : memref<!tpu.dma_semaphore, #tpu.memory_space<semaphore_mem>>)
          %dma_wait3A = arith.constant 0 : i32
          %dma_wait3A_1606 = tpu.memref_slice %arg14[%multiple_of3A, %dma_wait3A] : memref<10000x128xf32, #tpu.memory_space<vmem_shared>> -> memref<128x128xf32, #tpu.memory_space<vmem_shared>>
          %dma_wait3A_1607 = arith.constant 0 : i32
          %dma_wait3A_1608 = tpu.memref_slice %arg14[%multiple_of3A, %dma_wait3A_1607] : memref<10000x128xf32, #tpu.memory_space<vmem_shared>> -> memref<128x128xf32, #tpu.memory_space<vmem_shared>>
          tpu.wait_dma2 semaphore(%run_scoped3A : memref<!tpu.dma_semaphore, #tpu.memory_space<semaphore_mem>>) src(%dma_wait3A_1608 : memref<128x128xf32, #tpu.memory_space<vmem_shared>>) dst(%arg12 : memref<128x128xf32, #tpu.memory_space<vmem>>)
          tpu.yield
        }) : () -> ()
        "tpu.region"() ({
          %run_scoped3A = tpu.sem_alloc : memref<!tpu.dma_semaphore, #tpu.memory_space<semaphore_mem>>
          %dma_start3A = arith.constant 0 : i32
          %dma_start3A_1603 = tpu.memref_slice %arg6[%multiple_of3A, %dma_start3A] : memref<10000x128xf32, #tpu.memory_space<hbm>> -> memref<128x128xf32, #tpu.memory_space<hbm>>
          %dma_start3A_1604 = arith.constant 0 : i32
          %dma_start3A_1605 = tpu.memref_slice %arg6[%multiple_of3A, %dma_start3A_1604] : memref<10000x128xf32, #tpu.memory_space<hbm>> -> memref<128x128xf32, #tpu.memory_space<hbm>>
          tpu.enqueue_dma source(%arg12 : memref<128x128xf32, #tpu.memory_space<vmem>>) target(%dma_start3A_1605 : memref<128x128xf32, #tpu.memory_space<hbm>>) target_semaphore(%run_scoped3A : memref<!tpu.dma_semaphore, #tpu.memory_space<semaphore_mem>>)
          %dma_wait3A = arith.constant 0 : i32
          %dma_wait3A_1606 = tpu.memref_slice %arg6[%multiple_of3A, %dma_wait3A] : memref<10000x128xf32, #tpu.memory_space<hbm>> -> memref<128x128xf32, #tpu.memory_space<hbm>>
          %dma_wait3A_1607 = arith.constant 0 : i32
          %dma_wait3A_1608 = tpu.memref_slice %arg6[%multiple_of3A, %dma_wait3A_1607] : memref<10000x128xf32, #tpu.memory_space<hbm>> -> memref<128x128xf32, #tpu.memory_space<hbm>>
          tpu.wait_dma2 semaphore(%run_scoped3A : memref<!tpu.dma_semaphore, #tpu.memory_space<semaphore_mem>>) src(%arg12 : memref<128x128xf32, #tpu.memory_space<vmem>>) dst(%dma_wait3A_1608 : memref<128x128xf32, #tpu.memory_space<hbm>>)
          tpu.yield
        }) : () -> ()
      } else {
      }
      %add3A_1576 = arith.constant 32 : i32
      %add3A_1577 = arith.addi %arg1, %add3A_1576 : i32
      %lt3A_1578 = arith.constant 78 : i32
      %lt3A_1579 = arith.cmpi slt, %add3A_1577, %lt3A_1578 : i32
      %convert_element_type3A_1580 = arith.extui %lt3A_1579 : i1 to i32
      %cond3A_1581 = arith.constant 0 : i32
      %cond3A_1582 = arith.cmpi ne, %convert_element_type3A_1580, %cond3A_1581 : i32
      scf.if %cond3A_1582 {
        %mul3A = arith.constant 128 : i32
        %mul3A_1602 = arith.muli %add3A_1577, %mul3A : i32
        %multiple_of3A = tpu.assume_multiple %mul3A_1602, 8 : i32
        "tpu.region"() ({
          %run_scoped3A = tpu.sem_alloc : memref<!tpu.dma_semaphore, #tpu.memory_space<semaphore_mem>>
          %dma_start3A = arith.constant 0 : i32
          %dma_start3A_1603 = tpu.memref_slice %arg14[%multiple_of3A, %dma_start3A] : memref<10000x128xf32, #tpu.memory_space<vmem_shared>> -> memref<128x128xf32, #tpu.memory_space<vmem_shared>>
          %dma_start3A_1604 = arith.constant 0 : i32
          %dma_start3A_1605 = tpu.memref_slice %arg14[%multiple_of3A, %dma_start3A_1604] : memref<10000x128xf32, #tpu.memory_space<vmem_shared>> -> memref<128x128xf32, #tpu.memory_space<vmem_shared>>
          tpu.enqueue_dma source(%dma_start3A_1605 : memref<128x128xf32, #tpu.memory_space<vmem_shared>>) target(%arg12 : memref<128x128xf32, #tpu.memory_space<vmem>>) target_semaphore(%run_scoped3A : memref<!tpu.dma_semaphore, #tpu.memory_space<semaphore_mem>>)
          %dma_wait3A = arith.constant 0 : i32
          %dma_wait3A_1606 = tpu.memref_slice %arg14[%multiple_of3A, %dma_wait3A] : memref<10000x128xf32, #tpu.memory_space<vmem_shared>> -> memref<128x128xf32, #tpu.memory_space<vmem_shared>>
          %dma_wait3A_1607 = arith.constant 0 : i32
          %dma_wait3A_1608 = tpu.memref_slice %arg14[%multiple_of3A, %dma_wait3A_1607] : memref<10000x128xf32, #tpu.memory_space<vmem_shared>> -> memref<128x128xf32, #tpu.memory_space<vmem_shared>>
          tpu.wait_dma2 semaphore(%run_scoped3A : memref<!tpu.dma_semaphore, #tpu.memory_space<semaphore_mem>>) src(%dma_wait3A_1608 : memref<128x128xf32, #tpu.memory_space<vmem_shared>>) dst(%arg12 : memref<128x128xf32, #tpu.memory_space<vmem>>)
          tpu.yield
        }) : () -> ()
        "tpu.region"() ({
          %run_scoped3A = tpu.sem_alloc : memref<!tpu.dma_semaphore, #tpu.memory_space<semaphore_mem>>
          %dma_start3A = arith.constant 0 : i32
          %dma_start3A_1603 = tpu.memref_slice %arg6[%multiple_of3A, %dma_start3A] : memref<10000x128xf32, #tpu.memory_space<hbm>> -> memref<128x128xf32, #tpu.memory_space<hbm>>
          %dma_start3A_1604 = arith.constant 0 : i32
          %dma_start3A_1605 = tpu.memref_slice %arg6[%multiple_of3A, %dma_start3A_1604] : memref<10000x128xf32, #tpu.memory_space<hbm>> -> memref<128x128xf32, #tpu.memory_space<hbm>>
          tpu.enqueue_dma source(%arg12 : memref<128x128xf32, #tpu.memory_space<vmem>>) target(%dma_start3A_1605 : memref<128x128xf32, #tpu.memory_space<hbm>>) target_semaphore(%run_scoped3A : memref<!tpu.dma_semaphore, #tpu.memory_space<semaphore_mem>>)
          %dma_wait3A = arith.constant 0 : i32
          %dma_wait3A_1606 = tpu.memref_slice %arg6[%multiple_of3A, %dma_wait3A] : memref<10000x128xf32, #tpu.memory_space<hbm>> -> memref<128x128xf32, #tpu.memory_space<hbm>>
          %dma_wait3A_1607 = arith.constant 0 : i32
          %dma_wait3A_1608 = tpu.memref_slice %arg6[%multiple_of3A, %dma_wait3A_1607] : memref<10000x128xf32, #tpu.memory_space<hbm>> -> memref<128x128xf32, #tpu.memory_space<hbm>>
          tpu.wait_dma2 semaphore(%run_scoped3A : memref<!tpu.dma_semaphore, #tpu.memory_space<semaphore_mem>>) src(%arg12 : memref<128x128xf32, #tpu.memory_space<vmem>>) dst(%dma_wait3A_1608 : memref<128x128xf32, #tpu.memory_space<hbm>>)
          tpu.yield
        }) : () -> ()
      } else {
      }
      %add3A_1583 = arith.constant 48 : i32
      %add3A_1584 = arith.addi %arg1, %add3A_1583 : i32
      %lt3A_1585 = arith.constant 78 : i32
      %lt3A_1586 = arith.cmpi slt, %add3A_1584, %lt3A_1585 : i32
      %convert_element_type3A_1587 = arith.extui %lt3A_1586 : i1 to i32
      %cond3A_1588 = arith.constant 0 : i32
      %cond3A_1589 = arith.cmpi ne, %convert_element_type3A_1587, %cond3A_1588 : i32
      scf.if %cond3A_1589 {
        %mul3A = arith.constant 128 : i32
        %mul3A_1602 = arith.muli %add3A_1584, %mul3A : i32
        %multiple_of3A = tpu.assume_multiple %mul3A_1602, 8 : i32
        "tpu.region"() ({
          %run_scoped3A = tpu.sem_alloc : memref<!tpu.dma_semaphore, #tpu.memory_space<semaphore_mem>>
          %dma_start3A = arith.constant 0 : i32
          %dma_start3A_1603 = tpu.memref_slice %arg14[%multiple_of3A, %dma_start3A] : memref<10000x128xf32, #tpu.memory_space<vmem_shared>> -> memref<128x128xf32, #tpu.memory_space<vmem_shared>>
          %dma_start3A_1604 = arith.constant 0 : i32
          %dma_start3A_1605 = tpu.memref_slice %arg14[%multiple_of3A, %dma_start3A_1604] : memref<10000x128xf32, #tpu.memory_space<vmem_shared>> -> memref<128x128xf32, #tpu.memory_space<vmem_shared>>
          tpu.enqueue_dma source(%dma_start3A_1605 : memref<128x128xf32, #tpu.memory_space<vmem_shared>>) target(%arg12 : memref<128x128xf32, #tpu.memory_space<vmem>>) target_semaphore(%run_scoped3A : memref<!tpu.dma_semaphore, #tpu.memory_space<semaphore_mem>>)
          %dma_wait3A = arith.constant 0 : i32
          %dma_wait3A_1606 = tpu.memref_slice %arg14[%multiple_of3A, %dma_wait3A] : memref<10000x128xf32, #tpu.memory_space<vmem_shared>> -> memref<128x128xf32, #tpu.memory_space<vmem_shared>>
          %dma_wait3A_1607 = arith.constant 0 : i32
          %dma_wait3A_1608 = tpu.memref_slice %arg14[%multiple_of3A, %dma_wait3A_1607] : memref<10000x128xf32, #tpu.memory_space<vmem_shared>> -> memref<128x128xf32, #tpu.memory_space<vmem_shared>>
          tpu.wait_dma2 semaphore(%run_scoped3A : memref<!tpu.dma_semaphore, #tpu.memory_space<semaphore_mem>>) src(%dma_wait3A_1608 : memref<128x128xf32, #tpu.memory_space<vmem_shared>>) dst(%arg12 : memref<128x128xf32, #tpu.memory_space<vmem>>)
          tpu.yield
        }) : () -> ()
        "tpu.region"() ({
          %run_scoped3A = tpu.sem_alloc : memref<!tpu.dma_semaphore, #tpu.memory_space<semaphore_mem>>
          %dma_start3A = arith.constant 0 : i32
          %dma_start3A_1603 = tpu.memref_slice %arg6[%multiple_of3A, %dma_start3A] : memref<10000x128xf32, #tpu.memory_space<hbm>> -> memref<128x128xf32, #tpu.memory_space<hbm>>
          %dma_start3A_1604 = arith.constant 0 : i32
          %dma_start3A_1605 = tpu.memref_slice %arg6[%multiple_of3A, %dma_start3A_1604] : memref<10000x128xf32, #tpu.memory_space<hbm>> -> memref<128x128xf32, #tpu.memory_space<hbm>>
          tpu.enqueue_dma source(%arg12 : memref<128x128xf32, #tpu.memory_space<vmem>>) target(%dma_start3A_1605 : memref<128x128xf32, #tpu.memory_space<hbm>>) target_semaphore(%run_scoped3A : memref<!tpu.dma_semaphore, #tpu.memory_space<semaphore_mem>>)
          %dma_wait3A = arith.constant 0 : i32
          %dma_wait3A_1606 = tpu.memref_slice %arg6[%multiple_of3A, %dma_wait3A] : memref<10000x128xf32, #tpu.memory_space<hbm>> -> memref<128x128xf32, #tpu.memory_space<hbm>>
          %dma_wait3A_1607 = arith.constant 0 : i32
          %dma_wait3A_1608 = tpu.memref_slice %arg6[%multiple_of3A, %dma_wait3A_1607] : memref<10000x128xf32, #tpu.memory_space<hbm>> -> memref<128x128xf32, #tpu.memory_space<hbm>>
          tpu.wait_dma2 semaphore(%run_scoped3A : memref<!tpu.dma_semaphore, #tpu.memory_space<semaphore_mem>>) src(%arg12 : memref<128x128xf32, #tpu.memory_space<vmem>>) dst(%dma_wait3A_1608 : memref<128x128xf32, #tpu.memory_space<hbm>>)
          tpu.yield
        }) : () -> ()
      } else {
      }
      %add3A_1590 = arith.constant 64 : i32
      %add3A_1591 = arith.addi %arg1, %add3A_1590 : i32
      %lt3A_1592 = arith.constant 78 : i32
      %lt3A_1593 = arith.cmpi slt, %add3A_1591, %lt3A_1592 : i32
      %convert_element_type3A_1594 = arith.extui %lt3A_1593 : i1 to i32
      %cond3A_1595 = arith.constant 0 : i32
      %cond3A_1596 = arith.cmpi ne, %convert_element_type3A_1594, %cond3A_1595 : i32
      scf.if %cond3A_1596 {
        %mul3A = arith.constant 128 : i32
        %mul3A_1602 = arith.muli %add3A_1591, %mul3A : i32
        %multiple_of3A = tpu.assume_multiple %mul3A_1602, 8 : i32
        "tpu.region"() ({
          %run_scoped3A = tpu.sem_alloc : memref<!tpu.dma_semaphore, #tpu.memory_space<semaphore_mem>>
          %dma_start3A = arith.constant 0 : i32
          %dma_start3A_1603 = tpu.memref_slice %arg14[%multiple_of3A, %dma_start3A] : memref<10000x128xf32, #tpu.memory_space<vmem_shared>> -> memref<128x128xf32, #tpu.memory_space<vmem_shared>>
          %dma_start3A_1604 = arith.constant 0 : i32
          %dma_start3A_1605 = tpu.memref_slice %arg14[%multiple_of3A, %dma_start3A_1604] : memref<10000x128xf32, #tpu.memory_space<vmem_shared>> -> memref<128x128xf32, #tpu.memory_space<vmem_shared>>
          tpu.enqueue_dma source(%dma_start3A_1605 : memref<128x128xf32, #tpu.memory_space<vmem_shared>>) target(%arg12 : memref<128x128xf32, #tpu.memory_space<vmem>>) target_semaphore(%run_scoped3A : memref<!tpu.dma_semaphore, #tpu.memory_space<semaphore_mem>>)
          %dma_wait3A = arith.constant 0 : i32
          %dma_wait3A_1606 = tpu.memref_slice %arg14[%multiple_of3A, %dma_wait3A] : memref<10000x128xf32, #tpu.memory_space<vmem_shared>> -> memref<128x128xf32, #tpu.memory_space<vmem_shared>>
          %dma_wait3A_1607 = arith.constant 0 : i32
          %dma_wait3A_1608 = tpu.memref_slice %arg14[%multiple_of3A, %dma_wait3A_1607] : memref<10000x128xf32, #tpu.memory_space<vmem_shared>> -> memref<128x128xf32, #tpu.memory_space<vmem_shared>>
          tpu.wait_dma2 semaphore(%run_scoped3A : memref<!tpu.dma_semaphore, #tpu.memory_space<semaphore_mem>>) src(%dma_wait3A_1608 : memref<128x128xf32, #tpu.memory_space<vmem_shared>>) dst(%arg12 : memref<128x128xf32, #tpu.memory_space<vmem>>)
          tpu.yield
        }) : () -> ()
        "tpu.region"() ({
          %run_scoped3A = tpu.sem_alloc : memref<!tpu.dma_semaphore, #tpu.memory_space<semaphore_mem>>
          %dma_start3A = arith.constant 0 : i32
          %dma_start3A_1603 = tpu.memref_slice %arg6[%multiple_of3A, %dma_start3A] : memref<10000x128xf32, #tpu.memory_space<hbm>> -> memref<128x128xf32, #tpu.memory_space<hbm>>
          %dma_start3A_1604 = arith.constant 0 : i32
          %dma_start3A_1605 = tpu.memref_slice %arg6[%multiple_of3A, %dma_start3A_1604] : memref<10000x128xf32, #tpu.memory_space<hbm>> -> memref<128x128xf32, #tpu.memory_space<hbm>>
          tpu.enqueue_dma source(%arg12 : memref<128x128xf32, #tpu.memory_space<vmem>>) target(%dma_start3A_1605 : memref<128x128xf32, #tpu.memory_space<hbm>>) target_semaphore(%run_scoped3A : memref<!tpu.dma_semaphore, #tpu.memory_space<semaphore_mem>>)
          %dma_wait3A = arith.constant 0 : i32
          %dma_wait3A_1606 = tpu.memref_slice %arg6[%multiple_of3A, %dma_wait3A] : memref<10000x128xf32, #tpu.memory_space<hbm>> -> memref<128x128xf32, #tpu.memory_space<hbm>>
          %dma_wait3A_1607 = arith.constant 0 : i32
          %dma_wait3A_1608 = tpu.memref_slice %arg6[%multiple_of3A, %dma_wait3A_1607] : memref<10000x128xf32, #tpu.memory_space<hbm>> -> memref<128x128xf32, #tpu.memory_space<hbm>>
          tpu.wait_dma2 semaphore(%run_scoped3A : memref<!tpu.dma_semaphore, #tpu.memory_space<semaphore_mem>>) src(%arg12 : memref<128x128xf32, #tpu.memory_space<vmem>>) dst(%dma_wait3A_1608 : memref<128x128xf32, #tpu.memory_space<hbm>>)
          tpu.yield
        }) : () -> ()
      } else {
      }
      %eq3A_1597 = arith.constant 14 : i32
      %eq3A_1598 = arith.cmpi eq, %arg1, %eq3A_1597 : i32
      %convert_element_type3A_1599 = arith.extui %eq3A_1598 : i1 to i32
      %cond3A_1600 = arith.constant 0 : i32
      %cond3A_1601 = arith.cmpi ne, %convert_element_type3A_1599, %cond3A_1600 : i32
      scf.if %cond3A_1601 {
        "tpu.region"() ({
          %run_scoped3A = tpu.sem_alloc : memref<!tpu.dma_semaphore, #tpu.memory_space<semaphore_mem>>
          %dma_start3A = arith.constant 0 : i32
          %dma_start3A_1602 = arith.constant 0 : i32
          %dma_start3A_1603 = tpu.memref_slice %arg12[%dma_start3A, %dma_start3A_1602] : memref<128x128xf32, #tpu.memory_space<vmem>> -> memref<16x128xf32, #tpu.memory_space<vmem>>
          %dma_start3A_1604 = arith.constant 9984 : i32
          %dma_start3A_1605 = arith.constant 0 : i32
          %dma_start3A_1606 = tpu.memref_slice %arg14[%dma_start3A_1604, %dma_start3A_1605] : memref<10000x128xf32, #tpu.memory_space<vmem_shared>> -> memref<16x128xf32, #tpu.memory_space<vmem_shared>>
          %dma_start3A_1607 = arith.constant 0 : i32
          %dma_start3A_1608 = arith.constant 0 : i32
          %dma_start3A_1609 = tpu.memref_slice %arg12[%dma_start3A_1607, %dma_start3A_1608] : memref<128x128xf32, #tpu.memory_space<vmem>> -> memref<16x128xf32, #tpu.memory_space<vmem>>
          %dma_start3A_1610 = arith.constant 9984 : i32
          %dma_start3A_1611 = arith.constant 0 : i32
          %dma_start3A_1612 = tpu.memref_slice %arg14[%dma_start3A_1610, %dma_start3A_1611] : memref<10000x128xf32, #tpu.memory_space<vmem_shared>> -> memref<16x128xf32, #tpu.memory_space<vmem_shared>>
          tpu.enqueue_dma source(%dma_start3A_1612 : memref<16x128xf32, #tpu.memory_space<vmem_shared>>) target(%dma_start3A_1609 : memref<16x128xf32, #tpu.memory_space<vmem>>) target_semaphore(%run_scoped3A : memref<!tpu.dma_semaphore, #tpu.memory_space<semaphore_mem>>)
          %dma_wait3A = arith.constant 0 : i32
          %dma_wait3A_1613 = arith.constant 0 : i32
          %dma_wait3A_1614 = tpu.memref_slice %arg12[%dma_wait3A, %dma_wait3A_1613] : memref<128x128xf32, #tpu.memory_space<vmem>> -> memref<16x128xf32, #tpu.memory_space<vmem>>
          %dma_wait3A_1615 = arith.constant 9984 : i32
          %dma_wait3A_1616 = arith.constant 0 : i32
          %dma_wait3A_1617 = tpu.memref_slice %arg14[%dma_wait3A_1615, %dma_wait3A_1616] : memref<10000x128xf32, #tpu.memory_space<vmem_shared>> -> memref<16x128xf32, #tpu.memory_space<vmem_shared>>
          %dma_wait3A_1618 = arith.constant 0 : i32
          %dma_wait3A_1619 = arith.constant 0 : i32
          %dma_wait3A_1620 = tpu.memref_slice %arg12[%dma_wait3A_1618, %dma_wait3A_1619] : memref<128x128xf32, #tpu.memory_space<vmem>> -> memref<16x128xf32, #tpu.memory_space<vmem>>
          %dma_wait3A_1621 = arith.constant 9984 : i32
          %dma_wait3A_1622 = arith.constant 0 : i32
          %dma_wait3A_1623 = tpu.memref_slice %arg14[%dma_wait3A_1621, %dma_wait3A_1622] : memref<10000x128xf32, #tpu.memory_space<vmem_shared>> -> memref<16x128xf32, #tpu.memory_space<vmem_shared>>
          tpu.wait_dma2 semaphore(%run_scoped3A : memref<!tpu.dma_semaphore, #tpu.memory_space<semaphore_mem>>) src(%dma_wait3A_1623 : memref<16x128xf32, #tpu.memory_space<vmem_shared>>) dst(%dma_wait3A_1620 : memref<16x128xf32, #tpu.memory_space<vmem>>)
          tpu.yield
        }) : () -> ()
        "tpu.region"() ({
          %run_scoped3A = tpu.sem_alloc : memref<!tpu.dma_semaphore, #tpu.memory_space<semaphore_mem>>
          %dma_start3A = arith.constant 0 : i32
          %dma_start3A_1602 = arith.constant 0 : i32
          %dma_start3A_1603 = tpu.memref_slice %arg12[%dma_start3A, %dma_start3A_1602] : memref<128x128xf32, #tpu.memory_space<vmem>> -> memref<16x128xf32, #tpu.memory_space<vmem>>
          %dma_start3A_1604 = arith.constant 9984 : i32
          %dma_start3A_1605 = arith.constant 0 : i32
          %dma_start3A_1606 = tpu.memref_slice %arg6[%dma_start3A_1604, %dma_start3A_1605] : memref<10000x128xf32, #tpu.memory_space<hbm>> -> memref<16x128xf32, #tpu.memory_space<hbm>>
          %dma_start3A_1607 = arith.constant 9984 : i32
          %dma_start3A_1608 = arith.constant 0 : i32
          %dma_start3A_1609 = tpu.memref_slice %arg6[%dma_start3A_1607, %dma_start3A_1608] : memref<10000x128xf32, #tpu.memory_space<hbm>> -> memref<16x128xf32, #tpu.memory_space<hbm>>
          %dma_start3A_1610 = arith.constant 0 : i32
          %dma_start3A_1611 = arith.constant 0 : i32
          %dma_start3A_1612 = tpu.memref_slice %arg12[%dma_start3A_1610, %dma_start3A_1611] : memref<128x128xf32, #tpu.memory_space<vmem>> -> memref<16x128xf32, #tpu.memory_space<vmem>>
          tpu.enqueue_dma source(%dma_start3A_1612 : memref<16x128xf32, #tpu.memory_space<vmem>>) target(%dma_start3A_1609 : memref<16x128xf32, #tpu.memory_space<hbm>>) target_semaphore(%run_scoped3A : memref<!tpu.dma_semaphore, #tpu.memory_space<semaphore_mem>>)
          %dma_wait3A = arith.constant 0 : i32
          %dma_wait3A_1613 = arith.constant 0 : i32
          %dma_wait3A_1614 = tpu.memref_slice %arg12[%dma_wait3A, %dma_wait3A_1613] : memref<128x128xf32, #tpu.memory_space<vmem>> -> memref<16x128xf32, #tpu.memory_space<vmem>>
          %dma_wait3A_1615 = arith.constant 9984 : i32
          %dma_wait3A_1616 = arith.constant 0 : i32
          %dma_wait3A_1617 = tpu.memref_slice %arg6[%dma_wait3A_1615, %dma_wait3A_1616] : memref<10000x128xf32, #tpu.memory_space<hbm>> -> memref<16x128xf32, #tpu.memory_space<hbm>>
          %dma_wait3A_1618 = arith.constant 9984 : i32
          %dma_wait3A_1619 = arith.constant 0 : i32
          %dma_wait3A_1620 = tpu.memref_slice %arg6[%dma_wait3A_1618, %dma_wait3A_1619] : memref<10000x128xf32, #tpu.memory_space<hbm>> -> memref<16x128xf32, #tpu.memory_space<hbm>>
          %dma_wait3A_1621 = arith.constant 0 : i32
          %dma_wait3A_1622 = arith.constant 0 : i32
          %dma_wait3A_1623 = tpu.memref_slice %arg12[%dma_wait3A_1621, %dma_wait3A_1622] : memref<128x128xf32, #tpu.memory_space<vmem>> -> memref<16x128xf32, #tpu.memory_space<vmem>>
          tpu.wait_dma2 semaphore(%run_scoped3A : memref<!tpu.dma_semaphore, #tpu.memory_space<semaphore_mem>>) src(%dma_wait3A_1623 : memref<16x128xf32, #tpu.memory_space<vmem>>) dst(%dma_wait3A_1620 : memref<16x128xf32, #tpu.memory_space<hbm>>)
          tpu.yield
        }) : () -> ()
      } else {
      }
    } else {
    }
    %eq3A_1559 = arith.constant 1 : i32
    %eq3A_1560 = arith.cmpi eq, %arg0, %eq3A_1559 : i32
    %convert_element_type3A_1561 = arith.extui %eq3A_1560 : i1 to i32
    %cond3A_1562 = arith.constant 0 : i32
    %cond3A_1563 = arith.cmpi ne, %convert_element_type3A_1561, %cond3A_1562 : i32
    scf.if %cond3A_1563 {
      %add3A = arith.constant 0 : i32
      %add3A_1564 = arith.addi %arg1, %add3A : i32
      %lt3A = arith.constant 78 : i32
      %lt3A_1565 = arith.cmpi slt, %add3A_1564, %lt3A : i32
      %convert_element_type3A_1566 = arith.extui %lt3A_1565 : i1 to i32
      %cond3A_1567 = arith.constant 0 : i32
      %cond3A_1568 = arith.cmpi ne, %convert_element_type3A_1566, %cond3A_1567 : i32
      scf.if %cond3A_1568 {
        %mul3A = arith.constant 128 : i32
        %mul3A_1602 = arith.muli %add3A_1564, %mul3A : i32
        %multiple_of3A = tpu.assume_multiple %mul3A_1602, 8 : i32
        "tpu.region"() ({
          %run_scoped3A = tpu.sem_alloc : memref<!tpu.dma_semaphore, #tpu.memory_space<semaphore_mem>>
          %dma_start3A = arith.constant 0 : i32
          %dma_start3A_1603 = tpu.memref_slice %arg14[%multiple_of3A, %dma_start3A] : memref<10000x128xf32, #tpu.memory_space<vmem_shared>> -> memref<128x128xf32, #tpu.memory_space<vmem_shared>>
          %dma_start3A_1604 = arith.constant 0 : i32
          %dma_start3A_1605 = tpu.memref_slice %arg14[%multiple_of3A, %dma_start3A_1604] : memref<10000x128xf32, #tpu.memory_space<vmem_shared>> -> memref<128x128xf32, #tpu.memory_space<vmem_shared>>
          tpu.enqueue_dma source(%dma_start3A_1605 : memref<128x128xf32, #tpu.memory_space<vmem_shared>>) target(%arg12 : memref<128x128xf32, #tpu.memory_space<vmem>>) target_semaphore(%run_scoped3A : memref<!tpu.dma_semaphore, #tpu.memory_space<semaphore_mem>>)
          %dma_wait3A = arith.constant 0 : i32
          %dma_wait3A_1606 = tpu.memref_slice %arg14[%multiple_of3A, %dma_wait3A] : memref<10000x128xf32, #tpu.memory_space<vmem_shared>> -> memref<128x128xf32, #tpu.memory_space<vmem_shared>>
          %dma_wait3A_1607 = arith.constant 0 : i32
          %dma_wait3A_1608 = tpu.memref_slice %arg14[%multiple_of3A, %dma_wait3A_1607] : memref<10000x128xf32, #tpu.memory_space<vmem_shared>> -> memref<128x128xf32, #tpu.memory_space<vmem_shared>>
          tpu.wait_dma2 semaphore(%run_scoped3A : memref<!tpu.dma_semaphore, #tpu.memory_space<semaphore_mem>>) src(%dma_wait3A_1608 : memref<128x128xf32, #tpu.memory_space<vmem_shared>>) dst(%arg12 : memref<128x128xf32, #tpu.memory_space<vmem>>)
          tpu.yield
        }) : () -> ()
        "tpu.region"() ({
          %run_scoped3A = tpu.sem_alloc : memref<!tpu.dma_semaphore, #tpu.memory_space<semaphore_mem>>
          %dma_start3A = arith.constant 0 : i32
          %dma_start3A_1603 = tpu.memref_slice %arg7[%multiple_of3A, %dma_start3A] : memref<10000x128xf32, #tpu.memory_space<hbm>> -> memref<128x128xf32, #tpu.memory_space<hbm>>
          %dma_start3A_1604 = arith.constant 0 : i32
          %dma_start3A_1605 = tpu.memref_slice %arg7[%multiple_of3A, %dma_start3A_1604] : memref<10000x128xf32, #tpu.memory_space<hbm>> -> memref<128x128xf32, #tpu.memory_space<hbm>>
          tpu.enqueue_dma source(%arg12 : memref<128x128xf32, #tpu.memory_space<vmem>>) target(%dma_start3A_1605 : memref<128x128xf32, #tpu.memory_space<hbm>>) target_semaphore(%run_scoped3A : memref<!tpu.dma_semaphore, #tpu.memory_space<semaphore_mem>>)
          %dma_wait3A = arith.constant 0 : i32
          %dma_wait3A_1606 = tpu.memref_slice %arg7[%multiple_of3A, %dma_wait3A] : memref<10000x128xf32, #tpu.memory_space<hbm>> -> memref<128x128xf32, #tpu.memory_space<hbm>>
          %dma_wait3A_1607 = arith.constant 0 : i32
          %dma_wait3A_1608 = tpu.memref_slice %arg7[%multiple_of3A, %dma_wait3A_1607] : memref<10000x128xf32, #tpu.memory_space<hbm>> -> memref<128x128xf32, #tpu.memory_space<hbm>>
          tpu.wait_dma2 semaphore(%run_scoped3A : memref<!tpu.dma_semaphore, #tpu.memory_space<semaphore_mem>>) src(%arg12 : memref<128x128xf32, #tpu.memory_space<vmem>>) dst(%dma_wait3A_1608 : memref<128x128xf32, #tpu.memory_space<hbm>>)
          tpu.yield
        }) : () -> ()
      } else {
      }
      %add3A_1569 = arith.constant 16 : i32
      %add3A_1570 = arith.addi %arg1, %add3A_1569 : i32
      %lt3A_1571 = arith.constant 78 : i32
      %lt3A_1572 = arith.cmpi slt, %add3A_1570, %lt3A_1571 : i32
      %convert_element_type3A_1573 = arith.extui %lt3A_1572 : i1 to i32
      %cond3A_1574 = arith.constant 0 : i32
      %cond3A_1575 = arith.cmpi ne, %convert_element_type3A_1573, %cond3A_1574 : i32
      scf.if %cond3A_1575 {
        %mul3A = arith.constant 128 : i32
        %mul3A_1602 = arith.muli %add3A_1570, %mul3A : i32
        %multiple_of3A = tpu.assume_multiple %mul3A_1602, 8 : i32
        "tpu.region"() ({
          %run_scoped3A = tpu.sem_alloc : memref<!tpu.dma_semaphore, #tpu.memory_space<semaphore_mem>>
          %dma_start3A = arith.constant 0 : i32
          %dma_start3A_1603 = tpu.memref_slice %arg14[%multiple_of3A, %dma_start3A] : memref<10000x128xf32, #tpu.memory_space<vmem_shared>> -> memref<128x128xf32, #tpu.memory_space<vmem_shared>>
          %dma_start3A_1604 = arith.constant 0 : i32
          %dma_start3A_1605 = tpu.memref_slice %arg14[%multiple_of3A, %dma_start3A_1604] : memref<10000x128xf32, #tpu.memory_space<vmem_shared>> -> memref<128x128xf32, #tpu.memory_space<vmem_shared>>
          tpu.enqueue_dma source(%dma_start3A_1605 : memref<128x128xf32, #tpu.memory_space<vmem_shared>>) target(%arg12 : memref<128x128xf32, #tpu.memory_space<vmem>>) target_semaphore(%run_scoped3A : memref<!tpu.dma_semaphore, #tpu.memory_space<semaphore_mem>>)
          %dma_wait3A = arith.constant 0 : i32
          %dma_wait3A_1606 = tpu.memref_slice %arg14[%multiple_of3A, %dma_wait3A] : memref<10000x128xf32, #tpu.memory_space<vmem_shared>> -> memref<128x128xf32, #tpu.memory_space<vmem_shared>>
          %dma_wait3A_1607 = arith.constant 0 : i32
          %dma_wait3A_1608 = tpu.memref_slice %arg14[%multiple_of3A, %dma_wait3A_1607] : memref<10000x128xf32, #tpu.memory_space<vmem_shared>> -> memref<128x128xf32, #tpu.memory_space<vmem_shared>>
          tpu.wait_dma2 semaphore(%run_scoped3A : memref<!tpu.dma_semaphore, #tpu.memory_space<semaphore_mem>>) src(%dma_wait3A_1608 : memref<128x128xf32, #tpu.memory_space<vmem_shared>>) dst(%arg12 : memref<128x128xf32, #tpu.memory_space<vmem>>)
          tpu.yield
        }) : () -> ()
        "tpu.region"() ({
          %run_scoped3A = tpu.sem_alloc : memref<!tpu.dma_semaphore, #tpu.memory_space<semaphore_mem>>
          %dma_start3A = arith.constant 0 : i32
          %dma_start3A_1603 = tpu.memref_slice %arg7[%multiple_of3A, %dma_start3A] : memref<10000x128xf32, #tpu.memory_space<hbm>> -> memref<128x128xf32, #tpu.memory_space<hbm>>
          %dma_start3A_1604 = arith.constant 0 : i32
          %dma_start3A_1605 = tpu.memref_slice %arg7[%multiple_of3A, %dma_start3A_1604] : memref<10000x128xf32, #tpu.memory_space<hbm>> -> memref<128x128xf32, #tpu.memory_space<hbm>>
          tpu.enqueue_dma source(%arg12 : memref<128x128xf32, #tpu.memory_space<vmem>>) target(%dma_start3A_1605 : memref<128x128xf32, #tpu.memory_space<hbm>>) target_semaphore(%run_scoped3A : memref<!tpu.dma_semaphore, #tpu.memory_space<semaphore_mem>>)
          %dma_wait3A = arith.constant 0 : i32
          %dma_wait3A_1606 = tpu.memref_slice %arg7[%multiple_of3A, %dma_wait3A] : memref<10000x128xf32, #tpu.memory_space<hbm>> -> memref<128x128xf32, #tpu.memory_space<hbm>>
          %dma_wait3A_1607 = arith.constant 0 : i32
          %dma_wait3A_1608 = tpu.memref_slice %arg7[%multiple_of3A, %dma_wait3A_1607] : memref<10000x128xf32, #tpu.memory_space<hbm>> -> memref<128x128xf32, #tpu.memory_space<hbm>>
          tpu.wait_dma2 semaphore(%run_scoped3A : memref<!tpu.dma_semaphore, #tpu.memory_space<semaphore_mem>>) src(%arg12 : memref<128x128xf32, #tpu.memory_space<vmem>>) dst(%dma_wait3A_1608 : memref<128x128xf32, #tpu.memory_space<hbm>>)
          tpu.yield
        }) : () -> ()
      } else {
      }
      %add3A_1576 = arith.constant 32 : i32
      %add3A_1577 = arith.addi %arg1, %add3A_1576 : i32
      %lt3A_1578 = arith.constant 78 : i32
      %lt3A_1579 = arith.cmpi slt, %add3A_1577, %lt3A_1578 : i32
      %convert_element_type3A_1580 = arith.extui %lt3A_1579 : i1 to i32
      %cond3A_1581 = arith.constant 0 : i32
      %cond3A_1582 = arith.cmpi ne, %convert_element_type3A_1580, %cond3A_1581 : i32
      scf.if %cond3A_1582 {
        %mul3A = arith.constant 128 : i32
        %mul3A_1602 = arith.muli %add3A_1577, %mul3A : i32
        %multiple_of3A = tpu.assume_multiple %mul3A_1602, 8 : i32
        "tpu.region"() ({
          %run_scoped3A = tpu.sem_alloc : memref<!tpu.dma_semaphore, #tpu.memory_space<semaphore_mem>>
          %dma_start3A = arith.constant 0 : i32
          %dma_start3A_1603 = tpu.memref_slice %arg14[%multiple_of3A, %dma_start3A] : memref<10000x128xf32, #tpu.memory_space<vmem_shared>> -> memref<128x128xf32, #tpu.memory_space<vmem_shared>>
          %dma_start3A_1604 = arith.constant 0 : i32
          %dma_start3A_1605 = tpu.memref_slice %arg14[%multiple_of3A, %dma_start3A_1604] : memref<10000x128xf32, #tpu.memory_space<vmem_shared>> -> memref<128x128xf32, #tpu.memory_space<vmem_shared>>
          tpu.enqueue_dma source(%dma_start3A_1605 : memref<128x128xf32, #tpu.memory_space<vmem_shared>>) target(%arg12 : memref<128x128xf32, #tpu.memory_space<vmem>>) target_semaphore(%run_scoped3A : memref<!tpu.dma_semaphore, #tpu.memory_space<semaphore_mem>>)
          %dma_wait3A = arith.constant 0 : i32
          %dma_wait3A_1606 = tpu.memref_slice %arg14[%multiple_of3A, %dma_wait3A] : memref<10000x128xf32, #tpu.memory_space<vmem_shared>> -> memref<128x128xf32, #tpu.memory_space<vmem_shared>>
          %dma_wait3A_1607 = arith.constant 0 : i32
          %dma_wait3A_1608 = tpu.memref_slice %arg14[%multiple_of3A, %dma_wait3A_1607] : memref<10000x128xf32, #tpu.memory_space<vmem_shared>> -> memref<128x128xf32, #tpu.memory_space<vmem_shared>>
          tpu.wait_dma2 semaphore(%run_scoped3A : memref<!tpu.dma_semaphore, #tpu.memory_space<semaphore_mem>>) src(%dma_wait3A_1608 : memref<128x128xf32, #tpu.memory_space<vmem_shared>>) dst(%arg12 : memref<128x128xf32, #tpu.memory_space<vmem>>)
          tpu.yield
        }) : () -> ()
        "tpu.region"() ({
          %run_scoped3A = tpu.sem_alloc : memref<!tpu.dma_semaphore, #tpu.memory_space<semaphore_mem>>
          %dma_start3A = arith.constant 0 : i32
          %dma_start3A_1603 = tpu.memref_slice %arg7[%multiple_of3A, %dma_start3A] : memref<10000x128xf32, #tpu.memory_space<hbm>> -> memref<128x128xf32, #tpu.memory_space<hbm>>
          %dma_start3A_1604 = arith.constant 0 : i32
          %dma_start3A_1605 = tpu.memref_slice %arg7[%multiple_of3A, %dma_start3A_1604] : memref<10000x128xf32, #tpu.memory_space<hbm>> -> memref<128x128xf32, #tpu.memory_space<hbm>>
          tpu.enqueue_dma source(%arg12 : memref<128x128xf32, #tpu.memory_space<vmem>>) target(%dma_start3A_1605 : memref<128x128xf32, #tpu.memory_space<hbm>>) target_semaphore(%run_scoped3A : memref<!tpu.dma_semaphore, #tpu.memory_space<semaphore_mem>>)
          %dma_wait3A = arith.constant 0 : i32
          %dma_wait3A_1606 = tpu.memref_slice %arg7[%multiple_of3A, %dma_wait3A] : memref<10000x128xf32, #tpu.memory_space<hbm>> -> memref<128x128xf32, #tpu.memory_space<hbm>>
          %dma_wait3A_1607 = arith.constant 0 : i32
          %dma_wait3A_1608 = tpu.memref_slice %arg7[%multiple_of3A, %dma_wait3A_1607] : memref<10000x128xf32, #tpu.memory_space<hbm>> -> memref<128x128xf32, #tpu.memory_space<hbm>>
          tpu.wait_dma2 semaphore(%run_scoped3A : memref<!tpu.dma_semaphore, #tpu.memory_space<semaphore_mem>>) src(%arg12 : memref<128x128xf32, #tpu.memory_space<vmem>>) dst(%dma_wait3A_1608 : memref<128x128xf32, #tpu.memory_space<hbm>>)
          tpu.yield
        }) : () -> ()
      } else {
      }
      %add3A_1583 = arith.constant 48 : i32
      %add3A_1584 = arith.addi %arg1, %add3A_1583 : i32
      %lt3A_1585 = arith.constant 78 : i32
      %lt3A_1586 = arith.cmpi slt, %add3A_1584, %lt3A_1585 : i32
      %convert_element_type3A_1587 = arith.extui %lt3A_1586 : i1 to i32
      %cond3A_1588 = arith.constant 0 : i32
      %cond3A_1589 = arith.cmpi ne, %convert_element_type3A_1587, %cond3A_1588 : i32
      scf.if %cond3A_1589 {
        %mul3A = arith.constant 128 : i32
        %mul3A_1602 = arith.muli %add3A_1584, %mul3A : i32
        %multiple_of3A = tpu.assume_multiple %mul3A_1602, 8 : i32
        "tpu.region"() ({
          %run_scoped3A = tpu.sem_alloc : memref<!tpu.dma_semaphore, #tpu.memory_space<semaphore_mem>>
          %dma_start3A = arith.constant 0 : i32
          %dma_start3A_1603 = tpu.memref_slice %arg14[%multiple_of3A, %dma_start3A] : memref<10000x128xf32, #tpu.memory_space<vmem_shared>> -> memref<128x128xf32, #tpu.memory_space<vmem_shared>>
          %dma_start3A_1604 = arith.constant 0 : i32
          %dma_start3A_1605 = tpu.memref_slice %arg14[%multiple_of3A, %dma_start3A_1604] : memref<10000x128xf32, #tpu.memory_space<vmem_shared>> -> memref<128x128xf32, #tpu.memory_space<vmem_shared>>
          tpu.enqueue_dma source(%dma_start3A_1605 : memref<128x128xf32, #tpu.memory_space<vmem_shared>>) target(%arg12 : memref<128x128xf32, #tpu.memory_space<vmem>>) target_semaphore(%run_scoped3A : memref<!tpu.dma_semaphore, #tpu.memory_space<semaphore_mem>>)
          %dma_wait3A = arith.constant 0 : i32
          %dma_wait3A_1606 = tpu.memref_slice %arg14[%multiple_of3A, %dma_wait3A] : memref<10000x128xf32, #tpu.memory_space<vmem_shared>> -> memref<128x128xf32, #tpu.memory_space<vmem_shared>>
          %dma_wait3A_1607 = arith.constant 0 : i32
          %dma_wait3A_1608 = tpu.memref_slice %arg14[%multiple_of3A, %dma_wait3A_1607] : memref<10000x128xf32, #tpu.memory_space<vmem_shared>> -> memref<128x128xf32, #tpu.memory_space<vmem_shared>>
          tpu.wait_dma2 semaphore(%run_scoped3A : memref<!tpu.dma_semaphore, #tpu.memory_space<semaphore_mem>>) src(%dma_wait3A_1608 : memref<128x128xf32, #tpu.memory_space<vmem_shared>>) dst(%arg12 : memref<128x128xf32, #tpu.memory_space<vmem>>)
          tpu.yield
        }) : () -> ()
        "tpu.region"() ({
          %run_scoped3A = tpu.sem_alloc : memref<!tpu.dma_semaphore, #tpu.memory_space<semaphore_mem>>
          %dma_start3A = arith.constant 0 : i32
          %dma_start3A_1603 = tpu.memref_slice %arg7[%multiple_of3A, %dma_start3A] : memref<10000x128xf32, #tpu.memory_space<hbm>> -> memref<128x128xf32, #tpu.memory_space<hbm>>
          %dma_start3A_1604 = arith.constant 0 : i32
          %dma_start3A_1605 = tpu.memref_slice %arg7[%multiple_of3A, %dma_start3A_1604] : memref<10000x128xf32, #tpu.memory_space<hbm>> -> memref<128x128xf32, #tpu.memory_space<hbm>>
          tpu.enqueue_dma source(%arg12 : memref<128x128xf32, #tpu.memory_space<vmem>>) target(%dma_start3A_1605 : memref<128x128xf32, #tpu.memory_space<hbm>>) target_semaphore(%run_scoped3A : memref<!tpu.dma_semaphore, #tpu.memory_space<semaphore_mem>>)
          %dma_wait3A = arith.constant 0 : i32
          %dma_wait3A_1606 = tpu.memref_slice %arg7[%multiple_of3A, %dma_wait3A] : memref<10000x128xf32, #tpu.memory_space<hbm>> -> memref<128x128xf32, #tpu.memory_space<hbm>>
          %dma_wait3A_1607 = arith.constant 0 : i32
          %dma_wait3A_1608 = tpu.memref_slice %arg7[%multiple_of3A, %dma_wait3A_1607] : memref<10000x128xf32, #tpu.memory_space<hbm>> -> memref<128x128xf32, #tpu.memory_space<hbm>>
          tpu.wait_dma2 semaphore(%run_scoped3A : memref<!tpu.dma_semaphore, #tpu.memory_space<semaphore_mem>>) src(%arg12 : memref<128x128xf32, #tpu.memory_space<vmem>>) dst(%dma_wait3A_1608 : memref<128x128xf32, #tpu.memory_space<hbm>>)
          tpu.yield
        }) : () -> ()
      } else {
      }
      %add3A_1590 = arith.constant 64 : i32
      %add3A_1591 = arith.addi %arg1, %add3A_1590 : i32
      %lt3A_1592 = arith.constant 78 : i32
      %lt3A_1593 = arith.cmpi slt, %add3A_1591, %lt3A_1592 : i32
      %convert_element_type3A_1594 = arith.extui %lt3A_1593 : i1 to i32
      %cond3A_1595 = arith.constant 0 : i32
      %cond3A_1596 = arith.cmpi ne, %convert_element_type3A_1594, %cond3A_1595 : i32
      scf.if %cond3A_1596 {
        %mul3A = arith.constant 128 : i32
        %mul3A_1602 = arith.muli %add3A_1591, %mul3A : i32
        %multiple_of3A = tpu.assume_multiple %mul3A_1602, 8 : i32
        "tpu.region"() ({
          %run_scoped3A = tpu.sem_alloc : memref<!tpu.dma_semaphore, #tpu.memory_space<semaphore_mem>>
          %dma_start3A = arith.constant 0 : i32
          %dma_start3A_1603 = tpu.memref_slice %arg14[%multiple_of3A, %dma_start3A] : memref<10000x128xf32, #tpu.memory_space<vmem_shared>> -> memref<128x128xf32, #tpu.memory_space<vmem_shared>>
          %dma_start3A_1604 = arith.constant 0 : i32
          %dma_start3A_1605 = tpu.memref_slice %arg14[%multiple_of3A, %dma_start3A_1604] : memref<10000x128xf32, #tpu.memory_space<vmem_shared>> -> memref<128x128xf32, #tpu.memory_space<vmem_shared>>
          tpu.enqueue_dma source(%dma_start3A_1605 : memref<128x128xf32, #tpu.memory_space<vmem_shared>>) target(%arg12 : memref<128x128xf32, #tpu.memory_space<vmem>>) target_semaphore(%run_scoped3A : memref<!tpu.dma_semaphore, #tpu.memory_space<semaphore_mem>>)
          %dma_wait3A = arith.constant 0 : i32
          %dma_wait3A_1606 = tpu.memref_slice %arg14[%multiple_of3A, %dma_wait3A] : memref<10000x128xf32, #tpu.memory_space<vmem_shared>> -> memref<128x128xf32, #tpu.memory_space<vmem_shared>>
          %dma_wait3A_1607 = arith.constant 0 : i32
          %dma_wait3A_1608 = tpu.memref_slice %arg14[%multiple_of3A, %dma_wait3A_1607] : memref<10000x128xf32, #tpu.memory_space<vmem_shared>> -> memref<128x128xf32, #tpu.memory_space<vmem_shared>>
          tpu.wait_dma2 semaphore(%run_scoped3A : memref<!tpu.dma_semaphore, #tpu.memory_space<semaphore_mem>>) src(%dma_wait3A_1608 : memref<128x128xf32, #tpu.memory_space<vmem_shared>>) dst(%arg12 : memref<128x128xf32, #tpu.memory_space<vmem>>)
          tpu.yield
        }) : () -> ()
        "tpu.region"() ({
          %run_scoped3A = tpu.sem_alloc : memref<!tpu.dma_semaphore, #tpu.memory_space<semaphore_mem>>
          %dma_start3A = arith.constant 0 : i32
          %dma_start3A_1603 = tpu.memref_slice %arg7[%multiple_of3A, %dma_start3A] : memref<10000x128xf32, #tpu.memory_space<hbm>> -> memref<128x128xf32, #tpu.memory_space<hbm>>
          %dma_start3A_1604 = arith.constant 0 : i32
          %dma_start3A_1605 = tpu.memref_slice %arg7[%multiple_of3A, %dma_start3A_1604] : memref<10000x128xf32, #tpu.memory_space<hbm>> -> memref<128x128xf32, #tpu.memory_space<hbm>>
          tpu.enqueue_dma source(%arg12 : memref<128x128xf32, #tpu.memory_space<vmem>>) target(%dma_start3A_1605 : memref<128x128xf32, #tpu.memory_space<hbm>>) target_semaphore(%run_scoped3A : memref<!tpu.dma_semaphore, #tpu.memory_space<semaphore_mem>>)
          %dma_wait3A = arith.constant 0 : i32
          %dma_wait3A_1606 = tpu.memref_slice %arg7[%multiple_of3A, %dma_wait3A] : memref<10000x128xf32, #tpu.memory_space<hbm>> -> memref<128x128xf32, #tpu.memory_space<hbm>>
          %dma_wait3A_1607 = arith.constant 0 : i32
          %dma_wait3A_1608 = tpu.memref_slice %arg7[%multiple_of3A, %dma_wait3A_1607] : memref<10000x128xf32, #tpu.memory_space<hbm>> -> memref<128x128xf32, #tpu.memory_space<hbm>>
          tpu.wait_dma2 semaphore(%run_scoped3A : memref<!tpu.dma_semaphore, #tpu.memory_space<semaphore_mem>>) src(%arg12 : memref<128x128xf32, #tpu.memory_space<vmem>>) dst(%dma_wait3A_1608 : memref<128x128xf32, #tpu.memory_space<hbm>>)
          tpu.yield
        }) : () -> ()
      } else {
      }
      %eq3A_1597 = arith.constant 14 : i32
      %eq3A_1598 = arith.cmpi eq, %arg1, %eq3A_1597 : i32
      %convert_element_type3A_1599 = arith.extui %eq3A_1598 : i1 to i32
      %cond3A_1600 = arith.constant 0 : i32
      %cond3A_1601 = arith.cmpi ne, %convert_element_type3A_1599, %cond3A_1600 : i32
      scf.if %cond3A_1601 {
        "tpu.region"() ({
          %run_scoped3A = tpu.sem_alloc : memref<!tpu.dma_semaphore, #tpu.memory_space<semaphore_mem>>
          %dma_start3A = arith.constant 0 : i32
          %dma_start3A_1602 = arith.constant 0 : i32
          %dma_start3A_1603 = tpu.memref_slice %arg12[%dma_start3A, %dma_start3A_1602] : memref<128x128xf32, #tpu.memory_space<vmem>> -> memref<16x128xf32, #tpu.memory_space<vmem>>
          %dma_start3A_1604 = arith.constant 9984 : i32
          %dma_start3A_1605 = arith.constant 0 : i32
          %dma_start3A_1606 = tpu.memref_slice %arg14[%dma_start3A_1604, %dma_start3A_1605] : memref<10000x128xf32, #tpu.memory_space<vmem_shared>> -> memref<16x128xf32, #tpu.memory_space<vmem_shared>>
          %dma_start3A_1607 = arith.constant 0 : i32
          %dma_start3A_1608 = arith.constant 0 : i32
          %dma_start3A_1609 = tpu.memref_slice %arg12[%dma_start3A_1607, %dma_start3A_1608] : memref<128x128xf32, #tpu.memory_space<vmem>> -> memref<16x128xf32, #tpu.memory_space<vmem>>
          %dma_start3A_1610 = arith.constant 9984 : i32
          %dma_start3A_1611 = arith.constant 0 : i32
          %dma_start3A_1612 = tpu.memref_slice %arg14[%dma_start3A_1610, %dma_start3A_1611] : memref<10000x128xf32, #tpu.memory_space<vmem_shared>> -> memref<16x128xf32, #tpu.memory_space<vmem_shared>>
          tpu.enqueue_dma source(%dma_start3A_1612 : memref<16x128xf32, #tpu.memory_space<vmem_shared>>) target(%dma_start3A_1609 : memref<16x128xf32, #tpu.memory_space<vmem>>) target_semaphore(%run_scoped3A : memref<!tpu.dma_semaphore, #tpu.memory_space<semaphore_mem>>)
          %dma_wait3A = arith.constant 0 : i32
          %dma_wait3A_1613 = arith.constant 0 : i32
          %dma_wait3A_1614 = tpu.memref_slice %arg12[%dma_wait3A, %dma_wait3A_1613] : memref<128x128xf32, #tpu.memory_space<vmem>> -> memref<16x128xf32, #tpu.memory_space<vmem>>
          %dma_wait3A_1615 = arith.constant 9984 : i32
          %dma_wait3A_1616 = arith.constant 0 : i32
          %dma_wait3A_1617 = tpu.memref_slice %arg14[%dma_wait3A_1615, %dma_wait3A_1616] : memref<10000x128xf32, #tpu.memory_space<vmem_shared>> -> memref<16x128xf32, #tpu.memory_space<vmem_shared>>
          %dma_wait3A_1618 = arith.constant 0 : i32
          %dma_wait3A_1619 = arith.constant 0 : i32
          %dma_wait3A_1620 = tpu.memref_slice %arg12[%dma_wait3A_1618, %dma_wait3A_1619] : memref<128x128xf32, #tpu.memory_space<vmem>> -> memref<16x128xf32, #tpu.memory_space<vmem>>
          %dma_wait3A_1621 = arith.constant 9984 : i32
          %dma_wait3A_1622 = arith.constant 0 : i32
          %dma_wait3A_1623 = tpu.memref_slice %arg14[%dma_wait3A_1621, %dma_wait3A_1622] : memref<10000x128xf32, #tpu.memory_space<vmem_shared>> -> memref<16x128xf32, #tpu.memory_space<vmem_shared>>
          tpu.wait_dma2 semaphore(%run_scoped3A : memref<!tpu.dma_semaphore, #tpu.memory_space<semaphore_mem>>) src(%dma_wait3A_1623 : memref<16x128xf32, #tpu.memory_space<vmem_shared>>) dst(%dma_wait3A_1620 : memref<16x128xf32, #tpu.memory_space<vmem>>)
          tpu.yield
        }) : () -> ()
        "tpu.region"() ({
          %run_scoped3A = tpu.sem_alloc : memref<!tpu.dma_semaphore, #tpu.memory_space<semaphore_mem>>
          %dma_start3A = arith.constant 0 : i32
          %dma_start3A_1602 = arith.constant 0 : i32
          %dma_start3A_1603 = tpu.memref_slice %arg12[%dma_start3A, %dma_start3A_1602] : memref<128x128xf32, #tpu.memory_space<vmem>> -> memref<16x128xf32, #tpu.memory_space<vmem>>
          %dma_start3A_1604 = arith.constant 9984 : i32
          %dma_start3A_1605 = arith.constant 0 : i32
          %dma_start3A_1606 = tpu.memref_slice %arg7[%dma_start3A_1604, %dma_start3A_1605] : memref<10000x128xf32, #tpu.memory_space<hbm>> -> memref<16x128xf32, #tpu.memory_space<hbm>>
          %dma_start3A_1607 = arith.constant 9984 : i32
          %dma_start3A_1608 = arith.constant 0 : i32
          %dma_start3A_1609 = tpu.memref_slice %arg7[%dma_start3A_1607, %dma_start3A_1608] : memref<10000x128xf32, #tpu.memory_space<hbm>> -> memref<16x128xf32, #tpu.memory_space<hbm>>
          %dma_start3A_1610 = arith.constant 0 : i32
          %dma_start3A_1611 = arith.constant 0 : i32
          %dma_start3A_1612 = tpu.memref_slice %arg12[%dma_start3A_1610, %dma_start3A_1611] : memref<128x128xf32, #tpu.memory_space<vmem>> -> memref<16x128xf32, #tpu.memory_space<vmem>>
          tpu.enqueue_dma source(%dma_start3A_1612 : memref<16x128xf32, #tpu.memory_space<vmem>>) target(%dma_start3A_1609 : memref<16x128xf32, #tpu.memory_space<hbm>>) target_semaphore(%run_scoped3A : memref<!tpu.dma_semaphore, #tpu.memory_space<semaphore_mem>>)
          %dma_wait3A = arith.constant 0 : i32
          %dma_wait3A_1613 = arith.constant 0 : i32
          %dma_wait3A_1614 = tpu.memref_slice %arg12[%dma_wait3A, %dma_wait3A_1613] : memref<128x128xf32, #tpu.memory_space<vmem>> -> memref<16x128xf32, #tpu.memory_space<vmem>>
          %dma_wait3A_1615 = arith.constant 9984 : i32
          %dma_wait3A_1616 = arith.constant 0 : i32
          %dma_wait3A_1617 = tpu.memref_slice %arg7[%dma_wait3A_1615, %dma_wait3A_1616] : memref<10000x128xf32, #tpu.memory_space<hbm>> -> memref<16x128xf32, #tpu.memory_space<hbm>>
          %dma_wait3A_1618 = arith.constant 9984 : i32
          %dma_wait3A_1619 = arith.constant 0 : i32
          %dma_wait3A_1620 = tpu.memref_slice %arg7[%dma_wait3A_1618, %dma_wait3A_1619] : memref<10000x128xf32, #tpu.memory_space<hbm>> -> memref<16x128xf32, #tpu.memory_space<hbm>>
          %dma_wait3A_1621 = arith.constant 0 : i32
          %dma_wait3A_1622 = arith.constant 0 : i32
          %dma_wait3A_1623 = tpu.memref_slice %arg12[%dma_wait3A_1621, %dma_wait3A_1622] : memref<128x128xf32, #tpu.memory_space<vmem>> -> memref<16x128xf32, #tpu.memory_space<vmem>>
          tpu.wait_dma2 semaphore(%run_scoped3A : memref<!tpu.dma_semaphore, #tpu.memory_space<semaphore_mem>>) src(%dma_wait3A_1623 : memref<16x128xf32, #tpu.memory_space<vmem>>) dst(%dma_wait3A_1620 : memref<16x128xf32, #tpu.memory_space<hbm>>)
          tpu.yield
        }) : () -> ()
      } else {
      }
    } else {
    }
    return
  }
}

module attributes {stable_mosaic.version = 14 : i64} {
  func.func @_dense_body(%arg0: i32, %arg1: memref<1000x128xf32, #tpu.memory_space<vmem>>, %arg2: memref<1000x128xf32, #tpu.memory_space<vmem>>, %arg3: memref<1000x128xf32, #tpu.memory_space<vmem>>, %arg4: memref<1000x128xf32, #tpu.memory_space<vmem>>, %arg5: memref<1000x1xf32, #tpu.memory_space<vmem>>, %arg6: memref<128x512xf32, #tpu.memory_space<vmem>>, %arg7: memref<1x512xf32, #tpu.memory_space<vmem>>, %arg8: memref<1x1xf32, #tpu.memory_space<vmem>>, %arg9: memref<1000x512xf32, #tpu.memory_space<vmem>>, %arg10: memref<1000x512xf32, #tpu.memory_space<vmem>>, %arg11: memref<1x512xf32, #tpu.memory_space<vmem>>) attributes {dimension_semantics = [#tpu.dimension_semantics<arbitrary>], iteration_bounds = array<i64: 10>, scalar_prefetch = 0 : i64, scratch_operands = 0 : i64, tpu.core_type = #tpu.core_type<tc>, window_params = [{transform_indices = @transform_0, window_bounds = array<i64: 1000, 128>}, {transform_indices = @transform_1, window_bounds = array<i64: 1000, 128>}, {transform_indices = @transform_2, window_bounds = array<i64: 1000, 128>}, {transform_indices = @transform_3, window_bounds = array<i64: 1000, 128>}, {transform_indices = @transform_4, window_bounds = array<i64: 1000, 1>}, {pipeline_mode = #tpu.pipeline_mode<synchronous>, transform_indices = @transform_5, window_bounds = array<i64: 128, 512>}, {pipeline_mode = #tpu.pipeline_mode<synchronous>, transform_indices = @transform_6, window_bounds = array<i64: 1, 512>}, {pipeline_mode = #tpu.pipeline_mode<synchronous>, transform_indices = @transform_7, window_bounds = array<i64: 1, 1>}, {transform_indices = @transform_8, window_bounds = array<i64: 1000, 512>}, {transform_indices = @transform_9, window_bounds = array<i64: 1000, 512>}, {pipeline_mode = #tpu.pipeline_mode<synchronous>, transform_indices = @transform_10, window_bounds = array<i64: 1, 512>}]} {
    %get3A = arith.constant 0 : index
    %get3A_0 = arith.constant 0 : index
    %get3A_1 = vector.load %arg5[%get3A, %get3A_0] : memref<1000x1xf32, #tpu.memory_space<vmem>>, vector<1000x1xf32>
    %get3A_2 = arith.constant 0 : index
    %get3A_3 = arith.constant 0 : index
    %get3A_4 = vector.load %arg8[%get3A_2, %get3A_3] : memref<1x1xf32, #tpu.memory_space<vmem>>, vector<1x1xf32>
    %get3A_5 = arith.constant 0 : index
    %get3A_6 = arith.constant 0 : index
    %get3A_7 = vector.load %arg6[%get3A_5, %get3A_6] : memref<128x512xf32, #tpu.memory_space<vmem>>, vector<128x512xf32>
    %get3A_8 = arith.constant 0 : index
    %get3A_9 = arith.constant 0 : index
    %get3A_10 = vector.load %arg7[%get3A_8, %get3A_9] : memref<1x512xf32, #tpu.memory_space<vmem>>, vector<1x512xf32>
    %get3A_11 = arith.constant 0 : index
    %get3A_12 = arith.constant 0 : index
    %get3A_13 = vector.load %arg1[%get3A_11, %get3A_12] : memref<1000x128xf32, #tpu.memory_space<vmem>>, vector<1000x128xf32>
    %get3A_14 = arith.constant 0 : index
    %get3A_15 = arith.constant 0 : index
    %get3A_16 = vector.load %arg2[%get3A_14, %get3A_15] : memref<1000x128xf32, #tpu.memory_space<vmem>>, vector<1000x128xf32>
    %add3A = arith.addf %get3A_13, %get3A_16 : vector<1000x128xf32>
    %mul3A = vector.broadcast %get3A_1 : vector<1000x1xf32> to vector<1000x128xf32>
    %mul3A_17 = arith.mulf %mul3A, %add3A : vector<1000x128xf32>
    %dot_general3A = arith.constant dense<0.000000e+00> : vector<1000x512xf32>
    %dot_general3A_18 = tpu.matmul %mul3A_17, %get3A_7, %dot_general3A {dimension_numbers = #tpu.dot_dimension_numbers<[1], [0], [0], [1], [0, 0, 1, 1], [], []>, transpose_lhs_hint = false} : vector<1000x128xf32>, vector<128x512xf32>, vector<1000x512xf32> -> vector<1000x512xf32>
    %add3A_19 = vector.broadcast %get3A_10 : vector<1x512xf32> to vector<1000x512xf32>
    %add3A_20 = arith.addf %dot_general3A_18, %add3A_19 : vector<1000x512xf32>
    %ge3A = arith.constant 0.000000e+00 : f32
    %ge3A_21 = vector.broadcast %ge3A : f32 to vector<1000x512xf32>
    %ge3A_22 = arith.cmpf oge, %add3A_20, %ge3A_21 : vector<1000x512xf32>
    %mul3A_23 = vector.broadcast %get3A_4 : vector<1x1xf32> to vector<1000x512xf32>
    %mul3A_24 = arith.mulf %mul3A_23, %add3A_20 : vector<1000x512xf32>
    %select_n3A = arith.select %ge3A_22, %add3A_20, %mul3A_24 : vector<1000x512xi1>, vector<1000x512xf32>
    %swap3A = arith.constant 0 : index
    %swap3A_25 = arith.constant 0 : index
    %swap3A_26 = vector.load %arg9[%swap3A, %swap3A_25] : memref<1000x512xf32, #tpu.memory_space<vmem>>, vector<1000x512xf32>
    tpu.vector_store %arg9[%swap3A, %swap3A_25], %select_n3A {strides = array<i32>} : memref<1000x512xf32, #tpu.memory_space<vmem>>, vector<1000x512xf32>,
    %get3A_27 = arith.constant 0 : index
    %get3A_28 = arith.constant 0 : index
    %get3A_29 = vector.load %arg3[%get3A_27, %get3A_28] : memref<1000x128xf32, #tpu.memory_space<vmem>>, vector<1000x128xf32>
    %get3A_30 = arith.constant 0 : index
    %get3A_31 = arith.constant 0 : index
    %get3A_32 = vector.load %arg4[%get3A_30, %get3A_31] : memref<1000x128xf32, #tpu.memory_space<vmem>>, vector<1000x128xf32>
    %add3A_33 = arith.addf %get3A_29, %get3A_32 : vector<1000x128xf32>
    %mul3A_34 = vector.broadcast %get3A_1 : vector<1000x1xf32> to vector<1000x128xf32>
    %mul3A_35 = arith.mulf %mul3A_34, %add3A_33 : vector<1000x128xf32>
    %dot_general3A_36 = arith.constant dense<0.000000e+00> : vector<1000x512xf32>
    %dot_general3A_37 = tpu.matmul %mul3A_35, %get3A_7, %dot_general3A_36 {dimension_numbers = #tpu.dot_dimension_numbers<[1], [0], [0], [1], [0, 0, 1, 1], [], []>, transpose_lhs_hint = false} : vector<1000x128xf32>, vector<128x512xf32>, vector<1000x512xf32> -> vector<1000x512xf32>
    %add3A_38 = vector.broadcast %get3A_10 : vector<1x512xf32> to vector<1000x512xf32>
    %add3A_39 = arith.addf %dot_general3A_37, %add3A_38 : vector<1000x512xf32>
    %ge3A_40 = arith.constant 0.000000e+00 : f32
    %ge3A_41 = vector.broadcast %ge3A_40 : f32 to vector<1000x512xf32>
    %ge3A_42 = arith.cmpf oge, %add3A_39, %ge3A_41 : vector<1000x512xf32>
    %mul3A_43 = vector.broadcast %get3A_4 : vector<1x1xf32> to vector<1000x512xf32>
    %mul3A_44 = arith.mulf %mul3A_43, %add3A_39 : vector<1000x512xf32>
    %select_n3A_45 = arith.select %ge3A_42, %add3A_39, %mul3A_44 : vector<1000x512xi1>, vector<1000x512xf32>
    %swap3A_46 = arith.constant 0 : index
    %swap3A_47 = arith.constant 0 : index
    %swap3A_48 = vector.load %arg10[%swap3A_46, %swap3A_47] : memref<1000x512xf32, #tpu.memory_space<vmem>>, vector<1000x512xf32>
    tpu.vector_store %arg10[%swap3A_46, %swap3A_47], %select_n3A_45 {strides = array<i32>} : memref<1000x512xf32, #tpu.memory_space<vmem>>, vector<1000x512xf32>,
    %reduce_sum3A = arith.constant dense<0.000000e+00> : vector<512xf32>
    %reduce_sum3A_49 = vector.multi_reduction <add>, %select_n3A, %reduce_sum3A [0] : vector<1000x512xf32> to vector<512xf32>
    %broadcast_in_dim3A = vector.shape_cast %reduce_sum3A_49 : vector<512xf32> to vector<1x512xf32>
    %eq3A = arith.constant 0 : i32
    %eq3A_50 = arith.cmpi eq, %arg0, %eq3A : i32
    %convert_element_type3A = arith.extui %eq3A_50 : i1 to i32
    %cond3A = arith.constant 0 : i32
    %cond3A_51 = arith.cmpi ne, %convert_element_type3A, %cond3A : i32
    scf.if %cond3A_51 {
      %swap3A_56 = arith.constant 0 : index
      %swap3A_57 = arith.constant 0 : index
      %swap3A_58 = vector.load %arg11[%swap3A_56, %swap3A_57] : memref<1x512xf32, #tpu.memory_space<vmem>>, vector<1x512xf32>
      tpu.vector_store %arg11[%swap3A_56, %swap3A_57], %broadcast_in_dim3A {strides = array<i32>} : memref<1x512xf32, #tpu.memory_space<vmem>>, vector<1x512xf32>,
    } else {
    }
    %gt3A = arith.constant 0 : i32
    %gt3A_52 = arith.cmpi sgt, %arg0, %gt3A : i32
    %convert_element_type3A_53 = arith.extui %gt3A_52 : i1 to i32
    %cond3A_54 = arith.constant 0 : i32
    %cond3A_55 = arith.cmpi ne, %convert_element_type3A_53, %cond3A_54 : i32
    scf.if %cond3A_55 {
      %get3A_56 = arith.constant 0 : index
      %get3A_57 = arith.constant 0 : index
      %get3A_58 = vector.load %arg11[%get3A_56, %get3A_57] : memref<1x512xf32, #tpu.memory_space<vmem>>, vector<1x512xf32>
      %add3A_59 = arith.addf %get3A_58, %broadcast_in_dim3A : vector<1x512xf32>
      %swap3A_60 = arith.constant 0 : index
      %swap3A_61 = arith.constant 0 : index
      %swap3A_62 = vector.load %arg11[%swap3A_60, %swap3A_61] : memref<1x512xf32, #tpu.memory_space<vmem>>, vector<1x512xf32>
      tpu.vector_store %arg11[%swap3A_60, %swap3A_61], %add3A_59 {strides = array<i32>} : memref<1x512xf32, #tpu.memory_space<vmem>>, vector<1x512xf32>,
    } else {
    }
    return
  }
  func.func @transform_0(%arg0: i32) -> (i32, i32) {
    %c0_i32 = arith.constant 0 : i32
    %c0_i32_0 = arith.constant 0 : i32
    return %arg0, %c0_i32 : i32, i32
  }
  func.func @transform_1(%arg0: i32) -> (i32, i32) {
    %c0_i32 = arith.constant 0 : i32
    %c0_i32_0 = arith.constant 0 : i32
    return %arg0, %c0_i32 : i32, i32
  }
  func.func @transform_2(%arg0: i32) -> (i32, i32) {
    %c0_i32 = arith.constant 0 : i32
    %c0_i32_0 = arith.constant 0 : i32
    return %arg0, %c0_i32 : i32, i32
  }
  func.func @transform_3(%arg0: i32) -> (i32, i32) {
    %c0_i32 = arith.constant 0 : i32
    %c0_i32_0 = arith.constant 0 : i32
    return %arg0, %c0_i32 : i32, i32
  }
  func.func @transform_4(%arg0: i32) -> (i32, i32) {
    %c0_i32 = arith.constant 0 : i32
    %c0_i32_0 = arith.constant 0 : i32
    return %arg0, %c0_i32 : i32, i32
  }
  func.func @transform_5(%arg0: i32) -> (i32, i32) {
    %c0_i32 = arith.constant 0 : i32
    %c0_i32_0 = arith.constant 0 : i32
    %c0_i32_1 = arith.constant 0 : i32
    return %c0_i32, %c0_i32_0 : i32, i32
  }
  func.func @transform_6(%arg0: i32) -> (i32, i32) {
    %c0_i32 = arith.constant 0 : i32
    %c0_i32_0 = arith.constant 0 : i32
    %c0_i32_1 = arith.constant 0 : i32
    return %c0_i32, %c0_i32_0 : i32, i32
  }
  func.func @transform_7(%arg0: i32) -> (i32, i32) {
    %c0_i32 = arith.constant 0 : i32
    %c0_i32_0 = arith.constant 0 : i32
    %c0_i32_1 = arith.constant 0 : i32
    return %c0_i32, %c0_i32_0 : i32, i32
  }
  func.func @transform_8(%arg0: i32) -> (i32, i32) {
    %c0_i32 = arith.constant 0 : i32
    %c0_i32_0 = arith.constant 0 : i32
    return %arg0, %c0_i32 : i32, i32
  }
  func.func @transform_9(%arg0: i32) -> (i32, i32) {
    %c0_i32 = arith.constant 0 : i32
    %c0_i32_0 = arith.constant 0 : i32
    return %arg0, %c0_i32 : i32, i32
  }
  func.func @transform_10(%arg0: i32) -> (i32, i32) {
    %c0_i32 = arith.constant 0 : i32
    %c0_i32_0 = arith.constant 0 : i32
    %c0_i32_1 = arith.constant 0 : i32
    return %c0_i32, %c0_i32_0 : i32, i32
  }
}

module attributes {stable_mosaic.version = 14 : i64} {
  func.func @_scale_body(%arg0: i32, %arg1: memref<2000x1xf32, #tpu.memory_space<vmem>>, %arg2: memref<2000x128xf32, #tpu.memory_space<vmem>>, %arg3: memref<2000x128xf32, #tpu.memory_space<vmem>>, %arg4: memref<2000x128xf32, #tpu.memory_space<vmem>>, %arg5: memref<2000x128xf32, #tpu.memory_space<vmem>>, %arg6: memref<2000x1xf32, #tpu.memory_space<vmem>>) attributes {dimension_semantics = [#tpu.dimension_semantics<arbitrary>], iteration_bounds = array<i64: 5>, scalar_prefetch = 0 : i64, scratch_operands = 0 : i64, tpu.core_type = #tpu.core_type<tc>, window_params = [{transform_indices = @transform_0, window_bounds = array<i64: 2000, 1>}, {transform_indices = @transform_1, window_bounds = array<i64: 2000, 128>}, {transform_indices = @transform_2, window_bounds = array<i64: 2000, 128>}, {transform_indices = @transform_3, window_bounds = array<i64: 2000, 128>}, {transform_indices = @transform_4, window_bounds = array<i64: 2000, 128>}, {transform_indices = @transform_5, window_bounds = array<i64: 2000, 1>}]} {
    %get3A = arith.constant 0 : index
    %get3A_0 = arith.constant 0 : index
    %get3A_1 = vector.load %arg1[%get3A, %get3A_0] : memref<2000x1xf32, #tpu.memory_space<vmem>>, vector<2000x1xf32>
    %add3A = arith.constant 1.000000e+00 : f32
    %add3A_2 = vector.broadcast %add3A : f32 to vector<2000x1xf32>
    %add3A_3 = arith.addf %get3A_1, %add3A_2 : vector<2000x1xf32>
    %rsqrt3A = math.rsqrt %add3A_3 : vector<2000x1xf32>
    %get3A_4 = arith.constant 0 : index
    %get3A_5 = arith.constant 0 : index
    %get3A_6 = vector.load %arg2[%get3A_4, %get3A_5] : memref<2000x128xf32, #tpu.memory_space<vmem>>, vector<2000x128xf32>
    %mul3A = vector.broadcast %rsqrt3A : vector<2000x1xf32> to vector<2000x128xf32>
    %mul3A_7 = arith.mulf %mul3A, %get3A_6 : vector<2000x128xf32>
    %swap3A = arith.constant 0 : index
    %swap3A_8 = arith.constant 0 : index
    %swap3A_9 = vector.load %arg4[%swap3A, %swap3A_8] : memref<2000x128xf32, #tpu.memory_space<vmem>>, vector<2000x128xf32>
    tpu.vector_store %arg4[%swap3A, %swap3A_8], %mul3A_7 {strides = array<i32>} : memref<2000x128xf32, #tpu.memory_space<vmem>>, vector<2000x128xf32>,
    %get3A_10 = arith.constant 0 : index
    %get3A_11 = arith.constant 0 : index
    %get3A_12 = vector.load %arg3[%get3A_10, %get3A_11] : memref<2000x128xf32, #tpu.memory_space<vmem>>, vector<2000x128xf32>
    %mul3A_13 = vector.broadcast %rsqrt3A : vector<2000x1xf32> to vector<2000x128xf32>
    %mul3A_14 = arith.mulf %mul3A_13, %get3A_12 : vector<2000x128xf32>
    %swap3A_15 = arith.constant 0 : index
    %swap3A_16 = arith.constant 0 : index
    %swap3A_17 = vector.load %arg5[%swap3A_15, %swap3A_16] : memref<2000x128xf32, #tpu.memory_space<vmem>>, vector<2000x128xf32>
    tpu.vector_store %arg5[%swap3A_15, %swap3A_16], %mul3A_14 {strides = array<i32>} : memref<2000x128xf32, #tpu.memory_space<vmem>>, vector<2000x128xf32>,
    %swap3A_18 = arith.constant 0 : index
    %swap3A_19 = arith.constant 0 : index
    %swap3A_20 = vector.load %arg6[%swap3A_18, %swap3A_19] : memref<2000x1xf32, #tpu.memory_space<vmem>>, vector<2000x1xf32>
    tpu.vector_store %arg6[%swap3A_18, %swap3A_19], %rsqrt3A {strides = array<i32>} : memref<2000x1xf32, #tpu.memory_space<vmem>>, vector<2000x1xf32>,
    return
  }
  func.func @transform_0(%arg0: i32) -> (i32, i32) {
    %c0_i32 = arith.constant 0 : i32
    %c0_i32_0 = arith.constant 0 : i32
    return %arg0, %c0_i32 : i32, i32
  }
  func.func @transform_1(%arg0: i32) -> (i32, i32) {
    %c0_i32 = arith.constant 0 : i32
    %c0_i32_0 = arith.constant 0 : i32
    return %arg0, %c0_i32 : i32, i32
  }
  func.func @transform_2(%arg0: i32) -> (i32, i32) {
    %c0_i32 = arith.constant 0 : i32
    %c0_i32_0 = arith.constant 0 : i32
    return %arg0, %c0_i32 : i32, i32
  }
  func.func @transform_3(%arg0: i32) -> (i32, i32) {
    %c0_i32 = arith.constant 0 : i32
    %c0_i32_0 = arith.constant 0 : i32
    return %arg0, %c0_i32 : i32, i32
  }
  func.func @transform_4(%arg0: i32) -> (i32, i32) {
    %c0_i32 = arith.constant 0 : i32
    %c0_i32_0 = arith.constant 0 : i32
    return %arg0, %c0_i32 : i32, i32
  }
  func.func @transform_5(%arg0: i32) -> (i32, i32) {
    %c0_i32 = arith.constant 0 : i32
    %c0_i32_0 = arith.constant 0 : i32
    return %arg0, %c0_i32 : i32, i32
  }
}

module attributes {stable_mosaic.version = 14 : i64} {
  func.func @_disc_body(%arg0: i32, %arg1: memref<1x512xf32, #tpu.memory_space<vmem>>, %arg2: memref<512x512xf32, #tpu.memory_space<vmem>>, %arg3: memref<1000x512xf32, #tpu.memory_space<vmem>>, %arg4: memref<1000x512xf32, #tpu.memory_space<vmem>>, %arg5: memref<1000x1xf32, #tpu.memory_space<vmem>>, %arg6: memref<1000x1xf32, #tpu.memory_space<vmem>>, %arg7: memref<512x1xf32, #tpu.memory_space<vmem>>) attributes {dimension_semantics = [#tpu.dimension_semantics<arbitrary>], iteration_bounds = array<i64: 10>, scalar_prefetch = 0 : i64, scratch_operands = 1 : i64, tpu.core_type = #tpu.core_type<tc>, window_params = [{pipeline_mode = #tpu.pipeline_mode<synchronous>, transform_indices = @transform_0, window_bounds = array<i64: 1, 512>}, {pipeline_mode = #tpu.pipeline_mode<synchronous>, transform_indices = @transform_1, window_bounds = array<i64: 512, 512>}, {transform_indices = @transform_2, window_bounds = array<i64: 1000, 512>}, {transform_indices = @transform_3, window_bounds = array<i64: 1000, 512>}, {transform_indices = @transform_4, window_bounds = array<i64: 1000, 1>}, {transform_indices = @transform_5, window_bounds = array<i64: 1000, 1>}]} {
    %eq3A = arith.constant 0 : i32
    %eq3A_0 = arith.cmpi eq, %arg0, %eq3A : i32
    %convert_element_type3A = arith.extui %eq3A_0 : i1 to i32
    %cond3A = arith.constant 0 : i32
    %cond3A_1 = arith.cmpi ne, %convert_element_type3A, %cond3A : i32
    scf.if %cond3A_1 {
      %get3A_18 = arith.constant 0 : index
      %get3A_19 = arith.constant 0 : index
      %get3A_20 = vector.load %arg1[%get3A_18, %get3A_19] : memref<1x512xf32, #tpu.memory_space<vmem>>, vector<1x512xf32>
      %mul3A = arith.constant 9.99999974E-5 : f32
      %mul3A_21 = vector.broadcast %mul3A : f32 to vector<1x512xf32>
      %mul3A_22 = arith.mulf %get3A_20, %mul3A_21 : vector<1x512xf32>
      %logistic3A = arith.negf %mul3A_22 : vector<1x512xf32>
      %logistic3A_23 = math.exp %logistic3A : vector<1x512xf32>
      %logistic3A_24 = arith.constant 1.000000e+00 : f32
      %logistic3A_25 = vector.broadcast %logistic3A_24 : f32 to vector<1x512xf32>
      %logistic3A_26 = arith.addf %logistic3A_25, %logistic3A_23 : vector<1x512xf32>
      %logistic3A_27 = arith.divf %logistic3A_25, %logistic3A_26 : vector<1x512xf32>
      %get3A_28 = arith.constant 0 : index
      %get3A_29 = arith.constant 0 : index
      %get3A_30 = vector.load %arg2[%get3A_28, %get3A_29] : memref<512x512xf32, #tpu.memory_space<vmem>>, vector<512x512xf32>
      %mul3A_31 = vector.broadcast %logistic3A_27 : vector<1x512xf32> to vector<512x512xf32>
      %mul3A_32 = arith.mulf %get3A_30, %mul3A_31 : vector<512x512xf32>
      %reduce_sum3A = arith.constant dense<0.000000e+00> : vector<512xf32>
      %reduce_sum3A_33 = vector.multi_reduction <add>, %mul3A_32, %reduce_sum3A [1] : vector<512x512xf32> to vector<512xf32>
      %broadcast_in_dim3A = vector.shape_cast %reduce_sum3A_33 : vector<512xf32> to vector<512x1xf32>
      %swap3A_34 = arith.constant 0 : index
      %swap3A_35 = arith.constant 0 : index
      %swap3A_36 = vector.load %arg7[%swap3A_34, %swap3A_35] : memref<512x1xf32, #tpu.memory_space<vmem>>, vector<512x1xf32>
      tpu.vector_store %arg7[%swap3A_34, %swap3A_35], %broadcast_in_dim3A {strides = array<i32>} : memref<512x1xf32, #tpu.memory_space<vmem>>, vector<512x1xf32>,
    } else {
    }
    %get3A = arith.constant 0 : index
    %get3A_2 = arith.constant 0 : index
    %get3A_3 = vector.load %arg7[%get3A, %get3A_2] : memref<512x1xf32, #tpu.memory_space<vmem>>, vector<512x1xf32>
    %get3A_4 = arith.constant 0 : index
    %get3A_5 = arith.constant 0 : index
    %get3A_6 = vector.load %arg3[%get3A_4, %get3A_5] : memref<1000x512xf32, #tpu.memory_space<vmem>>, vector<1000x512xf32>
    %dot_general3A = arith.constant dense<0.000000e+00> : vector<1000x1xf32>
    %dot_general3A_7 = tpu.matmul %get3A_6, %get3A_3, %dot_general3A {dimension_numbers = #tpu.dot_dimension_numbers<[1], [0], [0], [1], [0, 0, 1, 1], [], []>, transpose_lhs_hint = false} : vector<1000x512xf32>, vector<512x1xf32>, vector<1000x1xf32> -> vector<1000x1xf32>
    %swap3A = arith.constant 0 : index
    %swap3A_8 = arith.constant 0 : index
    %swap3A_9 = vector.load %arg5[%swap3A, %swap3A_8] : memref<1000x1xf32, #tpu.memory_space<vmem>>, vector<1000x1xf32>
    tpu.vector_store %arg5[%swap3A, %swap3A_8], %dot_general3A_7 {strides = array<i32>} : memref<1000x1xf32, #tpu.memory_space<vmem>>, vector<1000x1xf32>,
    %get3A_10 = arith.constant 0 : index
    %get3A_11 = arith.constant 0 : index
    %get3A_12 = vector.load %arg4[%get3A_10, %get3A_11] : memref<1000x512xf32, #tpu.memory_space<vmem>>, vector<1000x512xf32>
    %dot_general3A_13 = arith.constant dense<0.000000e+00> : vector<1000x1xf32>
    %dot_general3A_14 = tpu.matmul %get3A_12, %get3A_3, %dot_general3A_13 {dimension_numbers = #tpu.dot_dimension_numbers<[1], [0], [0], [1], [0, 0, 1, 1], [], []>, transpose_lhs_hint = false} : vector<1000x512xf32>, vector<512x1xf32>, vector<1000x1xf32> -> vector<1000x1xf32>
    %swap3A_15 = arith.constant 0 : index
    %swap3A_16 = arith.constant 0 : index
    %swap3A_17 = vector.load %arg6[%swap3A_15, %swap3A_16] : memref<1000x1xf32, #tpu.memory_space<vmem>>, vector<1000x1xf32>
    tpu.vector_store %arg6[%swap3A_15, %swap3A_16], %dot_general3A_14 {strides = array<i32>} : memref<1000x1xf32, #tpu.memory_space<vmem>>, vector<1000x1xf32>,
    return
  }
  func.func @transform_0(%arg0: i32) -> (i32, i32) {
    %c0_i32 = arith.constant 0 : i32
    %c0_i32_0 = arith.constant 0 : i32
    %c0_i32_1 = arith.constant 0 : i32
    return %c0_i32, %c0_i32_0 : i32, i32
  }
  func.func @transform_1(%arg0: i32) -> (i32, i32) {
    %c0_i32 = arith.constant 0 : i32
    %c0_i32_0 = arith.constant 0 : i32
    %c0_i32_1 = arith.constant 0 : i32
    return %c0_i32, %c0_i32_0 : i32, i32
  }
  func.func @transform_2(%arg0: i32) -> (i32, i32) {
    %c0_i32 = arith.constant 0 : i32
    %c0_i32_0 = arith.constant 0 : i32
    return %arg0, %c0_i32 : i32, i32
  }
  func.func @transform_3(%arg0: i32) -> (i32, i32) {
    %c0_i32 = arith.constant 0 : i32
    %c0_i32_0 = arith.constant 0 : i32
    return %arg0, %c0_i32 : i32, i32
  }
  func.func @transform_4(%arg0: i32) -> (i32, i32) {
    %c0_i32 = arith.constant 0 : i32
    %c0_i32_0 = arith.constant 0 : i32
    return %arg0, %c0_i32 : i32, i32
  }
  func.func @transform_5(%arg0: i32) -> (i32, i32) {
    %c0_i32 = arith.constant 0 : i32
    %c0_i32_0 = arith.constant 0 : i32
    return %arg0, %c0_i32 : i32, i32
  }
}

</mosaic_0001>

<sc_bundles>
// kernel: kernel.10.cloned.1.call-start
scs
__scs_entry_jumppad:
0x0: {  	(pc) =	sbr.rel $0x88, $3  }
0x1: {  	(tag) =	ssettag $0x0;
	lr =	simm.s32 $0x1  }
0x2: {  	[smem:$0x3F9A] =	sst lr;
	_ =	strace $0xD0000000  }
0x3: {  	_ = 	snop  }
0x4: {  	_ = 	snop  }
0x5: {  	_ = 	snop  }
0x6: {  	_ = 	snop  }
0x7: {  	_ = 	snop  }
__scs_overlays_trampoline_lowered:
0x8: {  	[smem:$0x3FA9] =	sst s0  }
0x9: {  	[smem:$0x3FAA] =	sst s1  }
0xa: {  	[smem:$0x3FAB] =	sst s2  }
0xb: {  	[smem:$0x3FAC] =	sst s3  }
0xc: {  	[smem:$0x3FAD] =	sst s4  }
0xd: {  	[smem:$0x3FAE] =	sst s5  }
0xe: {  	[smem:$0x3FAF] =	sst s6  }
0xf: {  	[smem:$0x3FB0] =	sst s7  }
0x10: {  	[smem:$0x3FB1] =	sst s8  }
0x11: {  	[smem:$0x3FB2] =	sst s9;
	s0 =	simm.s32 @!p0 $0x0  }
0x12: {  	s1 =	sld [smem:$0x3F98];
	s0 =	simm.s32 @p0 $0x1  }
0x13: {  	[smem:$0x3FB3] =	sst s0;
	s0 =	simm.s32 @!p1 $0x0  }
0x14: {  	s2 =	sld [smem:$0x3F97];
	s0 =	simm.s32 @p1 $0x1  }
0x15: {  	[smem:$0x3FB4] =	sst s0;
	s0 =	simm.s32 @!p2 $0x0  }
0x16: {  	s3 =	sld [smem:$0x3FDB];
	s0 =	simm.s32 @p2 $0x1  }
0x17: {  	s4 =	simm.s32 $0x1BF5;
	[smem:$0x3FB6] =	sst s0  }
0x18: {  	s0 =	sld [smem:$0x3F99];
	_ =	swait.ge [sflag:s4], $0x0  }
0x19: {  	s7 =	sld [smem:$0x3F9A]  }
0x1a: {  	s8 =	sadd.s32 $0xFFFFE003, lr  }
0x1b: {  	s9 =	sadd.s32 $0xFFFFFEF7, lr;
	s5 =	simm.s32 $0xFFFFFFFF;
	p2 =	slt.u32 s8, $0xFFFFF086  }
0x1c: {  	p1 =	slt.u32 s9, $0xF7A;
	s5 =	simm.s32 @!p2 $0x0  }
0x1d: {  	s5 =	simm.s32 @p1 $0x1;
	p0 =	seq.s32 s7, s2  }
0x1e: {  	s7 =	smul.u32 @!p0 $0xF7A, s2;
	p2 =	seq.s32 @!p0 s5, $0x0  }
0x1f: {  	s9 =	smul.u32 $0xF7A, s1;
	s8 =	simm.s32 @!p0 $0x1BF5;
	p2 =	por !p2, p0  }
0x20: {  	[sflag:s8] =	ssyncset.s32 @!p0 $0xFFFFF086;
	s6 =	sadd.s32 @!p0 s3, s7;
	s7 =	simm.s32 @!p0 $0x108  }
0x21: {  	s3 =	sadd.s32 s3, s9;
	s6 =	sadd.s32 @!p0 $0x88, s6;
	s7 =	simm.s32 @p2 $0x1082  }
0x22: {  	[simem:s7], [sflag:s8] =	dma.local @!p0 [hbm:s6], $0xF7A  }
0x23: {  	s9 =	sor.u32 $0xD0000000, s2;
	s6 =	simm.s32 $0x108;
	_ =	swait.ge @!p0 [sflag:s8], $0x0  }
0x24: {  	s3 =	sadd.s32 $0x88, s3;
	s6 =	simm.s32 @!p1 $0x1082;
	[sflag:s4] =	ssyncset.s32 $0xFFFFF086  }
0x25: {  	[simem:s6], [sflag:s4] =	dma.local [hbm:s3], $0xF7A  }
0x26: {  	[smem:$0x3F9A] =	sst s1;
	(tag) =	ssettag s2;
	_ =	strace s9  }
0x27: {  	s1 =	sld [smem:$0x3FAA]  }
0x28: {  	s2 =	sld [smem:$0x3FAB]  }
0x29: {  	s4 =	sld [smem:$0x3FAD]  }
0x2a: {  	p0 =	seq.s32 s5, $0x0;
	s5 =	sld [smem:$0x3FAE]  }
0x2b: {  	s6 =	sld [smem:$0x3FAF]  }
0x2c: {  	s7 =	sld [smem:$0x3FB0]  }
0x2d: {  	s3 =	simm.s32 $0x108;
	s8 =	sld [smem:$0x3FB1]  }
0x2e: {  	s3 =	simm.s32 @!p0 $0x1082;
	s9 =	sld [smem:$0x3FB2]  }
0x2f: {  	lr =	sadd.s32 s0, s3;
	s0 =	sld [smem:$0x3FA9]  }
0x30: {  	s3 =	sld [smem:$0x3FAC]  }
0x31: {  	[smem:$0x3FB5] =	sst s10  }
0x32: {  	s10 =	sld [smem:$0x3FB3];
	_ =	sdelay $0x3  }
0x33: {  	p0 =	seq.s32 s10, $0x1;
	s10 =	sld [smem:$0x3FB5];
	_ =	sdelay $0x3  }
0x34: {  	[smem:$0x3FB5] =	sst s10  }
0x35: {  	s10 =	sld [smem:$0x3FB4];
	_ =	sdelay $0x3  }
0x36: {  	p1 =	seq.s32 s10, $0x1;
	s10 =	sld [smem:$0x3FB5];
	_ =	sdelay $0x3  }
0x37: {  	[smem:$0x3FB5] =	sst s10  }
0x38: {  	s10 =	sld [smem:$0x3FB6]  }
0x39: {  	_ = 	snop;
	(pc) =	sbr.ind lr, $3  }
0x3a: {  	_ = 	snop  }
0x3b: {  	_ = 	snop  }
0x3c: {  	p2 =	seq.s32 s10, $0x1;
	s10 =	sld [smem:$0x3FB5]  }
0x3d: {  	_ =	shalt  }
0x3e: {  	_ =	shalt  }
0x3f: {  	_ =	shalt  }
0x40: {  	_ =	shalt  }
0x41: {  	_ =	shalt  }
0x42: {  	_ =	shalt  }
0x43: {  	_ =	shalt  }
0x44: {  	_ =	shalt  }
0x45: {  	_ =	shalt  }
0x46: {  	_ =	shalt  }
0x47: {  	_ =	shalt  }
0x48: {  	_ =	shalt  }
0x49: {  	_ =	shalt  }
0x4a: {  	_ =	shalt  }
0x4b: {  	_ =	shalt  }
0x4c: {  	_ =	shalt  }
0x4d: {  	_ =	shalt  }
0x4e: {  	_ =	shalt  }
0x4f: {  	_ =	shalt  }
0x50: {  	_ =	shalt  }
0x51: {  	_ =	shalt  }
0x52: {  	_ =	shalt  }
0x53: {  	_ =	shalt  }
0x54: {  	_ =	shalt  }
0x55: {  	_ =	shalt  }
0x56: {  	_ =	shalt  }
0x57: {  	_ =	shalt  }
0x58: {  	_ =	shalt  }
0x59: {  	_ =	shalt  }
0x5a: {  	_ =	shalt  }
0x5b: {  	_ =	shalt  }
0x5c: {  	_ =	shalt  }
0x5d: {  	_ =	shalt  }
0x5e: {  	_ =	shalt  }
0x5f: {  	_ =	shalt  }
0x60: {  	_ =	shalt  }
0x61: {  	_ =	shalt  }
0x62: {  	_ =	shalt  }
0x63: {  	_ =	shalt  }
0x64: {  	_ =	shalt  }
0x65: {  	_ =	shalt  }
0x66: {  	_ =	shalt  }
0x67: {  	_ =	shalt  }
0x68: {  	_ =	shalt  }
0x69: {  	_ =	shalt  }
0x6a: {  	_ =	shalt  }
0x6b: {  	_ =	shalt  }
0x6c: {  	_ =	shalt  }
0x6d: {  	_ =	shalt  }
0x6e: {  	_ =	shalt  }
0x6f: {  	_ =	shalt  }
0x70: {  	_ =	shalt  }
0x71: {  	_ =	shalt  }
0x72: {  	_ =	shalt  }
0x73: {  	_ =	shalt  }
0x74: {  	_ =	shalt  }
0x75: {  	_ =	shalt  }
0x76: {  	_ =	shalt  }
0x77: {  	_ =	shalt  }
0x78: {  	_ =	shalt  }
0x79: {  	_ =	shalt  }
0x7a: {  	_ =	shalt  }
0x7b: {  	_ =	shalt  }
0x7c: {  	_ =	shalt  }
0x7d: {  	_ =	shalt  }
0x7e: {  	_ =	shalt  }
0x7f: {  	_ =	shalt  }
0x80: {  	_ =	shalt  }
0x81: {  	_ =	shalt  }
0x82: {  	_ =	shalt  }
0x83: {  	_ =	shalt  }
0x84: {  	_ =	shalt  }
0x85: {  	_ =	shalt  }
0x86: {  	_ =	shalt  }
0x87: {  	_ =	shalt  }
.Lfunc_end0:
.L_simem_size_0:
called_computation.1_lowered:
.L_overlay_start_0:
0x88: {  	s2 =	sld [smem:$0x3FD9]  }
0x89: {  	s3 =	sld [smem:$0x3FFE];
	_ =	sdelay $0x1  }
0x8a: {  	s1 =	srdreg.scid  }
0x8b: {  	s0 =	sand.u32 $0x1, s1  }
0x8c: {  	s16 =	sshll.u32 s0, $0xA;
	s2 =	sadd.s32 s3, s2  }
0x8d: {  	s2 =	sadd.s32 s2, s16  }
0x8e: {  	[smem:$0x3FC1] =	sst s2  }
0x8f: {  	_ = 	snop  }
0x90: {  	(tm) =	ssettm $0x1  }
0x91: {  	s17 =	sld [smem:$0x3FFB];
	_ =	sdelay $0x3  }
0x92: {  	_ =	strace s17  }
0x93: {  	s2 =	sld [smem:$0x3FFC];
	_ =	sdelay $0x3  }
0x94: {  	_ =	strace s2  }
0x95: {  	s2 =	sld [smem:$0x3FFD];
	_ =	sdelay $0x3  }
0x96: {  	_ =	strace s2  }
0x97: {  	_ =	strace $0x8FFFFFFF  }
0x98: {  	s18 =	sld [smem:$0x3FDB];
	_ =	sdelay $0x1  }
0x99: {  	s19 =	simm.s32 $_scs_section_size  }
0x9a: {  	s4 =	simm.s32 $_size__tile_overlayer_lowered;
	s5 =	simm.s32 $_tile_overlayer_lowered  }
0x9b: {  	s22 =	simm.s32 $0x1BFF;
	s21 =	sshll.u32 s5, $0x1;
	s2 =	sadd.s32 s19, s18  }
0x9c: {  	s6 =	simm.s32 $0x0;
	s20 =	sshll.u32 s4, $0x1;
	s4 =	sadd.s32 s21, s2  }
0x9d: {  	[timem:s6], [sflag:s22] =	dma.local [hbm:s4], s20  }
0x9e: {  	_ =	swait.ge [sflag:s22], s20  }
0x9f: {  	s3 =	ssub.s32 $0x0, s20;
	[sflag:s22] =	ssyncset.done $0x0  }
0xa0: {  	[sflag:s22] =	ssyncadd.s32 s3;
	_ =	sdelay $0x1  }
0xa1: {  	s23 =	simm.s32 $0x1B8B  }
0xa2: {  	_ =	swait.ge [sflag:s23], $0x1  }
0xa3: {  	[sflag:s23] =	ssyncset.done $0x0  }
0xa4: {  	s25 =	simm.s32 $0x1B8E;
	s24 =	sld [smem:$0x3FFE];
	[sflag:s23] =	ssyncadd.s32 $0xFFFFFFFF  }
0xa5: {  	s26 =	simm.s32 $execute0_lowered;
	[smem:$0x3FD2] =	sst s25  }
0xa6: {  	s4 =	sshll.u32 s26, $0x1;
	_ =	strace $0x80000049;
	[dreg:$0x1] =	wrdreg $0xFFFFFFFF  }
0xa7: {  	s28 =	simm.s32 $_size_execute0_lowered;
	s2 =	sadd.s32 s2, s4;
	[dreg:$0x0] =	wrdreg $0x0  }
0xa8: {  	s4 =	sshll.u32 s28, $0x1;
	[dreg:$0x2] =	wrdreg s2  }
0xa9: {  	[dreg:$0x3] =	wrdreg s4  }
0xaa: {  	[dreg:$0x4] =	wrdreg $0xC0  }
0xab: {  	_ =	task [dreg:s6], $0x5FFFF  }
0xac: {  	[dreg:$0x1] =	wrdreg $0xFFFFFFFF  }
0xad: {  	[dreg:$0x0] =	wrdreg $0x60  }
0xae: {  	[dreg:$0x2] =	wrdreg s24  }
0xaf: {  	[dreg:$0x3] =	wrdreg $0x52000  }
0xb0: {  	[dreg:$0x4] =	wrdreg $0x9  }
0xb1: {  	_ =	task.clear_ibuf [dreg:s6], $0x5FFFF;
	_ =	strace $0x90000049  }
0xb2: {  	s29 =	simm.s32 $0x9;
	_ =	strace $0x8000004B  }
0xb3: {  	_ =	swait.ge [sflag:s29], $0x1  }
0xb4: {  	[sflag:s29] =	ssyncadd.s32 $0xFFFFFFFF  }
0xb5: {  	_ =	strace $0x9000004B  }
0xb6: {  	_ =	sfence  }
0xb7: {  	s30 =	sld [smem:$0x0];
	_ =	sdelay $0x2  }
0xb8: {  	s31 =	sshll.u32 s1, $0xD;
	s1 =	sshrl.u32 s1, $0x2  }
0xb9: {  	s3 =	sand.u32 $0x4000, s31;
	s1 =	sadd.s32 s1, s30  }
0xba: {  	s0 =	sor.u32 s3, s0;
	s1 =	sshll.u32 s1, $0x11  }
0xbb: {  	s0 =	sor.u32 s1, s0  }
0xbc: {  	s0 =	sadd.s32 $0x8F2B, s0  }
0xbd: {  	[sflag:s0] =	ssyncadd.remote.s32 $0x1  }
0xbe: {  	_ =	sfence.sel $0xFFFF  }
0xbf: {  	[dreg:$0x0] =	wrdreg $0xFFFFFFFF;
	(pc) =	sbr.abs _section_cstart, $3  }
0xc0: {  	[dreg:$0x1] =	wrdreg $0xFFFFFFFF  }
0xc1: {  	_ =	task.clear_ibuf [dreg:s6], $0x2FFFF;
	_ =	strace $0x9FFFFFFF  }
0xc2: {  	(tm) =	ssettm $0x7FFFFFFF  }
0xc3: {  	_ =	shalt  }
tec
execute0_lowered:
.L_overlay_start_1:
0x0: {  	(tag) =	ssettag $0x1  }
0x1: {  	s0 =	rddreg [dreg:$0x0]  }
0x2: {  	s1 =	rddreg [dreg:$0x1];
	s2 =	simm.s32 $0x0  }
0x3: {  	s3 =	srdreg.scid;
	s31 =	simm.s32 $0x2;
	[smem:$0x7FF] =	sst s2  }
0x4: {  	s4 =	sadd.s32 $0x1600, s0;
	s5 =	sand.u32 $0x1, s3;
	s6 =	sadd.s32 $0xB400, s0  }
0x5: {  	s3 =	stileid.u32;
	s8 =	sadd.s32 $0x8A800, s0;
	s11 =	sadd.s32 $0xB1A00, s0  }
0x6: {  	s30 =	sadd.s32 $0x138000, s1;
	_ =	strace $0x8000004A;
	s7 =	ssub.s32 $0x2, s5  }
0x7: {  	s10 =	smul.u32 $0x4E20, s3;
	s20 =	sor.u32 $0x10, s3;
	s12 =	sshll.u32 s3, $0xB  }
0x8: {  	s21 =	sor.u32 $0x20, s3;
	s22 =	sor.u32 $0x30, s3;
	s19 =	sshll.u32 s3, $0xE  }
0x9: {  	p0 =	sne.s32 s5, $0x0;
	p2 =	slt.u32 s3, $0xE;
	p1 =	sne.s32 s3, $0x0  }
0xa: {  	s5 =	simm.s32 $0x1;
	s9 =	sshrl.u32 s7, $0x1;
	s13 =	sshll.u32 s20, $0xB  }
0xb: {  	s14 =	sadd.s32 s11, s12;
	s24 =	sshll.u32 s21, $0xB;
	s15 =	sshll.u32 s22, $0xB  }
0xc: {  	s26 =	sadd.s32 s8, s12;
	s19 =	sadd.s32 s19, s1;
	s20 =	sshll.u32 s20, $0xE  }
0xd: {  	s21 =	sshll.u32 s21, $0xE;
	s22 =	sshll.u32 s22, $0xE;
	p3 =	sne.s32 @!p2 s3, $0xE  }
0xe: {  	s7 =	ssub.s32 s7, s9;
	s10 =	sshrl.u32 s10, $0x3;
	[dreg:$0x3] =	wrdreg s14  }
0xf: {  	s23 =	sadd.s32 s11, s13;
	s17 =	sadd.s32 s11, s24;
	s25 =	sadd.s32 s11, s15  }
0x10: {  	[dreg:$0x8] =	wrdreg s26;
	s12 =	sadd.s32 s8, s13;
	s13 =	smul.u32 $0x9C4, s3  }
0x11: {  	s18 =	sadd.s32 s8, s15;
	s20 =	sadd.s32 s20, s1;
	[dreg:$0x4] =	wrdreg s23  }
0x12: {  	s21 =	sadd.s32 s21, s1;
	s22 =	sadd.s32 s22, s1;
	[dreg:$0x5] =	wrdreg s17  }
0x13: {  	s26 =	sshll.u32 s3, $0xC;
	p3 =	por p3, p2;
	[dreg:$0x6] =	wrdreg s25  }
0x14: {  	s9 =	simm.s32 $0x4200;
	s10 =	sadd.s32 $0x9C0, s10;
	[dreg:$0x9] =	wrdreg s12  }
0x15: {  	s23 =	sor.u32 $0x40, s3;
	s17 =	sadd.s32 s8, s24;
	[dreg:$0xb] =	wrdreg s18  }
0x16: {  	s18 =	sadd.s32 $0x15200, s0;
	s25 =	sadd.s32 $0xD8A00, s0;
	s28 =	smax.u32 s7, $0x1  }
0x17: {  	s29 =	sadd.s32 s26, s1;
	s7 =	simm.s32 $0x180;
	s16 =	sshll.u32 s23, $0xB  }
0x18: {  	[dreg:$0xa] =	wrdreg s17;
	s14 =	sadd.s32 s4, s10;
	s15 =	sadd.s32 s6, s10  }
0x19: {  	s17 =	sadd.s32 s13, s4;
	s24 =	sshll.u32 s23, $0xE;
	[dreg:$0xd] =	wrdreg s25  }
.Ltmp0:
0x1a: {  	s4 =	simm.s32 $0x200;
	s10 =	simm.s32 $0x0;
	(pc) =	sbr.rel .LBB2_1-.Ltmp0, $4  }
0x1b: {  	s11 =	sadd.s32 s11, s16;
	s8 =	sadd.s32 s8, s16;
	s16 =	sadd.s32 s13, s6  }
0x1c: {  	s23 =	sadd.s32 s24, s1;
	s24 =	sadd.s32 $0x3C400, s0;
	[dreg:$0x7] =	wrdreg s11  }
0x1d: {  	s0 =	sadd.s32 $0xB1800, s0;
	s6 =	simm.s32 $0x100;
	[dreg:$0xc] =	wrdreg s8  }
0x1e: {  	v0 =	vimm.f32 $0.0e+00;
	[dreg:$0xe] =	wrdreg s0;
	s0 =	simm.s32 $0x80;
	s8 =	simm.s32 $0x20  }
.LBB2_9:
0x1f: {  	s12 =	sadd.s32 s11, s17;
	[sflag:s31] =	ssyncadd.s32 $0xFFFFC000  }
0x20: {  	[tilespmem:s2], [sflag:$0x2] =	stream.linear.gather [hbm4b:s12+s2], $0x80, $0x38;
	[tilespmem:$0x18A80] =	vst v63  }
0x21: {  	_ =	swait.ge [sflag:s31], $0x80  }
0x22: {  	[sflag:s31] =	ssyncset.done $0x0  }
0x23: {  	s26 =	sadd.s32 s11, s16;
	[sflag:s31] =	ssyncadd.s32 $0xFFFFFF80  }
0x24: {  	[tilespmem:s0], [sflag:$0x2] =	stream.linear.gather [hbm4b:s26+s2], $0x80, $0x38;
	[tilespmem:$0x18A80] =	vst v63  }
0x25: {  	_ =	swait.ge [sflag:s31], $0x80  }
0x26: {  	[sflag:s31] =	ssyncset.done $0x0  }
0x27: {  	[sflag:s31] =	ssyncadd.s32 $0xFFFFFF80  }
0x28: {  	[tilespmem:s4], [sflag:$0x1] =	stream.indirect.gather [hbm4b:s24+s0], $0x80, s2, s0, $0xb8;
	[tilespmem:$0x18A80] =	vst v63  }
0x29: {  	_ =	swait.ge [sflag:s5], $0x4000  }
0x2a: {  	[sflag:s5] =	ssyncset.done $0x0  }
0x2b: {  	[sflag:s5] =	ssyncadd.s32 $0xFFFFC000  }
0x2c: {  	[spmem:s1] =	stream.indirect.scatter.add.f32 [tilespmem:s4], [sflag:$0x2], $0x80, s0, s0, $0xb8;
	[tilespmem:$0x18A80] =	vst v63  }
0x2d: {  	_ =	swait.ge [sflag:s31], $0x4000  }
0x2e: {  	[sflag:s31] =	ssyncset.done $0x0  }
0x2f: {  	[sflag:s31] =	ssyncadd.s32 $0xFFFFC000  }
0x30: {  	[tilespmem:s6], [sflag:$0x2] =	stream.linear.gather [hbm4b:s14+s2], $0x20, $0x38;
	[tilespmem:$0x18A80] =	vst v63  }
0x31: {  	_ =	swait.ge [sflag:s31], $0x20  }
0x32: {  	[sflag:s31] =	ssyncset.done $0x0  }
0x33: {  	[sflag:s31] =	ssyncadd.s32 $0xFFFFFFE0  }
0x34: {  	[tilespmem:s7], [sflag:$0x2] =	stream.linear.gather [hbm4b:s15+s2], $0x20, $0x38;
	[tilespmem:$0x18A80] =	vst v63  }
0x35: {  	_ =	swait.ge [sflag:s31], $0x20  }
0x36: {  	[sflag:s31] =	ssyncset.done $0x0  }
0x37: {  	[sflag:s31] =	ssyncadd.s32 $0xFFFFFFE0  }
0x38: {  	[tilespmem:s9], [sflag:$0x1] =	stream.indirect.gather [hbm4b:s24+s8], $0x80, s6, s8, $0xb8;
	[tilespmem:$0x18A80] =	vst v63  }
0x39: {  	_ =	swait.ge [sflag:s5], $0x1000  }
0x3a: {  	[sflag:s5] =	ssyncset.done $0x0  }
0x3b: {  	[sflag:s5] =	ssyncadd.s32 $0xFFFFF000  }
0x3c: {  	[spmem:s1] =	stream.indirect.scatter.add.f32 [tilespmem:s9], [sflag:$0x2], $0x80, s7, s8, $0xb8;
	[tilespmem:$0x18A80] =	vst v63  }
0x3d: {  	_ =	swait.ge [sflag:s31], $0x1000  }
0x3e: {  	[sflag:s31] =	ssyncset.done $0x0  }
0x3f: {  	[sflag:s31] =	ssyncadd.s32 $0xFFFFF000  }
0x40: {  	[bflag:$0x0] =	sbarrier.arrive $0xFFFF  }
0x41: {  	[tilespmem:s4], [sflag:$0x2] =	stream.linear.gather [spmem:s19], $0x4000, $0x38;
	[tilespmem:$0x18A80] =	vst v63  }
0x42: {  	_ =	swait.ge [sflag:s31], $0x4000  }
0x43: {  	[sflag:s31] =	ssyncset.done $0x0  }
0x44: {  	s12 =	rddreg [dreg:$0x3];
	[sflag:s31] =	ssyncadd.s32 $0xFFFFC000  }
0x45: {  	[hbm4b:s12+s2] =	stream.linear.scatter [tilespmem:s4], [sflag:$0x2], $0x4000, $0x38;
	[tilespmem:$0x18A80] =	vst v63  }
0x46: {  	_ =	swait.ge [sflag:s31], $0x4000  }
0x47: {  	[sflag:s31] =	ssyncset.done $0x0  }
0x48: {  	[sflag:s31] =	ssyncadd.s32 $0xFFFFC000  }
0x49: {  	[tilespmem:s4], [sflag:$0x2] =	stream.linear.gather [spmem:s20], $0x4000, $0x38;
	[tilespmem:$0x18A80] =	vst v63  }
0x4a: {  	_ =	swait.ge [sflag:s31], $0x4000  }
0x4b: {  	[sflag:s31] =	ssyncset.done $0x0  }
0x4c: {  	s13 =	rddreg [dreg:$0x4];
	[sflag:s31] =	ssyncadd.s32 $0xFFFFC000  }
0x4d: {  	[hbm4b:s13+s2] =	stream.linear.scatter [tilespmem:s4], [sflag:$0x2], $0x4000, $0x38;
	[tilespmem:$0x18A80] =	vst v63  }
0x4e: {  	_ =	swait.ge [sflag:s31], $0x4000  }
0x4f: {  	[sflag:s31] =	ssyncset.done $0x0  }
0x50: {  	[sflag:s31] =	ssyncadd.s32 $0xFFFFC000  }
0x51: {  	[tilespmem:s4], [sflag:$0x2] =	stream.linear.gather [spmem:s21], $0x4000, $0x38;
	[tilespmem:$0x18A80] =	vst v63  }
0x52: {  	_ =	swait.ge [sflag:s31], $0x4000  }
0x53: {  	[sflag:s31] =	ssyncset.done $0x0  }
0x54: {  	s25 =	rddreg [dreg:$0x5];
	[sflag:s31] =	ssyncadd.s32 $0xFFFFC000  }
0x55: {  	[hbm4b:s25+s2] =	stream.linear.scatter [tilespmem:s4], [sflag:$0x2], $0x4000, $0x38;
	[tilespmem:$0x18A80] =	vst v63  }
0x56: {  	_ =	swait.ge [sflag:s31], $0x4000  }
0x57: {  	[sflag:s31] =	ssyncset.done $0x0  }
0x58: {  	[sflag:s31] =	ssyncadd.s32 $0xFFFFC000  }
0x59: {  	[tilespmem:s4], [sflag:$0x2] =	stream.linear.gather [spmem:s22], $0x4000, $0x38;
	[tilespmem:$0x18A80] =	vst v63  }
0x5a: {  	_ =	swait.ge [sflag:s31], $0x4000  }
0x5b: {  	[sflag:s31] =	ssyncset.done $0x0  }
0x5c: {  	s26 =	rddreg [dreg:$0x6];
	[sflag:s31] =	ssyncadd.s32 $0xFFFFC000  }
0x5d: {  	[hbm4b:s26+s2] =	stream.linear.scatter [tilespmem:s4], [sflag:$0x2], $0x4000, $0x38;
	[tilespmem:$0x18A80] =	vst v63  }
0x5e: {  	_ =	swait.ge [sflag:s31], $0x4000  }
0x5f: {  	[sflag:s31] =	ssyncset.done $0x0  }
0x60: {  	s11 =	simm.s32 @p2 $0x200;
	s12 =	simm.s32 @p2 $0x2;
	[sflag:s31] =	ssyncadd.s32 $0xFFFFC000  }
0x61: {  	[tilespmem:s11], [sflag:$0x2] =	stream.linear.gather @p2 [spmem:s23], $0x4000, $0x38;
	[tilespmem:$0x18A80] =	vst v63  }
0x62: {  	_ =	swait.ge @p2 [sflag:s12], $0x4000  }
0x63: {  	[sflag:s12] =	ssyncset.done @p2 $0x0  }
0x64: {  	s13 =	simm.s32 @p2 $0x0;
	s25 =	rddreg [dreg:$0x7];
	[sflag:s12] =	ssyncadd.s32 @p2 $0xFFFFC000  }
0x65: {  	[hbm4b:s25+s13] =	stream.linear.scatter @p2 [tilespmem:s11], [sflag:$0x2], $0x4000, $0x38;
	[tilespmem:$0x18A80] =	vst v63  }
0x66: {  	_ =	swait.ge @p2 [sflag:s12], $0x4000  }
0x67: {  	[sflag:s12] =	ssyncset.done @p2 $0x0  }
0x68: {  	s11 =	simm.s32 @!p3 $0x200;
	[sflag:s12] =	ssyncadd.s32 @p2 $0xFFFFC000;
	s12 =	simm.s32 @!p3 $0x2  }
0x69: {  	[tilespmem:s11], [sflag:$0x2] =	stream.linear.gather @!p3 [spmem:s30], $0x800, $0x38;
	[tilespmem:$0x18A80] =	vst v63  }
0x6a: {  	_ =	swait.ge @!p3 [sflag:s12], $0x800  }
0x6b: {  	[sflag:s12] =	ssyncset.done @!p3 $0x0  }
0x6c: {  	s13 =	simm.s32 @!p3 $0x0;
	s25 =	rddreg [dreg:$0xd];
	[sflag:s12] =	ssyncadd.s32 @!p3 $0xFFFFF800  }
0x6d: {  	[hbm4b:s25+s13] =	stream.linear.scatter @!p3 [tilespmem:s11], [sflag:$0x2], $0x800, $0x38;
	[tilespmem:$0x18A80] =	vst v63  }
0x6e: {  	_ =	swait.ge @!p3 [sflag:s12], $0x800  }
0x6f: {  	[sflag:s12] =	ssyncset.done @!p3 $0x0  }
0x70: {  	[sflag:s12] =	ssyncadd.s32 @!p3 $0xFFFFF800  }
.LBB2_10:
0x71: {  	s10 =	sadd.s32 $0x1, s10  }
0x72: {  	p4 =	sne.s32 s10, s28  }
.Ltmp1:
0x73: {  	_ = 	snop;
	(pc) =	sbr.rel @!p4 .LBB2_11-.Ltmp1, $1  }
0x74: {  	_ =	sdelay $0x3  }
.LBB2_1:
0x75: {  	[tilespmem:$0x4200] =	vst v0  }
0x76: {  	[tilespmem:$0x4210] =	vst v0  }
0x77: {  	[tilespmem:$0x4220] =	vst v0  }
0x78: {  	[tilespmem:$0x4230] =	vst v0  }
0x79: {  	[tilespmem:$0x4240] =	vst v0  }
0x7a: {  	[tilespmem:$0x4250] =	vst v0  }
0x7b: {  	[tilespmem:$0x4260] =	vst v0  }
0x7c: {  	[tilespmem:$0x4270] =	vst v0  }
0x7d: {  	[tilespmem:$0x4280] =	vst v0  }
0x7e: {  	[tilespmem:$0x4290] =	vst v0  }
0x7f: {  	[tilespmem:$0x42A0] =	vst v0  }
0x80: {  	[tilespmem:$0x42B0] =	vst v0  }
0x81: {  	[tilespmem:$0x42C0] =	vst v0  }
0x82: {  	[tilespmem:$0x42D0] =	vst v0  }
0x83: {  	[tilespmem:$0x42E0] =	vst v0  }
0x84: {  	[tilespmem:$0x42F0] =	vst v0  }
0x85: {  	[tilespmem:$0x4300] =	vst v0  }
0x86: {  	[tilespmem:$0x4310] =	vst v0  }
0x87: {  	[tilespmem:$0x4320] =	vst v0  }
0x88: {  	[tilespmem:$0x4330] =	vst v0  }
0x89: {  	[tilespmem:$0x4340] =	vst v0  }
0x8a: {  	[tilespmem:$0x4350] =	vst v0  }
0x8b: {  	[tilespmem:$0x4360] =	vst v0  }
0x8c: {  	[tilespmem:$0x4370] =	vst v0  }
0x8d: {  	[tilespmem:$0x4380] =	vst v0  }
0x8e: {  	[tilespmem:$0x4390] =	vst v0  }
0x8f: {  	[tilespmem:$0x43A0] =	vst v0  }
0x90: {  	[tilespmem:$0x43B0] =	vst v0  }
0x91: {  	[tilespmem:$0x43C0] =	vst v0  }
0x92: {  	[tilespmem:$0x43D0] =	vst v0  }
0x93: {  	[tilespmem:$0x43E0] =	vst v0  }
0x94: {  	[tilespmem:$0x43F0] =	vst v0  }
0x95: {  	[tilespmem:$0x4400] =	vst v0  }
0x96: {  	[tilespmem:$0x4410] =	vst v0  }
0x97: {  	[tilespmem:$0x4420] =	vst v0  }
0x98: {  	[tilespmem:$0x4430] =	vst v0  }
0x99: {  	[tilespmem:$0x4440] =	vst v0  }
0x9a: {  	[tilespmem:$0x4450] =	vst v0  }
0x9b: {  	[tilespmem:$0x4460] =	vst v0  }
0x9c: {  	[tilespmem:$0x4470] =	vst v0  }
0x9d: {  	[tilespmem:$0x4480] =	vst v0  }
0x9e: {  	[tilespmem:$0x4490] =	vst v0  }
0x9f: {  	[tilespmem:$0x44A0] =	vst v0  }
0xa0: {  	[tilespmem:$0x44B0] =	vst v0  }
0xa1: {  	[tilespmem:$0x44C0] =	vst v0  }
0xa2: {  	[tilespmem:$0x44D0] =	vst v0  }
0xa3: {  	[tilespmem:$0x44E0] =	vst v0  }
0xa4: {  	[tilespmem:$0x44F0] =	vst v0  }
0xa5: {  	[tilespmem:$0x4500] =	vst v0  }
0xa6: {  	[tilespmem:$0x4510] =	vst v0  }
0xa7: {  	[tilespmem:$0x4520] =	vst v0  }
0xa8: {  	[tilespmem:$0x4530] =	vst v0  }
0xa9: {  	[tilespmem:$0x4540] =	vst v0  }
0xaa: {  	[tilespmem:$0x4550] =	vst v0  }
0xab: {  	[tilespmem:$0x4560] =	vst v0  }
0xac: {  	[tilespmem:$0x4570] =	vst v0  }
0xad: {  	[tilespmem:$0x4580] =	vst v0  }
0xae: {  	[tilespmem:$0x4590] =	vst v0  }
0xaf: {  	[tilespmem:$0x45A0] =	vst v0  }
0xb0: {  	[tilespmem:$0x45B0] =	vst v0  }
0xb1: {  	[tilespmem:$0x45C0] =	vst v0  }
0xb2: {  	[tilespmem:$0x45D0] =	vst v0  }
0xb3: {  	[tilespmem:$0x45E0] =	vst v0  }
0xb4: {  	[tilespmem:$0x45F0] =	vst v0  }
0xb5: {  	[tilespmem:$0x4600] =	vst v0  }
0xb6: {  	[tilespmem:$0x4610] =	vst v0  }
0xb7: {  	[tilespmem:$0x4620] =	vst v0  }
0xb8: {  	[tilespmem:$0x4630] =	vst v0  }
0xb9: {  	[tilespmem:$0x4640] =	vst v0  }
0xba: {  	[tilespmem:$0x4650] =	vst v0  }
0xbb: {  	[tilespmem:$0x4660] =	vst v0  }
0xbc: {  	[tilespmem:$0x4670] =	vst v0  }
0xbd: {  	[tilespmem:$0x4680] =	vst v0  }
0xbe: {  	[tilespmem:$0x4690] =	vst v0  }
0xbf: {  	[tilespmem:$0x46A0] =	vst v0  }
0xc0: {  	[tilespmem:$0x46B0] =	vst v0  }
0xc1: {  	[tilespmem:$0x46C0] =	vst v0  }
0xc2: {  	[tilespmem:$0x46D0] =	vst v0  }
0xc3: {  	[tilespmem:$0x46E0] =	vst v0  }
0xc4: {  	[tilespmem:$0x46F0] =	vst v0  }
0xc5: {  	[tilespmem:$0x4700] =	vst v0  }
0xc6: {  	[tilespmem:$0x4710] =	vst v0  }
0xc7: {  	[tilespmem:$0x4720] =	vst v0  }
0xc8: {  	[tilespmem:$0x4730] =	vst v0  }
0xc9: {  	[tilespmem:$0x4740] =	vst v0  }
0xca: {  	[tilespmem:$0x4750] =	vst v0  }
0xcb: {  	[tilespmem:$0x4760] =	vst v0  }
0xcc: {  	[tilespmem:$0x4770] =	vst v0  }
0xcd: {  	[tilespmem:$0x4780] =	vst v0  }
0xce: {  	[tilespmem:$0x4790] =	vst v0  }
0xcf: {  	[tilespmem:$0x47A0] =	vst v0  }
0xd0: {  	[tilespmem:$0x47B0] =	vst v0  }
0xd1: {  	[tilespmem:$0x47C0] =	vst v0  }
0xd2: {  	[tilespmem:$0x47D0] =	vst v0  }
0xd3: {  	[tilespmem:$0x47E0] =	vst v0  }
0xd4: {  	[tilespmem:$0x47F0] =	vst v0  }
0xd5: {  	[tilespmem:$0x4800] =	vst v0  }
0xd6: {  	[tilespmem:$0x4810] =	vst v0  }
0xd7: {  	[tilespmem:$0x4820] =	vst v0  }
0xd8: {  	[tilespmem:$0x4830] =	vst v0  }
0xd9: {  	[tilespmem:$0x4840] =	vst v0  }
0xda: {  	[tilespmem:$0x4850] =	vst v0  }
0xdb: {  	[tilespmem:$0x4860] =	vst v0  }
0xdc: {  	[tilespmem:$0x4870] =	vst v0  }
0xdd: {  	[tilespmem:$0x4880] =	vst v0  }
0xde: {  	[tilespmem:$0x4890] =	vst v0  }
0xdf: {  	[tilespmem:$0x48A0] =	vst v0  }
0xe0: {  	[tilespmem:$0x48B0] =	vst v0  }
0xe1: {  	[tilespmem:$0x48C0] =	vst v0  }
0xe2: {  	[tilespmem:$0x48D0] =	vst v0  }
0xe3: {  	[tilespmem:$0x48E0] =	vst v0  }
0xe4: {  	[tilespmem:$0x48F0] =	vst v0  }
0xe5: {  	[tilespmem:$0x4900] =	vst v0  }
0xe6: {  	[tilespmem:$0x4910] =	vst v0  }
0xe7: {  	[tilespmem:$0x4920] =	vst v0  }
0xe8: {  	[tilespmem:$0x4930] =	vst v0  }
0xe9: {  	[tilespmem:$0x4940] =	vst v0  }
0xea: {  	[tilespmem:$0x4950] =	vst v0  }
0xeb: {  	[tilespmem:$0x4960] =	vst v0  }
0xec: {  	[tilespmem:$0x4970] =	vst v0  }
0xed: {  	[tilespmem:$0x4980] =	vst v0  }
0xee: {  	[tilespmem:$0x4990] =	vst v0  }
0xef: {  	[tilespmem:$0x49A0] =	vst v0  }
0xf0: {  	[tilespmem:$0x49B0] =	vst v0  }
0xf1: {  	[tilespmem:$0x49C0] =	vst v0  }
0xf2: {  	[tilespmem:$0x49D0] =	vst v0  }
0xf3: {  	[tilespmem:$0x49E0] =	vst v0  }
0xf4: {  	[tilespmem:$0x49F0] =	vst v0  }
0xf5: {  	[tilespmem:$0x4A00] =	vst v0  }
0xf6: {  	[tilespmem:$0x4A10] =	vst v0  }
0xf7: {  	[tilespmem:$0x4A20] =	vst v0  }
0xf8: {  	[tilespmem:$0x4A30] =	vst v0  }
0xf9: {  	[tilespmem:$0x4A40] =	vst v0  }
0xfa: {  	[tilespmem:$0x4A50] =	vst v0  }
0xfb: {  	[tilespmem:$0x4A60] =	vst v0  }
0xfc: {  	[tilespmem:$0x4A70] =	vst v0  }
0xfd: {  	[tilespmem:$0x4A80] =	vst v0  }
0xfe: {  	[tilespmem:$0x4A90] =	vst v0  }
0xff: {  	[tilespmem:$0x4AA0] =	vst v0  }
0x100: {  	[tilespmem:$0x4AB0] =	vst v0  }
0x101: {  	[tilespmem:$0x4AC0] =	vst v0  }
0x102: {  	[tilespmem:$0x4AD0] =	vst v0  }
0x103: {  	[tilespmem:$0x4AE0] =	vst v0  }
0x104: {  	[tilespmem:$0x4AF0] =	vst v0  }
0x105: {  	[tilespmem:$0x4B00] =	vst v0  }
0x106: {  	[tilespmem:$0x4B10] =	vst v0  }
0x107: {  	[tilespmem:$0x4B20] =	vst v0  }
0x108: {  	[tilespmem:$0x4B30] =	vst v0  }
0x109: {  	[tilespmem:$0x4B40] =	vst v0  }
0x10a: {  	[tilespmem:$0x4B50] =	vst v0  }
0x10b: {  	[tilespmem:$0x4B60] =	vst v0  }
0x10c: {  	[tilespmem:$0x4B70] =	vst v0  }
0x10d: {  	[tilespmem:$0x4B80] =	vst v0  }
0x10e: {  	[tilespmem:$0x4B90] =	vst v0  }
0x10f: {  	[tilespmem:$0x4BA0] =	vst v0  }
0x110: {  	[tilespmem:$0x4BB0] =	vst v0  }
0x111: {  	[tilespmem:$0x4BC0] =	vst v0  }
0x112: {  	[tilespmem:$0x4BD0] =	vst v0  }
0x113: {  	[tilespmem:$0x4BE0] =	vst v0  }
0x114: {  	[tilespmem:$0x4BF0] =	vst v0  }
0x115: {  	[tilespmem:$0x4C00] =	vst v0  }
0x116: {  	[tilespmem:$0x4C10] =	vst v0  }
0x117: {  	[tilespmem:$0x4C20] =	vst v0  }
0x118: {  	[tilespmem:$0x4C30] =	vst v0  }
0x119: {  	[tilespmem:$0x4C40] =	vst v0  }
0x11a: {  	[tilespmem:$0x4C50] =	vst v0  }
0x11b: {  	[tilespmem:$0x4C60] =	vst v0  }
0x11c: {  	[tilespmem:$0x4C70] =	vst v0  }
0x11d: {  	[tilespmem:$0x4C80] =	vst v0  }
0x11e: {  	[tilespmem:$0x4C90] =	vst v0  }
0x11f: {  	[tilespmem:$0x4CA0] =	vst v0  }
0x120: {  	[tilespmem:$0x4CB0] =	vst v0  }
0x121: {  	[tilespmem:$0x4CC0] =	vst v0  }
0x122: {  	[tilespmem:$0x4CD0] =	vst v0  }
0x123: {  	[tilespmem:$0x4CE0] =	vst v0  }
0x124: {  	[tilespmem:$0x4CF0] =	vst v0  }
0x125: {  	[tilespmem:$0x4D00] =	vst v0  }
0x126: {  	[tilespmem:$0x4D10] =	vst v0  }
0x127: {  	[tilespmem:$0x4D20] =	vst v0  }
0x128: {  	[tilespmem:$0x4D30] =	vst v0  }
0x129: {  	[tilespmem:$0x4D40] =	vst v0  }
0x12a: {  	[tilespmem:$0x4D50] =	vst v0  }
0x12b: {  	[tilespmem:$0x4D60] =	vst v0  }
0x12c: {  	[tilespmem:$0x4D70] =	vst v0  }
0x12d: {  	[tilespmem:$0x4D80] =	vst v0  }
0x12e: {  	[tilespmem:$0x4D90] =	vst v0  }
0x12f: {  	[tilespmem:$0x4DA0] =	vst v0  }
0x130: {  	[tilespmem:$0x4DB0] =	vst v0  }
0x131: {  	[tilespmem:$0x4DC0] =	vst v0  }
0x132: {  	[tilespmem:$0x4DD0] =	vst v0  }
0x133: {  	[tilespmem:$0x4DE0] =	vst v0  }
0x134: {  	[tilespmem:$0x4DF0] =	vst v0  }
0x135: {  	[tilespmem:$0x4E00] =	vst v0  }
0x136: {  	[tilespmem:$0x4E10] =	vst v0  }
0x137: {  	[tilespmem:$0x4E20] =	vst v0  }
0x138: {  	[tilespmem:$0x4E30] =	vst v0  }
0x139: {  	[tilespmem:$0x4E40] =	vst v0  }
0x13a: {  	[tilespmem:$0x4E50] =	vst v0  }
0x13b: {  	[tilespmem:$0x4E60] =	vst v0  }
0x13c: {  	[tilespmem:$0x4E70] =	vst v0  }
0x13d: {  	[tilespmem:$0x4E80] =	vst v0  }
0x13e: {  	[tilespmem:$0x4E90] =	vst v0  }
0x13f: {  	[tilespmem:$0x4EA0] =	vst v0  }
0x140: {  	[tilespmem:$0x4EB0] =	vst v0  }
0x141: {  	[tilespmem:$0x4EC0] =	vst v0  }
0x142: {  	[tilespmem:$0x4ED0] =	vst v0  }
0x143: {  	[tilespmem:$0x4EE0] =	vst v0  }
0x144: {  	[tilespmem:$0x4EF0] =	vst v0  }
0x145: {  	[tilespmem:$0x4F00] =	vst v0  }
0x146: {  	[tilespmem:$0x4F10] =	vst v0  }
0x147: {  	[tilespmem:$0x4F20] =	vst v0  }
0x148: {  	[tilespmem:$0x4F30] =	vst v0  }
0x149: {  	[tilespmem:$0x4F40] =	vst v0  }
0x14a: {  	[tilespmem:$0x4F50] =	vst v0  }
0x14b: {  	[tilespmem:$0x4F60] =	vst v0  }
0x14c: {  	[tilespmem:$0x4F70] =	vst v0  }
0x14d: {  	[tilespmem:$0x4F80] =	vst v0  }
0x14e: {  	[tilespmem:$0x4F90] =	vst v0  }
0x14f: {  	[tilespmem:$0x4FA0] =	vst v0  }
0x150: {  	[tilespmem:$0x4FB0] =	vst v0  }
0x151: {  	[tilespmem:$0x4FC0] =	vst v0  }
0x152: {  	[tilespmem:$0x4FD0] =	vst v0  }
0x153: {  	[tilespmem:$0x4FE0] =	vst v0  }
0x154: {  	[tilespmem:$0x4FF0] =	vst v0  }
0x155: {  	[tilespmem:$0x5000] =	vst v0  }
0x156: {  	[tilespmem:$0x5010] =	vst v0  }
0x157: {  	[tilespmem:$0x5020] =	vst v0  }
0x158: {  	[tilespmem:$0x5030] =	vst v0  }
0x159: {  	[tilespmem:$0x5040] =	vst v0  }
0x15a: {  	[tilespmem:$0x5050] =	vst v0  }
0x15b: {  	[tilespmem:$0x5060] =	vst v0  }
0x15c: {  	[tilespmem:$0x5070] =	vst v0  }
0x15d: {  	[tilespmem:$0x5080] =	vst v0  }
0x15e: {  	[tilespmem:$0x5090] =	vst v0  }
0x15f: {  	[tilespmem:$0x50A0] =	vst v0  }
0x160: {  	[tilespmem:$0x50B0] =	vst v0  }
0x161: {  	[tilespmem:$0x50C0] =	vst v0  }
0x162: {  	[tilespmem:$0x50D0] =	vst v0  }
0x163: {  	[tilespmem:$0x50E0] =	vst v0  }
0x164: {  	[tilespmem:$0x50F0] =	vst v0  }
0x165: {  	[tilespmem:$0x5100] =	vst v0  }
0x166: {  	[tilespmem:$0x5110] =	vst v0  }
0x167: {  	[tilespmem:$0x5120] =	vst v0  }
0x168: {  	[tilespmem:$0x5130] =	vst v0  }
0x169: {  	[tilespmem:$0x5140] =	vst v0  }
0x16a: {  	[tilespmem:$0x5150] =	vst v0  }
0x16b: {  	[tilespmem:$0x5160] =	vst v0  }
0x16c: {  	[tilespmem:$0x5170] =	vst v0  }
0x16d: {  	[tilespmem:$0x5180] =	vst v0  }
0x16e: {  	[tilespmem:$0x5190] =	vst v0  }
0x16f: {  	[tilespmem:$0x51A0] =	vst v0  }
0x170: {  	[tilespmem:$0x51B0] =	vst v0  }
0x171: {  	[tilespmem:$0x51C0] =	vst v0  }
0x172: {  	[tilespmem:$0x51D0] =	vst v0;
	s11 =	sadd.s32 $0x0, s3  }
0x173: {  	[tilespmem:$0x51E0] =	vst v0;
	p4 =	sgt.u32 s11, $0x137  }
0x174: {  	[tilespmem:$0x51F0] =	vst v0;
	s11 =	simm.s32 @!p4 $0x4200;
	s25 =	simm.s32 @!p4 $0x2  }
0x175: {  	[spmem:s29] =	stream.linear.scatter @!p4 [tilespmem:s11], [sflag:$0x2], $0x1000, $0x38;
	[tilespmem:$0x18A80] =	vst v63  }
0x176: {  	s12 =	simm.s32 $0x10;
	_ =	swait.ge @!p4 [sflag:s25], $0x1000  }
0x177: {  	s13 =	simm.s32 $0x20;
	s11 =	sadd.s32 $0x10000, s29;
	[sflag:s25] =	ssyncset.done @!p4 $0x0  }
.LBB2_2:
0x178: {  	s26 =	sadd.s32 s12, s3;
	s12 =	smov.u32 s13;
	s13 =	sadd.s32 $0x10, s13  }
0x179: {  	[sflag:s25] =	ssyncadd.s32 @!p4 $0xFFFFF000;
	p5 =	sne.s32 s13, $0x140  }
.Ltmp2:
0x17a: {  	p4 =	sgt.u32 s26, $0x137;
	(pc) =	sbr.rel @p5 .LBB2_2-.Ltmp2, $4  }
0x17b: {  	s26 =	simm.s32 @!p4 $0x4200;
	s25 =	simm.s32 @!p4 $0x2  }
0x17c: {  	[spmem:s11] =	stream.linear.scatter @!p4 [tilespmem:s26], [sflag:$0x2], $0x1000, $0x38;
	[tilespmem:$0x18A80] =	vst v63  }
0x17d: {  	_ =	swait.ge @!p4 [sflag:s25], $0x1000  }
0x17e: {  	s11 =	sadd.s32 $0x10000, s11;
	[sflag:s25] =	ssyncset.done @!p4 $0x0  }
0x17f: {  	s12 =	sadd.s32 s12, s3  }
0x180: {  	p5 =	sgt.u32 s12, $0x137  }
0x181: {  	[sflag:s25] =	ssyncadd.s32 @!p4 $0xFFFFF000;
	s12 =	simm.s32 @!p5 $0x4200;
	s13 =	simm.s32 @!p5 $0x2  }
0x182: {  	[spmem:s11] =	stream.linear.scatter @!p5 [tilespmem:s12], [sflag:$0x2], $0x1000, $0x38;
	[tilespmem:$0x18A80] =	vst v63  }
0x183: {  	_ =	swait.ge @!p5 [sflag:s13], $0x1000  }
0x184: {  	[sflag:s13] =	ssyncset.done @!p5 $0x0  }
0x185: {  	s11 =	simm.s32 @!p1 $0x4200;
	[sflag:s13] =	ssyncadd.s32 @!p5 $0xFFFFF000  }
0x186: {  	[spmem:s30] =	stream.linear.scatter @!p1 [tilespmem:s11], [sflag:$0x2], $0x800, $0x38;
	[tilespmem:$0x18A80] =	vst v63  }
0x187: {  	s11 =	simm.s32 @!p1 $0x2  }
.Ltmp3:
0x188: {  	_ =	swait.ge @!p1 [sflag:s11], $0x800;
	(pc) =	sbr.rel @p0 .LBB2_7-.Ltmp3, $4  }
0x189: {  	[sflag:s11] =	ssyncset.done @!p1 $0x0  }
0x18a: {  	[sflag:s11] =	ssyncadd.s32 @!p1 $0xFFFFF800  }
0x18b: {  	[bflag:$0x0] =	sbarrier.arrive $0xFFFF  }
0x18c: {  	s11 =	sadd.s32 $0x0, s17  }
0x18d: {  	[tilespmem:s2], [sflag:$0x2] =	stream.linear.gather [hbm4b:s11+s2], $0x80, $0x38;
	[tilespmem:$0x18A80] =	vst v63  }
0x18e: {  	_ =	swait.ge [sflag:s31], $0x80  }
0x18f: {  	[sflag:s31] =	ssyncset.done $0x0  }
0x190: {  	s26 =	sadd.s32 $0x0, s16;
	[sflag:s31] =	ssyncadd.s32 $0xFFFFFF80  }
0x191: {  	[tilespmem:s0], [sflag:$0x2] =	stream.linear.gather [hbm4b:s26+s2], $0x80, $0x38;
	[tilespmem:$0x18A80] =	vst v63  }
0x192: {  	_ =	swait.ge [sflag:s31], $0x80  }
0x193: {  	[sflag:s31] =	ssyncset.done $0x0  }
0x194: {  	[sflag:s31] =	ssyncadd.s32 $0xFFFFFF80  }
0x195: {  	[tilespmem:s4], [sflag:$0x1] =	stream.indirect.gather [hbm4b:s18+s0], $0x80, s2, s0, $0xb8;
	[tilespmem:$0x18A80] =	vst v63  }
0x196: {  	_ =	swait.ge [sflag:s5], $0x4000  }
0x197: {  	[sflag:s5] =	ssyncset.done $0x0  }
0x198: {  	[sflag:s5] =	ssyncadd.s32 $0xFFFFC000  }
0x199: {  	[spmem:s1] =	stream.indirect.scatter.add.f32 [tilespmem:s4], [sflag:$0x2], $0x80, s0, s0, $0xb8;
	[tilespmem:$0x18A80] =	vst v63  }
0x19a: {  	_ =	swait.ge [sflag:s31], $0x4000  }
0x19b: {  	s11 =	simm.s32 $0x10;
	s12 =	simm.s32 $0x20;
	[sflag:s31] =	ssyncset.done $0x0  }
.LBB2_5:
0x19c: {  	s13 =	sadd.s32 s11, s17  }
0x19d: {  	[sflag:s31] =	ssyncadd.s32 $0xFFFFC000;
	s25 =	smov.u32 s12;
	s26 =	sadd.s32 $0x10, s12  }
0x19e: {  	[tilespmem:s2], [sflag:$0x2] =	stream.linear.gather [hbm4b:s13+s2], $0x80, $0x38;
	[tilespmem:$0x18A80] =	vst v63  }
0x19f: {  	p4 =	sne.s32 s12, $0x9B0;
	_ =	swait.ge [sflag:s31], $0x80  }
0x1a0: {  	[sflag:s31] =	ssyncset.done $0x0  }
0x1a1: {  	s12 =	sadd.s32 s11, s16;
	s11 =	smov.u32 s25;
	[sflag:s31] =	ssyncadd.s32 $0xFFFFFF80  }
0x1a2: {  	[tilespmem:s0], [sflag:$0x2] =	stream.linear.gather [hbm4b:s12+s2], $0x80, $0x38;
	[tilespmem:$0x18A80] =	vst v63  }
0x1a3: {  	_ =	swait.ge [sflag:s31], $0x80  }
0x1a4: {  	[sflag:s31] =	ssyncset.done $0x0  }
0x1a5: {  	[sflag:s31] =	ssyncadd.s32 $0xFFFFFF80  }
0x1a6: {  	[tilespmem:s4], [sflag:$0x1] =	stream.indirect.gather [hbm4b:s18+s0], $0x80, s2, s0, $0xb8;
	[tilespmem:$0x18A80] =	vst v63  }
0x1a7: {  	_ =	swait.ge [sflag:s5], $0x4000  }
.Ltmp4:
0x1a8: {  	[sflag:s5] =	ssyncset.done $0x0;
	(pc) =	sbr.rel @p4 .LBB2_5-.Ltmp4, $4  }
0x1a9: {  	[sflag:s5] =	ssyncadd.s32 $0xFFFFC000  }
0x1aa: {  	[spmem:s1] =	stream.indirect.scatter.add.f32 [tilespmem:s4], [sflag:$0x2], $0x80, s0, s0, $0xb8;
	[tilespmem:$0x18A80] =	vst v63  }
0x1ab: {  	_ =	swait.ge [sflag:s31], $0x4000  }
0x1ac: {  	s12 =	smov.u32 s26;
	[sflag:s31] =	ssyncset.done $0x0  }
0x1ad: {  	s12 =	sadd.s32 s11, s17;
	[sflag:s31] =	ssyncadd.s32 $0xFFFFC000  }
0x1ae: {  	[tilespmem:s2], [sflag:$0x2] =	stream.linear.gather [hbm4b:s12+s2], $0x80, $0x38;
	[tilespmem:$0x18A80] =	vst v63  }
0x1af: {  	_ =	swait.ge [sflag:s31], $0x80  }
0x1b0: {  	[sflag:s31] =	ssyncset.done $0x0  }
0x1b1: {  	s26 =	sadd.s32 s11, s16;
	[sflag:s31] =	ssyncadd.s32 $0xFFFFFF80  }
0x1b2: {  	[tilespmem:s0], [sflag:$0x2] =	stream.linear.gather [hbm4b:s26+s2], $0x80, $0x38;
	[tilespmem:$0x18A80] =	vst v63  }
0x1b3: {  	_ =	swait.ge [sflag:s31], $0x80  }
0x1b4: {  	[sflag:s31] =	ssyncset.done $0x0  }
0x1b5: {  	[sflag:s31] =	ssyncadd.s32 $0xFFFFFF80  }
0x1b6: {  	[tilespmem:s4], [sflag:$0x1] =	stream.indirect.gather [hbm4b:s18+s0], $0x80, s2, s0, $0xb8;
	[tilespmem:$0x18A80] =	vst v63  }
0x1b7: {  	_ =	swait.ge [sflag:s5], $0x4000  }
0x1b8: {  	[sflag:s5] =	ssyncset.done $0x0  }
0x1b9: {  	[sflag:s5] =	ssyncadd.s32 $0xFFFFC000  }
0x1ba: {  	[spmem:s1] =	stream.indirect.scatter.add.f32 [tilespmem:s4], [sflag:$0x2], $0x80, s0, s0, $0xb8;
	[tilespmem:$0x18A80] =	vst v63  }
0x1bb: {  	_ =	swait.ge [sflag:s31], $0x4000  }
0x1bc: {  	[sflag:s31] =	ssyncset.done $0x0  }
0x1bd: {  	[sflag:s31] =	ssyncadd.s32 $0xFFFFC000  }
0x1be: {  	[tilespmem:s6], [sflag:$0x2] =	stream.linear.gather [hbm4b:s14+s2], $0x20, $0x38;
	[tilespmem:$0x18A80] =	vst v63  }
0x1bf: {  	_ =	swait.ge [sflag:s31], $0x20  }
0x1c0: {  	[sflag:s31] =	ssyncset.done $0x0  }
0x1c1: {  	[sflag:s31] =	ssyncadd.s32 $0xFFFFFFE0  }
0x1c2: {  	[tilespmem:s7], [sflag:$0x2] =	stream.linear.gather [hbm4b:s15+s2], $0x20, $0x38;
	[tilespmem:$0x18A80] =	vst v63  }
0x1c3: {  	_ =	swait.ge [sflag:s31], $0x20  }
0x1c4: {  	[sflag:s31] =	ssyncset.done $0x0  }
0x1c5: {  	[sflag:s31] =	ssyncadd.s32 $0xFFFFFFE0  }
0x1c6: {  	[tilespmem:s9], [sflag:$0x1] =	stream.indirect.gather [hbm4b:s18+s8], $0x80, s6, s8, $0xb8;
	[tilespmem:$0x18A80] =	vst v63  }
0x1c7: {  	_ =	swait.ge [sflag:s5], $0x1000  }
0x1c8: {  	[sflag:s5] =	ssyncset.done $0x0  }
0x1c9: {  	[sflag:s5] =	ssyncadd.s32 $0xFFFFF000  }
0x1ca: {  	[spmem:s1] =	stream.indirect.scatter.add.f32 [tilespmem:s9], [sflag:$0x2], $0x80, s7, s8, $0xb8;
	[tilespmem:$0x18A80] =	vst v63  }
0x1cb: {  	_ =	swait.ge [sflag:s31], $0x1000  }
0x1cc: {  	[sflag:s31] =	ssyncset.done $0x0  }
0x1cd: {  	[sflag:s31] =	ssyncadd.s32 $0xFFFFF000  }
0x1ce: {  	[bflag:$0x0] =	sbarrier.arrive $0xFFFF  }
0x1cf: {  	[tilespmem:s4], [sflag:$0x2] =	stream.linear.gather [spmem:s19], $0x4000, $0x38;
	[tilespmem:$0x18A80] =	vst v63  }
0x1d0: {  	_ =	swait.ge [sflag:s31], $0x4000  }
0x1d1: {  	[sflag:s31] =	ssyncset.done $0x0  }
0x1d2: {  	s12 =	rddreg [dreg:$0x8];
	[sflag:s31] =	ssyncadd.s32 $0xFFFFC000  }
0x1d3: {  	[hbm4b:s12+s2] =	stream.linear.scatter [tilespmem:s4], [sflag:$0x2], $0x4000, $0x38;
	[tilespmem:$0x18A80] =	vst v63  }
0x1d4: {  	_ =	swait.ge [sflag:s31], $0x4000  }
0x1d5: {  	[sflag:s31] =	ssyncset.done $0x0  }
0x1d6: {  	[sflag:s31] =	ssyncadd.s32 $0xFFFFC000  }
0x1d7: {  	[tilespmem:s4], [sflag:$0x2] =	stream.linear.gather [spmem:s20], $0x4000, $0x38;
	[tilespmem:$0x18A80] =	vst v63  }
0x1d8: {  	_ =	swait.ge [sflag:s31], $0x4000  }
0x1d9: {  	[sflag:s31] =	ssyncset.done $0x0  }
0x1da: {  	s13 =	rddreg [dreg:$0x9];
	[sflag:s31] =	ssyncadd.s32 $0xFFFFC000  }
0x1db: {  	[hbm4b:s13+s2] =	stream.linear.scatter [tilespmem:s4], [sflag:$0x2], $0x4000, $0x38;
	[tilespmem:$0x18A80] =	vst v63  }
0x1dc: {  	_ =	swait.ge [sflag:s31], $0x4000  }
0x1dd: {  	[sflag:s31] =	ssyncset.done $0x0  }
0x1de: {  	[sflag:s31] =	ssyncadd.s32 $0xFFFFC000  }
0x1df: {  	[tilespmem:s4], [sflag:$0x2] =	stream.linear.gather [spmem:s21], $0x4000, $0x38;
	[tilespmem:$0x18A80] =	vst v63  }
0x1e0: {  	_ =	swait.ge [sflag:s31], $0x4000  }
0x1e1: {  	[sflag:s31] =	ssyncset.done $0x0  }
0x1e2: {  	s25 =	rddreg [dreg:$0xa];
	[sflag:s31] =	ssyncadd.s32 $0xFFFFC000  }
0x1e3: {  	[hbm4b:s25+s2] =	stream.linear.scatter [tilespmem:s4], [sflag:$0x2], $0x4000, $0x38;
	[tilespmem:$0x18A80] =	vst v63  }
0x1e4: {  	_ =	swait.ge [sflag:s31], $0x4000  }
0x1e5: {  	[sflag:s31] =	ssyncset.done $0x0  }
0x1e6: {  	[sflag:s31] =	ssyncadd.s32 $0xFFFFC000  }
0x1e7: {  	[tilespmem:s4], [sflag:$0x2] =	stream.linear.gather [spmem:s22], $0x4000, $0x38;
	[tilespmem:$0x18A80] =	vst v63  }
0x1e8: {  	_ =	swait.ge [sflag:s31], $0x4000  }
0x1e9: {  	[sflag:s31] =	ssyncset.done $0x0  }
0x1ea: {  	s26 =	rddreg [dreg:$0xb];
	[sflag:s31] =	ssyncadd.s32 $0xFFFFC000  }
0x1eb: {  	[hbm4b:s26+s2] =	stream.linear.scatter [tilespmem:s4], [sflag:$0x2], $0x4000, $0x38;
	[tilespmem:$0x18A80] =	vst v63  }
0x1ec: {  	_ =	swait.ge [sflag:s31], $0x4000  }
0x1ed: {  	[sflag:s31] =	ssyncset.done $0x0  }
0x1ee: {  	s11 =	simm.s32 @p2 $0x200;
	s12 =	simm.s32 @p2 $0x2;
	[sflag:s31] =	ssyncadd.s32 $0xFFFFC000  }
0x1ef: {  	[tilespmem:s11], [sflag:$0x2] =	stream.linear.gather @p2 [spmem:s23], $0x4000, $0x38;
	[tilespmem:$0x18A80] =	vst v63  }
0x1f0: {  	_ =	swait.ge @p2 [sflag:s12], $0x4000  }
0x1f1: {  	[sflag:s12] =	ssyncset.done @p2 $0x0  }
0x1f2: {  	s13 =	simm.s32 @p2 $0x0;
	s25 =	rddreg [dreg:$0xc];
	[sflag:s12] =	ssyncadd.s32 @p2 $0xFFFFC000  }
0x1f3: {  	[hbm4b:s25+s13] =	stream.linear.scatter @p2 [tilespmem:s11], [sflag:$0x2], $0x4000, $0x38;
	[tilespmem:$0x18A80] =	vst v63  }
0x1f4: {  	_ =	swait.ge @p2 [sflag:s12], $0x4000  }
0x1f5: {  	[sflag:s12] =	ssyncset.done @p2 $0x0  }
0x1f6: {  	s11 =	simm.s32 @!p3 $0x200;
	[sflag:s12] =	ssyncadd.s32 @p2 $0xFFFFC000;
	s12 =	simm.s32 @!p3 $0x2  }
0x1f7: {  	[tilespmem:s11], [sflag:$0x2] =	stream.linear.gather @!p3 [spmem:s30], $0x800, $0x38;
	[tilespmem:$0x18A80] =	vst v63  }
0x1f8: {  	_ =	swait.ge @!p3 [sflag:s12], $0x800  }
0x1f9: {  	s13 =	simm.s32 @!p3 $0x0;
	[sflag:s12] =	ssyncset.done @!p3 $0x0  }
.Ltmp5:
0x1fa: {  	s25 =	rddreg [dreg:$0xe];
	[sflag:s12] =	ssyncadd.s32 @!p3 $0xFFFFF800;
	(pc) =	sbr.rel .LBB2_10-.Ltmp5, $4  }
0x1fb: {  	[hbm4b:s25+s13] =	stream.linear.scatter @!p3 [tilespmem:s11], [sflag:$0x2], $0x800, $0x38;
	[tilespmem:$0x18A80] =	vst v63  }
0x1fc: {  	_ =	swait.ge @!p3 [sflag:s12], $0x800  }
0x1fd: {  	[sflag:s12] =	ssyncset.done @!p3 $0x0  }
0x1fe: {  	[sflag:s12] =	ssyncadd.s32 @!p3 $0xFFFFF800  }
.LBB2_7:
0x1ff: {  	[tilespmem:s2], [sflag:$0x2] =	stream.linear.gather [hbm4b:s11+s2], $0x80, $0x38;
	[tilespmem:$0x18A80] =	vst v63  }
0x200: {  	_ =	swait.ge [sflag:s31], $0x80  }
0x201: {  	[sflag:s31] =	ssyncset.done $0x0  }
0x202: {  	s26 =	sadd.s32 $0x0, s16;
	[sflag:s31] =	ssyncadd.s32 $0xFFFFFF80  }
0x203: {  	[tilespmem:s0], [sflag:$0x2] =	stream.linear.gather [hbm4b:s26+s2], $0x80, $0x38;
	[tilespmem:$0x18A80] =	vst v63  }
0x204: {  	_ =	swait.ge [sflag:s31], $0x80  }
0x205: {  	[sflag:s31] =	ssyncset.done $0x0  }
0x206: {  	[sflag:s31] =	ssyncadd.s32 $0xFFFFFF80  }
0x207: {  	[tilespmem:s4], [sflag:$0x1] =	stream.indirect.gather [hbm4b:s24+s0], $0x80, s2, s0, $0xb8;
	[tilespmem:$0x18A80] =	vst v63  }
0x208: {  	_ =	swait.ge [sflag:s5], $0x4000  }
0x209: {  	[sflag:s5] =	ssyncset.done $0x0  }
0x20a: {  	[sflag:s5] =	ssyncadd.s32 $0xFFFFC000  }
0x20b: {  	[spmem:s1] =	stream.indirect.scatter.add.f32 [tilespmem:s4], [sflag:$0x2], $0x80, s0, s0, $0xb8;
	[tilespmem:$0x18A80] =	vst v63  }
0x20c: {  	_ =	swait.ge [sflag:s31], $0x4000  }
0x20d: {  	s11 =	simm.s32 $0x10;
	s12 =	simm.s32 $0x20;
	[sflag:s31] =	ssyncset.done $0x0  }
.LBB2_8:
0x20e: {  	s13 =	sadd.s32 s11, s17  }
0x20f: {  	[sflag:s31] =	ssyncadd.s32 $0xFFFFC000;
	s25 =	smov.u32 s12;
	s26 =	sadd.s32 $0x10, s12  }
0x210: {  	[tilespmem:s2], [sflag:$0x2] =	stream.linear.gather [hbm4b:s13+s2], $0x80, $0x38;
	[tilespmem:$0x18A80] =	vst v63  }
0x211: {  	p4 =	sne.s32 s12, $0x9B0;
	_ =	swait.ge [sflag:s31], $0x80  }
0x212: {  	[sflag:s31] =	ssyncset.done $0x0  }
0x213: {  	s12 =	sadd.s32 s11, s16;
	s11 =	smov.u32 s25;
	[sflag:s31] =	ssyncadd.s32 $0xFFFFFF80  }
0x214: {  	[tilespmem:s0], [sflag:$0x2] =	stream.linear.gather [hbm4b:s12+s2], $0x80, $0x38;
	[tilespmem:$0x18A80] =	vst v63  }
0x215: {  	_ =	swait.ge [sflag:s31], $0x80  }
0x216: {  	[sflag:s31] =	ssyncset.done $0x0  }
0x217: {  	[sflag:s31] =	ssyncadd.s32 $0xFFFFFF80  }
0x218: {  	[tilespmem:s4], [sflag:$0x1] =	stream.indirect.gather [hbm4b:s24+s0], $0x80, s2, s0, $0xb8;
	[tilespmem:$0x18A80] =	vst v63  }
0x219: {  	_ =	swait.ge [sflag:s5], $0x4000  }
.Ltmp6:
0x21a: {  	[sflag:s5] =	ssyncset.done $0x0;
	(pc) =	sbr.rel @p4 .LBB2_8-.Ltmp6, $4  }
0x21b: {  	[sflag:s5] =	ssyncadd.s32 $0xFFFFC000  }
0x21c: {  	[spmem:s1] =	stream.indirect.scatter.add.f32 [tilespmem:s4], [sflag:$0x2], $0x80, s0, s0, $0xb8;
	[tilespmem:$0x18A80] =	vst v63  }
0x21d: {  	_ =	swait.ge [sflag:s31], $0x4000  }
0x21e: {  	s12 =	smov.u32 s26;
	[sflag:s31] =	ssyncset.done $0x0  }
.Ltmp7:
0x21f: {  	_ = 	snop;
	(pc) =	sbr.rel .LBB2_9-.Ltmp7, $1  }
0x220: {  	_ =	sdelay $0x3  }
.LBB2_11:
0x221: {  	_ =	sfence.sel $0x180000  }
0x222: {  	[bflag:$0x0] =	sbarrier.arrive $0xFFFF  }
0x223: {  	_ =	strace $0x9000004A  }
0x224: {  	[bflag:$0x2] =	sbarrier.arrive $0xFFFF  }
0x225: {  	s0 =	rddreg [dreg:$0x2]  }
0x226: {  	s0 =	sadd.s32 @!p1 $0x100000, s0  }
0x227: {  	[sflag:s0] =	ssyncadd.tile.s32 @!p1 $0x1;
	_ =	shalt  }
.Lfunc_end2:
_tile_overlayer_lowered:
.L_overlay_start_2:
0x228: {  	(tag) =	ssettag $0x2  }
0x229: {  	s0 =	rddreg [dreg:$0x0];
	s2 =	stileid.u32  }
0x22a: {  	s1 =	rddreg [dreg:$0x1];
	p0 =	sne.s32 s2, $0x0  }
0x22b: {  	s3 =	rddreg [dreg:$0x2];
	[bflag:$0x3] =	sbarrier.arrive $0xFFFF;
	s2 =	simm.s32 @!p0 $0x1C02  }
0x22c: {  	[timem:s3], [sflag:s2] =	dma.local @!p0 [hbm:s0], s1  }
0x22d: {  	s0 =	simm.s32 @!p0 $0x2  }
0x22e: {  	_ =	swait.ge @!p0 [sflag:s0], s1  }
0x22f: {  	s1 =	ssub.s32 @!p0 $0x0, s1;
	[sflag:s0] =	ssyncset.done @!p0 $0x0  }
0x230: {  	[sflag:s0] =	ssyncadd.s32 @!p0 s1  }
0x231: {  	[bflag:$0x3] =	sbarrier.arrive $0xFFFF  }
0x232: {  	_ =	shalt  }

// kernel: kernel.7.cloned.1.call-start
scs
__scs_entry_jumppad:
0x0: {  	(pc) =	sbr.rel $0x88, $3  }
0x1: {  	(tag) =	ssettag $0x0;
	lr =	simm.s32 $0x1  }
0x2: {  	[smem:$0x3F9A] =	sst lr;
	_ =	strace $0xD0000000  }
0x3: {  	_ = 	snop  }
0x4: {  	_ = 	snop  }
0x5: {  	_ = 	snop  }
0x6: {  	_ = 	snop  }
0x7: {  	_ = 	snop  }
__scs_overlays_trampoline_lowered:
0x8: {  	[smem:$0x3FA9] =	sst s0  }
0x9: {  	[smem:$0x3FAA] =	sst s1  }
0xa: {  	[smem:$0x3FAB] =	sst s2  }
0xb: {  	[smem:$0x3FAC] =	sst s3  }
0xc: {  	[smem:$0x3FAD] =	sst s4  }
0xd: {  	[smem:$0x3FAE] =	sst s5  }
0xe: {  	[smem:$0x3FAF] =	sst s6  }
0xf: {  	[smem:$0x3FB0] =	sst s7  }
0x10: {  	[smem:$0x3FB1] =	sst s8  }
0x11: {  	[smem:$0x3FB2] =	sst s9;
	s0 =	simm.s32 @!p0 $0x0  }
0x12: {  	s1 =	sld [smem:$0x3F98];
	s0 =	simm.s32 @p0 $0x1  }
0x13: {  	[smem:$0x3FB3] =	sst s0;
	s0 =	simm.s32 @!p1 $0x0  }
0x14: {  	s2 =	sld [smem:$0x3F97];
	s0 =	simm.s32 @p1 $0x1  }
0x15: {  	[smem:$0x3FB4] =	sst s0;
	s0 =	simm.s32 @!p2 $0x0  }
0x16: {  	s3 =	sld [smem:$0x3FDB];
	s0 =	simm.s32 @p2 $0x1  }
0x17: {  	s4 =	simm.s32 $0x1BF5;
	[smem:$0x3FB6] =	sst s0  }
0x18: {  	s0 =	sld [smem:$0x3F99];
	_ =	swait.ge [sflag:s4], $0x0  }
0x19: {  	s7 =	sld [smem:$0x3F9A]  }
0x1a: {  	s8 =	sadd.s32 $0xFFFFE003, lr  }
0x1b: {  	s9 =	sadd.s32 $0xFFFFFEF7, lr;
	s5 =	simm.s32 $0xFFFFFFFF;
	p2 =	slt.u32 s8, $0xFFFFF086  }
0x1c: {  	p1 =	slt.u32 s9, $0xF7A;
	s5 =	simm.s32 @!p2 $0x0  }
0x1d: {  	s5 =	simm.s32 @p1 $0x1;
	p0 =	seq.s32 s7, s2  }
0x1e: {  	s7 =	smul.u32 @!p0 $0xF7A, s2;
	p2 =	seq.s32 @!p0 s5, $0x0  }
0x1f: {  	s9 =	smul.u32 $0xF7A, s1;
	s8 =	simm.s32 @!p0 $0x1BF5;
	p2 =	por !p2, p0  }
0x20: {  	[sflag:s8] =	ssyncset.s32 @!p0 $0xFFFFF086;
	s6 =	sadd.s32 @!p0 s3, s7;
	s7 =	simm.s32 @!p0 $0x108  }
0x21: {  	s3 =	sadd.s32 s3, s9;
	s6 =	sadd.s32 @!p0 $0x88, s6;
	s7 =	simm.s32 @p2 $0x1082  }
0x22: {  	[simem:s7], [sflag:s8] =	dma.local @!p0 [hbm:s6], $0xF7A  }
0x23: {  	s9 =	sor.u32 $0xD0000000, s2;
	s6 =	simm.s32 $0x108;
	_ =	swait.ge @!p0 [sflag:s8], $0x0  }
0x24: {  	s3 =	sadd.s32 $0x88, s3;
	s6 =	simm.s32 @!p1 $0x1082;
	[sflag:s4] =	ssyncset.s32 $0xFFFFF086  }
0x25: {  	[simem:s6], [sflag:s4] =	dma.local [hbm:s3], $0xF7A  }
0x26: {  	[smem:$0x3F9A] =	sst s1;
	(tag) =	ssettag s2;
	_ =	strace s9  }
0x27: {  	s1 =	sld [smem:$0x3FAA]  }
0x28: {  	s2 =	sld [smem:$0x3FAB]  }
0x29: {  	s4 =	sld [smem:$0x3FAD]  }
0x2a: {  	p0 =	seq.s32 s5, $0x0;
	s5 =	sld [smem:$0x3FAE]  }
0x2b: {  	s6 =	sld [smem:$0x3FAF]  }
0x2c: {  	s7 =	sld [smem:$0x3FB0]  }
0x2d: {  	s3 =	simm.s32 $0x108;
	s8 =	sld [smem:$0x3FB1]  }
0x2e: {  	s3 =	simm.s32 @!p0 $0x1082;
	s9 =	sld [smem:$0x3FB2]  }
0x2f: {  	lr =	sadd.s32 s0, s3;
	s0 =	sld [smem:$0x3FA9]  }
0x30: {  	s3 =	sld [smem:$0x3FAC]  }
0x31: {  	[smem:$0x3FB5] =	sst s10  }
0x32: {  	s10 =	sld [smem:$0x3FB3];
	_ =	sdelay $0x3  }
0x33: {  	p0 =	seq.s32 s10, $0x1;
	s10 =	sld [smem:$0x3FB5];
	_ =	sdelay $0x3  }
0x34: {  	[smem:$0x3FB5] =	sst s10  }
0x35: {  	s10 =	sld [smem:$0x3FB4];
	_ =	sdelay $0x3  }
0x36: {  	p1 =	seq.s32 s10, $0x1;
	s10 =	sld [smem:$0x3FB5];
	_ =	sdelay $0x3  }
0x37: {  	[smem:$0x3FB5] =	sst s10  }
0x38: {  	s10 =	sld [smem:$0x3FB6]  }
0x39: {  	_ = 	snop;
	(pc) =	sbr.ind lr, $3  }
0x3a: {  	_ = 	snop  }
0x3b: {  	_ = 	snop  }
0x3c: {  	p2 =	seq.s32 s10, $0x1;
	s10 =	sld [smem:$0x3FB5]  }
0x3d: {  	_ =	shalt  }
0x3e: {  	_ =	shalt  }
0x3f: {  	_ =	shalt  }
0x40: {  	_ =	shalt  }
0x41: {  	_ =	shalt  }
0x42: {  	_ =	shalt  }
0x43: {  	_ =	shalt  }
0x44: {  	_ =	shalt  }
0x45: {  	_ =	shalt  }
0x46: {  	_ =	shalt  }
0x47: {  	_ =	shalt  }
0x48: {  	_ =	shalt  }
0x49: {  	_ =	shalt  }
0x4a: {  	_ =	shalt  }
0x4b: {  	_ =	shalt  }
0x4c: {  	_ =	shalt  }
0x4d: {  	_ =	shalt  }
0x4e: {  	_ =	shalt  }
0x4f: {  	_ =	shalt  }
0x50: {  	_ =	shalt  }
0x51: {  	_ =	shalt  }
0x52: {  	_ =	shalt  }
0x53: {  	_ =	shalt  }
0x54: {  	_ =	shalt  }
0x55: {  	_ =	shalt  }
0x56: {  	_ =	shalt  }
0x57: {  	_ =	shalt  }
0x58: {  	_ =	shalt  }
0x59: {  	_ =	shalt  }
0x5a: {  	_ =	shalt  }
0x5b: {  	_ =	shalt  }
0x5c: {  	_ =	shalt  }
0x5d: {  	_ =	shalt  }
0x5e: {  	_ =	shalt  }
0x5f: {  	_ =	shalt  }
0x60: {  	_ =	shalt  }
0x61: {  	_ =	shalt  }
0x62: {  	_ =	shalt  }
0x63: {  	_ =	shalt  }
0x64: {  	_ =	shalt  }
0x65: {  	_ =	shalt  }
0x66: {  	_ =	shalt  }
0x67: {  	_ =	shalt  }
0x68: {  	_ =	shalt  }
0x69: {  	_ =	shalt  }
0x6a: {  	_ =	shalt  }
0x6b: {  	_ =	shalt  }
0x6c: {  	_ =	shalt  }
0x6d: {  	_ =	shalt  }
0x6e: {  	_ =	shalt  }
0x6f: {  	_ =	shalt  }
0x70: {  	_ =	shalt  }
0x71: {  	_ =	shalt  }
0x72: {  	_ =	shalt  }
0x73: {  	_ =	shalt  }
0x74: {  	_ =	shalt  }
0x75: {  	_ =	shalt  }
0x76: {  	_ =	shalt  }
0x77: {  	_ =	shalt  }
0x78: {  	_ =	shalt  }
0x79: {  	_ =	shalt  }
0x7a: {  	_ =	shalt  }
0x7b: {  	_ =	shalt  }
0x7c: {  	_ =	shalt  }
0x7d: {  	_ =	shalt  }
0x7e: {  	_ =	shalt  }
0x7f: {  	_ =	shalt  }
0x80: {  	_ =	shalt  }
0x81: {  	_ =	shalt  }
0x82: {  	_ =	shalt  }
0x83: {  	_ =	shalt  }
0x84: {  	_ =	shalt  }
0x85: {  	_ =	shalt  }
0x86: {  	_ =	shalt  }
0x87: {  	_ =	shalt  }
.Lfunc_end0:
.L_simem_size_0:
called_computation_lowered:
.L_overlay_start_0:
0x88: {  	s2 =	sld [smem:$0x3FD9]  }
0x89: {  	s3 =	sld [smem:$0x3FFE];
	_ =	sdelay $0x1  }
0x8a: {  	s1 =	srdreg.scid  }
0x8b: {  	s0 =	sand.u32 $0x1, s1  }
0x8c: {  	s14 =	sshll.u32 s0, $0xA;
	s2 =	sadd.s32 s3, s2  }
0x8d: {  	s2 =	sadd.s32 s2, s14  }
0x8e: {  	[smem:$0x3FC1] =	sst s2  }
0x8f: {  	_ = 	snop  }
0x90: {  	s2 =	sld [smem:$0x3FD0];
	_ =	sdelay $0x1  }
0x91: {  	s15 =	sld [smem:$0x3FC9]  }
0x92: {  	s5 =	simm.s32 $0xA;
	s6 =	simm.s32 $0x10;
	s4 =	sld [smem:$0x3FC7]  }
0x93: {  	[smem:s6], [sflag:s5] =	dma.local [hbm:s2], $0x1  }
0x94: {  	_ =	swait.eq [sflag:s5], $0x1  }
0x95: {  	[sflag:s5] =	ssyncset.done $0x0  }
0x96: {  	[sflag:s5] =	ssyncadd.s32 $0xFFFFFFFF  }
0x97: {  	s16 =	sld [smem:$0x11];
	(tm) =	ssettm $0x1  }
0x98: {  	s17 =	sld [smem:$0x3FFB];
	_ =	sdelay $0x3  }
0x99: {  	_ =	strace s17  }
0x9a: {  	s5 =	sld [smem:$0x3FFC];
	_ =	sdelay $0x3  }
0x9b: {  	_ =	strace s5  }
0x9c: {  	s5 =	sld [smem:$0x3FFD];
	_ =	sdelay $0x3  }
0x9d: {  	_ =	strace s5  }
0x9e: {  	_ =	strace $0x8FFFFFFF  }
0x9f: {  	s18 =	sld [smem:$0x3FDB];
	_ =	sdelay $0x1  }
0xa0: {  	s19 =	simm.s32 $_scs_section_size  }
0xa1: {  	s7 =	simm.s32 $_size__tile_overlayer_lowered;
	s8 =	simm.s32 $_tile_overlayer_lowered  }
0xa2: {  	s22 =	simm.s32 $0x1BFF;
	s21 =	sshll.u32 s8, $0x1;
	s5 =	sadd.s32 s19, s18  }
0xa3: {  	s9 =	simm.s32 $0x0;
	s20 =	sshll.u32 s7, $0x1;
	s7 =	sadd.s32 s21, s5  }
0xa4: {  	[timem:s9], [sflag:s22] =	dma.local [hbm:s7], s20  }
0xa5: {  	_ =	swait.ge [sflag:s22], s20  }
0xa6: {  	s6 =	ssub.s32 $0x0, s20;
	[sflag:s22] =	ssyncset.done $0x0  }
0xa7: {  	[sflag:s22] =	ssyncadd.s32 s6;
	_ =	sdelay $0x1  }
0xa8: {  	s23 =	simm.s32 $0x1B8B  }
0xa9: {  	_ =	swait.ge [sflag:s23], $0x1  }
0xaa: {  	[sflag:s23] =	ssyncset.done $0x0  }
0xab: {  	s25 =	simm.s32 $0x1B8E;
	s24 =	sld [smem:$0x3FFE];
	[sflag:s23] =	ssyncadd.s32 $0xFFFFFFFF  }
0xac: {  	s26 =	simm.s32 $execute0_lowered;
	[smem:$0x3FD2] =	sst s25  }
0xad: {  	s7 =	sshll.u32 s26, $0x1;
	_ =	strace $0x80000046;
	[dreg:$0x1] =	wrdreg $0xFFFFFFFF  }
0xae: {  	s28 =	simm.s32 $_size_execute0_lowered;
	s5 =	sadd.s32 s5, s7;
	[dreg:$0x0] =	wrdreg $0x0  }
0xaf: {  	s7 =	sshll.u32 s28, $0x1;
	[dreg:$0x2] =	wrdreg s5  }
0xb0: {  	[dreg:$0x3] =	wrdreg s7  }
0xb1: {  	[dreg:$0x4] =	wrdreg $0xC0  }
0xb2: {  	_ =	task [dreg:s9], $0x5FFFF  }
0xb3: {  	[dreg:$0x1] =	wrdreg $0xFFFFFFFF  }
0xb4: {  	[dreg:$0x0] =	wrdreg $0x60  }
0xb5: {  	[dreg:$0x2] =	wrdreg s15  }
0xb6: {  	[dreg:$0x3] =	wrdreg s4  }
0xb7: {  	[dreg:$0x4] =	wrdreg s24  }
0xb8: {  	[dreg:$0x5] =	wrdreg s16  }
0xb9: {  	[dreg:$0x6] =	wrdreg $0x4B000  }
0xba: {  	[dreg:$0x7] =	wrdreg $0x9  }
0xbb: {  	_ =	task.clear_ibuf [dreg:s9], $0x8FFFF;
	_ =	strace $0x90000046  }
0xbc: {  	s29 =	simm.s32 $0x9;
	_ =	strace $0x80000048  }
0xbd: {  	_ =	swait.ge [sflag:s29], $0x1  }
0xbe: {  	[sflag:s29] =	ssyncadd.s32 $0xFFFFFFFF  }
0xbf: {  	_ =	strace $0x90000048  }
0xc0: {  	_ =	sfence  }
0xc1: {  	s30 =	sld [smem:$0x0];
	_ =	sdelay $0x2  }
0xc2: {  	s31 =	sshll.u32 s1, $0xD;
	s1 =	sshrl.u32 s1, $0x2  }
0xc3: {  	s3 =	sand.u32 $0x4000, s31;
	s1 =	sadd.s32 s1, s30  }
0xc4: {  	s0 =	sor.u32 s3, s0;
	s1 =	sshll.u32 s1, $0x11  }
0xc5: {  	s0 =	sor.u32 s1, s0  }
0xc6: {  	s0 =	sadd.s32 $0x8F2B, s0  }
0xc7: {  	[sflag:s0] =	ssyncadd.remote.s32 $0x1  }
0xc8: {  	_ =	sfence.sel $0xFFFF  }
0xc9: {  	[dreg:$0x0] =	wrdreg $0xFFFFFFFF;
	(pc) =	sbr.abs _section_cstart, $3  }
0xca: {  	[dreg:$0x1] =	wrdreg $0xFFFFFFFF  }
0xcb: {  	_ =	task.clear_ibuf [dreg:s9], $0x2FFFF;
	_ =	strace $0x9FFFFFFF  }
0xcc: {  	(tm) =	ssettm $0x7FFFFFFF  }
0xcd: {  	_ =	shalt  }
tec
execute0_lowered:
.L_overlay_start_1:
0x0: {  	(tag) =	ssettag $0x1  }
0x1: {  	s1 =	rddreg [dreg:$0x0]  }
0x2: {  	s4 =	rddreg [dreg:$0x1]  }
0x3: {  	s8 =	rddreg [dreg:$0x2]  }
0x4: {  	s0 =	rddreg [dreg:$0x3]  }
0x5: {  	s2 =	rddreg [dreg:$0x4];
	s5 =	srdreg.scid  }
0x6: {  	s3 =	simm.s32 $0x0;
	s20 =	stileid.u32;
	s9 =	sand.u32 $0x1, s5  }
0x7: {  	[smem:$0x7FF] =	sst s3;
	s10 =	sadd.s32 $0xB400, s8;
	s11 =	sadd.s32 $0x15200, s8  }
0x8: {  	s18 =	sshll.u32 s20, $0x7;
	s16 =	sor.u32 $0x10, s20;
	s24 =	smul.u32 $0x4E20, s20  }
0x9: {  	s17 =	sor.u32 $0x20, s20;
	s13 =	sshll.u32 s20, $0xB;
	s15 =	smul.u32 $0x9C4, s20  }
0xa: {  	p1 =	sgt.u32 s20, $0xD;
	s30 =	sadd.s32 $0x4E0, s0;
	p4 =	slt.u32 s20, $0xE  }
0xb: {  	s5 =	ssub.s32 $0x2, s9;
	_ =	strace $0x80000047;
	s19 =	sshll.u32 s16, $0x7  }
0xc: {  	s7 =	sshll.u32 s17, $0x7;
	s14 =	sshll.u32 s16, $0xB;
	s13 =	sadd.s32 s11, s13  }
0xd: {  	s22 =	sshll.u32 s17, $0xB;
	p0 =	sne.s32 s9, $0x0;
	s9 =	sshll.u32 s20, $0x4  }
0xe: {  	p3 =	sne.s32 @p1 s20, $0xE;
	s6 =	sshrl.u32 s5, $0x1;
	s7 =	sadd.s32 s7, s2  }
0xf: {  	[dreg:$0x6] =	wrdreg s13;
	s21 =	sadd.s32 s11, s14;
	s13 =	sadd.s32 s11, s22  }
0x10: {  	s14 =	sshrl.u32 s24, $0x3;
	p2 =	por p3, !p1;
	p3 =	por !p3, !p1  }
0x11: {  	s12 =	ssub.s32 s5, s6;
	s5 =	sadd.s32 s18, s2;
	s6 =	sadd.s32 s19, s2  }
0x12: {  	s18 =	sor.u32 $0x30, s20;
	s19 =	sor.u32 $0x40, s20;
	[dreg:$0x7] =	wrdreg s21  }
0x13: {  	[dreg:$0x8] =	wrdreg s13;
	s23 =	sshll.u32 s18, $0xB;
	s25 =	sshll.u32 s19, $0xB  }
0x14: {  	s26 =	sshll.u32 s18, $0x7;
	s31 =	smax.u32 s12, $0x1;
	s12 =	simm.s32 $0x300  }
0x15: {  	s13 =	sadd.s32 s11, s23;
	s11 =	sadd.s32 s11, s25;
	s23 =	sadd.s32 s10, s14  }
0x16: {  	s14 =	sadd.s32 s26, s2;
	s26 =	sadd.s32 $0x3C200, s8;
	[dreg:$0x9] =	wrdreg s13  }
0x17: {  	s8 =	simm.s32 $0x2;
	[dreg:$0xa] =	wrdreg s11;
	s13 =	sadd.s32 s15, s10  }
0x18: {  	s15 =	sshll.u32 s19, $0x7;
	s10 =	sshll.u32 s16, $0x4;
	s11 =	sshll.u32 s17, $0x4  }
0x19: {  	s16 =	sshll.u32 s18, $0x4;
	s17 =	sshll.u32 s19, $0x4;
	s19 =	sadd.s32 s4, s9  }
0x1a: {  	[dreg:$0x11] =	wrdreg s26;
	s23 =	sadd.s32 $0x9C0, s23;
	s15 =	sadd.s32 s15, s2  }
0x1b: {  	[dreg:$0xb] =	wrdreg s19;
	s21 =	sadd.s32 s4, s10;
	s22 =	sadd.s32 s4, s11  }
0x1c: {  	s24 =	sadd.s32 s4, s16;
	s25 =	sadd.s32 s4, s17;
	[dreg:$0xc] =	wrdreg s21  }
0x1d: {  	s4 =	sadd.s32 $0x4E0, s4;
	s26 =	sadd.s32 s0, s11;
	[dreg:$0xd] =	wrdreg s22  }
.Ltmp0:
0x1e: {  	s28 =	sadd.s32 s0, s16;
	[dreg:$0xe] =	wrdreg s24;
	(pc) =	sbr.rel .LBB2_1-.Ltmp0, $4  }
0x1f: {  	s29 =	sadd.s32 s0, s17;
	s11 =	simm.s32 $0x100;
	[dreg:$0xf] =	wrdreg s25  }
0x20: {  	s16 =	simm.s32 $0x1;
	s17 =	simm.s32 $0x0;
	[dreg:$0x10] =	wrdreg s4  }
0x21: {  	s24 =	sadd.s32 s0, s9;
	s25 =	sadd.s32 s0, s10;
	s0 =	sadd.s32 $0x2700, s2  }
0x22: {  	v0 =	vimm.f32 $1.000000000e+00;
	v1 =	vimm.f32 $0.0e+00;
	s4 =	simm.s32 $0x280;
	s9 =	simm.s32 $0x80;
	s10 =	simm.s32 $0x180  }
.LBB2_7:
0x23: {  	s19 =	rddreg [dreg:$0xb]  }
0x24: {  	[tilespmem:s3], [sflag:$0x2] =	stream.linear.gather [hbm4b:s19+s3], $0x80, $0x38;
	[tilespmem:$0x4D78] =	vst v63  }
0x25: {  	_ =	swait.ge [sflag:s8], $0x80  }
0x26: {  	[sflag:s8] =	ssyncset.done $0x0  }
0x27: {  	[sflag:s8] =	ssyncadd.s32 $0xFFFFFF80  }
0x28: {  	[tilespmem:s12], [sflag:$0x1] =	stream.indirect.gather [hbm4b:s1+s9], $0x80, s3, s9, $0xb8;
	[tilespmem:$0x4D78] =	vst v63  }
0x29: {  	_ =	swait.ge [sflag:s16], $0x4000  }
0x2a: {  	[sflag:s16] =	ssyncset.done $0x0  }
0x2b: {  	s22 =	rddreg [dreg:$0x6];
	[sflag:s16] =	ssyncadd.s32 $0xFFFFC000  }
0x2c: {  	[hbm4b:s22+s3] =	stream.linear.scatter [tilespmem:s12], [sflag:$0x2], $0x4000, $0x38;
	[tilespmem:$0x4D78] =	vst v63  }
0x2d: {  	_ =	swait.ge [sflag:s8], $0x4000  }
0x2e: {  	[sflag:s8] =	ssyncset.done $0x0  }
0x2f: {  	s20 =	rddreg [dreg:$0xc];
	[sflag:s8] =	ssyncadd.s32 $0xFFFFC000  }
0x30: {  	[tilespmem:s3], [sflag:$0x2] =	stream.linear.gather [hbm4b:s20+s3], $0x80, $0x38;
	[tilespmem:$0x4D78] =	vst v63  }
0x31: {  	_ =	swait.ge [sflag:s8], $0x80  }
0x32: {  	[sflag:s8] =	ssyncset.done $0x0  }
0x33: {  	[sflag:s8] =	ssyncadd.s32 $0xFFFFFF80  }
0x34: {  	[tilespmem:s12], [sflag:$0x1] =	stream.indirect.gather [hbm4b:s1+s9], $0x80, s3, s9, $0xb8;
	[tilespmem:$0x4D78] =	vst v63  }
0x35: {  	_ =	swait.ge [sflag:s16], $0x4000  }
0x36: {  	[sflag:s16] =	ssyncset.done $0x0  }
0x37: {  	s21 =	rddreg [dreg:$0x7];
	[sflag:s16] =	ssyncadd.s32 $0xFFFFC000  }
0x38: {  	[hbm4b:s21+s3] =	stream.linear.scatter [tilespmem:s12], [sflag:$0x2], $0x4000, $0x38;
	[tilespmem:$0x4D78] =	vst v63  }
0x39: {  	_ =	swait.ge [sflag:s8], $0x4000  }
0x3a: {  	[sflag:s8] =	ssyncset.done $0x0  }
0x3b: {  	s22 =	rddreg [dreg:$0xd];
	[sflag:s8] =	ssyncadd.s32 $0xFFFFC000  }
0x3c: {  	[tilespmem:s3], [sflag:$0x2] =	stream.linear.gather [hbm4b:s22+s3], $0x80, $0x38;
	[tilespmem:$0x4D78] =	vst v63  }
0x3d: {  	_ =	swait.ge [sflag:s8], $0x80  }
0x3e: {  	[sflag:s8] =	ssyncset.done $0x0  }
0x3f: {  	[sflag:s8] =	ssyncadd.s32 $0xFFFFFF80  }
0x40: {  	[tilespmem:s12], [sflag:$0x1] =	stream.indirect.gather [hbm4b:s1+s9], $0x80, s3, s9, $0xb8;
	[tilespmem:$0x4D78] =	vst v63  }
0x41: {  	_ =	swait.ge [sflag:s16], $0x4000  }
0x42: {  	[sflag:s16] =	ssyncset.done $0x0  }
0x43: {  	s20 =	rddreg [dreg:$0x8];
	[sflag:s16] =	ssyncadd.s32 $0xFFFFC000  }
0x44: {  	[hbm4b:s20+s3] =	stream.linear.scatter [tilespmem:s12], [sflag:$0x2], $0x4000, $0x38;
	[tilespmem:$0x4D78] =	vst v63  }
0x45: {  	_ =	swait.ge [sflag:s8], $0x4000  }
0x46: {  	[sflag:s8] =	ssyncset.done $0x0  }
0x47: {  	s21 =	rddreg [dreg:$0xe];
	[sflag:s8] =	ssyncadd.s32 $0xFFFFC000  }
0x48: {  	[tilespmem:s3], [sflag:$0x2] =	stream.linear.gather [hbm4b:s21+s3], $0x80, $0x38;
	[tilespmem:$0x4D78] =	vst v63  }
0x49: {  	_ =	swait.ge [sflag:s8], $0x80  }
0x4a: {  	[sflag:s8] =	ssyncset.done $0x0  }
0x4b: {  	[sflag:s8] =	ssyncadd.s32 $0xFFFFFF80  }
0x4c: {  	[tilespmem:s12], [sflag:$0x1] =	stream.indirect.gather [hbm4b:s1+s9], $0x80, s3, s9, $0xb8;
	[tilespmem:$0x4D78] =	vst v63  }
0x4d: {  	_ =	swait.ge [sflag:s16], $0x4000  }
0x4e: {  	[sflag:s16] =	ssyncset.done $0x0  }
0x4f: {  	s22 =	rddreg [dreg:$0x9];
	[sflag:s16] =	ssyncadd.s32 $0xFFFFC000  }
0x50: {  	[hbm4b:s22+s3] =	stream.linear.scatter [tilespmem:s12], [sflag:$0x2], $0x4000, $0x38;
	[tilespmem:$0x4D78] =	vst v63  }
0x51: {  	_ =	swait.ge [sflag:s8], $0x4000  }
0x52: {  	[sflag:s8] =	ssyncset.done $0x0  }
0x53: {  	s19 =	simm.s32 @!p1 $0x0;
	s20 =	rddreg [dreg:$0xf];
	[sflag:s8] =	ssyncadd.s32 $0xFFFFC000  }
0x54: {  	[tilespmem:s19], [sflag:$0x2] =	stream.linear.gather @!p1 [hbm4b:s20+s19], $0x80, $0x38;
	[tilespmem:$0x4D78] =	vst v63  }
0x55: {  	_ =	swait.ge @!p1 [sflag:s18], $0x80  }
0x56: {  	[sflag:s18] =	ssyncset.done @!p1 $0x0  }
0x57: {  	s21 =	simm.s32 @!p1 $0x300;
	s20 =	simm.s32 @!p1 $0x80;
	[sflag:s18] =	ssyncadd.s32 @!p1 $0xFFFFFF80  }
0x58: {  	[tilespmem:s21], [sflag:$0x1] =	stream.indirect.gather @!p1 [hbm4b:s1+s20], $0x80, s19, s20, $0xb8;
	[tilespmem:$0x4D78] =	vst v63  }
0x59: {  	s20 =	simm.s32 @!p1 $0x1  }
0x5a: {  	_ =	swait.ge @!p1 [sflag:s20], $0x4000  }
0x5b: {  	[sflag:s20] =	ssyncset.done @!p1 $0x0  }
0x5c: {  	[sflag:s20] =	ssyncadd.s32 @!p1 $0xFFFFC000;
	s20 =	rddreg [dreg:$0xa]  }
0x5d: {  	[hbm4b:s20+s19] =	stream.linear.scatter @!p1 [tilespmem:s21], [sflag:$0x2], $0x4000, $0x38;
	[tilespmem:$0x4D78] =	vst v63  }
0x5e: {  	_ =	swait.ge @!p1 [sflag:s18], $0x4000  }
0x5f: {  	s19 =	simm.s32 @p5 $0x80;
	[sflag:s18] =	ssyncset.done @!p1 $0x0  }
0x60: {  	s20 =	rddreg [dreg:$0x10];
	[sflag:s18] =	ssyncadd.s32 @!p1 $0xFFFFC000;
	s18 =	simm.s32 @p5 $0x0  }
0x61: {  	[tilespmem:s19], [sflag:$0x2] =	stream.linear.gather @p5 [hbm4b:s20+s18], $0x10, $0x38;
	[tilespmem:$0x4D78] =	vst v63  }
0x62: {  	s20 =	simm.s32 @p5 $0x2  }
0x63: {  	_ =	swait.ge @p5 [sflag:s20], $0x10  }
0x64: {  	[sflag:s20] =	ssyncset.done @p5 $0x0  }
0x65: {  	s22 =	simm.s32 @p5 $0x4300;
	s21 =	simm.s32 @p5 $0x10;
	[sflag:s20] =	ssyncadd.s32 @p5 $0xFFFFFFF0  }
0x66: {  	[tilespmem:s22], [sflag:$0x1] =	stream.indirect.gather @p5 [hbm4b:s1+s21], $0x80, s19, s21, $0xb8;
	[tilespmem:$0x4D78] =	vst v63  }
0x67: {  	s19 =	simm.s32 @p5 $0x1  }
0x68: {  	_ =	swait.ge @p5 [sflag:s19], $0x800  }
0x69: {  	[sflag:s19] =	ssyncset.done @p5 $0x0  }
0x6a: {  	[sflag:s19] =	ssyncadd.s32 @p5 $0xFFFFF800;
	s19 =	rddreg [dreg:$0x11]  }
0x6b: {  	[hbm4b:s19+s18] =	stream.linear.scatter @p5 [tilespmem:s22], [sflag:$0x2], $0x800, $0x38;
	[tilespmem:$0x4D78] =	vst v63  }
0x6c: {  	_ =	swait.ge @p5 [sflag:s20], $0x800  }
0x6d: {  	[sflag:s20] =	ssyncset.done @p5 $0x0  }
0x6e: {  	[sflag:s20] =	ssyncadd.s32 @p5 $0xFFFFF800  }
0x6f: {  	[bflag:$0x0] =	sbarrier.arrive $0xFFFF  }
.LBB2_5:
0x70: {  	s17 =	sadd.s32 $0x1, s17  }
0x71: {  	p5 =	sne.s32 s17, s31  }
.Ltmp1:
0x72: {  	_ = 	snop;
	(pc) =	sbr.rel @!p5 .LBB2_6-.Ltmp1, $1  }
0x73: {  	_ =	sdelay $0x3  }
.LBB2_1:
0x74: {  	[tilespmem:$0x180] =	vst v0  }
0x75: {  	[tilespmem:$0x190] =	vst v0  }
0x76: {  	[tilespmem:$0x1A0] =	vst v0  }
0x77: {  	[tilespmem:$0x1B0] =	vst v0  }
0x78: {  	[tilespmem:$0x1C0] =	vst v0  }
0x79: {  	[tilespmem:$0x1D0] =	vst v0  }
0x7a: {  	[tilespmem:$0x1E0] =	vst v0  }
0x7b: {  	[tilespmem:$0x1F0] =	vst v0  }
0x7c: {  	[tilespmem:$0x200] =	vst v0  }
0x7d: {  	[tilespmem:$0x210] =	vst v0  }
0x7e: {  	[tilespmem:$0x280] =	vst v1  }
0x7f: {  	[tilespmem:$0x290] =	vst v1  }
0x80: {  	[tilespmem:$0x2A0] =	vst v1  }
0x81: {  	[tilespmem:$0x2B0] =	vst v1  }
0x82: {  	[tilespmem:$0x2C0] =	vst v1  }
0x83: {  	[tilespmem:$0x2D0] =	vst v1  }
0x84: {  	[tilespmem:$0x2E0] =	vst v1  }
0x85: {  	[tilespmem:$0x2F0] =	vst v1  }
0x86: {  	[spmem:s5] =	stream.linear.scatter [tilespmem:s4], [sflag:$0x2], $0x80, $0x38;
	[tilespmem:$0x4D78] =	vst v63  }
0x87: {  	_ =	swait.ge [sflag:s8], $0x80  }
0x88: {  	[sflag:s8] =	ssyncset.done $0x0  }
0x89: {  	[sflag:s8] =	ssyncadd.s32 $0xFFFFFF80  }
0x8a: {  	[spmem:s6] =	stream.linear.scatter [tilespmem:s4], [sflag:$0x2], $0x80, $0x38;
	[tilespmem:$0x4D78] =	vst v63  }
0x8b: {  	_ =	swait.ge [sflag:s8], $0x80  }
0x8c: {  	[sflag:s8] =	ssyncset.done $0x0  }
0x8d: {  	[sflag:s8] =	ssyncadd.s32 $0xFFFFFF80  }
0x8e: {  	[spmem:s7] =	stream.linear.scatter [tilespmem:s4], [sflag:$0x2], $0x80, $0x38;
	[tilespmem:$0x4D78] =	vst v63  }
0x8f: {  	_ =	swait.ge [sflag:s8], $0x80  }
0x90: {  	[sflag:s8] =	ssyncset.done $0x0  }
0x91: {  	[sflag:s8] =	ssyncadd.s32 $0xFFFFFF80  }
0x92: {  	[spmem:s14] =	stream.linear.scatter [tilespmem:s4], [sflag:$0x2], $0x80, $0x38;
	[tilespmem:$0x4D78] =	vst v63  }
0x93: {  	_ =	swait.ge [sflag:s8], $0x80  }
0x94: {  	[sflag:s8] =	ssyncset.done $0x0  }
0x95: {  	s18 =	simm.s32 @!p2 $0x280;
	[sflag:s8] =	ssyncadd.s32 $0xFFFFFF80  }
0x96: {  	[spmem:s0] =	stream.linear.scatter @!p2 [tilespmem:s18], [sflag:$0x2], $0x10, $0x38;
	[tilespmem:$0x4D78] =	vst v63  }
0x97: {  	s18 =	simm.s32 @!p2 $0x2  }
0x98: {  	_ =	swait.ge @!p2 [sflag:s18], $0x10  }
0x99: {  	[sflag:s18] =	ssyncset.done @!p2 $0x0  }
0x9a: {  	[sflag:s18] =	ssyncadd.s32 @!p2 $0xFFFFFFF0;
	s18 =	simm.s32 @!p1 $0x280  }
0x9b: {  	[spmem:s15] =	stream.linear.scatter @!p1 [tilespmem:s18], [sflag:$0x2], $0x80, $0x38;
	[tilespmem:$0x4D78] =	vst v63  }
0x9c: {  	s18 =	simm.s32 @!p1 $0x2  }
.Ltmp2:
0x9d: {  	_ =	swait.ge @!p1 [sflag:s18], $0x80;
	(pc) =	sbr.rel @p0 .LBB2_7-.Ltmp2, $4  }
0x9e: {  	[sflag:s18] =	ssyncset.done @!p1 $0x0  }
0x9f: {  	p6 =	por @p1 $0x0, $0x0;
	p5 =	por @!p2 $0x1, $0x1;
	[sflag:s18] =	ssyncadd.s32 @!p1 $0xFFFFFF80  }
0xa0: {  	p5 =	por @!p3 p6, p6;
	p6 =	por @!p1 $0x0, $0x0;
	[bflag:$0x0] =	sbarrier.arrive $0xFFFF  }
0xa1: {  	p5 =	por @!p1 p6, p6  }
0xa2: {  	s18 =	sadd.s32 $0x0, s13  }
0xa3: {  	[tilespmem:s3], [sflag:$0x2] =	stream.linear.gather [hbm4b:s18+s3], $0x80, $0x38;
	[tilespmem:$0x4D78] =	vst v63  }
0xa4: {  	_ =	swait.ge [sflag:s8], $0x80  }
0xa5: {  	[sflag:s8] =	ssyncset.done $0x0  }
0xa6: {  	[sflag:s8] =	ssyncadd.s32 $0xFFFFFF80  }
0xa7: {  	[spmem:s2] =	stream.indirect.scatter.add.f32 [tilespmem:s10], [sflag:$0x2], $0x1, s3, s9, $0xb8;
	[tilespmem:$0x4D78] =	vst v63  }
0xa8: {  	_ =	swait.ge [sflag:s8], $0x80  }
0xa9: {  	s19 =	simm.s32 $0x20;
	s18 =	simm.s32 $0x10;
	[sflag:s8] =	ssyncset.done $0x0  }
.LBB2_3:
0xaa: {  	s20 =	sadd.s32 s18, s13  }
0xab: {  	[sflag:s8] =	ssyncadd.s32 $0xFFFFFF80;
	s18 =	smov.u32 s19;
	s21 =	sadd.s32 $0x10, s19  }
0xac: {  	[tilespmem:s3], [sflag:$0x2] =	stream.linear.gather [hbm4b:s20+s3], $0x80, $0x38;
	[tilespmem:$0x4D78] =	vst v63  }
0xad: {  	p6 =	sne.s32 s19, $0x9B0;
	_ =	swait.ge [sflag:s8], $0x80  }
.Ltmp3:
0xae: {  	[sflag:s8] =	ssyncset.done $0x0;
	(pc) =	sbr.rel @p6 .LBB2_3-.Ltmp3, $4  }
0xaf: {  	[sflag:s8] =	ssyncadd.s32 $0xFFFFFF80  }
0xb0: {  	[spmem:s2] =	stream.indirect.scatter.add.f32 [tilespmem:s10], [sflag:$0x2], $0x1, s3, s9, $0xb8;
	[tilespmem:$0x4D78] =	vst v63  }
0xb1: {  	_ =	swait.ge [sflag:s8], $0x80  }
0xb2: {  	s19 =	smov.u32 s21;
	[sflag:s8] =	ssyncset.done $0x0  }
0xb3: {  	s18 =	sadd.s32 s18, s13;
	[sflag:s8] =	ssyncadd.s32 $0xFFFFFF80  }
0xb4: {  	[tilespmem:s3], [sflag:$0x2] =	stream.linear.gather [hbm4b:s18+s3], $0x80, $0x38;
	[tilespmem:$0x4D78] =	vst v63  }
0xb5: {  	_ =	swait.ge [sflag:s8], $0x80  }
0xb6: {  	[sflag:s8] =	ssyncset.done $0x0  }
0xb7: {  	[sflag:s8] =	ssyncadd.s32 $0xFFFFFF80  }
0xb8: {  	[spmem:s2] =	stream.indirect.scatter.add.f32 [tilespmem:s10], [sflag:$0x2], $0x1, s3, s9, $0xb8;
	[tilespmem:$0x4D78] =	vst v63  }
0xb9: {  	_ =	swait.ge [sflag:s8], $0x80  }
0xba: {  	[sflag:s8] =	ssyncset.done $0x0  }
0xbb: {  	[sflag:s8] =	ssyncadd.s32 $0xFFFFFF80  }
0xbc: {  	[tilespmem:s11], [sflag:$0x2] =	stream.linear.gather [hbm4b:s23+s3], $0x20, $0x38;
	[tilespmem:$0x4D78] =	vst v63  }
0xbd: {  	_ =	swait.ge [sflag:s8], $0x20  }
0xbe: {  	[sflag:s8] =	ssyncset.done $0x0  }
0xbf: {  	s22 =	simm.s32 $0x20;
	s19 =	simm.s32 $0x200;
	[sflag:s8] =	ssyncadd.s32 $0xFFFFFFE0  }
0xc0: {  	[spmem:s2] =	stream.indirect.scatter.add.f32 [tilespmem:s19], [sflag:$0x2], $0x1, s11, s22, $0xb8;
	[tilespmem:$0x4D78] =	vst v63  }
0xc1: {  	_ =	swait.ge [sflag:s8], $0x20  }
0xc2: {  	[sflag:s8] =	ssyncset.done $0x0  }
0xc3: {  	[sflag:s8] =	ssyncadd.s32 $0xFFFFFFE0  }
0xc4: {  	[bflag:$0x0] =	sbarrier.arrive $0xFFFF  }
0xc5: {  	[tilespmem:s4], [sflag:$0x2] =	stream.linear.gather [spmem:s5], $0x80, $0x38;
	[tilespmem:$0x4D78] =	vst v63  }
0xc6: {  	_ =	swait.ge [sflag:s8], $0x80  }
0xc7: {  	[sflag:s8] =	ssyncset.done $0x0  }
0xc8: {  	[sflag:s8] =	ssyncadd.s32 $0xFFFFFF80  }
0xc9: {  	[hbm4b:s24+s3] =	stream.linear.scatter [tilespmem:s4], [sflag:$0x2], $0x80, $0x38;
	[tilespmem:$0x4D78] =	vst v63  }
0xca: {  	_ =	swait.ge [sflag:s8], $0x80  }
0xcb: {  	[sflag:s8] =	ssyncset.done $0x0  }
0xcc: {  	[sflag:s8] =	ssyncadd.s32 $0xFFFFFF80  }
0xcd: {  	[tilespmem:s4], [sflag:$0x2] =	stream.linear.gather [spmem:s6], $0x80, $0x38;
	[tilespmem:$0x4D78] =	vst v63  }
0xce: {  	_ =	swait.ge [sflag:s8], $0x80  }
0xcf: {  	[sflag:s8] =	ssyncset.done $0x0  }
0xd0: {  	[sflag:s8] =	ssyncadd.s32 $0xFFFFFF80  }
0xd1: {  	[hbm4b:s25+s3] =	stream.linear.scatter [tilespmem:s4], [sflag:$0x2], $0x80, $0x38;
	[tilespmem:$0x4D78] =	vst v63  }
0xd2: {  	_ =	swait.ge [sflag:s8], $0x80  }
0xd3: {  	[sflag:s8] =	ssyncset.done $0x0  }
0xd4: {  	[sflag:s8] =	ssyncadd.s32 $0xFFFFFF80  }
0xd5: {  	[tilespmem:s4], [sflag:$0x2] =	stream.linear.gather [spmem:s7], $0x80, $0x38;
	[tilespmem:$0x4D78] =	vst v63  }
0xd6: {  	_ =	swait.ge [sflag:s8], $0x80  }
0xd7: {  	[sflag:s8] =	ssyncset.done $0x0  }
0xd8: {  	[sflag:s8] =	ssyncadd.s32 $0xFFFFFF80  }
0xd9: {  	[hbm4b:s26+s3] =	stream.linear.scatter [tilespmem:s4], [sflag:$0x2], $0x80, $0x38;
	[tilespmem:$0x4D78] =	vst v63  }
0xda: {  	_ =	swait.ge [sflag:s8], $0x80  }
0xdb: {  	[sflag:s8] =	ssyncset.done $0x0  }
0xdc: {  	[sflag:s8] =	ssyncadd.s32 $0xFFFFFF80  }
0xdd: {  	[tilespmem:s4], [sflag:$0x2] =	stream.linear.gather [spmem:s14], $0x80, $0x38;
	[tilespmem:$0x4D78] =	vst v63  }
0xde: {  	_ =	swait.ge [sflag:s8], $0x80  }
0xdf: {  	[sflag:s8] =	ssyncset.done $0x0  }
0xe0: {  	[sflag:s8] =	ssyncadd.s32 $0xFFFFFF80  }
0xe1: {  	[hbm4b:s28+s3] =	stream.linear.scatter [tilespmem:s4], [sflag:$0x2], $0x80, $0x38;
	[tilespmem:$0x4D78] =	vst v63  }
0xe2: {  	_ =	swait.ge [sflag:s8], $0x80  }
0xe3: {  	[sflag:s8] =	ssyncset.done $0x0  }
0xe4: {  	s18 =	simm.s32 @p4 $0x280;
	s19 =	simm.s32 @p4 $0x2;
	[sflag:s8] =	ssyncadd.s32 $0xFFFFFF80  }
0xe5: {  	[tilespmem:s18], [sflag:$0x2] =	stream.linear.gather @p4 [spmem:s15], $0x80, $0x38;
	[tilespmem:$0x4D78] =	vst v63  }
0xe6: {  	_ =	swait.ge @p4 [sflag:s19], $0x80  }
0xe7: {  	[sflag:s19] =	ssyncset.done @p4 $0x0  }
0xe8: {  	s20 =	simm.s32 @p4 $0x0;
	[sflag:s19] =	ssyncadd.s32 @p4 $0xFFFFFF80  }
0xe9: {  	[hbm4b:s29+s20] =	stream.linear.scatter @p4 [tilespmem:s18], [sflag:$0x2], $0x80, $0x38;
	[tilespmem:$0x4D78] =	vst v63  }
0xea: {  	_ =	swait.ge @p4 [sflag:s19], $0x80  }
0xeb: {  	[sflag:s19] =	ssyncset.done @p4 $0x0  }
0xec: {  	s18 =	simm.s32 @p5 $0x280;
	[sflag:s19] =	ssyncadd.s32 @p4 $0xFFFFFF80;
	s19 =	simm.s32 @p5 $0x2  }
0xed: {  	[tilespmem:s18], [sflag:$0x2] =	stream.linear.gather @p5 [spmem:s0], $0x10, $0x38;
	[tilespmem:$0x4D78] =	vst v63  }
0xee: {  	_ =	swait.ge @p5 [sflag:s19], $0x10  }
0xef: {  	[sflag:s19] =	ssyncset.done @p5 $0x0  }
.Ltmp4:
0xf0: {  	s20 =	simm.s32 @p5 $0x0;
	[sflag:s19] =	ssyncadd.s32 @p5 $0xFFFFFFF0;
	(pc) =	sbr.rel .LBB2_5-.Ltmp4, $4  }
0xf1: {  	[hbm4b:s30+s20] =	stream.linear.scatter @p5 [tilespmem:s18], [sflag:$0x2], $0x10, $0x38;
	[tilespmem:$0x4D78] =	vst v63  }
0xf2: {  	_ =	swait.ge @p5 [sflag:s19], $0x10  }
0xf3: {  	[sflag:s19] =	ssyncset.done @p5 $0x0  }
0xf4: {  	[sflag:s19] =	ssyncadd.s32 @p5 $0xFFFFFFF0  }
.LBB2_6:
0xf5: {  	_ =	sfence.sel $0x180000  }
0xf6: {  	[bflag:$0x0] =	sbarrier.arrive $0xFFFF  }
0xf7: {  	_ =	strace $0x90000047  }
0xf8: {  	s0 =	stileid.u32;
	[bflag:$0x2] =	sbarrier.arrive $0xFFFF  }
0xf9: {  	p0 =	sne.s32 s0, $0x0;
	s0 =	rddreg [dreg:$0x5]  }
0xfa: {  	s0 =	sadd.s32 @!p0 $0x100000, s0  }
0xfb: {  	[sflag:s0] =	ssyncadd.tile.s32 @!p0 $0x1;
	_ =	shalt  }
.Lfunc_end2:
_tile_overlayer_lowered:
.L_overlay_start_2:
0xfc: {  	(tag) =	ssettag $0x2  }
0xfd: {  	s0 =	rddreg [dreg:$0x0];
	s2 =	stileid.u32  }
0xfe: {  	s1 =	rddreg [dreg:$0x1];
	p0 =	sne.s32 s2, $0x0  }
0xff: {  	s3 =	rddreg [dreg:$0x2];
	[bflag:$0x3] =	sbarrier.arrive $0xFFFF;
	s2 =	simm.s32 @!p0 $0x1C02  }
0x100: {  	[timem:s3], [sflag:s2] =	dma.local @!p0 [hbm:s0], s1  }
0x101: {  	s0 =	simm.s32 @!p0 $0x2  }
0x102: {  	_ =	swait.ge @!p0 [sflag:s0], s1  }
0x103: {  	s1 =	ssub.s32 @!p0 $0x0, s1;
	[sflag:s0] =	ssyncset.done @!p0 $0x0  }
0x104: {  	[sflag:s0] =	ssyncadd.s32 @!p0 s1  }
0x105: {  	[bflag:$0x3] =	sbarrier.arrive $0xFFFF  }
0x106: {  	_ =	shalt  }

</sc_bundles>
